<compile_context>
chip_gen: v7x
topology: tpu7x:2x2x1
jax: 0.10.2.dev20260603
libtpu: 0.0.44.dev20260713+nightly
codegen_flags: <defaults>
</compile_context>

<pallas_src>
import functools

import jax
import jax.numpy as jnp
from jax import lax
from jax.experimental import pallas as pl
from jax.experimental.pallas import tpu as pltpu
from jax.experimental.pallas import tpu_sc as plsc

BN = 512
EBLK = 512
EGRP = 128
NSUB = 16
NCORE = 2


def _tc_embed(x_pad, W, wa_mat, n_pad, F, EMB):
    def body(x_ref, w_ref, wa_ref, nst_ref, s_ref):
        nst = jnp.dot(x_ref[...], w_ref[...], preferred_element_type=jnp.float32)
        nst_ref[...] = nst
        s_ref[...] = jnp.dot(nst, wa_ref[...], preferred_element_type=jnp.float32)

    return pl.pallas_call(
        body,
        grid=(n_pad // BN,),
        in_specs=[
            pl.BlockSpec((BN, F), lambda i: (i, 0)),
            pl.BlockSpec((F, EMB), lambda i: (0, 0)),
            pl.BlockSpec((EMB, 2), lambda i: (0, 0)),
        ],
        out_specs=[
            pl.BlockSpec((BN, EMB), lambda i: (i, 0)),
            pl.BlockSpec((BN, 2), lambda i: (i, 0)),
        ],
        out_shape=[
            jax.ShapeDtypeStruct((n_pad, EMB), jnp.float32),
            jax.ShapeDtypeStruct((n_pad, 2), jnp.float32),
        ],
    )(x_pad, W, wa_mat)


def _tc_combine(p0, p1, b2d, N, n_pad, EMB):
    def body(a_ref, c_ref, b_ref, o_ref):
        o_ref[...] = (a_ref[...] + c_ref[...] + b_ref[...])[None]

    return pl.pallas_call(
        body,
        grid=(n_pad // BN,),
        in_specs=[
            pl.BlockSpec((BN, EMB), lambda i: (i, 0)),
            pl.BlockSpec((BN, EMB), lambda i: (i, 0)),
            pl.BlockSpec((1, EMB), lambda i: (0, 0)),
        ],
        out_specs=pl.BlockSpec((1, BN, EMB), lambda i: (0, i, 0)),
        out_shape=jax.ShapeDtypeStruct((1, N, EMB), jnp.float32),
    )(p0, p1, b2d)


def _make_sc_kernel(n_pad, e_pad, EMB):
    chunk1 = e_pad // NSUB
    chunk2 = e_pad // (NSUB * NCORE)
    nb1 = chunk1 // EBLK
    nb2 = chunk2 // EBLK
    ngrp = EBLK // EGRP
    rpt = n_pad // NSUB
    mesh = plsc.VectorSubcoreMesh(core_axis_name="c", subcore_axis_name="s")

    def body(rows_hbm, cols_hbm, ssrc_hbm, sdst_hbm, nst_hbm,
             out_hbm,
             ssrc_v, sdst_v, seg_v, ridx_v, cidx_v, score_v, rows_v,
             spmem_seg, spmem_out, sem):
        ci = lax.axis_index("c")
        si = lax.axis_index("s")
        wid = si * NCORE + ci

        zero16 = jnp.zeros((16,), jnp.float32)

        def _zrow(i, c2):
            for f in range(EMB // 16):
                rows_v[i, pl.ds(f * 16, 16)] = zero16
            return c2

        lax.fori_loop(0, min(rpt, EBLK), _zrow, 0)

        def _zseg(i, c2):
            seg_v[pl.ds(si * rpt + i * 16, 16)] = zero16
            return c2

        lax.fori_loop(0, rpt // 16, _zseg, 0)
        pltpu.sync_copy(seg_v.at[pl.ds(si * rpt, rpt)],
                        spmem_seg.at[pl.ds(si * rpt, rpt)])
        off = 0
        while off < rpt:
            step = min(EBLK, rpt - off)
            pltpu.sync_copy(rows_v.at[pl.ds(0, step)],
                            spmem_out.at[pl.ds(si * rpt + off, step)])
            off += step
        pltpu.sync_copy(ssrc_hbm, ssrc_v)
        pltpu.sync_copy(sdst_hbm, sdst_v)
        plsc.subcore_barrier()

        def edge_scores(jg):
            j, o = jg // (EGRP // 16), (jg % (EGRP // 16)) * 16
            r_reg = ridx_v[j, pl.ds(o, 16)]
            c_reg = cidx_v[j, pl.ds(o, 16)]
            t = plsc.load_gather(ssrc_v, [r_reg]) + plsc.load_gather(sdst_v, [c_reg])
            t = jnp.where(t >= 0.0, t, 0.2 * t)
            t = jnp.clip(t, -2.0, 2.0)
            return j, o, r_reg, jnp.exp(t)

        def p1_block(blk, carry):
            base128 = si * (chunk1 // EGRP) + blk * ngrp
            pltpu.sync_copy(rows_hbm.at[pl.ds(base128, ngrp)], ridx_v)
            pltpu.sync_copy(cols_hbm.at[pl.ds(base128, ngrp)], cidx_v)
            for jg in range(EBLK // 16):
                j, o, _, sc = edge_scores(jg)
                score_v[j, pl.ds(o, 16)] = sc
            for j in range(ngrp):
                pltpu.sync_copy(score_v.at[j], spmem_seg.at[ridx_v.at[j]], add=True)
            return carry

        lax.fori_loop(0, nb1, p1_block, 0)
        plsc.subcore_barrier()
        pltpu.sync_copy(spmem_seg, seg_v)

        def p2_block(blk, carry):
            base128 = wid * (chunk2 // EGRP) + blk * ngrp
            pltpu.sync_copy(rows_hbm.at[pl.ds(base128, ngrp)], ridx_v)
            pltpu.sync_copy(cols_hbm.at[pl.ds(base128, ngrp)], cidx_v)
            copies = [
                pltpu.async_copy(nst_hbm.at[cidx_v.at[j]],
                                 rows_v.at[pl.ds(j * EGRP, EGRP)], sem)
                for j in range(ngrp)
            ]
            for jg in range(EBLK // 16):
                j, o, r_reg, sc = edge_scores(jg)
                score_v[j, pl.ds(o, 16)] = sc / plsc.load_gather(seg_v, [r_reg])
            for d in copies:
                d.wait()

            def scale_grp(g, c2):
                for j in range(ngrp):
                    a_reg = score_v[j, pl.ds(g * 16, 16)]
                    for l in range(16):
                        a = jnp.full((16,), a_reg[l], jnp.float32)
                        row = j * EGRP + g * 16 + l
                        for f in range(EMB // 16):
                            rows_v[row, pl.ds(f * 16, 16)] = (
                                rows_v[row, pl.ds(f * 16, 16)] * a)
                return c2

            lax.fori_loop(0, EGRP // 16, scale_grp, 0)
            for j in range(ngrp):
                pltpu.sync_copy(rows_v.at[pl.ds(j * EGRP, EGRP)],
                                spmem_out.at[ridx_v.at[j]], add=True)
            return carry

        lax.fori_loop(0, nb2, p2_block, 0)
        plsc.subcore_barrier()
        pltpu.sync_copy(spmem_out.at[pl.ds(si * rpt, rpt)],
                        out_hbm.at[ci, pl.ds(si * rpt, rpt)])

    return pl.kernel(
        body,
        out_type=jax.ShapeDtypeStruct((NCORE, n_pad, EMB), jnp.float32),
        mesh=mesh,
        compiler_params=pltpu.CompilerParams(
            needs_layout_passes=False, use_tc_tiling_on_sc=False),
        scratch_types=[
            pltpu.VMEM((n_pad,), jnp.float32),
            pltpu.VMEM((n_pad,), jnp.float32),
            pltpu.VMEM((n_pad,), jnp.float32),
            pltpu.VMEM((EBLK // EGRP, EGRP), jnp.int32),
            pltpu.VMEM((EBLK // EGRP, EGRP), jnp.int32),
            pltpu.VMEM((EBLK // EGRP, EGRP), jnp.float32),
            pltpu.VMEM((EBLK, EMB), jnp.float32),
            pltpu.VMEM_SHARED((n_pad,), jnp.float32),
            pltpu.VMEM_SHARED((n_pad, EMB), jnp.float32),
            pltpu.SemaphoreType.DMA,
        ],
    )


def kernel(inputs, W, b, W_attn, A_tilde, edges):
    B, N, F = inputs.shape
    EMB = W.shape[1]
    E = edges.shape[0]
    del A_tilde

    n_pad = ((N + BN - 1) // BN) * BN
    ebt = EBLK * NSUB * NCORE
    e_pad = ((E + ebt - 1) // ebt) * ebt

    wa_mat = W_attn.reshape(2, EMB).T

    nst, s = _tc_embed(inputs[0], W, wa_mat, n_pad, F, EMB)
    ssrc = s[:, 0]
    sdst = s[:, 1]

    rows2d = jnp.concatenate(
        [edges[:, 0].astype(jnp.int32),
         jnp.full((e_pad - E,), N, jnp.int32)]).reshape(-1, EGRP)
    cols2d = jnp.concatenate(
        [edges[:, 1].astype(jnp.int32),
         jnp.zeros((e_pad - E,), jnp.int32)]).reshape(-1, EGRP)

    parts = _make_sc_kernel(n_pad, e_pad, EMB)(rows2d, cols2d, ssrc, sdst, nst)

    return _tc_combine(parts[0], parts[1], b.reshape(1, EMB), N, n_pad, EMB)

# --- scband reference (transcript-rebuilt; emitter-appended) ---
"""Pipeline reference for scband-gat-4105988735382 (READ-ONLY COPY).

The authoritative reference and input builder live on the scoring server;
editing this copy changes nothing except your own understanding.
"""

import jax, jax.numpy as jnp
import numpy as np

N = 10000
DEG = 16
F = 128
EMB = 32


def _build_graph():
    rng = np.random.default_rng(0)
    rows = np.repeat(np.arange(N), DEG)
    cols = rng.integers(0, N, size=N * DEG)
    cols = np.where(cols == rows, (cols + 1) % N, cols)
    A = np.zeros((N, N), dtype=np.float32)
    A[rows, cols] = 1.0
    np.fill_diagonal(A, 0.0)
    A_tilde = A + np.eye(N, dtype=np.float32)
    r, c = np.where(A_tilde == 1.0)
    edges = np.column_stack((r, c)).astype(np.int32)
    return A_tilde, edges


def _glorot(key, shape):
    lim = float(np.sqrt(6.0 / (shape[0] + shape[1])))
    return jax.random.uniform(key, shape, jnp.float32, -lim, lim)


def setup_inputs(seed: int = 0) -> dict:
    key = jax.random.key(seed)
    k1, k2, k3 = jax.random.split(key, 3)
    A_tilde, edges = _build_graph()
    inputs = jax.random.normal(k1, (1, N, F), dtype=jnp.float32)
    W = _glorot(k2, (F, EMB))
    b = jnp.zeros((EMB,), dtype=jnp.float32)
    W_attn = _glorot(k3, (2 * EMB, 1))
    return {"inputs": inputs, "W": W, "b": b, "W_attn": W_attn,
            "A_tilde": jnp.asarray(A_tilde), "edges": jnp.asarray(edges)}


def reference(inputs, W, b, W_attn, A_tilde, edges):
    n_edges = edges.shape[0]
    # node_states_transformed = inputs @ W  -> [B, N, EMB]
    nst = jnp.matmul(inputs, W)
    # tf.gather(nst, edges, axis=1) -> [B, E, 2, EMB], then reshape to [B, E, 2*EMB]
    gathered = jnp.take(nst, edges.reshape(-1), axis=1)
    gathered = gathered.reshape(inputs.shape[0], n_edges, 2 * EMB)
    # attention scores
    scores = jax.nn.leaky_relu(jnp.matmul(gathered, W_attn), negative_slope=0.2)
    scores = jnp.squeeze(scores, -1)                      # [B, E]
    scores = jnp.exp(jnp.clip(scores, -2.0, 2.0))
    seg = edges[:, 0]
    # unsorted_segment_sum over first batch element (faithful to original)
    seg_sum = jax.ops.segment_sum(scores[0, :], seg, num_segments=N)
    counts = jnp.bincount(seg, length=N)
    seg_sum_rep = jnp.repeat(seg_sum, counts, total_repeat_length=n_edges)
    scores_norm = scores / seg_sum_rep                    # [B, E]
    # tensor_scatter_nd_update of dense A_tilde with normalized attention
    weighted_adj = A_tilde.at[edges[:, 0], edges[:, 1]].set(scores_norm[0])
    # [N, N] @ [B, N, EMB] -> [B, N, EMB]
    out = jnp.matmul(weighted_adj, nst)
    out = out + b
    return out

if __name__ == "__main__":
    import jax
    _d = setup_inputs()
    print(jax.jit(kernel)(*tuple(_d.values())))

</pallas_src>

<mosaic_0001>
#map = affine_map<(d0, d1) -> (0, 0)>
#map1 = affine_map<(d0, d1) -> (0)>
#map2 = affine_map<(d0, d1) -> (0, 0, 0)>
module attributes {stable_mosaic.version = 14 : i64} {
  func.func @body(%arg0: i32, %arg1: i32, %arg2: memref<1408x128xi32, #tpu.memory_space<hbm>>, %arg3: memref<1408x128xi32, #tpu.memory_space<hbm>>, %arg4: memref<10240xf32, #tpu.memory_space<hbm>>, %arg5: memref<10240xf32, #tpu.memory_space<hbm>>, %arg6: memref<10240x32xf32, #tpu.memory_space<hbm>>, %arg7: memref<2x10240x32xf32, #tpu.memory_space<hbm>>, %arg8: memref<10240xf32, #tpu.memory_space<vmem>>, %arg9: memref<10240xf32, #tpu.memory_space<vmem>>, %arg10: memref<10240xf32, #tpu.memory_space<vmem>>, %arg11: memref<4x128xi32, #tpu.memory_space<vmem>>, %arg12: memref<4x128xi32, #tpu.memory_space<vmem>>, %arg13: memref<4x128xf32, #tpu.memory_space<vmem>>, %arg14: memref<512x32xf32, #tpu.memory_space<vmem>>, %arg15: memref<10240xf32, #tpu.memory_space<vmem_shared>>, %arg16: memref<10240x32xf32, #tpu.memory_space<vmem_shared>>, %arg17: memref<!tpu.dma_semaphore, #tpu.memory_space<semaphore_mem>>) attributes {dimension_semantics = [#tpu.dimension_semantics<core_parallel>, #tpu.dimension_semantics<subcore_parallel>], iteration_bounds = array<i64: 2, 16>, scalar_prefetch = 0 : i64, scratch_operands = 10 : i64, tpu.core_type = #tpu.core_type<sc_vector_subcore>, window_params = [{transform_indices = #map}, {transform_indices = #map}, {transform_indices = #map1}, {transform_indices = #map1}, {transform_indices = #map}, {transform_indices = #map2}]} {
    %mul3A = arith.constant 2 : i32
    %mul3A_0 = arith.muli %arg1, %mul3A : i32
    %add3A = arith.addi %mul3A_0, %arg0 : i32
    %broadcast_in_dim3A = arith.constant 0.000000e+00 : f32
    %broadcast_in_dim3A_1 = vector.broadcast %broadcast_in_dim3A : f32 to vector<16xf32>
    %scan3A = arith.constant 0 : i32
    %scan3A_2 = arith.constant 0 : i32
    %scan3A_3 = arith.constant 512 : i32
    %scan3A_4 = arith.addi %scan3A_2, %scan3A_3 : i32
    %scan3A_5 = arith.constant 1 : i32
    scf.for %scan3A_43 = %scan3A_2 to %scan3A_4 step %scan3A_5  : i32 {
      %swap3A = arith.index_cast %scan3A_43 : i32 to index
      %swap3A_44 = arith.constant 0 : index
      %swap3A_45 = tpu.vector_load %arg14[%swap3A, %swap3A_44] {strides = array<i32>} : memref<512x32xf32, #tpu.memory_space<vmem>>, vector<16xf32>,
      tpu.vector_store %arg14[%swap3A, %swap3A_44], %broadcast_in_dim3A_1 {strides = array<i32>} : memref<512x32xf32, #tpu.memory_space<vmem>>, vector<16xf32>,
      %swap3A_46 = arith.index_cast %scan3A_43 : i32 to index
      %swap3A_47 = arith.constant 16 : index
      %swap3A_48 = tpu.vector_load %arg14[%swap3A_46, %swap3A_47] {strides = array<i32>} : memref<512x32xf32, #tpu.memory_space<vmem>>, vector<16xf32>,
      tpu.vector_store %arg14[%swap3A_46, %swap3A_47], %broadcast_in_dim3A_1 {strides = array<i32>} : memref<512x32xf32, #tpu.memory_space<vmem>>, vector<16xf32>,
    }
    %scan3A_6 = arith.constant 512 : i32
    %scan3A_7 = arith.constant 0 : i32
    %scan3A_8 = arith.constant 0 : i32
    %scan3A_9 = arith.constant 40 : i32
    %scan3A_10 = arith.addi %scan3A_8, %scan3A_9 : i32
    %scan3A_11 = arith.constant 1 : i32
    scf.for %scan3A_43 = %scan3A_8 to %scan3A_10 step %scan3A_11  : i32 {
      %mul3A_44 = arith.constant 640 : i32
      %mul3A_45 = arith.muli %arg1, %mul3A_44 : i32
      %mul3A_46 = arith.constant 16 : i32
      %mul3A_47 = arith.muli %scan3A_43, %mul3A_46 : i32
      %add3A_48 = arith.addi %mul3A_45, %mul3A_47 : i32
      %swap3A = arith.index_cast %add3A_48 : i32 to index
      %swap3A_49 = tpu.vector_load %arg10[%swap3A] {strides = array<i32>} : memref<10240xf32, #tpu.memory_space<vmem>>, vector<16xf32>,
      tpu.vector_store %arg10[%swap3A], %broadcast_in_dim3A_1 {strides = array<i32>} : memref<10240xf32, #tpu.memory_space<vmem>>, vector<16xf32>,
    }
    %scan3A_12 = arith.constant 40 : i32
    %mul3A_13 = arith.constant 640 : i32
    %mul3A_14 = arith.muli %arg1, %mul3A_13 : i32
    %mul3A_15 = arith.constant 640 : i32
    %mul3A_16 = arith.muli %arg1, %mul3A_15 : i32
    "tpu.region"() ({
      %run_scoped3A = tpu.sem_alloc : memref<!tpu.dma_semaphore, #tpu.memory_space<semaphore_mem>>
      %dma_start3A = tpu.memref_slice %arg10[%mul3A_14] : memref<10240xf32, #tpu.memory_space<vmem>> -> memref<640xf32, #tpu.memory_space<vmem>>
      %dma_start3A_43 = tpu.memref_slice %arg15[%mul3A_16] : memref<10240xf32, #tpu.memory_space<vmem_shared>> -> memref<640xf32, #tpu.memory_space<vmem_shared>>
      %dma_start3A_44 = tpu.memref_slice %arg15[%mul3A_16] : memref<10240xf32, #tpu.memory_space<vmem_shared>> -> memref<640xf32, #tpu.memory_space<vmem_shared>>
      %dma_start3A_45 = tpu.memref_slice %arg10[%mul3A_14] : memref<10240xf32, #tpu.memory_space<vmem>> -> memref<640xf32, #tpu.memory_space<vmem>>
      tpu.enqueue_dma source(%dma_start3A_45 : memref<640xf32, #tpu.memory_space<vmem>>) target(%dma_start3A_44 : memref<640xf32, #tpu.memory_space<vmem_shared>>) target_semaphore(%run_scoped3A : memref<!tpu.dma_semaphore, #tpu.memory_space<semaphore_mem>>)
      %dma_wait3A = tpu.memref_slice %arg10[%mul3A_14] : memref<10240xf32, #tpu.memory_space<vmem>> -> memref<640xf32, #tpu.memory_space<vmem>>
      %dma_wait3A_46 = tpu.memref_slice %arg15[%mul3A_16] : memref<10240xf32, #tpu.memory_space<vmem_shared>> -> memref<640xf32, #tpu.memory_space<vmem_shared>>
      %dma_wait3A_47 = tpu.memref_slice %arg15[%mul3A_16] : memref<10240xf32, #tpu.memory_space<vmem_shared>> -> memref<640xf32, #tpu.memory_space<vmem_shared>>
      %dma_wait3A_48 = tpu.memref_slice %arg10[%mul3A_14] : memref<10240xf32, #tpu.memory_space<vmem>> -> memref<640xf32, #tpu.memory_space<vmem>>
      tpu.wait_dma2 semaphore(%run_scoped3A : memref<!tpu.dma_semaphore, #tpu.memory_space<semaphore_mem>>) src(%dma_wait3A_48 : memref<640xf32, #tpu.memory_space<vmem>>) dst(%dma_wait3A_47 : memref<640xf32, #tpu.memory_space<vmem_shared>>)
      tpu.yield
    }) : () -> ()
    %mul3A_17 = arith.constant 640 : i32
    %mul3A_18 = arith.muli %arg1, %mul3A_17 : i32
    %add3A_19 = arith.constant 0 : i32
    %add3A_20 = arith.addi %mul3A_18, %add3A_19 : i32
    "tpu.region"() ({
      %run_scoped3A = tpu.sem_alloc : memref<!tpu.dma_semaphore, #tpu.memory_space<semaphore_mem>>
      %dma_start3A = arith.constant 0 : i32
      %dma_start3A_43 = arith.constant 0 : i32
      %dma_start3A_44 = tpu.memref_slice %arg14[%dma_start3A, %dma_start3A_43] : memref<512x32xf32, #tpu.memory_space<vmem>> -> memref<512x32xf32, #tpu.memory_space<vmem>>
      %dma_start3A_45 = arith.constant 0 : i32
      %dma_start3A_46 = tpu.memref_slice %arg16[%add3A_20, %dma_start3A_45] : memref<10240x32xf32, #tpu.memory_space<vmem_shared>> -> memref<512x32xf32, #tpu.memory_space<vmem_shared>>
      %dma_start3A_47 = arith.constant 0 : i32
      %dma_start3A_48 = tpu.memref_slice %arg16[%add3A_20, %dma_start3A_47] : memref<10240x32xf32, #tpu.memory_space<vmem_shared>> -> memref<512x32xf32, #tpu.memory_space<vmem_shared>>
      %dma_start3A_49 = arith.constant 0 : i32
      %dma_start3A_50 = arith.constant 0 : i32
      %dma_start3A_51 = tpu.memref_slice %arg14[%dma_start3A_49, %dma_start3A_50] : memref<512x32xf32, #tpu.memory_space<vmem>> -> memref<512x32xf32, #tpu.memory_space<vmem>>
      tpu.enqueue_dma source(%dma_start3A_51 : memref<512x32xf32, #tpu.memory_space<vmem>>) target(%dma_start3A_48 : memref<512x32xf32, #tpu.memory_space<vmem_shared>>) target_semaphore(%run_scoped3A : memref<!tpu.dma_semaphore, #tpu.memory_space<semaphore_mem>>)
      %dma_wait3A = arith.constant 0 : i32
      %dma_wait3A_52 = arith.constant 0 : i32
      %dma_wait3A_53 = tpu.memref_slice %arg14[%dma_wait3A, %dma_wait3A_52] : memref<512x32xf32, #tpu.memory_space<vmem>> -> memref<512x32xf32, #tpu.memory_space<vmem>>
      %dma_wait3A_54 = arith.constant 0 : i32
      %dma_wait3A_55 = tpu.memref_slice %arg16[%add3A_20, %dma_wait3A_54] : memref<10240x32xf32, #tpu.memory_space<vmem_shared>> -> memref<512x32xf32, #tpu.memory_space<vmem_shared>>
      %dma_wait3A_56 = arith.constant 0 : i32
      %dma_wait3A_57 = tpu.memref_slice %arg16[%add3A_20, %dma_wait3A_56] : memref<10240x32xf32, #tpu.memory_space<vmem_shared>> -> memref<512x32xf32, #tpu.memory_space<vmem_shared>>
      %dma_wait3A_58 = arith.constant 0 : i32
      %dma_wait3A_59 = arith.constant 0 : i32
      %dma_wait3A_60 = tpu.memref_slice %arg14[%dma_wait3A_58, %dma_wait3A_59] : memref<512x32xf32, #tpu.memory_space<vmem>> -> memref<512x32xf32, #tpu.memory_space<vmem>>
      tpu.wait_dma2 semaphore(%run_scoped3A : memref<!tpu.dma_semaphore, #tpu.memory_space<semaphore_mem>>) src(%dma_wait3A_60 : memref<512x32xf32, #tpu.memory_space<vmem>>) dst(%dma_wait3A_57 : memref<512x32xf32, #tpu.memory_space<vmem_shared>>)
      tpu.yield
    }) : () -> ()
    %mul3A_21 = arith.constant 640 : i32
    %mul3A_22 = arith.muli %arg1, %mul3A_21 : i32
    %add3A_23 = arith.constant 512 : i32
    %add3A_24 = arith.addi %mul3A_22, %add3A_23 : i32
    "tpu.region"() ({
      %run_scoped3A = tpu.sem_alloc : memref<!tpu.dma_semaphore, #tpu.memory_space<semaphore_mem>>
      %dma_start3A = arith.constant 0 : i32
      %dma_start3A_43 = arith.constant 0 : i32
      %dma_start3A_44 = tpu.memref_slice %arg14[%dma_start3A, %dma_start3A_43] : memref<512x32xf32, #tpu.memory_space<vmem>> -> memref<128x32xf32, #tpu.memory_space<vmem>>
      %dma_start3A_45 = arith.constant 0 : i32
      %dma_start3A_46 = tpu.memref_slice %arg16[%add3A_24, %dma_start3A_45] : memref<10240x32xf32, #tpu.memory_space<vmem_shared>> -> memref<128x32xf32, #tpu.memory_space<vmem_shared>>
      %dma_start3A_47 = arith.constant 0 : i32
      %dma_start3A_48 = tpu.memref_slice %arg16[%add3A_24, %dma_start3A_47] : memref<10240x32xf32, #tpu.memory_space<vmem_shared>> -> memref<128x32xf32, #tpu.memory_space<vmem_shared>>
      %dma_start3A_49 = arith.constant 0 : i32
      %dma_start3A_50 = arith.constant 0 : i32
      %dma_start3A_51 = tpu.memref_slice %arg14[%dma_start3A_49, %dma_start3A_50] : memref<512x32xf32, #tpu.memory_space<vmem>> -> memref<128x32xf32, #tpu.memory_space<vmem>>
      tpu.enqueue_dma source(%dma_start3A_51 : memref<128x32xf32, #tpu.memory_space<vmem>>) target(%dma_start3A_48 : memref<128x32xf32, #tpu.memory_space<vmem_shared>>) target_semaphore(%run_scoped3A : memref<!tpu.dma_semaphore, #tpu.memory_space<semaphore_mem>>)
      %dma_wait3A = arith.constant 0 : i32
      %dma_wait3A_52 = arith.constant 0 : i32
      %dma_wait3A_53 = tpu.memref_slice %arg14[%dma_wait3A, %dma_wait3A_52] : memref<512x32xf32, #tpu.memory_space<vmem>> -> memref<128x32xf32, #tpu.memory_space<vmem>>
      %dma_wait3A_54 = arith.constant 0 : i32
      %dma_wait3A_55 = tpu.memref_slice %arg16[%add3A_24, %dma_wait3A_54] : memref<10240x32xf32, #tpu.memory_space<vmem_shared>> -> memref<128x32xf32, #tpu.memory_space<vmem_shared>>
      %dma_wait3A_56 = arith.constant 0 : i32
      %dma_wait3A_57 = tpu.memref_slice %arg16[%add3A_24, %dma_wait3A_56] : memref<10240x32xf32, #tpu.memory_space<vmem_shared>> -> memref<128x32xf32, #tpu.memory_space<vmem_shared>>
      %dma_wait3A_58 = arith.constant 0 : i32
      %dma_wait3A_59 = arith.constant 0 : i32
      %dma_wait3A_60 = tpu.memref_slice %arg14[%dma_wait3A_58, %dma_wait3A_59] : memref<512x32xf32, #tpu.memory_space<vmem>> -> memref<128x32xf32, #tpu.memory_space<vmem>>
      tpu.wait_dma2 semaphore(%run_scoped3A : memref<!tpu.dma_semaphore, #tpu.memory_space<semaphore_mem>>) src(%dma_wait3A_60 : memref<128x32xf32, #tpu.memory_space<vmem>>) dst(%dma_wait3A_57 : memref<128x32xf32, #tpu.memory_space<vmem_shared>>)
      tpu.yield
    }) : () -> ()
    "tpu.region"() ({
      %run_scoped3A = tpu.sem_alloc : memref<!tpu.dma_semaphore, #tpu.memory_space<semaphore_mem>>
      tpu.enqueue_dma source(%arg4 : memref<10240xf32, #tpu.memory_space<hbm>>) target(%arg8 : memref<10240xf32, #tpu.memory_space<vmem>>) target_semaphore(%run_scoped3A : memref<!tpu.dma_semaphore, #tpu.memory_space<semaphore_mem>>)
      tpu.wait_dma2 semaphore(%run_scoped3A : memref<!tpu.dma_semaphore, #tpu.memory_space<semaphore_mem>>) src(%arg4 : memref<10240xf32, #tpu.memory_space<hbm>>) dst(%arg8 : memref<10240xf32, #tpu.memory_space<vmem>>)
      tpu.yield
    }) : () -> ()
    "tpu.region"() ({
      %run_scoped3A = tpu.sem_alloc : memref<!tpu.dma_semaphore, #tpu.memory_space<semaphore_mem>>
      tpu.enqueue_dma source(%arg5 : memref<10240xf32, #tpu.memory_space<hbm>>) target(%arg9 : memref<10240xf32, #tpu.memory_space<vmem>>) target_semaphore(%run_scoped3A : memref<!tpu.dma_semaphore, #tpu.memory_space<semaphore_mem>>)
      tpu.wait_dma2 semaphore(%run_scoped3A : memref<!tpu.dma_semaphore, #tpu.memory_space<semaphore_mem>>) src(%arg5 : memref<10240xf32, #tpu.memory_space<hbm>>) dst(%arg9 : memref<10240xf32, #tpu.memory_space<vmem>>)
      tpu.yield
    }) : () -> ()
    %barrier3A = arith.constant 0 : index
    tpu.barrier barrier_id(%barrier3A)
    %scan3A_25 = arith.constant 0 : i32
    %scan3A_26 = arith.constant 0 : i32
    %scan3A_27 = arith.constant 22 : i32
    %scan3A_28 = arith.addi %scan3A_26, %scan3A_27 : i32
    %scan3A_29 = arith.constant 1 : i32
    scf.for %scan3A_43 = %scan3A_26 to %scan3A_28 step %scan3A_29  : i32 {
      %mul3A_44 = arith.constant 88 : i32
      %mul3A_45 = arith.muli %arg1, %mul3A_44 : i32
      %mul3A_46 = arith.constant 4 : i32
      %mul3A_47 = arith.muli %scan3A_43, %mul3A_46 : i32
      %add3A_48 = arith.addi %mul3A_45, %mul3A_47 : i32
      "tpu.region"() ({
        %run_scoped3A_975 = tpu.sem_alloc : memref<!tpu.dma_semaphore, #tpu.memory_space<semaphore_mem>>
        %dma_start3A = arith.constant 0 : i32
        %dma_start3A_976 = tpu.memref_slice %arg2[%add3A_48, %dma_start3A] : memref<1408x128xi32, #tpu.memory_space<hbm>> -> memref<4x128xi32, #tpu.memory_space<hbm>>
        %dma_start3A_977 = arith.constant 0 : i32
        %dma_start3A_978 = tpu.memref_slice %arg2[%add3A_48, %dma_start3A_977] : memref<1408x128xi32, #tpu.memory_space<hbm>> -> memref<4x128xi32, #tpu.memory_space<hbm>>
        tpu.enqueue_dma source(%dma_start3A_978 : memref<4x128xi32, #tpu.memory_space<hbm>>) target(%arg11 : memref<4x128xi32, #tpu.memory_space<vmem>>) target_semaphore(%run_scoped3A_975 : memref<!tpu.dma_semaphore, #tpu.memory_space<semaphore_mem>>)
        %dma_wait3A = arith.constant 0 : i32
        %dma_wait3A_979 = tpu.memref_slice %arg2[%add3A_48, %dma_wait3A] : memref<1408x128xi32, #tpu.memory_space<hbm>> -> memref<4x128xi32, #tpu.memory_space<hbm>>
        %dma_wait3A_980 = arith.constant 0 : i32
        %dma_wait3A_981 = tpu.memref_slice %arg2[%add3A_48, %dma_wait3A_980] : memref<1408x128xi32, #tpu.memory_space<hbm>> -> memref<4x128xi32, #tpu.memory_space<hbm>>
        tpu.wait_dma2 semaphore(%run_scoped3A_975 : memref<!tpu.dma_semaphore, #tpu.memory_space<semaphore_mem>>) src(%dma_wait3A_981 : memref<4x128xi32, #tpu.memory_space<hbm>>) dst(%arg11 : memref<4x128xi32, #tpu.memory_space<vmem>>)
        tpu.yield
      }) : () -> ()
      "tpu.region"() ({
        %run_scoped3A_975 = tpu.sem_alloc : memref<!tpu.dma_semaphore, #tpu.memory_space<semaphore_mem>>
        %dma_start3A = arith.constant 0 : i32
        %dma_start3A_976 = tpu.memref_slice %arg3[%add3A_48, %dma_start3A] : memref<1408x128xi32, #tpu.memory_space<hbm>> -> memref<4x128xi32, #tpu.memory_space<hbm>>
        %dma_start3A_977 = arith.constant 0 : i32
        %dma_start3A_978 = tpu.memref_slice %arg3[%add3A_48, %dma_start3A_977] : memref<1408x128xi32, #tpu.memory_space<hbm>> -> memref<4x128xi32, #tpu.memory_space<hbm>>
        tpu.enqueue_dma source(%dma_start3A_978 : memref<4x128xi32, #tpu.memory_space<hbm>>) target(%arg12 : memref<4x128xi32, #tpu.memory_space<vmem>>) target_semaphore(%run_scoped3A_975 : memref<!tpu.dma_semaphore, #tpu.memory_space<semaphore_mem>>)
        %dma_wait3A = arith.constant 0 : i32
        %dma_wait3A_979 = tpu.memref_slice %arg3[%add3A_48, %dma_wait3A] : memref<1408x128xi32, #tpu.memory_space<hbm>> -> memref<4x128xi32, #tpu.memory_space<hbm>>
        %dma_wait3A_980 = arith.constant 0 : i32
        %dma_wait3A_981 = tpu.memref_slice %arg3[%add3A_48, %dma_wait3A_980] : memref<1408x128xi32, #tpu.memory_space<hbm>> -> memref<4x128xi32, #tpu.memory_space<hbm>>
        tpu.wait_dma2 semaphore(%run_scoped3A_975 : memref<!tpu.dma_semaphore, #tpu.memory_space<semaphore_mem>>) src(%dma_wait3A_981 : memref<4x128xi32, #tpu.memory_space<hbm>>) dst(%arg12 : memref<4x128xi32, #tpu.memory_space<vmem>>)
        tpu.yield
      }) : () -> ()
      %get3A = arith.constant 0 : i32
      %get3A_49 = arith.index_cast %get3A : i32 to index
      %get3A_50 = arith.constant 0 : index
      %get3A_51 = tpu.vector_load %arg11[%get3A_49, %get3A_50] {strides = array<i32>} : memref<4x128xi32, #tpu.memory_space<vmem>>, vector<16xi32>,
      %get3A_52 = arith.constant 0 : i32
      %get3A_53 = arith.index_cast %get3A_52 : i32 to index
      %get3A_54 = arith.constant 0 : index
      %get3A_55 = tpu.vector_load %arg12[%get3A_53, %get3A_54] {strides = array<i32>} : memref<4x128xi32, #tpu.memory_space<vmem>>, vector<16xi32>,
      %gather3A = tpu.vector_load_idx %arg8[%get3A_51] : memref<10240xf32, #tpu.memory_space<vmem>>[vector<16xi32>], vector<16xf32>,
      %gather3A_56 = tpu.vector_load_idx %arg9[%get3A_55] : memref<10240xf32, #tpu.memory_space<vmem>>[vector<16xi32>], vector<16xf32>,
      %add3A_57 = arith.addf %gather3A, %gather3A_56 : vector<16xf32>
      %ge3A = arith.constant 0.000000e+00 : f32
      %ge3A_58 = vector.broadcast %ge3A : f32 to vector<16xf32>
      %ge3A_59 = arith.cmpf oge, %add3A_57, %ge3A_58 : vector<16xf32>
      %mul3A_60 = arith.constant 2.000000e-01 : f32
      %mul3A_61 = vector.broadcast %mul3A_60 : f32 to vector<16xf32>
      %mul3A_62 = arith.mulf %mul3A_61, %add3A_57 : vector<16xf32>
      %select_n3A = arith.select %ge3A_59, %add3A_57, %mul3A_62 : vector<16xi1>, vector<16xf32>
      %jit3A = arith.constant -2.000000e+00 : f32
      %jit3A_63 = arith.constant 2.000000e+00 : f32
      %max3A = vector.broadcast %jit3A : f32 to vector<16xf32>
      %max3A_64 = arith.maximumf %max3A, %select_n3A : vector<16xf32>
      %min3A = vector.broadcast %jit3A_63 : f32 to vector<16xf32>
      %min3A_65 = arith.minimumf %min3A, %max3A_64 : vector<16xf32>
      %exp3A = math.exp %min3A_65 : vector<16xf32>
      %swap3A = arith.constant 0 : i32
      %swap3A_66 = arith.index_cast %swap3A : i32 to index
      %swap3A_67 = arith.constant 0 : index
      %swap3A_68 = tpu.vector_load %arg13[%swap3A_66, %swap3A_67] {strides = array<i32>} : memref<4x128xf32, #tpu.memory_space<vmem>>, vector<16xf32>,
      tpu.vector_store %arg13[%swap3A_66, %swap3A_67], %exp3A {strides = array<i32>} : memref<4x128xf32, #tpu.memory_space<vmem>>, vector<16xf32>,
      %get3A_69 = arith.constant 0 : i32
      %get3A_70 = arith.index_cast %get3A_69 : i32 to index
      %get3A_71 = arith.constant 16 : index
      %get3A_72 = tpu.vector_load %arg11[%get3A_70, %get3A_71] {strides = array<i32>} : memref<4x128xi32, #tpu.memory_space<vmem>>, vector<16xi32>,
      %get3A_73 = arith.constant 0 : i32
      %get3A_74 = arith.index_cast %get3A_73 : i32 to index
      %get3A_75 = arith.constant 16 : index
      %get3A_76 = tpu.vector_load %arg12[%get3A_74, %get3A_75] {strides = array<i32>} : memref<4x128xi32, #tpu.memory_space<vmem>>, vector<16xi32>,
      %gather3A_77 = tpu.vector_load_idx %arg8[%get3A_72] : memref<10240xf32, #tpu.memory_space<vmem>>[vector<16xi32>], vector<16xf32>,
      %gather3A_78 = tpu.vector_load_idx %arg9[%get3A_76] : memref<10240xf32, #tpu.memory_space<vmem>>[vector<16xi32>], vector<16xf32>,
      %add3A_79 = arith.addf %gather3A_77, %gather3A_78 : vector<16xf32>
      %ge3A_80 = arith.constant 0.000000e+00 : f32
      %ge3A_81 = vector.broadcast %ge3A_80 : f32 to vector<16xf32>
      %ge3A_82 = arith.cmpf oge, %add3A_79, %ge3A_81 : vector<16xf32>
      %mul3A_83 = arith.constant 2.000000e-01 : f32
      %mul3A_84 = vector.broadcast %mul3A_83 : f32 to vector<16xf32>
      %mul3A_85 = arith.mulf %mul3A_84, %add3A_79 : vector<16xf32>
      %select_n3A_86 = arith.select %ge3A_82, %add3A_79, %mul3A_85 : vector<16xi1>, vector<16xf32>
      %jit3A_87 = arith.constant -2.000000e+00 : f32
      %jit3A_88 = arith.constant 2.000000e+00 : f32
      %max3A_89 = vector.broadcast %jit3A_87 : f32 to vector<16xf32>
      %max3A_90 = arith.maximumf %max3A_89, %select_n3A_86 : vector<16xf32>
      %min3A_91 = vector.broadcast %jit3A_88 : f32 to vector<16xf32>
      %min3A_92 = arith.minimumf %min3A_91, %max3A_90 : vector<16xf32>
      %exp3A_93 = math.exp %min3A_92 : vector<16xf32>
      %swap3A_94 = arith.constant 0 : i32
      %swap3A_95 = arith.index_cast %swap3A_94 : i32 to index
      %swap3A_96 = arith.constant 16 : index
      %swap3A_97 = tpu.vector_load %arg13[%swap3A_95, %swap3A_96] {strides = array<i32>} : memref<4x128xf32, #tpu.memory_space<vmem>>, vector<16xf32>,
      tpu.vector_store %arg13[%swap3A_95, %swap3A_96], %exp3A_93 {strides = array<i32>} : memref<4x128xf32, #tpu.memory_space<vmem>>, vector<16xf32>,
      %get3A_98 = arith.constant 0 : i32
      %get3A_99 = arith.index_cast %get3A_98 : i32 to index
      %get3A_100 = arith.constant 32 : index
      %get3A_101 = tpu.vector_load %arg11[%get3A_99, %get3A_100] {strides = array<i32>} : memref<4x128xi32, #tpu.memory_space<vmem>>, vector<16xi32>,
      %get3A_102 = arith.constant 0 : i32
      %get3A_103 = arith.index_cast %get3A_102 : i32 to index
      %get3A_104 = arith.constant 32 : index
      %get3A_105 = tpu.vector_load %arg12[%get3A_103, %get3A_104] {strides = array<i32>} : memref<4x128xi32, #tpu.memory_space<vmem>>, vector<16xi32>,
      %gather3A_106 = tpu.vector_load_idx %arg8[%get3A_101] : memref<10240xf32, #tpu.memory_space<vmem>>[vector<16xi32>], vector<16xf32>,
      %gather3A_107 = tpu.vector_load_idx %arg9[%get3A_105] : memref<10240xf32, #tpu.memory_space<vmem>>[vector<16xi32>], vector<16xf32>,
      %add3A_108 = arith.addf %gather3A_106, %gather3A_107 : vector<16xf32>
      %ge3A_109 = arith.constant 0.000000e+00 : f32
      %ge3A_110 = vector.broadcast %ge3A_109 : f32 to vector<16xf32>
      %ge3A_111 = arith.cmpf oge, %add3A_108, %ge3A_110 : vector<16xf32>
      %mul3A_112 = arith.constant 2.000000e-01 : f32
      %mul3A_113 = vector.broadcast %mul3A_112 : f32 to vector<16xf32>
      %mul3A_114 = arith.mulf %mul3A_113, %add3A_108 : vector<16xf32>
      %select_n3A_115 = arith.select %ge3A_111, %add3A_108, %mul3A_114 : vector<16xi1>, vector<16xf32>
      %jit3A_116 = arith.constant -2.000000e+00 : f32
      %jit3A_117 = arith.constant 2.000000e+00 : f32
      %max3A_118 = vector.broadcast %jit3A_116 : f32 to vector<16xf32>
      %max3A_119 = arith.maximumf %max3A_118, %select_n3A_115 : vector<16xf32>
      %min3A_120 = vector.broadcast %jit3A_117 : f32 to vector<16xf32>
      %min3A_121 = arith.minimumf %min3A_120, %max3A_119 : vector<16xf32>
      %exp3A_122 = math.exp %min3A_121 : vector<16xf32>
      %swap3A_123 = arith.constant 0 : i32
      %swap3A_124 = arith.index_cast %swap3A_123 : i32 to index
      %swap3A_125 = arith.constant 32 : index
      %swap3A_126 = tpu.vector_load %arg13[%swap3A_124, %swap3A_125] {strides = array<i32>} : memref<4x128xf32, #tpu.memory_space<vmem>>, vector<16xf32>,
      tpu.vector_store %arg13[%swap3A_124, %swap3A_125], %exp3A_122 {strides = array<i32>} : memref<4x128xf32, #tpu.memory_space<vmem>>, vector<16xf32>,
      %get3A_127 = arith.constant 0 : i32
      %get3A_128 = arith.index_cast %get3A_127 : i32 to index
      %get3A_129 = arith.constant 48 : index
      %get3A_130 = tpu.vector_load %arg11[%get3A_128, %get3A_129] {strides = array<i32>} : memref<4x128xi32, #tpu.memory_space<vmem>>, vector<16xi32>,
      %get3A_131 = arith.constant 0 : i32
      %get3A_132 = arith.index_cast %get3A_131 : i32 to index
      %get3A_133 = arith.constant 48 : index
      %get3A_134 = tpu.vector_load %arg12[%get3A_132, %get3A_133] {strides = array<i32>} : memref<4x128xi32, #tpu.memory_space<vmem>>, vector<16xi32>,
      %gather3A_135 = tpu.vector_load_idx %arg8[%get3A_130] : memref<10240xf32, #tpu.memory_space<vmem>>[vector<16xi32>], vector<16xf32>,
      %gather3A_136 = tpu.vector_load_idx %arg9[%get3A_134] : memref<10240xf32, #tpu.memory_space<vmem>>[vector<16xi32>], vector<16xf32>,
      %add3A_137 = arith.addf %gather3A_135, %gather3A_136 : vector<16xf32>
      %ge3A_138 = arith.constant 0.000000e+00 : f32
      %ge3A_139 = vector.broadcast %ge3A_138 : f32 to vector<16xf32>
      %ge3A_140 = arith.cmpf oge, %add3A_137, %ge3A_139 : vector<16xf32>
      %mul3A_141 = arith.constant 2.000000e-01 : f32
      %mul3A_142 = vector.broadcast %mul3A_141 : f32 to vector<16xf32>
      %mul3A_143 = arith.mulf %mul3A_142, %add3A_137 : vector<16xf32>
      %select_n3A_144 = arith.select %ge3A_140, %add3A_137, %mul3A_143 : vector<16xi1>, vector<16xf32>
      %jit3A_145 = arith.constant -2.000000e+00 : f32
      %jit3A_146 = arith.constant 2.000000e+00 : f32
      %max3A_147 = vector.broadcast %jit3A_145 : f32 to vector<16xf32>
      %max3A_148 = arith.maximumf %max3A_147, %select_n3A_144 : vector<16xf32>
      %min3A_149 = vector.broadcast %jit3A_146 : f32 to vector<16xf32>
      %min3A_150 = arith.minimumf %min3A_149, %max3A_148 : vector<16xf32>
      %exp3A_151 = math.exp %min3A_150 : vector<16xf32>
      %swap3A_152 = arith.constant 0 : i32
      %swap3A_153 = arith.index_cast %swap3A_152 : i32 to index
      %swap3A_154 = arith.constant 48 : index
      %swap3A_155 = tpu.vector_load %arg13[%swap3A_153, %swap3A_154] {strides = array<i32>} : memref<4x128xf32, #tpu.memory_space<vmem>>, vector<16xf32>,
      tpu.vector_store %arg13[%swap3A_153, %swap3A_154], %exp3A_151 {strides = array<i32>} : memref<4x128xf32, #tpu.memory_space<vmem>>, vector<16xf32>,
      %get3A_156 = arith.constant 0 : i32
      %get3A_157 = arith.index_cast %get3A_156 : i32 to index
      %get3A_158 = arith.constant 64 : index
      %get3A_159 = tpu.vector_load %arg11[%get3A_157, %get3A_158] {strides = array<i32>} : memref<4x128xi32, #tpu.memory_space<vmem>>, vector<16xi32>,
      %get3A_160 = arith.constant 0 : i32
      %get3A_161 = arith.index_cast %get3A_160 : i32 to index
      %get3A_162 = arith.constant 64 : index
      %get3A_163 = tpu.vector_load %arg12[%get3A_161, %get3A_162] {strides = array<i32>} : memref<4x128xi32, #tpu.memory_space<vmem>>, vector<16xi32>,
      %gather3A_164 = tpu.vector_load_idx %arg8[%get3A_159] : memref<10240xf32, #tpu.memory_space<vmem>>[vector<16xi32>], vector<16xf32>,
      %gather3A_165 = tpu.vector_load_idx %arg9[%get3A_163] : memref<10240xf32, #tpu.memory_space<vmem>>[vector<16xi32>], vector<16xf32>,
      %add3A_166 = arith.addf %gather3A_164, %gather3A_165 : vector<16xf32>
      %ge3A_167 = arith.constant 0.000000e+00 : f32
      %ge3A_168 = vector.broadcast %ge3A_167 : f32 to vector<16xf32>
      %ge3A_169 = arith.cmpf oge, %add3A_166, %ge3A_168 : vector<16xf32>
      %mul3A_170 = arith.constant 2.000000e-01 : f32
      %mul3A_171 = vector.broadcast %mul3A_170 : f32 to vector<16xf32>
      %mul3A_172 = arith.mulf %mul3A_171, %add3A_166 : vector<16xf32>
      %select_n3A_173 = arith.select %ge3A_169, %add3A_166, %mul3A_172 : vector<16xi1>, vector<16xf32>
      %jit3A_174 = arith.constant -2.000000e+00 : f32
      %jit3A_175 = arith.constant 2.000000e+00 : f32
      %max3A_176 = vector.broadcast %jit3A_174 : f32 to vector<16xf32>
      %max3A_177 = arith.maximumf %max3A_176, %select_n3A_173 : vector<16xf32>
      %min3A_178 = vector.broadcast %jit3A_175 : f32 to vector<16xf32>
      %min3A_179 = arith.minimumf %min3A_178, %max3A_177 : vector<16xf32>
      %exp3A_180 = math.exp %min3A_179 : vector<16xf32>
      %swap3A_181 = arith.constant 0 : i32
      %swap3A_182 = arith.index_cast %swap3A_181 : i32 to index
      %swap3A_183 = arith.constant 64 : index
      %swap3A_184 = tpu.vector_load %arg13[%swap3A_182, %swap3A_183] {strides = array<i32>} : memref<4x128xf32, #tpu.memory_space<vmem>>, vector<16xf32>,
      tpu.vector_store %arg13[%swap3A_182, %swap3A_183], %exp3A_180 {strides = array<i32>} : memref<4x128xf32, #tpu.memory_space<vmem>>, vector<16xf32>,
      %get3A_185 = arith.constant 0 : i32
      %get3A_186 = arith.index_cast %get3A_185 : i32 to index
      %get3A_187 = arith.constant 80 : index
      %get3A_188 = tpu.vector_load %arg11[%get3A_186, %get3A_187] {strides = array<i32>} : memref<4x128xi32, #tpu.memory_space<vmem>>, vector<16xi32>,
      %get3A_189 = arith.constant 0 : i32
      %get3A_190 = arith.index_cast %get3A_189 : i32 to index
      %get3A_191 = arith.constant 80 : index
      %get3A_192 = tpu.vector_load %arg12[%get3A_190, %get3A_191] {strides = array<i32>} : memref<4x128xi32, #tpu.memory_space<vmem>>, vector<16xi32>,
      %gather3A_193 = tpu.vector_load_idx %arg8[%get3A_188] : memref<10240xf32, #tpu.memory_space<vmem>>[vector<16xi32>], vector<16xf32>,
      %gather3A_194 = tpu.vector_load_idx %arg9[%get3A_192] : memref<10240xf32, #tpu.memory_space<vmem>>[vector<16xi32>], vector<16xf32>,
      %add3A_195 = arith.addf %gather3A_193, %gather3A_194 : vector<16xf32>
      %ge3A_196 = arith.constant 0.000000e+00 : f32
      %ge3A_197 = vector.broadcast %ge3A_196 : f32 to vector<16xf32>
      %ge3A_198 = arith.cmpf oge, %add3A_195, %ge3A_197 : vector<16xf32>
      %mul3A_199 = arith.constant 2.000000e-01 : f32
      %mul3A_200 = vector.broadcast %mul3A_199 : f32 to vector<16xf32>
      %mul3A_201 = arith.mulf %mul3A_200, %add3A_195 : vector<16xf32>
      %select_n3A_202 = arith.select %ge3A_198, %add3A_195, %mul3A_201 : vector<16xi1>, vector<16xf32>
      %jit3A_203 = arith.constant -2.000000e+00 : f32
      %jit3A_204 = arith.constant 2.000000e+00 : f32
      %max3A_205 = vector.broadcast %jit3A_203 : f32 to vector<16xf32>
      %max3A_206 = arith.maximumf %max3A_205, %select_n3A_202 : vector<16xf32>
      %min3A_207 = vector.broadcast %jit3A_204 : f32 to vector<16xf32>
      %min3A_208 = arith.minimumf %min3A_207, %max3A_206 : vector<16xf32>
      %exp3A_209 = math.exp %min3A_208 : vector<16xf32>
      %swap3A_210 = arith.constant 0 : i32
      %swap3A_211 = arith.index_cast %swap3A_210 : i32 to index
      %swap3A_212 = arith.constant 80 : index
      %swap3A_213 = tpu.vector_load %arg13[%swap3A_211, %swap3A_212] {strides = array<i32>} : memref<4x128xf32, #tpu.memory_space<vmem>>, vector<16xf32>,
      tpu.vector_store %arg13[%swap3A_211, %swap3A_212], %exp3A_209 {strides = array<i32>} : memref<4x128xf32, #tpu.memory_space<vmem>>, vector<16xf32>,
      %get3A_214 = arith.constant 0 : i32
      %get3A_215 = arith.index_cast %get3A_214 : i32 to index
      %get3A_216 = arith.constant 96 : index
      %get3A_217 = tpu.vector_load %arg11[%get3A_215, %get3A_216] {strides = array<i32>} : memref<4x128xi32, #tpu.memory_space<vmem>>, vector<16xi32>,
      %get3A_218 = arith.constant 0 : i32
      %get3A_219 = arith.index_cast %get3A_218 : i32 to index
      %get3A_220 = arith.constant 96 : index
      %get3A_221 = tpu.vector_load %arg12[%get3A_219, %get3A_220] {strides = array<i32>} : memref<4x128xi32, #tpu.memory_space<vmem>>, vector<16xi32>,
      %gather3A_222 = tpu.vector_load_idx %arg8[%get3A_217] : memref<10240xf32, #tpu.memory_space<vmem>>[vector<16xi32>], vector<16xf32>,
      %gather3A_223 = tpu.vector_load_idx %arg9[%get3A_221] : memref<10240xf32, #tpu.memory_space<vmem>>[vector<16xi32>], vector<16xf32>,
      %add3A_224 = arith.addf %gather3A_222, %gather3A_223 : vector<16xf32>
      %ge3A_225 = arith.constant 0.000000e+00 : f32
      %ge3A_226 = vector.broadcast %ge3A_225 : f32 to vector<16xf32>
      %ge3A_227 = arith.cmpf oge, %add3A_224, %ge3A_226 : vector<16xf32>
      %mul3A_228 = arith.constant 2.000000e-01 : f32
      %mul3A_229 = vector.broadcast %mul3A_228 : f32 to vector<16xf32>
      %mul3A_230 = arith.mulf %mul3A_229, %add3A_224 : vector<16xf32>
      %select_n3A_231 = arith.select %ge3A_227, %add3A_224, %mul3A_230 : vector<16xi1>, vector<16xf32>
      %jit3A_232 = arith.constant -2.000000e+00 : f32
      %jit3A_233 = arith.constant 2.000000e+00 : f32
      %max3A_234 = vector.broadcast %jit3A_232 : f32 to vector<16xf32>
      %max3A_235 = arith.maximumf %max3A_234, %select_n3A_231 : vector<16xf32>
      %min3A_236 = vector.broadcast %jit3A_233 : f32 to vector<16xf32>
      %min3A_237 = arith.minimumf %min3A_236, %max3A_235 : vector<16xf32>
      %exp3A_238 = math.exp %min3A_237 : vector<16xf32>
      %swap3A_239 = arith.constant 0 : i32
      %swap3A_240 = arith.index_cast %swap3A_239 : i32 to index
      %swap3A_241 = arith.constant 96 : index
      %swap3A_242 = tpu.vector_load %arg13[%swap3A_240, %swap3A_241] {strides = array<i32>} : memref<4x128xf32, #tpu.memory_space<vmem>>, vector<16xf32>,
      tpu.vector_store %arg13[%swap3A_240, %swap3A_241], %exp3A_238 {strides = array<i32>} : memref<4x128xf32, #tpu.memory_space<vmem>>, vector<16xf32>,
      %get3A_243 = arith.constant 0 : i32
      %get3A_244 = arith.index_cast %get3A_243 : i32 to index
      %get3A_245 = arith.constant 112 : index
      %get3A_246 = tpu.vector_load %arg11[%get3A_244, %get3A_245] {strides = array<i32>} : memref<4x128xi32, #tpu.memory_space<vmem>>, vector<16xi32>,
      %get3A_247 = arith.constant 0 : i32
      %get3A_248 = arith.index_cast %get3A_247 : i32 to index
      %get3A_249 = arith.constant 112 : index
      %get3A_250 = tpu.vector_load %arg12[%get3A_248, %get3A_249] {strides = array<i32>} : memref<4x128xi32, #tpu.memory_space<vmem>>, vector<16xi32>,
      %gather3A_251 = tpu.vector_load_idx %arg8[%get3A_246] : memref<10240xf32, #tpu.memory_space<vmem>>[vector<16xi32>], vector<16xf32>,
      %gather3A_252 = tpu.vector_load_idx %arg9[%get3A_250] : memref<10240xf32, #tpu.memory_space<vmem>>[vector<16xi32>], vector<16xf32>,
      %add3A_253 = arith.addf %gather3A_251, %gather3A_252 : vector<16xf32>
      %ge3A_254 = arith.constant 0.000000e+00 : f32
      %ge3A_255 = vector.broadcast %ge3A_254 : f32 to vector<16xf32>
      %ge3A_256 = arith.cmpf oge, %add3A_253, %ge3A_255 : vector<16xf32>
      %mul3A_257 = arith.constant 2.000000e-01 : f32
      %mul3A_258 = vector.broadcast %mul3A_257 : f32 to vector<16xf32>
      %mul3A_259 = arith.mulf %mul3A_258, %add3A_253 : vector<16xf32>
      %select_n3A_260 = arith.select %ge3A_256, %add3A_253, %mul3A_259 : vector<16xi1>, vector<16xf32>
      %jit3A_261 = arith.constant -2.000000e+00 : f32
      %jit3A_262 = arith.constant 2.000000e+00 : f32
      %max3A_263 = vector.broadcast %jit3A_261 : f32 to vector<16xf32>
      %max3A_264 = arith.maximumf %max3A_263, %select_n3A_260 : vector<16xf32>
      %min3A_265 = vector.broadcast %jit3A_262 : f32 to vector<16xf32>
      %min3A_266 = arith.minimumf %min3A_265, %max3A_264 : vector<16xf32>
      %exp3A_267 = math.exp %min3A_266 : vector<16xf32>
      %swap3A_268 = arith.constant 0 : i32
      %swap3A_269 = arith.index_cast %swap3A_268 : i32 to index
      %swap3A_270 = arith.constant 112 : index
      %swap3A_271 = tpu.vector_load %arg13[%swap3A_269, %swap3A_270] {strides = array<i32>} : memref<4x128xf32, #tpu.memory_space<vmem>>, vector<16xf32>,
      tpu.vector_store %arg13[%swap3A_269, %swap3A_270], %exp3A_267 {strides = array<i32>} : memref<4x128xf32, #tpu.memory_space<vmem>>, vector<16xf32>,
      %get3A_272 = arith.constant 1 : i32
      %get3A_273 = arith.index_cast %get3A_272 : i32 to index
      %get3A_274 = arith.constant 0 : index
      %get3A_275 = tpu.vector_load %arg11[%get3A_273, %get3A_274] {strides = array<i32>} : memref<4x128xi32, #tpu.memory_space<vmem>>, vector<16xi32>,
      %get3A_276 = arith.constant 1 : i32
      %get3A_277 = arith.index_cast %get3A_276 : i32 to index
      %get3A_278 = arith.constant 0 : index
      %get3A_279 = tpu.vector_load %arg12[%get3A_277, %get3A_278] {strides = array<i32>} : memref<4x128xi32, #tpu.memory_space<vmem>>, vector<16xi32>,
      %gather3A_280 = tpu.vector_load_idx %arg8[%get3A_275] : memref<10240xf32, #tpu.memory_space<vmem>>[vector<16xi32>], vector<16xf32>,
      %gather3A_281 = tpu.vector_load_idx %arg9[%get3A_279] : memref<10240xf32, #tpu.memory_space<vmem>>[vector<16xi32>], vector<16xf32>,
      %add3A_282 = arith.addf %gather3A_280, %gather3A_281 : vector<16xf32>
      %ge3A_283 = arith.constant 0.000000e+00 : f32
      %ge3A_284 = vector.broadcast %ge3A_283 : f32 to vector<16xf32>
      %ge3A_285 = arith.cmpf oge, %add3A_282, %ge3A_284 : vector<16xf32>
      %mul3A_286 = arith.constant 2.000000e-01 : f32
      %mul3A_287 = vector.broadcast %mul3A_286 : f32 to vector<16xf32>
      %mul3A_288 = arith.mulf %mul3A_287, %add3A_282 : vector<16xf32>
      %select_n3A_289 = arith.select %ge3A_285, %add3A_282, %mul3A_288 : vector<16xi1>, vector<16xf32>
      %jit3A_290 = arith.constant -2.000000e+00 : f32
      %jit3A_291 = arith.constant 2.000000e+00 : f32
      %max3A_292 = vector.broadcast %jit3A_290 : f32 to vector<16xf32>
      %max3A_293 = arith.maximumf %max3A_292, %select_n3A_289 : vector<16xf32>
      %min3A_294 = vector.broadcast %jit3A_291 : f32 to vector<16xf32>
      %min3A_295 = arith.minimumf %min3A_294, %max3A_293 : vector<16xf32>
      %exp3A_296 = math.exp %min3A_295 : vector<16xf32>
      %swap3A_297 = arith.constant 1 : i32
      %swap3A_298 = arith.index_cast %swap3A_297 : i32 to index
      %swap3A_299 = arith.constant 0 : index
      %swap3A_300 = tpu.vector_load %arg13[%swap3A_298, %swap3A_299] {strides = array<i32>} : memref<4x128xf32, #tpu.memory_space<vmem>>, vector<16xf32>,
      tpu.vector_store %arg13[%swap3A_298, %swap3A_299], %exp3A_296 {strides = array<i32>} : memref<4x128xf32, #tpu.memory_space<vmem>>, vector<16xf32>,
      %get3A_301 = arith.constant 1 : i32
      %get3A_302 = arith.index_cast %get3A_301 : i32 to index
      %get3A_303 = arith.constant 16 : index
      %get3A_304 = tpu.vector_load %arg11[%get3A_302, %get3A_303] {strides = array<i32>} : memref<4x128xi32, #tpu.memory_space<vmem>>, vector<16xi32>,
      %get3A_305 = arith.constant 1 : i32
      %get3A_306 = arith.index_cast %get3A_305 : i32 to index
      %get3A_307 = arith.constant 16 : index
      %get3A_308 = tpu.vector_load %arg12[%get3A_306, %get3A_307] {strides = array<i32>} : memref<4x128xi32, #tpu.memory_space<vmem>>, vector<16xi32>,
      %gather3A_309 = tpu.vector_load_idx %arg8[%get3A_304] : memref<10240xf32, #tpu.memory_space<vmem>>[vector<16xi32>], vector<16xf32>,
      %gather3A_310 = tpu.vector_load_idx %arg9[%get3A_308] : memref<10240xf32, #tpu.memory_space<vmem>>[vector<16xi32>], vector<16xf32>,
      %add3A_311 = arith.addf %gather3A_309, %gather3A_310 : vector<16xf32>
      %ge3A_312 = arith.constant 0.000000e+00 : f32
      %ge3A_313 = vector.broadcast %ge3A_312 : f32 to vector<16xf32>
      %ge3A_314 = arith.cmpf oge, %add3A_311, %ge3A_313 : vector<16xf32>
      %mul3A_315 = arith.constant 2.000000e-01 : f32
      %mul3A_316 = vector.broadcast %mul3A_315 : f32 to vector<16xf32>
      %mul3A_317 = arith.mulf %mul3A_316, %add3A_311 : vector<16xf32>
      %select_n3A_318 = arith.select %ge3A_314, %add3A_311, %mul3A_317 : vector<16xi1>, vector<16xf32>
      %jit3A_319 = arith.constant -2.000000e+00 : f32
      %jit3A_320 = arith.constant 2.000000e+00 : f32
      %max3A_321 = vector.broadcast %jit3A_319 : f32 to vector<16xf32>
      %max3A_322 = arith.maximumf %max3A_321, %select_n3A_318 : vector<16xf32>
      %min3A_323 = vector.broadcast %jit3A_320 : f32 to vector<16xf32>
      %min3A_324 = arith.minimumf %min3A_323, %max3A_322 : vector<16xf32>
      %exp3A_325 = math.exp %min3A_324 : vector<16xf32>
      %swap3A_326 = arith.constant 1 : i32
      %swap3A_327 = arith.index_cast %swap3A_326 : i32 to index
      %swap3A_328 = arith.constant 16 : index
      %swap3A_329 = tpu.vector_load %arg13[%swap3A_327, %swap3A_328] {strides = array<i32>} : memref<4x128xf32, #tpu.memory_space<vmem>>, vector<16xf32>,
      tpu.vector_store %arg13[%swap3A_327, %swap3A_328], %exp3A_325 {strides = array<i32>} : memref<4x128xf32, #tpu.memory_space<vmem>>, vector<16xf32>,
      %get3A_330 = arith.constant 1 : i32
      %get3A_331 = arith.index_cast %get3A_330 : i32 to index
      %get3A_332 = arith.constant 32 : index
      %get3A_333 = tpu.vector_load %arg11[%get3A_331, %get3A_332] {strides = array<i32>} : memref<4x128xi32, #tpu.memory_space<vmem>>, vector<16xi32>,
      %get3A_334 = arith.constant 1 : i32
      %get3A_335 = arith.index_cast %get3A_334 : i32 to index
      %get3A_336 = arith.constant 32 : index
      %get3A_337 = tpu.vector_load %arg12[%get3A_335, %get3A_336] {strides = array<i32>} : memref<4x128xi32, #tpu.memory_space<vmem>>, vector<16xi32>,
      %gather3A_338 = tpu.vector_load_idx %arg8[%get3A_333] : memref<10240xf32, #tpu.memory_space<vmem>>[vector<16xi32>], vector<16xf32>,
      %gather3A_339 = tpu.vector_load_idx %arg9[%get3A_337] : memref<10240xf32, #tpu.memory_space<vmem>>[vector<16xi32>], vector<16xf32>,
      %add3A_340 = arith.addf %gather3A_338, %gather3A_339 : vector<16xf32>
      %ge3A_341 = arith.constant 0.000000e+00 : f32
      %ge3A_342 = vector.broadcast %ge3A_341 : f32 to vector<16xf32>
      %ge3A_343 = arith.cmpf oge, %add3A_340, %ge3A_342 : vector<16xf32>
      %mul3A_344 = arith.constant 2.000000e-01 : f32
      %mul3A_345 = vector.broadcast %mul3A_344 : f32 to vector<16xf32>
      %mul3A_346 = arith.mulf %mul3A_345, %add3A_340 : vector<16xf32>
      %select_n3A_347 = arith.select %ge3A_343, %add3A_340, %mul3A_346 : vector<16xi1>, vector<16xf32>
      %jit3A_348 = arith.constant -2.000000e+00 : f32
      %jit3A_349 = arith.constant 2.000000e+00 : f32
      %max3A_350 = vector.broadcast %jit3A_348 : f32 to vector<16xf32>
      %max3A_351 = arith.maximumf %max3A_350, %select_n3A_347 : vector<16xf32>
      %min3A_352 = vector.broadcast %jit3A_349 : f32 to vector<16xf32>
      %min3A_353 = arith.minimumf %min3A_352, %max3A_351 : vector<16xf32>
      %exp3A_354 = math.exp %min3A_353 : vector<16xf32>
      %swap3A_355 = arith.constant 1 : i32
      %swap3A_356 = arith.index_cast %swap3A_355 : i32 to index
      %swap3A_357 = arith.constant 32 : index
      %swap3A_358 = tpu.vector_load %arg13[%swap3A_356, %swap3A_357] {strides = array<i32>} : memref<4x128xf32, #tpu.memory_space<vmem>>, vector<16xf32>,
      tpu.vector_store %arg13[%swap3A_356, %swap3A_357], %exp3A_354 {strides = array<i32>} : memref<4x128xf32, #tpu.memory_space<vmem>>, vector<16xf32>,
      %get3A_359 = arith.constant 1 : i32
      %get3A_360 = arith.index_cast %get3A_359 : i32 to index
      %get3A_361 = arith.constant 48 : index
      %get3A_362 = tpu.vector_load %arg11[%get3A_360, %get3A_361] {strides = array<i32>} : memref<4x128xi32, #tpu.memory_space<vmem>>, vector<16xi32>,
      %get3A_363 = arith.constant 1 : i32
      %get3A_364 = arith.index_cast %get3A_363 : i32 to index
      %get3A_365 = arith.constant 48 : index
      %get3A_366 = tpu.vector_load %arg12[%get3A_364, %get3A_365] {strides = array<i32>} : memref<4x128xi32, #tpu.memory_space<vmem>>, vector<16xi32>,
      %gather3A_367 = tpu.vector_load_idx %arg8[%get3A_362] : memref<10240xf32, #tpu.memory_space<vmem>>[vector<16xi32>], vector<16xf32>,
      %gather3A_368 = tpu.vector_load_idx %arg9[%get3A_366] : memref<10240xf32, #tpu.memory_space<vmem>>[vector<16xi32>], vector<16xf32>,
      %add3A_369 = arith.addf %gather3A_367, %gather3A_368 : vector<16xf32>
      %ge3A_370 = arith.constant 0.000000e+00 : f32
      %ge3A_371 = vector.broadcast %ge3A_370 : f32 to vector<16xf32>
      %ge3A_372 = arith.cmpf oge, %add3A_369, %ge3A_371 : vector<16xf32>
      %mul3A_373 = arith.constant 2.000000e-01 : f32
      %mul3A_374 = vector.broadcast %mul3A_373 : f32 to vector<16xf32>
      %mul3A_375 = arith.mulf %mul3A_374, %add3A_369 : vector<16xf32>
      %select_n3A_376 = arith.select %ge3A_372, %add3A_369, %mul3A_375 : vector<16xi1>, vector<16xf32>
      %jit3A_377 = arith.constant -2.000000e+00 : f32
      %jit3A_378 = arith.constant 2.000000e+00 : f32
      %max3A_379 = vector.broadcast %jit3A_377 : f32 to vector<16xf32>
      %max3A_380 = arith.maximumf %max3A_379, %select_n3A_376 : vector<16xf32>
      %min3A_381 = vector.broadcast %jit3A_378 : f32 to vector<16xf32>
      %min3A_382 = arith.minimumf %min3A_381, %max3A_380 : vector<16xf32>
      %exp3A_383 = math.exp %min3A_382 : vector<16xf32>
      %swap3A_384 = arith.constant 1 : i32
      %swap3A_385 = arith.index_cast %swap3A_384 : i32 to index
      %swap3A_386 = arith.constant 48 : index
      %swap3A_387 = tpu.vector_load %arg13[%swap3A_385, %swap3A_386] {strides = array<i32>} : memref<4x128xf32, #tpu.memory_space<vmem>>, vector<16xf32>,
      tpu.vector_store %arg13[%swap3A_385, %swap3A_386], %exp3A_383 {strides = array<i32>} : memref<4x128xf32, #tpu.memory_space<vmem>>, vector<16xf32>,
      %get3A_388 = arith.constant 1 : i32
      %get3A_389 = arith.index_cast %get3A_388 : i32 to index
      %get3A_390 = arith.constant 64 : index
      %get3A_391 = tpu.vector_load %arg11[%get3A_389, %get3A_390] {strides = array<i32>} : memref<4x128xi32, #tpu.memory_space<vmem>>, vector<16xi32>,
      %get3A_392 = arith.constant 1 : i32
      %get3A_393 = arith.index_cast %get3A_392 : i32 to index
      %get3A_394 = arith.constant 64 : index
      %get3A_395 = tpu.vector_load %arg12[%get3A_393, %get3A_394] {strides = array<i32>} : memref<4x128xi32, #tpu.memory_space<vmem>>, vector<16xi32>,
      %gather3A_396 = tpu.vector_load_idx %arg8[%get3A_391] : memref<10240xf32, #tpu.memory_space<vmem>>[vector<16xi32>], vector<16xf32>,
      %gather3A_397 = tpu.vector_load_idx %arg9[%get3A_395] : memref<10240xf32, #tpu.memory_space<vmem>>[vector<16xi32>], vector<16xf32>,
      %add3A_398 = arith.addf %gather3A_396, %gather3A_397 : vector<16xf32>
      %ge3A_399 = arith.constant 0.000000e+00 : f32
      %ge3A_400 = vector.broadcast %ge3A_399 : f32 to vector<16xf32>
      %ge3A_401 = arith.cmpf oge, %add3A_398, %ge3A_400 : vector<16xf32>
      %mul3A_402 = arith.constant 2.000000e-01 : f32
      %mul3A_403 = vector.broadcast %mul3A_402 : f32 to vector<16xf32>
      %mul3A_404 = arith.mulf %mul3A_403, %add3A_398 : vector<16xf32>
      %select_n3A_405 = arith.select %ge3A_401, %add3A_398, %mul3A_404 : vector<16xi1>, vector<16xf32>
      %jit3A_406 = arith.constant -2.000000e+00 : f32
      %jit3A_407 = arith.constant 2.000000e+00 : f32
      %max3A_408 = vector.broadcast %jit3A_406 : f32 to vector<16xf32>
      %max3A_409 = arith.maximumf %max3A_408, %select_n3A_405 : vector<16xf32>
      %min3A_410 = vector.broadcast %jit3A_407 : f32 to vector<16xf32>
      %min3A_411 = arith.minimumf %min3A_410, %max3A_409 : vector<16xf32>
      %exp3A_412 = math.exp %min3A_411 : vector<16xf32>
      %swap3A_413 = arith.constant 1 : i32
      %swap3A_414 = arith.index_cast %swap3A_413 : i32 to index
      %swap3A_415 = arith.constant 64 : index
      %swap3A_416 = tpu.vector_load %arg13[%swap3A_414, %swap3A_415] {strides = array<i32>} : memref<4x128xf32, #tpu.memory_space<vmem>>, vector<16xf32>,
      tpu.vector_store %arg13[%swap3A_414, %swap3A_415], %exp3A_412 {strides = array<i32>} : memref<4x128xf32, #tpu.memory_space<vmem>>, vector<16xf32>,
      %get3A_417 = arith.constant 1 : i32
      %get3A_418 = arith.index_cast %get3A_417 : i32 to index
      %get3A_419 = arith.constant 80 : index
      %get3A_420 = tpu.vector_load %arg11[%get3A_418, %get3A_419] {strides = array<i32>} : memref<4x128xi32, #tpu.memory_space<vmem>>, vector<16xi32>,
      %get3A_421 = arith.constant 1 : i32
      %get3A_422 = arith.index_cast %get3A_421 : i32 to index
      %get3A_423 = arith.constant 80 : index
      %get3A_424 = tpu.vector_load %arg12[%get3A_422, %get3A_423] {strides = array<i32>} : memref<4x128xi32, #tpu.memory_space<vmem>>, vector<16xi32>,
      %gather3A_425 = tpu.vector_load_idx %arg8[%get3A_420] : memref<10240xf32, #tpu.memory_space<vmem>>[vector<16xi32>], vector<16xf32>,
      %gather3A_426 = tpu.vector_load_idx %arg9[%get3A_424] : memref<10240xf32, #tpu.memory_space<vmem>>[vector<16xi32>], vector<16xf32>,
      %add3A_427 = arith.addf %gather3A_425, %gather3A_426 : vector<16xf32>
      %ge3A_428 = arith.constant 0.000000e+00 : f32
      %ge3A_429 = vector.broadcast %ge3A_428 : f32 to vector<16xf32>
      %ge3A_430 = arith.cmpf oge, %add3A_427, %ge3A_429 : vector<16xf32>
      %mul3A_431 = arith.constant 2.000000e-01 : f32
      %mul3A_432 = vector.broadcast %mul3A_431 : f32 to vector<16xf32>
      %mul3A_433 = arith.mulf %mul3A_432, %add3A_427 : vector<16xf32>
      %select_n3A_434 = arith.select %ge3A_430, %add3A_427, %mul3A_433 : vector<16xi1>, vector<16xf32>
      %jit3A_435 = arith.constant -2.000000e+00 : f32
      %jit3A_436 = arith.constant 2.000000e+00 : f32
      %max3A_437 = vector.broadcast %jit3A_435 : f32 to vector<16xf32>
      %max3A_438 = arith.maximumf %max3A_437, %select_n3A_434 : vector<16xf32>
      %min3A_439 = vector.broadcast %jit3A_436 : f32 to vector<16xf32>
      %min3A_440 = arith.minimumf %min3A_439, %max3A_438 : vector<16xf32>
      %exp3A_441 = math.exp %min3A_440 : vector<16xf32>
      %swap3A_442 = arith.constant 1 : i32
      %swap3A_443 = arith.index_cast %swap3A_442 : i32 to index
      %swap3A_444 = arith.constant 80 : index
      %swap3A_445 = tpu.vector_load %arg13[%swap3A_443, %swap3A_444] {strides = array<i32>} : memref<4x128xf32, #tpu.memory_space<vmem>>, vector<16xf32>,
      tpu.vector_store %arg13[%swap3A_443, %swap3A_444], %exp3A_441 {strides = array<i32>} : memref<4x128xf32, #tpu.memory_space<vmem>>, vector<16xf32>,
      %get3A_446 = arith.constant 1 : i32
      %get3A_447 = arith.index_cast %get3A_446 : i32 to index
      %get3A_448 = arith.constant 96 : index
      %get3A_449 = tpu.vector_load %arg11[%get3A_447, %get3A_448] {strides = array<i32>} : memref<4x128xi32, #tpu.memory_space<vmem>>, vector<16xi32>,
      %get3A_450 = arith.constant 1 : i32
      %get3A_451 = arith.index_cast %get3A_450 : i32 to index
      %get3A_452 = arith.constant 96 : index
      %get3A_453 = tpu.vector_load %arg12[%get3A_451, %get3A_452] {strides = array<i32>} : memref<4x128xi32, #tpu.memory_space<vmem>>, vector<16xi32>,
      %gather3A_454 = tpu.vector_load_idx %arg8[%get3A_449] : memref<10240xf32, #tpu.memory_space<vmem>>[vector<16xi32>], vector<16xf32>,
      %gather3A_455 = tpu.vector_load_idx %arg9[%get3A_453] : memref<10240xf32, #tpu.memory_space<vmem>>[vector<16xi32>], vector<16xf32>,
      %add3A_456 = arith.addf %gather3A_454, %gather3A_455 : vector<16xf32>
      %ge3A_457 = arith.constant 0.000000e+00 : f32
      %ge3A_458 = vector.broadcast %ge3A_457 : f32 to vector<16xf32>
      %ge3A_459 = arith.cmpf oge, %add3A_456, %ge3A_458 : vector<16xf32>
      %mul3A_460 = arith.constant 2.000000e-01 : f32
      %mul3A_461 = vector.broadcast %mul3A_460 : f32 to vector<16xf32>
      %mul3A_462 = arith.mulf %mul3A_461, %add3A_456 : vector<16xf32>
      %select_n3A_463 = arith.select %ge3A_459, %add3A_456, %mul3A_462 : vector<16xi1>, vector<16xf32>
      %jit3A_464 = arith.constant -2.000000e+00 : f32
      %jit3A_465 = arith.constant 2.000000e+00 : f32
      %max3A_466 = vector.broadcast %jit3A_464 : f32 to vector<16xf32>
      %max3A_467 = arith.maximumf %max3A_466, %select_n3A_463 : vector<16xf32>
      %min3A_468 = vector.broadcast %jit3A_465 : f32 to vector<16xf32>
      %min3A_469 = arith.minimumf %min3A_468, %max3A_467 : vector<16xf32>
      %exp3A_470 = math.exp %min3A_469 : vector<16xf32>
      %swap3A_471 = arith.constant 1 : i32
      %swap3A_472 = arith.index_cast %swap3A_471 : i32 to index
      %swap3A_473 = arith.constant 96 : index
      %swap3A_474 = tpu.vector_load %arg13[%swap3A_472, %swap3A_473] {strides = array<i32>} : memref<4x128xf32, #tpu.memory_space<vmem>>, vector<16xf32>,
      tpu.vector_store %arg13[%swap3A_472, %swap3A_473], %exp3A_470 {strides = array<i32>} : memref<4x128xf32, #tpu.memory_space<vmem>>, vector<16xf32>,
      %get3A_475 = arith.constant 1 : i32
      %get3A_476 = arith.index_cast %get3A_475 : i32 to index
      %get3A_477 = arith.constant 112 : index
      %get3A_478 = tpu.vector_load %arg11[%get3A_476, %get3A_477] {strides = array<i32>} : memref<4x128xi32, #tpu.memory_space<vmem>>, vector<16xi32>,
      %get3A_479 = arith.constant 1 : i32
      %get3A_480 = arith.index_cast %get3A_479 : i32 to index
      %get3A_481 = arith.constant 112 : index
      %get3A_482 = tpu.vector_load %arg12[%get3A_480, %get3A_481] {strides = array<i32>} : memref<4x128xi32, #tpu.memory_space<vmem>>, vector<16xi32>,
      %gather3A_483 = tpu.vector_load_idx %arg8[%get3A_478] : memref<10240xf32, #tpu.memory_space<vmem>>[vector<16xi32>], vector<16xf32>,
      %gather3A_484 = tpu.vector_load_idx %arg9[%get3A_482] : memref<10240xf32, #tpu.memory_space<vmem>>[vector<16xi32>], vector<16xf32>,
      %add3A_485 = arith.addf %gather3A_483, %gather3A_484 : vector<16xf32>
      %ge3A_486 = arith.constant 0.000000e+00 : f32
      %ge3A_487 = vector.broadcast %ge3A_486 : f32 to vector<16xf32>
      %ge3A_488 = arith.cmpf oge, %add3A_485, %ge3A_487 : vector<16xf32>
      %mul3A_489 = arith.constant 2.000000e-01 : f32
      %mul3A_490 = vector.broadcast %mul3A_489 : f32 to vector<16xf32>
      %mul3A_491 = arith.mulf %mul3A_490, %add3A_485 : vector<16xf32>
      %select_n3A_492 = arith.select %ge3A_488, %add3A_485, %mul3A_491 : vector<16xi1>, vector<16xf32>
      %jit3A_493 = arith.constant -2.000000e+00 : f32
      %jit3A_494 = arith.constant 2.000000e+00 : f32
      %max3A_495 = vector.broadcast %jit3A_493 : f32 to vector<16xf32>
      %max3A_496 = arith.maximumf %max3A_495, %select_n3A_492 : vector<16xf32>
      %min3A_497 = vector.broadcast %jit3A_494 : f32 to vector<16xf32>
      %min3A_498 = arith.minimumf %min3A_497, %max3A_496 : vector<16xf32>
      %exp3A_499 = math.exp %min3A_498 : vector<16xf32>
      %swap3A_500 = arith.constant 1 : i32
      %swap3A_501 = arith.index_cast %swap3A_500 : i32 to index
      %swap3A_502 = arith.constant 112 : index
      %swap3A_503 = tpu.vector_load %arg13[%swap3A_501, %swap3A_502] {strides = array<i32>} : memref<4x128xf32, #tpu.memory_space<vmem>>, vector<16xf32>,
      tpu.vector_store %arg13[%swap3A_501, %swap3A_502], %exp3A_499 {strides = array<i32>} : memref<4x128xf32, #tpu.memory_space<vmem>>, vector<16xf32>,
      %get3A_504 = arith.constant 2 : i32
      %get3A_505 = arith.index_cast %get3A_504 : i32 to index
      %get3A_506 = arith.constant 0 : index
      %get3A_507 = tpu.vector_load %arg11[%get3A_505, %get3A_506] {strides = array<i32>} : memref<4x128xi32, #tpu.memory_space<vmem>>, vector<16xi32>,
      %get3A_508 = arith.constant 2 : i32
      %get3A_509 = arith.index_cast %get3A_508 : i32 to index
      %get3A_510 = arith.constant 0 : index
      %get3A_511 = tpu.vector_load %arg12[%get3A_509, %get3A_510] {strides = array<i32>} : memref<4x128xi32, #tpu.memory_space<vmem>>, vector<16xi32>,
      %gather3A_512 = tpu.vector_load_idx %arg8[%get3A_507] : memref<10240xf32, #tpu.memory_space<vmem>>[vector<16xi32>], vector<16xf32>,
      %gather3A_513 = tpu.vector_load_idx %arg9[%get3A_511] : memref<10240xf32, #tpu.memory_space<vmem>>[vector<16xi32>], vector<16xf32>,
      %add3A_514 = arith.addf %gather3A_512, %gather3A_513 : vector<16xf32>
      %ge3A_515 = arith.constant 0.000000e+00 : f32
      %ge3A_516 = vector.broadcast %ge3A_515 : f32 to vector<16xf32>
      %ge3A_517 = arith.cmpf oge, %add3A_514, %ge3A_516 : vector<16xf32>
      %mul3A_518 = arith.constant 2.000000e-01 : f32
      %mul3A_519 = vector.broadcast %mul3A_518 : f32 to vector<16xf32>
      %mul3A_520 = arith.mulf %mul3A_519, %add3A_514 : vector<16xf32>
      %select_n3A_521 = arith.select %ge3A_517, %add3A_514, %mul3A_520 : vector<16xi1>, vector<16xf32>
      %jit3A_522 = arith.constant -2.000000e+00 : f32
      %jit3A_523 = arith.constant 2.000000e+00 : f32
      %max3A_524 = vector.broadcast %jit3A_522 : f32 to vector<16xf32>
      %max3A_525 = arith.maximumf %max3A_524, %select_n3A_521 : vector<16xf32>
      %min3A_526 = vector.broadcast %jit3A_523 : f32 to vector<16xf32>
      %min3A_527 = arith.minimumf %min3A_526, %max3A_525 : vector<16xf32>
      %exp3A_528 = math.exp %min3A_527 : vector<16xf32>
      %swap3A_529 = arith.constant 2 : i32
      %swap3A_530 = arith.index_cast %swap3A_529 : i32 to index
      %swap3A_531 = arith.constant 0 : index
      %swap3A_532 = tpu.vector_load %arg13[%swap3A_530, %swap3A_531] {strides = array<i32>} : memref<4x128xf32, #tpu.memory_space<vmem>>, vector<16xf32>,
      tpu.vector_store %arg13[%swap3A_530, %swap3A_531], %exp3A_528 {strides = array<i32>} : memref<4x128xf32, #tpu.memory_space<vmem>>, vector<16xf32>,
      %get3A_533 = arith.constant 2 : i32
      %get3A_534 = arith.index_cast %get3A_533 : i32 to index
      %get3A_535 = arith.constant 16 : index
      %get3A_536 = tpu.vector_load %arg11[%get3A_534, %get3A_535] {strides = array<i32>} : memref<4x128xi32, #tpu.memory_space<vmem>>, vector<16xi32>,
      %get3A_537 = arith.constant 2 : i32
      %get3A_538 = arith.index_cast %get3A_537 : i32 to index
      %get3A_539 = arith.constant 16 : index
      %get3A_540 = tpu.vector_load %arg12[%get3A_538, %get3A_539] {strides = array<i32>} : memref<4x128xi32, #tpu.memory_space<vmem>>, vector<16xi32>,
      %gather3A_541 = tpu.vector_load_idx %arg8[%get3A_536] : memref<10240xf32, #tpu.memory_space<vmem>>[vector<16xi32>], vector<16xf32>,
      %gather3A_542 = tpu.vector_load_idx %arg9[%get3A_540] : memref<10240xf32, #tpu.memory_space<vmem>>[vector<16xi32>], vector<16xf32>,
      %add3A_543 = arith.addf %gather3A_541, %gather3A_542 : vector<16xf32>
      %ge3A_544 = arith.constant 0.000000e+00 : f32
      %ge3A_545 = vector.broadcast %ge3A_544 : f32 to vector<16xf32>
      %ge3A_546 = arith.cmpf oge, %add3A_543, %ge3A_545 : vector<16xf32>
      %mul3A_547 = arith.constant 2.000000e-01 : f32
      %mul3A_548 = vector.broadcast %mul3A_547 : f32 to vector<16xf32>
      %mul3A_549 = arith.mulf %mul3A_548, %add3A_543 : vector<16xf32>
      %select_n3A_550 = arith.select %ge3A_546, %add3A_543, %mul3A_549 : vector<16xi1>, vector<16xf32>
      %jit3A_551 = arith.constant -2.000000e+00 : f32
      %jit3A_552 = arith.constant 2.000000e+00 : f32
      %max3A_553 = vector.broadcast %jit3A_551 : f32 to vector<16xf32>
      %max3A_554 = arith.maximumf %max3A_553, %select_n3A_550 : vector<16xf32>
      %min3A_555 = vector.broadcast %jit3A_552 : f32 to vector<16xf32>
      %min3A_556 = arith.minimumf %min3A_555, %max3A_554 : vector<16xf32>
      %exp3A_557 = math.exp %min3A_556 : vector<16xf32>
      %swap3A_558 = arith.constant 2 : i32
      %swap3A_559 = arith.index_cast %swap3A_558 : i32 to index
      %swap3A_560 = arith.constant 16 : index
      %swap3A_561 = tpu.vector_load %arg13[%swap3A_559, %swap3A_560] {strides = array<i32>} : memref<4x128xf32, #tpu.memory_space<vmem>>, vector<16xf32>,
      tpu.vector_store %arg13[%swap3A_559, %swap3A_560], %exp3A_557 {strides = array<i32>} : memref<4x128xf32, #tpu.memory_space<vmem>>, vector<16xf32>,
      %get3A_562 = arith.constant 2 : i32
      %get3A_563 = arith.index_cast %get3A_562 : i32 to index
      %get3A_564 = arith.constant 32 : index
      %get3A_565 = tpu.vector_load %arg11[%get3A_563, %get3A_564] {strides = array<i32>} : memref<4x128xi32, #tpu.memory_space<vmem>>, vector<16xi32>,
      %get3A_566 = arith.constant 2 : i32
      %get3A_567 = arith.index_cast %get3A_566 : i32 to index
      %get3A_568 = arith.constant 32 : index
      %get3A_569 = tpu.vector_load %arg12[%get3A_567, %get3A_568] {strides = array<i32>} : memref<4x128xi32, #tpu.memory_space<vmem>>, vector<16xi32>,
      %gather3A_570 = tpu.vector_load_idx %arg8[%get3A_565] : memref<10240xf32, #tpu.memory_space<vmem>>[vector<16xi32>], vector<16xf32>,
      %gather3A_571 = tpu.vector_load_idx %arg9[%get3A_569] : memref<10240xf32, #tpu.memory_space<vmem>>[vector<16xi32>], vector<16xf32>,
      %add3A_572 = arith.addf %gather3A_570, %gather3A_571 : vector<16xf32>
      %ge3A_573 = arith.constant 0.000000e+00 : f32
      %ge3A_574 = vector.broadcast %ge3A_573 : f32 to vector<16xf32>
      %ge3A_575 = arith.cmpf oge, %add3A_572, %ge3A_574 : vector<16xf32>
      %mul3A_576 = arith.constant 2.000000e-01 : f32
      %mul3A_577 = vector.broadcast %mul3A_576 : f32 to vector<16xf32>
      %mul3A_578 = arith.mulf %mul3A_577, %add3A_572 : vector<16xf32>
      %select_n3A_579 = arith.select %ge3A_575, %add3A_572, %mul3A_578 : vector<16xi1>, vector<16xf32>
      %jit3A_580 = arith.constant -2.000000e+00 : f32
      %jit3A_581 = arith.constant 2.000000e+00 : f32
      %max3A_582 = vector.broadcast %jit3A_580 : f32 to vector<16xf32>
      %max3A_583 = arith.maximumf %max3A_582, %select_n3A_579 : vector<16xf32>
      %min3A_584 = vector.broadcast %jit3A_581 : f32 to vector<16xf32>
      %min3A_585 = arith.minimumf %min3A_584, %max3A_583 : vector<16xf32>
      %exp3A_586 = math.exp %min3A_585 : vector<16xf32>
      %swap3A_587 = arith.constant 2 : i32
      %swap3A_588 = arith.index_cast %swap3A_587 : i32 to index
      %swap3A_589 = arith.constant 32 : index
      %swap3A_590 = tpu.vector_load %arg13[%swap3A_588, %swap3A_589] {strides = array<i32>} : memref<4x128xf32, #tpu.memory_space<vmem>>, vector<16xf32>,
      tpu.vector_store %arg13[%swap3A_588, %swap3A_589], %exp3A_586 {strides = array<i32>} : memref<4x128xf32, #tpu.memory_space<vmem>>, vector<16xf32>,
      %get3A_591 = arith.constant 2 : i32
      %get3A_592 = arith.index_cast %get3A_591 : i32 to index
      %get3A_593 = arith.constant 48 : index
      %get3A_594 = tpu.vector_load %arg11[%get3A_592, %get3A_593] {strides = array<i32>} : memref<4x128xi32, #tpu.memory_space<vmem>>, vector<16xi32>,
      %get3A_595 = arith.constant 2 : i32
      %get3A_596 = arith.index_cast %get3A_595 : i32 to index
      %get3A_597 = arith.constant 48 : index
      %get3A_598 = tpu.vector_load %arg12[%get3A_596, %get3A_597] {strides = array<i32>} : memref<4x128xi32, #tpu.memory_space<vmem>>, vector<16xi32>,
      %gather3A_599 = tpu.vector_load_idx %arg8[%get3A_594] : memref<10240xf32, #tpu.memory_space<vmem>>[vector<16xi32>], vector<16xf32>,
      %gather3A_600 = tpu.vector_load_idx %arg9[%get3A_598] : memref<10240xf32, #tpu.memory_space<vmem>>[vector<16xi32>], vector<16xf32>,
      %add3A_601 = arith.addf %gather3A_599, %gather3A_600 : vector<16xf32>
      %ge3A_602 = arith.constant 0.000000e+00 : f32
      %ge3A_603 = vector.broadcast %ge3A_602 : f32 to vector<16xf32>
      %ge3A_604 = arith.cmpf oge, %add3A_601, %ge3A_603 : vector<16xf32>
      %mul3A_605 = arith.constant 2.000000e-01 : f32
      %mul3A_606 = vector.broadcast %mul3A_605 : f32 to vector<16xf32>
      %mul3A_607 = arith.mulf %mul3A_606, %add3A_601 : vector<16xf32>
      %select_n3A_608 = arith.select %ge3A_604, %add3A_601, %mul3A_607 : vector<16xi1>, vector<16xf32>
      %jit3A_609 = arith.constant -2.000000e+00 : f32
      %jit3A_610 = arith.constant 2.000000e+00 : f32
      %max3A_611 = vector.broadcast %jit3A_609 : f32 to vector<16xf32>
      %max3A_612 = arith.maximumf %max3A_611, %select_n3A_608 : vector<16xf32>
      %min3A_613 = vector.broadcast %jit3A_610 : f32 to vector<16xf32>
      %min3A_614 = arith.minimumf %min3A_613, %max3A_612 : vector<16xf32>
      %exp3A_615 = math.exp %min3A_614 : vector<16xf32>
      %swap3A_616 = arith.constant 2 : i32
      %swap3A_617 = arith.index_cast %swap3A_616 : i32 to index
      %swap3A_618 = arith.constant 48 : index
      %swap3A_619 = tpu.vector_load %arg13[%swap3A_617, %swap3A_618] {strides = array<i32>} : memref<4x128xf32, #tpu.memory_space<vmem>>, vector<16xf32>,
      tpu.vector_store %arg13[%swap3A_617, %swap3A_618], %exp3A_615 {strides = array<i32>} : memref<4x128xf32, #tpu.memory_space<vmem>>, vector<16xf32>,
      %get3A_620 = arith.constant 2 : i32
      %get3A_621 = arith.index_cast %get3A_620 : i32 to index
      %get3A_622 = arith.constant 64 : index
      %get3A_623 = tpu.vector_load %arg11[%get3A_621, %get3A_622] {strides = array<i32>} : memref<4x128xi32, #tpu.memory_space<vmem>>, vector<16xi32>,
      %get3A_624 = arith.constant 2 : i32
      %get3A_625 = arith.index_cast %get3A_624 : i32 to index
      %get3A_626 = arith.constant 64 : index
      %get3A_627 = tpu.vector_load %arg12[%get3A_625, %get3A_626] {strides = array<i32>} : memref<4x128xi32, #tpu.memory_space<vmem>>, vector<16xi32>,
      %gather3A_628 = tpu.vector_load_idx %arg8[%get3A_623] : memref<10240xf32, #tpu.memory_space<vmem>>[vector<16xi32>], vector<16xf32>,
      %gather3A_629 = tpu.vector_load_idx %arg9[%get3A_627] : memref<10240xf32, #tpu.memory_space<vmem>>[vector<16xi32>], vector<16xf32>,
      %add3A_630 = arith.addf %gather3A_628, %gather3A_629 : vector<16xf32>
      %ge3A_631 = arith.constant 0.000000e+00 : f32
      %ge3A_632 = vector.broadcast %ge3A_631 : f32 to vector<16xf32>
      %ge3A_633 = arith.cmpf oge, %add3A_630, %ge3A_632 : vector<16xf32>
      %mul3A_634 = arith.constant 2.000000e-01 : f32
      %mul3A_635 = vector.broadcast %mul3A_634 : f32 to vector<16xf32>
      %mul3A_636 = arith.mulf %mul3A_635, %add3A_630 : vector<16xf32>
      %select_n3A_637 = arith.select %ge3A_633, %add3A_630, %mul3A_636 : vector<16xi1>, vector<16xf32>
      %jit3A_638 = arith.constant -2.000000e+00 : f32
      %jit3A_639 = arith.constant 2.000000e+00 : f32
      %max3A_640 = vector.broadcast %jit3A_638 : f32 to vector<16xf32>
      %max3A_641 = arith.maximumf %max3A_640, %select_n3A_637 : vector<16xf32>
      %min3A_642 = vector.broadcast %jit3A_639 : f32 to vector<16xf32>
      %min3A_643 = arith.minimumf %min3A_642, %max3A_641 : vector<16xf32>
      %exp3A_644 = math.exp %min3A_643 : vector<16xf32>
      %swap3A_645 = arith.constant 2 : i32
      %swap3A_646 = arith.index_cast %swap3A_645 : i32 to index
      %swap3A_647 = arith.constant 64 : index
      %swap3A_648 = tpu.vector_load %arg13[%swap3A_646, %swap3A_647] {strides = array<i32>} : memref<4x128xf32, #tpu.memory_space<vmem>>, vector<16xf32>,
      tpu.vector_store %arg13[%swap3A_646, %swap3A_647], %exp3A_644 {strides = array<i32>} : memref<4x128xf32, #tpu.memory_space<vmem>>, vector<16xf32>,
      %get3A_649 = arith.constant 2 : i32
      %get3A_650 = arith.index_cast %get3A_649 : i32 to index
      %get3A_651 = arith.constant 80 : index
      %get3A_652 = tpu.vector_load %arg11[%get3A_650, %get3A_651] {strides = array<i32>} : memref<4x128xi32, #tpu.memory_space<vmem>>, vector<16xi32>,
      %get3A_653 = arith.constant 2 : i32
      %get3A_654 = arith.index_cast %get3A_653 : i32 to index
      %get3A_655 = arith.constant 80 : index
      %get3A_656 = tpu.vector_load %arg12[%get3A_654, %get3A_655] {strides = array<i32>} : memref<4x128xi32, #tpu.memory_space<vmem>>, vector<16xi32>,
      %gather3A_657 = tpu.vector_load_idx %arg8[%get3A_652] : memref<10240xf32, #tpu.memory_space<vmem>>[vector<16xi32>], vector<16xf32>,
      %gather3A_658 = tpu.vector_load_idx %arg9[%get3A_656] : memref<10240xf32, #tpu.memory_space<vmem>>[vector<16xi32>], vector<16xf32>,
      %add3A_659 = arith.addf %gather3A_657, %gather3A_658 : vector<16xf32>
      %ge3A_660 = arith.constant 0.000000e+00 : f32
      %ge3A_661 = vector.broadcast %ge3A_660 : f32 to vector<16xf32>
      %ge3A_662 = arith.cmpf oge, %add3A_659, %ge3A_661 : vector<16xf32>
      %mul3A_663 = arith.constant 2.000000e-01 : f32
      %mul3A_664 = vector.broadcast %mul3A_663 : f32 to vector<16xf32>
      %mul3A_665 = arith.mulf %mul3A_664, %add3A_659 : vector<16xf32>
      %select_n3A_666 = arith.select %ge3A_662, %add3A_659, %mul3A_665 : vector<16xi1>, vector<16xf32>
      %jit3A_667 = arith.constant -2.000000e+00 : f32
      %jit3A_668 = arith.constant 2.000000e+00 : f32
      %max3A_669 = vector.broadcast %jit3A_667 : f32 to vector<16xf32>
      %max3A_670 = arith.maximumf %max3A_669, %select_n3A_666 : vector<16xf32>
      %min3A_671 = vector.broadcast %jit3A_668 : f32 to vector<16xf32>
      %min3A_672 = arith.minimumf %min3A_671, %max3A_670 : vector<16xf32>
      %exp3A_673 = math.exp %min3A_672 : vector<16xf32>
      %swap3A_674 = arith.constant 2 : i32
      %swap3A_675 = arith.index_cast %swap3A_674 : i32 to index
      %swap3A_676 = arith.constant 80 : index
      %swap3A_677 = tpu.vector_load %arg13[%swap3A_675, %swap3A_676] {strides = array<i32>} : memref<4x128xf32, #tpu.memory_space<vmem>>, vector<16xf32>,
      tpu.vector_store %arg13[%swap3A_675, %swap3A_676], %exp3A_673 {strides = array<i32>} : memref<4x128xf32, #tpu.memory_space<vmem>>, vector<16xf32>,
      %get3A_678 = arith.constant 2 : i32
      %get3A_679 = arith.index_cast %get3A_678 : i32 to index
      %get3A_680 = arith.constant 96 : index
      %get3A_681 = tpu.vector_load %arg11[%get3A_679, %get3A_680] {strides = array<i32>} : memref<4x128xi32, #tpu.memory_space<vmem>>, vector<16xi32>,
      %get3A_682 = arith.constant 2 : i32
      %get3A_683 = arith.index_cast %get3A_682 : i32 to index
      %get3A_684 = arith.constant 96 : index
      %get3A_685 = tpu.vector_load %arg12[%get3A_683, %get3A_684] {strides = array<i32>} : memref<4x128xi32, #tpu.memory_space<vmem>>, vector<16xi32>,
      %gather3A_686 = tpu.vector_load_idx %arg8[%get3A_681] : memref<10240xf32, #tpu.memory_space<vmem>>[vector<16xi32>], vector<16xf32>,
      %gather3A_687 = tpu.vector_load_idx %arg9[%get3A_685] : memref<10240xf32, #tpu.memory_space<vmem>>[vector<16xi32>], vector<16xf32>,
      %add3A_688 = arith.addf %gather3A_686, %gather3A_687 : vector<16xf32>
      %ge3A_689 = arith.constant 0.000000e+00 : f32
      %ge3A_690 = vector.broadcast %ge3A_689 : f32 to vector<16xf32>
      %ge3A_691 = arith.cmpf oge, %add3A_688, %ge3A_690 : vector<16xf32>
      %mul3A_692 = arith.constant 2.000000e-01 : f32
      %mul3A_693 = vector.broadcast %mul3A_692 : f32 to vector<16xf32>
      %mul3A_694 = arith.mulf %mul3A_693, %add3A_688 : vector<16xf32>
      %select_n3A_695 = arith.select %ge3A_691, %add3A_688, %mul3A_694 : vector<16xi1>, vector<16xf32>
      %jit3A_696 = arith.constant -2.000000e+00 : f32
      %jit3A_697 = arith.constant 2.000000e+00 : f32
      %max3A_698 = vector.broadcast %jit3A_696 : f32 to vector<16xf32>
      %max3A_699 = arith.maximumf %max3A_698, %select_n3A_695 : vector<16xf32>
      %min3A_700 = vector.broadcast %jit3A_697 : f32 to vector<16xf32>
      %min3A_701 = arith.minimumf %min3A_700, %max3A_699 : vector<16xf32>
      %exp3A_702 = math.exp %min3A_701 : vector<16xf32>
      %swap3A_703 = arith.constant 2 : i32
      %swap3A_704 = arith.index_cast %swap3A_703 : i32 to index
      %swap3A_705 = arith.constant 96 : index
      %swap3A_706 = tpu.vector_load %arg13[%swap3A_704, %swap3A_705] {strides = array<i32>} : memref<4x128xf32, #tpu.memory_space<vmem>>, vector<16xf32>,
      tpu.vector_store %arg13[%swap3A_704, %swap3A_705], %exp3A_702 {strides = array<i32>} : memref<4x128xf32, #tpu.memory_space<vmem>>, vector<16xf32>,
      %get3A_707 = arith.constant 2 : i32
      %get3A_708 = arith.index_cast %get3A_707 : i32 to index
      %get3A_709 = arith.constant 112 : index
      %get3A_710 = tpu.vector_load %arg11[%get3A_708, %get3A_709] {strides = array<i32>} : memref<4x128xi32, #tpu.memory_space<vmem>>, vector<16xi32>,
      %get3A_711 = arith.constant 2 : i32
      %get3A_712 = arith.index_cast %get3A_711 : i32 to index
      %get3A_713 = arith.constant 112 : index
      %get3A_714 = tpu.vector_load %arg12[%get3A_712, %get3A_713] {strides = array<i32>} : memref<4x128xi32, #tpu.memory_space<vmem>>, vector<16xi32>,
      %gather3A_715 = tpu.vector_load_idx %arg8[%get3A_710] : memref<10240xf32, #tpu.memory_space<vmem>>[vector<16xi32>], vector<16xf32>,
      %gather3A_716 = tpu.vector_load_idx %arg9[%get3A_714] : memref<10240xf32, #tpu.memory_space<vmem>>[vector<16xi32>], vector<16xf32>,
      %add3A_717 = arith.addf %gather3A_715, %gather3A_716 : vector<16xf32>
      %ge3A_718 = arith.constant 0.000000e+00 : f32
      %ge3A_719 = vector.broadcast %ge3A_718 : f32 to vector<16xf32>
      %ge3A_720 = arith.cmpf oge, %add3A_717, %ge3A_719 : vector<16xf32>
      %mul3A_721 = arith.constant 2.000000e-01 : f32
      %mul3A_722 = vector.broadcast %mul3A_721 : f32 to vector<16xf32>
      %mul3A_723 = arith.mulf %mul3A_722, %add3A_717 : vector<16xf32>
      %select_n3A_724 = arith.select %ge3A_720, %add3A_717, %mul3A_723 : vector<16xi1>, vector<16xf32>
      %jit3A_725 = arith.constant -2.000000e+00 : f32
      %jit3A_726 = arith.constant 2.000000e+00 : f32
      %max3A_727 = vector.broadcast %jit3A_725 : f32 to vector<16xf32>
      %max3A_728 = arith.maximumf %max3A_727, %select_n3A_724 : vector<16xf32>
      %min3A_729 = vector.broadcast %jit3A_726 : f32 to vector<16xf32>
      %min3A_730 = arith.minimumf %min3A_729, %max3A_728 : vector<16xf32>
      %exp3A_731 = math.exp %min3A_730 : vector<16xf32>
      %swap3A_732 = arith.constant 2 : i32
      %swap3A_733 = arith.index_cast %swap3A_732 : i32 to index
      %swap3A_734 = arith.constant 112 : index
      %swap3A_735 = tpu.vector_load %arg13[%swap3A_733, %swap3A_734] {strides = array<i32>} : memref<4x128xf32, #tpu.memory_space<vmem>>, vector<16xf32>,
      tpu.vector_store %arg13[%swap3A_733, %swap3A_734], %exp3A_731 {strides = array<i32>} : memref<4x128xf32, #tpu.memory_space<vmem>>, vector<16xf32>,
      %get3A_736 = arith.constant 3 : i32
      %get3A_737 = arith.index_cast %get3A_736 : i32 to index
      %get3A_738 = arith.constant 0 : index
      %get3A_739 = tpu.vector_load %arg11[%get3A_737, %get3A_738] {strides = array<i32>} : memref<4x128xi32, #tpu.memory_space<vmem>>, vector<16xi32>,
      %get3A_740 = arith.constant 3 : i32
      %get3A_741 = arith.index_cast %get3A_740 : i32 to index
      %get3A_742 = arith.constant 0 : index
      %get3A_743 = tpu.vector_load %arg12[%get3A_741, %get3A_742] {strides = array<i32>} : memref<4x128xi32, #tpu.memory_space<vmem>>, vector<16xi32>,
      %gather3A_744 = tpu.vector_load_idx %arg8[%get3A_739] : memref<10240xf32, #tpu.memory_space<vmem>>[vector<16xi32>], vector<16xf32>,
      %gather3A_745 = tpu.vector_load_idx %arg9[%get3A_743] : memref<10240xf32, #tpu.memory_space<vmem>>[vector<16xi32>], vector<16xf32>,
      %add3A_746 = arith.addf %gather3A_744, %gather3A_745 : vector<16xf32>
      %ge3A_747 = arith.constant 0.000000e+00 : f32
      %ge3A_748 = vector.broadcast %ge3A_747 : f32 to vector<16xf32>
      %ge3A_749 = arith.cmpf oge, %add3A_746, %ge3A_748 : vector<16xf32>
      %mul3A_750 = arith.constant 2.000000e-01 : f32
      %mul3A_751 = vector.broadcast %mul3A_750 : f32 to vector<16xf32>
      %mul3A_752 = arith.mulf %mul3A_751, %add3A_746 : vector<16xf32>
      %select_n3A_753 = arith.select %ge3A_749, %add3A_746, %mul3A_752 : vector<16xi1>, vector<16xf32>
      %jit3A_754 = arith.constant -2.000000e+00 : f32
      %jit3A_755 = arith.constant 2.000000e+00 : f32
      %max3A_756 = vector.broadcast %jit3A_754 : f32 to vector<16xf32>
      %max3A_757 = arith.maximumf %max3A_756, %select_n3A_753 : vector<16xf32>
      %min3A_758 = vector.broadcast %jit3A_755 : f32 to vector<16xf32>
      %min3A_759 = arith.minimumf %min3A_758, %max3A_757 : vector<16xf32>
      %exp3A_760 = math.exp %min3A_759 : vector<16xf32>
      %swap3A_761 = arith.constant 3 : i32
      %swap3A_762 = arith.index_cast %swap3A_761 : i32 to index
      %swap3A_763 = arith.constant 0 : index
      %swap3A_764 = tpu.vector_load %arg13[%swap3A_762, %swap3A_763] {strides = array<i32>} : memref<4x128xf32, #tpu.memory_space<vmem>>, vector<16xf32>,
      tpu.vector_store %arg13[%swap3A_762, %swap3A_763], %exp3A_760 {strides = array<i32>} : memref<4x128xf32, #tpu.memory_space<vmem>>, vector<16xf32>,
      %get3A_765 = arith.constant 3 : i32
      %get3A_766 = arith.index_cast %get3A_765 : i32 to index
      %get3A_767 = arith.constant 16 : index
      %get3A_768 = tpu.vector_load %arg11[%get3A_766, %get3A_767] {strides = array<i32>} : memref<4x128xi32, #tpu.memory_space<vmem>>, vector<16xi32>,
      %get3A_769 = arith.constant 3 : i32
      %get3A_770 = arith.index_cast %get3A_769 : i32 to index
      %get3A_771 = arith.constant 16 : index
      %get3A_772 = tpu.vector_load %arg12[%get3A_770, %get3A_771] {strides = array<i32>} : memref<4x128xi32, #tpu.memory_space<vmem>>, vector<16xi32>,
      %gather3A_773 = tpu.vector_load_idx %arg8[%get3A_768] : memref<10240xf32, #tpu.memory_space<vmem>>[vector<16xi32>], vector<16xf32>,
      %gather3A_774 = tpu.vector_load_idx %arg9[%get3A_772] : memref<10240xf32, #tpu.memory_space<vmem>>[vector<16xi32>], vector<16xf32>,
      %add3A_775 = arith.addf %gather3A_773, %gather3A_774 : vector<16xf32>
      %ge3A_776 = arith.constant 0.000000e+00 : f32
      %ge3A_777 = vector.broadcast %ge3A_776 : f32 to vector<16xf32>
      %ge3A_778 = arith.cmpf oge, %add3A_775, %ge3A_777 : vector<16xf32>
      %mul3A_779 = arith.constant 2.000000e-01 : f32
      %mul3A_780 = vector.broadcast %mul3A_779 : f32 to vector<16xf32>
      %mul3A_781 = arith.mulf %mul3A_780, %add3A_775 : vector<16xf32>
      %select_n3A_782 = arith.select %ge3A_778, %add3A_775, %mul3A_781 : vector<16xi1>, vector<16xf32>
      %jit3A_783 = arith.constant -2.000000e+00 : f32
      %jit3A_784 = arith.constant 2.000000e+00 : f32
      %max3A_785 = vector.broadcast %jit3A_783 : f32 to vector<16xf32>
      %max3A_786 = arith.maximumf %max3A_785, %select_n3A_782 : vector<16xf32>
      %min3A_787 = vector.broadcast %jit3A_784 : f32 to vector<16xf32>
      %min3A_788 = arith.minimumf %min3A_787, %max3A_786 : vector<16xf32>
      %exp3A_789 = math.exp %min3A_788 : vector<16xf32>
      %swap3A_790 = arith.constant 3 : i32
      %swap3A_791 = arith.index_cast %swap3A_790 : i32 to index
      %swap3A_792 = arith.constant 16 : index
      %swap3A_793 = tpu.vector_load %arg13[%swap3A_791, %swap3A_792] {strides = array<i32>} : memref<4x128xf32, #tpu.memory_space<vmem>>, vector<16xf32>,
      tpu.vector_store %arg13[%swap3A_791, %swap3A_792], %exp3A_789 {strides = array<i32>} : memref<4x128xf32, #tpu.memory_space<vmem>>, vector<16xf32>,
      %get3A_794 = arith.constant 3 : i32
      %get3A_795 = arith.index_cast %get3A_794 : i32 to index
      %get3A_796 = arith.constant 32 : index
      %get3A_797 = tpu.vector_load %arg11[%get3A_795, %get3A_796] {strides = array<i32>} : memref<4x128xi32, #tpu.memory_space<vmem>>, vector<16xi32>,
      %get3A_798 = arith.constant 3 : i32
      %get3A_799 = arith.index_cast %get3A_798 : i32 to index
      %get3A_800 = arith.constant 32 : index
      %get3A_801 = tpu.vector_load %arg12[%get3A_799, %get3A_800] {strides = array<i32>} : memref<4x128xi32, #tpu.memory_space<vmem>>, vector<16xi32>,
      %gather3A_802 = tpu.vector_load_idx %arg8[%get3A_797] : memref<10240xf32, #tpu.memory_space<vmem>>[vector<16xi32>], vector<16xf32>,
      %gather3A_803 = tpu.vector_load_idx %arg9[%get3A_801] : memref<10240xf32, #tpu.memory_space<vmem>>[vector<16xi32>], vector<16xf32>,
      %add3A_804 = arith.addf %gather3A_802, %gather3A_803 : vector<16xf32>
      %ge3A_805 = arith.constant 0.000000e+00 : f32
      %ge3A_806 = vector.broadcast %ge3A_805 : f32 to vector<16xf32>
      %ge3A_807 = arith.cmpf oge, %add3A_804, %ge3A_806 : vector<16xf32>
      %mul3A_808 = arith.constant 2.000000e-01 : f32
      %mul3A_809 = vector.broadcast %mul3A_808 : f32 to vector<16xf32>
      %mul3A_810 = arith.mulf %mul3A_809, %add3A_804 : vector<16xf32>
      %select_n3A_811 = arith.select %ge3A_807, %add3A_804, %mul3A_810 : vector<16xi1>, vector<16xf32>
      %jit3A_812 = arith.constant -2.000000e+00 : f32
      %jit3A_813 = arith.constant 2.000000e+00 : f32
      %max3A_814 = vector.broadcast %jit3A_812 : f32 to vector<16xf32>
      %max3A_815 = arith.maximumf %max3A_814, %select_n3A_811 : vector<16xf32>
      %min3A_816 = vector.broadcast %jit3A_813 : f32 to vector<16xf32>
      %min3A_817 = arith.minimumf %min3A_816, %max3A_815 : vector<16xf32>
      %exp3A_818 = math.exp %min3A_817 : vector<16xf32>
      %swap3A_819 = arith.constant 3 : i32
      %swap3A_820 = arith.index_cast %swap3A_819 : i32 to index
      %swap3A_821 = arith.constant 32 : index
      %swap3A_822 = tpu.vector_load %arg13[%swap3A_820, %swap3A_821] {strides = array<i32>} : memref<4x128xf32, #tpu.memory_space<vmem>>, vector<16xf32>,
      tpu.vector_store %arg13[%swap3A_820, %swap3A_821], %exp3A_818 {strides = array<i32>} : memref<4x128xf32, #tpu.memory_space<vmem>>, vector<16xf32>,
      %get3A_823 = arith.constant 3 : i32
      %get3A_824 = arith.index_cast %get3A_823 : i32 to index
      %get3A_825 = arith.constant 48 : index
      %get3A_826 = tpu.vector_load %arg11[%get3A_824, %get3A_825] {strides = array<i32>} : memref<4x128xi32, #tpu.memory_space<vmem>>, vector<16xi32>,
      %get3A_827 = arith.constant 3 : i32
      %get3A_828 = arith.index_cast %get3A_827 : i32 to index
      %get3A_829 = arith.constant 48 : index
      %get3A_830 = tpu.vector_load %arg12[%get3A_828, %get3A_829] {strides = array<i32>} : memref<4x128xi32, #tpu.memory_space<vmem>>, vector<16xi32>,
      %gather3A_831 = tpu.vector_load_idx %arg8[%get3A_826] : memref<10240xf32, #tpu.memory_space<vmem>>[vector<16xi32>], vector<16xf32>,
      %gather3A_832 = tpu.vector_load_idx %arg9[%get3A_830] : memref<10240xf32, #tpu.memory_space<vmem>>[vector<16xi32>], vector<16xf32>,
      %add3A_833 = arith.addf %gather3A_831, %gather3A_832 : vector<16xf32>
      %ge3A_834 = arith.constant 0.000000e+00 : f32
      %ge3A_835 = vector.broadcast %ge3A_834 : f32 to vector<16xf32>
      %ge3A_836 = arith.cmpf oge, %add3A_833, %ge3A_835 : vector<16xf32>
      %mul3A_837 = arith.constant 2.000000e-01 : f32
      %mul3A_838 = vector.broadcast %mul3A_837 : f32 to vector<16xf32>
      %mul3A_839 = arith.mulf %mul3A_838, %add3A_833 : vector<16xf32>
      %select_n3A_840 = arith.select %ge3A_836, %add3A_833, %mul3A_839 : vector<16xi1>, vector<16xf32>
      %jit3A_841 = arith.constant -2.000000e+00 : f32
      %jit3A_842 = arith.constant 2.000000e+00 : f32
      %max3A_843 = vector.broadcast %jit3A_841 : f32 to vector<16xf32>
      %max3A_844 = arith.maximumf %max3A_843, %select_n3A_840 : vector<16xf32>
      %min3A_845 = vector.broadcast %jit3A_842 : f32 to vector<16xf32>
      %min3A_846 = arith.minimumf %min3A_845, %max3A_844 : vector<16xf32>
      %exp3A_847 = math.exp %min3A_846 : vector<16xf32>
      %swap3A_848 = arith.constant 3 : i32
      %swap3A_849 = arith.index_cast %swap3A_848 : i32 to index
      %swap3A_850 = arith.constant 48 : index
      %swap3A_851 = tpu.vector_load %arg13[%swap3A_849, %swap3A_850] {strides = array<i32>} : memref<4x128xf32, #tpu.memory_space<vmem>>, vector<16xf32>,
      tpu.vector_store %arg13[%swap3A_849, %swap3A_850], %exp3A_847 {strides = array<i32>} : memref<4x128xf32, #tpu.memory_space<vmem>>, vector<16xf32>,
      %get3A_852 = arith.constant 3 : i32
      %get3A_853 = arith.index_cast %get3A_852 : i32 to index
      %get3A_854 = arith.constant 64 : index
      %get3A_855 = tpu.vector_load %arg11[%get3A_853, %get3A_854] {strides = array<i32>} : memref<4x128xi32, #tpu.memory_space<vmem>>, vector<16xi32>,
      %get3A_856 = arith.constant 3 : i32
      %get3A_857 = arith.index_cast %get3A_856 : i32 to index
      %get3A_858 = arith.constant 64 : index
      %get3A_859 = tpu.vector_load %arg12[%get3A_857, %get3A_858] {strides = array<i32>} : memref<4x128xi32, #tpu.memory_space<vmem>>, vector<16xi32>,
      %gather3A_860 = tpu.vector_load_idx %arg8[%get3A_855] : memref<10240xf32, #tpu.memory_space<vmem>>[vector<16xi32>], vector<16xf32>,
      %gather3A_861 = tpu.vector_load_idx %arg9[%get3A_859] : memref<10240xf32, #tpu.memory_space<vmem>>[vector<16xi32>], vector<16xf32>,
      %add3A_862 = arith.addf %gather3A_860, %gather3A_861 : vector<16xf32>
      %ge3A_863 = arith.constant 0.000000e+00 : f32
      %ge3A_864 = vector.broadcast %ge3A_863 : f32 to vector<16xf32>
      %ge3A_865 = arith.cmpf oge, %add3A_862, %ge3A_864 : vector<16xf32>
      %mul3A_866 = arith.constant 2.000000e-01 : f32
      %mul3A_867 = vector.broadcast %mul3A_866 : f32 to vector<16xf32>
      %mul3A_868 = arith.mulf %mul3A_867, %add3A_862 : vector<16xf32>
      %select_n3A_869 = arith.select %ge3A_865, %add3A_862, %mul3A_868 : vector<16xi1>, vector<16xf32>
      %jit3A_870 = arith.constant -2.000000e+00 : f32
      %jit3A_871 = arith.constant 2.000000e+00 : f32
      %max3A_872 = vector.broadcast %jit3A_870 : f32 to vector<16xf32>
      %max3A_873 = arith.maximumf %max3A_872, %select_n3A_869 : vector<16xf32>
      %min3A_874 = vector.broadcast %jit3A_871 : f32 to vector<16xf32>
      %min3A_875 = arith.minimumf %min3A_874, %max3A_873 : vector<16xf32>
      %exp3A_876 = math.exp %min3A_875 : vector<16xf32>
      %swap3A_877 = arith.constant 3 : i32
      %swap3A_878 = arith.index_cast %swap3A_877 : i32 to index
      %swap3A_879 = arith.constant 64 : index
      %swap3A_880 = tpu.vector_load %arg13[%swap3A_878, %swap3A_879] {strides = array<i32>} : memref<4x128xf32, #tpu.memory_space<vmem>>, vector<16xf32>,
      tpu.vector_store %arg13[%swap3A_878, %swap3A_879], %exp3A_876 {strides = array<i32>} : memref<4x128xf32, #tpu.memory_space<vmem>>, vector<16xf32>,
      %get3A_881 = arith.constant 3 : i32
      %get3A_882 = arith.index_cast %get3A_881 : i32 to index
      %get3A_883 = arith.constant 80 : index
      %get3A_884 = tpu.vector_load %arg11[%get3A_882, %get3A_883] {strides = array<i32>} : memref<4x128xi32, #tpu.memory_space<vmem>>, vector<16xi32>,
      %get3A_885 = arith.constant 3 : i32
      %get3A_886 = arith.index_cast %get3A_885 : i32 to index
      %get3A_887 = arith.constant 80 : index
      %get3A_888 = tpu.vector_load %arg12[%get3A_886, %get3A_887] {strides = array<i32>} : memref<4x128xi32, #tpu.memory_space<vmem>>, vector<16xi32>,
      %gather3A_889 = tpu.vector_load_idx %arg8[%get3A_884] : memref<10240xf32, #tpu.memory_space<vmem>>[vector<16xi32>], vector<16xf32>,
      %gather3A_890 = tpu.vector_load_idx %arg9[%get3A_888] : memref<10240xf32, #tpu.memory_space<vmem>>[vector<16xi32>], vector<16xf32>,
      %add3A_891 = arith.addf %gather3A_889, %gather3A_890 : vector<16xf32>
      %ge3A_892 = arith.constant 0.000000e+00 : f32
      %ge3A_893 = vector.broadcast %ge3A_892 : f32 to vector<16xf32>
      %ge3A_894 = arith.cmpf oge, %add3A_891, %ge3A_893 : vector<16xf32>
      %mul3A_895 = arith.constant 2.000000e-01 : f32
      %mul3A_896 = vector.broadcast %mul3A_895 : f32 to vector<16xf32>
      %mul3A_897 = arith.mulf %mul3A_896, %add3A_891 : vector<16xf32>
      %select_n3A_898 = arith.select %ge3A_894, %add3A_891, %mul3A_897 : vector<16xi1>, vector<16xf32>
      %jit3A_899 = arith.constant -2.000000e+00 : f32
      %jit3A_900 = arith.constant 2.000000e+00 : f32
      %max3A_901 = vector.broadcast %jit3A_899 : f32 to vector<16xf32>
      %max3A_902 = arith.maximumf %max3A_901, %select_n3A_898 : vector<16xf32>
      %min3A_903 = vector.broadcast %jit3A_900 : f32 to vector<16xf32>
      %min3A_904 = arith.minimumf %min3A_903, %max3A_902 : vector<16xf32>
      %exp3A_905 = math.exp %min3A_904 : vector<16xf32>
      %swap3A_906 = arith.constant 3 : i32
      %swap3A_907 = arith.index_cast %swap3A_906 : i32 to index
      %swap3A_908 = arith.constant 80 : index
      %swap3A_909 = tpu.vector_load %arg13[%swap3A_907, %swap3A_908] {strides = array<i32>} : memref<4x128xf32, #tpu.memory_space<vmem>>, vector<16xf32>,
      tpu.vector_store %arg13[%swap3A_907, %swap3A_908], %exp3A_905 {strides = array<i32>} : memref<4x128xf32, #tpu.memory_space<vmem>>, vector<16xf32>,
      %get3A_910 = arith.constant 3 : i32
      %get3A_911 = arith.index_cast %get3A_910 : i32 to index
      %get3A_912 = arith.constant 96 : index
      %get3A_913 = tpu.vector_load %arg11[%get3A_911, %get3A_912] {strides = array<i32>} : memref<4x128xi32, #tpu.memory_space<vmem>>, vector<16xi32>,
      %get3A_914 = arith.constant 3 : i32
      %get3A_915 = arith.index_cast %get3A_914 : i32 to index
      %get3A_916 = arith.constant 96 : index
      %get3A_917 = tpu.vector_load %arg12[%get3A_915, %get3A_916] {strides = array<i32>} : memref<4x128xi32, #tpu.memory_space<vmem>>, vector<16xi32>,
      %gather3A_918 = tpu.vector_load_idx %arg8[%get3A_913] : memref<10240xf32, #tpu.memory_space<vmem>>[vector<16xi32>], vector<16xf32>,
      %gather3A_919 = tpu.vector_load_idx %arg9[%get3A_917] : memref<10240xf32, #tpu.memory_space<vmem>>[vector<16xi32>], vector<16xf32>,
      %add3A_920 = arith.addf %gather3A_918, %gather3A_919 : vector<16xf32>
      %ge3A_921 = arith.constant 0.000000e+00 : f32
      %ge3A_922 = vector.broadcast %ge3A_921 : f32 to vector<16xf32>
      %ge3A_923 = arith.cmpf oge, %add3A_920, %ge3A_922 : vector<16xf32>
      %mul3A_924 = arith.constant 2.000000e-01 : f32
      %mul3A_925 = vector.broadcast %mul3A_924 : f32 to vector<16xf32>
      %mul3A_926 = arith.mulf %mul3A_925, %add3A_920 : vector<16xf32>
      %select_n3A_927 = arith.select %ge3A_923, %add3A_920, %mul3A_926 : vector<16xi1>, vector<16xf32>
      %jit3A_928 = arith.constant -2.000000e+00 : f32
      %jit3A_929 = arith.constant 2.000000e+00 : f32
      %max3A_930 = vector.broadcast %jit3A_928 : f32 to vector<16xf32>
      %max3A_931 = arith.maximumf %max3A_930, %select_n3A_927 : vector<16xf32>
      %min3A_932 = vector.broadcast %jit3A_929 : f32 to vector<16xf32>
      %min3A_933 = arith.minimumf %min3A_932, %max3A_931 : vector<16xf32>
      %exp3A_934 = math.exp %min3A_933 : vector<16xf32>
      %swap3A_935 = arith.constant 3 : i32
      %swap3A_936 = arith.index_cast %swap3A_935 : i32 to index
      %swap3A_937 = arith.constant 96 : index
      %swap3A_938 = tpu.vector_load %arg13[%swap3A_936, %swap3A_937] {strides = array<i32>} : memref<4x128xf32, #tpu.memory_space<vmem>>, vector<16xf32>,
      tpu.vector_store %arg13[%swap3A_936, %swap3A_937], %exp3A_934 {strides = array<i32>} : memref<4x128xf32, #tpu.memory_space<vmem>>, vector<16xf32>,
      %get3A_939 = arith.constant 3 : i32
      %get3A_940 = arith.index_cast %get3A_939 : i32 to index
      %get3A_941 = arith.constant 112 : index
      %get3A_942 = tpu.vector_load %arg11[%get3A_940, %get3A_941] {strides = array<i32>} : memref<4x128xi32, #tpu.memory_space<vmem>>, vector<16xi32>,
      %get3A_943 = arith.constant 3 : i32
      %get3A_944 = arith.index_cast %get3A_943 : i32 to index
      %get3A_945 = arith.constant 112 : index
      %get3A_946 = tpu.vector_load %arg12[%get3A_944, %get3A_945] {strides = array<i32>} : memref<4x128xi32, #tpu.memory_space<vmem>>, vector<16xi32>,
      %gather3A_947 = tpu.vector_load_idx %arg8[%get3A_942] : memref<10240xf32, #tpu.memory_space<vmem>>[vector<16xi32>], vector<16xf32>,
      %gather3A_948 = tpu.vector_load_idx %arg9[%get3A_946] : memref<10240xf32, #tpu.memory_space<vmem>>[vector<16xi32>], vector<16xf32>,
      %add3A_949 = arith.addf %gather3A_947, %gather3A_948 : vector<16xf32>
      %ge3A_950 = arith.constant 0.000000e+00 : f32
      %ge3A_951 = vector.broadcast %ge3A_950 : f32 to vector<16xf32>
      %ge3A_952 = arith.cmpf oge, %add3A_949, %ge3A_951 : vector<16xf32>
      %mul3A_953 = arith.constant 2.000000e-01 : f32
      %mul3A_954 = vector.broadcast %mul3A_953 : f32 to vector<16xf32>
      %mul3A_955 = arith.mulf %mul3A_954, %add3A_949 : vector<16xf32>
      %select_n3A_956 = arith.select %ge3A_952, %add3A_949, %mul3A_955 : vector<16xi1>, vector<16xf32>
      %jit3A_957 = arith.constant -2.000000e+00 : f32
      %jit3A_958 = arith.constant 2.000000e+00 : f32
      %max3A_959 = vector.broadcast %jit3A_957 : f32 to vector<16xf32>
      %max3A_960 = arith.maximumf %max3A_959, %select_n3A_956 : vector<16xf32>
      %min3A_961 = vector.broadcast %jit3A_958 : f32 to vector<16xf32>
      %min3A_962 = arith.minimumf %min3A_961, %max3A_960 : vector<16xf32>
      %exp3A_963 = math.exp %min3A_962 : vector<16xf32>
      %swap3A_964 = arith.constant 3 : i32
      %swap3A_965 = arith.index_cast %swap3A_964 : i32 to index
      %swap3A_966 = arith.constant 112 : index
      %swap3A_967 = tpu.vector_load %arg13[%swap3A_965, %swap3A_966] {strides = array<i32>} : memref<4x128xf32, #tpu.memory_space<vmem>>, vector<16xf32>,
      tpu.vector_store %arg13[%swap3A_965, %swap3A_966], %exp3A_963 {strides = array<i32>} : memref<4x128xf32, #tpu.memory_space<vmem>>, vector<16xf32>,
      %run_scoped3A = arith.constant 0 : i32
      %run_scoped3A_968 = arith.constant 0 : i32
      "tpu.region"() ({
        %run_scoped3A_975 = tpu.sem_alloc : memref<!tpu.dma_semaphore, #tpu.memory_space<semaphore_mem>>
        %dma_start3A = arith.constant 0 : i32
        %dma_start3A_976 = tpu.memref_slice %arg13[%run_scoped3A, %dma_start3A] : memref<4x128xf32, #tpu.memory_space<vmem>> -> memref<1x128xf32, #tpu.memory_space<vmem>>
        %dma_start3A_977 = tpu.memref_squeeze %dma_start3A_976 : memref<1x128xf32, #tpu.memory_space<vmem>> -> memref<128xf32, #tpu.memory_space<vmem>>
        %dma_start3A_978 = arith.constant 0 : i32
        %dma_start3A_979 = tpu.memref_slice %arg11[%run_scoped3A_968, %dma_start3A_978] : memref<4x128xi32, #tpu.memory_space<vmem>> -> memref<1x128xi32, #tpu.memory_space<vmem>>
        %dma_start3A_980 = tpu.memref_squeeze %dma_start3A_979 : memref<1x128xi32, #tpu.memory_space<vmem>> -> memref<128xi32, #tpu.memory_space<vmem>>
        %dma_start3A_981 = arith.constant 0 : i32
        %dma_start3A_982 = tpu.memref_slice %arg15[%dma_start3A_981] : memref<10240xf32, #tpu.memory_space<vmem_shared>> -> memref<10240xf32, #tpu.memory_space<vmem_shared>>
        tpu.enqueue_indirect_dma source(%dma_start3A_977 : memref<128xf32, #tpu.memory_space<vmem>>) target(%dma_start3A_982 : memref<10240xf32, #tpu.memory_space<vmem_shared>>) offsets(%dma_start3A_980 : memref<128xi32, #tpu.memory_space<vmem>>) semaphore(%run_scoped3A_975 : memref<!tpu.dma_semaphore, #tpu.memory_space<semaphore_mem>>) {add = true}
        %dma_wait3A = arith.constant 0 : i32
        %dma_wait3A_983 = tpu.memref_slice %arg13[%run_scoped3A, %dma_wait3A] : memref<4x128xf32, #tpu.memory_space<vmem>> -> memref<1x128xf32, #tpu.memory_space<vmem>>
        %dma_wait3A_984 = tpu.memref_squeeze %dma_wait3A_983 : memref<1x128xf32, #tpu.memory_space<vmem>> -> memref<128xf32, #tpu.memory_space<vmem>>
        %dma_wait3A_985 = arith.constant 0 : i32
        %dma_wait3A_986 = tpu.memref_slice %arg11[%run_scoped3A_968, %dma_wait3A_985] : memref<4x128xi32, #tpu.memory_space<vmem>> -> memref<1x128xi32, #tpu.memory_space<vmem>>
        %dma_wait3A_987 = tpu.memref_squeeze %dma_wait3A_986 : memref<1x128xi32, #tpu.memory_space<vmem>> -> memref<128xi32, #tpu.memory_space<vmem>>
        %dma_wait3A_988 = arith.constant 0 : i32
        %dma_wait3A_989 = tpu.memref_slice %arg15[%dma_wait3A_988] : memref<10240xf32, #tpu.memory_space<vmem_shared>> -> memref<10240xf32, #tpu.memory_space<vmem_shared>>
        tpu.wait_indirect_dma semaphore(%run_scoped3A_975 : memref<!tpu.dma_semaphore, #tpu.memory_space<semaphore_mem>>) src(%dma_wait3A_984 : memref<128xf32, #tpu.memory_space<vmem>>) dst(%dma_wait3A_989 : memref<10240xf32, #tpu.memory_space<vmem_shared>>)
        tpu.yield
      }) : () -> ()
      %run_scoped3A_969 = arith.constant 1 : i32
      %run_scoped3A_970 = arith.constant 1 : i32
      "tpu.region"() ({
        %run_scoped3A_975 = tpu.sem_alloc : memref<!tpu.dma_semaphore, #tpu.memory_space<semaphore_mem>>
        %dma_start3A = arith.constant 0 : i32
        %dma_start3A_976 = tpu.memref_slice %arg13[%run_scoped3A_969, %dma_start3A] : memref<4x128xf32, #tpu.memory_space<vmem>> -> memref<1x128xf32, #tpu.memory_space<vmem>>
        %dma_start3A_977 = tpu.memref_squeeze %dma_start3A_976 : memref<1x128xf32, #tpu.memory_space<vmem>> -> memref<128xf32, #tpu.memory_space<vmem>>
        %dma_start3A_978 = arith.constant 0 : i32
        %dma_start3A_979 = tpu.memref_slice %arg11[%run_scoped3A_970, %dma_start3A_978] : memref<4x128xi32, #tpu.memory_space<vmem>> -> memref<1x128xi32, #tpu.memory_space<vmem>>
        %dma_start3A_980 = tpu.memref_squeeze %dma_start3A_979 : memref<1x128xi32, #tpu.memory_space<vmem>> -> memref<128xi32, #tpu.memory_space<vmem>>
        %dma_start3A_981 = arith.constant 0 : i32
        %dma_start3A_982 = tpu.memref_slice %arg15[%dma_start3A_981] : memref<10240xf32, #tpu.memory_space<vmem_shared>> -> memref<10240xf32, #tpu.memory_space<vmem_shared>>
        tpu.enqueue_indirect_dma source(%dma_start3A_977 : memref<128xf32, #tpu.memory_space<vmem>>) target(%dma_start3A_982 : memref<10240xf32, #tpu.memory_space<vmem_shared>>) offsets(%dma_start3A_980 : memref<128xi32, #tpu.memory_space<vmem>>) semaphore(%run_scoped3A_975 : memref<!tpu.dma_semaphore, #tpu.memory_space<semaphore_mem>>) {add = true}
        %dma_wait3A = arith.constant 0 : i32
        %dma_wait3A_983 = tpu.memref_slice %arg13[%run_scoped3A_969, %dma_wait3A] : memref<4x128xf32, #tpu.memory_space<vmem>> -> memref<1x128xf32, #tpu.memory_space<vmem>>
        %dma_wait3A_984 = tpu.memref_squeeze %dma_wait3A_983 : memref<1x128xf32, #tpu.memory_space<vmem>> -> memref<128xf32, #tpu.memory_space<vmem>>
        %dma_wait3A_985 = arith.constant 0 : i32
        %dma_wait3A_986 = tpu.memref_slice %arg11[%run_scoped3A_970, %dma_wait3A_985] : memref<4x128xi32, #tpu.memory_space<vmem>> -> memref<1x128xi32, #tpu.memory_space<vmem>>
        %dma_wait3A_987 = tpu.memref_squeeze %dma_wait3A_986 : memref<1x128xi32, #tpu.memory_space<vmem>> -> memref<128xi32, #tpu.memory_space<vmem>>
        %dma_wait3A_988 = arith.constant 0 : i32
        %dma_wait3A_989 = tpu.memref_slice %arg15[%dma_wait3A_988] : memref<10240xf32, #tpu.memory_space<vmem_shared>> -> memref<10240xf32, #tpu.memory_space<vmem_shared>>
        tpu.wait_indirect_dma semaphore(%run_scoped3A_975 : memref<!tpu.dma_semaphore, #tpu.memory_space<semaphore_mem>>) src(%dma_wait3A_984 : memref<128xf32, #tpu.memory_space<vmem>>) dst(%dma_wait3A_989 : memref<10240xf32, #tpu.memory_space<vmem_shared>>)
        tpu.yield
      }) : () -> ()
      %run_scoped3A_971 = arith.constant 2 : i32
      %run_scoped3A_972 = arith.constant 2 : i32
      "tpu.region"() ({
        %run_scoped3A_975 = tpu.sem_alloc : memref<!tpu.dma_semaphore, #tpu.memory_space<semaphore_mem>>
        %dma_start3A = arith.constant 0 : i32
        %dma_start3A_976 = tpu.memref_slice %arg13[%run_scoped3A_971, %dma_start3A] : memref<4x128xf32, #tpu.memory_space<vmem>> -> memref<1x128xf32, #tpu.memory_space<vmem>>
        %dma_start3A_977 = tpu.memref_squeeze %dma_start3A_976 : memref<1x128xf32, #tpu.memory_space<vmem>> -> memref<128xf32, #tpu.memory_space<vmem>>
        %dma_start3A_978 = arith.constant 0 : i32
        %dma_start3A_979 = tpu.memref_slice %arg11[%run_scoped3A_972, %dma_start3A_978] : memref<4x128xi32, #tpu.memory_space<vmem>> -> memref<1x128xi32, #tpu.memory_space<vmem>>
        %dma_start3A_980 = tpu.memref_squeeze %dma_start3A_979 : memref<1x128xi32, #tpu.memory_space<vmem>> -> memref<128xi32, #tpu.memory_space<vmem>>
        %dma_start3A_981 = arith.constant 0 : i32
        %dma_start3A_982 = tpu.memref_slice %arg15[%dma_start3A_981] : memref<10240xf32, #tpu.memory_space<vmem_shared>> -> memref<10240xf32, #tpu.memory_space<vmem_shared>>
        tpu.enqueue_indirect_dma source(%dma_start3A_977 : memref<128xf32, #tpu.memory_space<vmem>>) target(%dma_start3A_982 : memref<10240xf32, #tpu.memory_space<vmem_shared>>) offsets(%dma_start3A_980 : memref<128xi32, #tpu.memory_space<vmem>>) semaphore(%run_scoped3A_975 : memref<!tpu.dma_semaphore, #tpu.memory_space<semaphore_mem>>) {add = true}
        %dma_wait3A = arith.constant 0 : i32
        %dma_wait3A_983 = tpu.memref_slice %arg13[%run_scoped3A_971, %dma_wait3A] : memref<4x128xf32, #tpu.memory_space<vmem>> -> memref<1x128xf32, #tpu.memory_space<vmem>>
        %dma_wait3A_984 = tpu.memref_squeeze %dma_wait3A_983 : memref<1x128xf32, #tpu.memory_space<vmem>> -> memref<128xf32, #tpu.memory_space<vmem>>
        %dma_wait3A_985 = arith.constant 0 : i32
        %dma_wait3A_986 = tpu.memref_slice %arg11[%run_scoped3A_972, %dma_wait3A_985] : memref<4x128xi32, #tpu.memory_space<vmem>> -> memref<1x128xi32, #tpu.memory_space<vmem>>
        %dma_wait3A_987 = tpu.memref_squeeze %dma_wait3A_986 : memref<1x128xi32, #tpu.memory_space<vmem>> -> memref<128xi32, #tpu.memory_space<vmem>>
        %dma_wait3A_988 = arith.constant 0 : i32
        %dma_wait3A_989 = tpu.memref_slice %arg15[%dma_wait3A_988] : memref<10240xf32, #tpu.memory_space<vmem_shared>> -> memref<10240xf32, #tpu.memory_space<vmem_shared>>
        tpu.wait_indirect_dma semaphore(%run_scoped3A_975 : memref<!tpu.dma_semaphore, #tpu.memory_space<semaphore_mem>>) src(%dma_wait3A_984 : memref<128xf32, #tpu.memory_space<vmem>>) dst(%dma_wait3A_989 : memref<10240xf32, #tpu.memory_space<vmem_shared>>)
        tpu.yield
      }) : () -> ()
      %run_scoped3A_973 = arith.constant 3 : i32
      %run_scoped3A_974 = arith.constant 3 : i32
      "tpu.region"() ({
        %run_scoped3A_975 = tpu.sem_alloc : memref<!tpu.dma_semaphore, #tpu.memory_space<semaphore_mem>>
        %dma_start3A = arith.constant 0 : i32
        %dma_start3A_976 = tpu.memref_slice %arg13[%run_scoped3A_973, %dma_start3A] : memref<4x128xf32, #tpu.memory_space<vmem>> -> memref<1x128xf32, #tpu.memory_space<vmem>>
        %dma_start3A_977 = tpu.memref_squeeze %dma_start3A_976 : memref<1x128xf32, #tpu.memory_space<vmem>> -> memref<128xf32, #tpu.memory_space<vmem>>
        %dma_start3A_978 = arith.constant 0 : i32
        %dma_start3A_979 = tpu.memref_slice %arg11[%run_scoped3A_974, %dma_start3A_978] : memref<4x128xi32, #tpu.memory_space<vmem>> -> memref<1x128xi32, #tpu.memory_space<vmem>>
        %dma_start3A_980 = tpu.memref_squeeze %dma_start3A_979 : memref<1x128xi32, #tpu.memory_space<vmem>> -> memref<128xi32, #tpu.memory_space<vmem>>
        %dma_start3A_981 = arith.constant 0 : i32
        %dma_start3A_982 = tpu.memref_slice %arg15[%dma_start3A_981] : memref<10240xf32, #tpu.memory_space<vmem_shared>> -> memref<10240xf32, #tpu.memory_space<vmem_shared>>
        tpu.enqueue_indirect_dma source(%dma_start3A_977 : memref<128xf32, #tpu.memory_space<vmem>>) target(%dma_start3A_982 : memref<10240xf32, #tpu.memory_space<vmem_shared>>) offsets(%dma_start3A_980 : memref<128xi32, #tpu.memory_space<vmem>>) semaphore(%run_scoped3A_975 : memref<!tpu.dma_semaphore, #tpu.memory_space<semaphore_mem>>) {add = true}
        %dma_wait3A = arith.constant 0 : i32
        %dma_wait3A_983 = tpu.memref_slice %arg13[%run_scoped3A_973, %dma_wait3A] : memref<4x128xf32, #tpu.memory_space<vmem>> -> memref<1x128xf32, #tpu.memory_space<vmem>>
        %dma_wait3A_984 = tpu.memref_squeeze %dma_wait3A_983 : memref<1x128xf32, #tpu.memory_space<vmem>> -> memref<128xf32, #tpu.memory_space<vmem>>
        %dma_wait3A_985 = arith.constant 0 : i32
        %dma_wait3A_986 = tpu.memref_slice %arg11[%run_scoped3A_974, %dma_wait3A_985] : memref<4x128xi32, #tpu.memory_space<vmem>> -> memref<1x128xi32, #tpu.memory_space<vmem>>
        %dma_wait3A_987 = tpu.memref_squeeze %dma_wait3A_986 : memref<1x128xi32, #tpu.memory_space<vmem>> -> memref<128xi32, #tpu.memory_space<vmem>>
        %dma_wait3A_988 = arith.constant 0 : i32
        %dma_wait3A_989 = tpu.memref_slice %arg15[%dma_wait3A_988] : memref<10240xf32, #tpu.memory_space<vmem_shared>> -> memref<10240xf32, #tpu.memory_space<vmem_shared>>
        tpu.wait_indirect_dma semaphore(%run_scoped3A_975 : memref<!tpu.dma_semaphore, #tpu.memory_space<semaphore_mem>>) src(%dma_wait3A_984 : memref<128xf32, #tpu.memory_space<vmem>>) dst(%dma_wait3A_989 : memref<10240xf32, #tpu.memory_space<vmem_shared>>)
        tpu.yield
      }) : () -> ()
    }
    %scan3A_30 = arith.constant 22 : i32
    %barrier3A_31 = arith.constant 0 : index
    tpu.barrier barrier_id(%barrier3A_31)
    "tpu.region"() ({
      %run_scoped3A = tpu.sem_alloc : memref<!tpu.dma_semaphore, #tpu.memory_space<semaphore_mem>>
      tpu.enqueue_dma source(%arg15 : memref<10240xf32, #tpu.memory_space<vmem_shared>>) target(%arg10 : memref<10240xf32, #tpu.memory_space<vmem>>) target_semaphore(%run_scoped3A : memref<!tpu.dma_semaphore, #tpu.memory_space<semaphore_mem>>)
      tpu.wait_dma2 semaphore(%run_scoped3A : memref<!tpu.dma_semaphore, #tpu.memory_space<semaphore_mem>>) src(%arg15 : memref<10240xf32, #tpu.memory_space<vmem_shared>>) dst(%arg10 : memref<10240xf32, #tpu.memory_space<vmem>>)
      tpu.yield
    }) : () -> ()
    %scan3A_32 = arith.constant 0 : i32
    %scan3A_33 = arith.constant 0 : i32
    %scan3A_34 = arith.constant 11 : i32
    %scan3A_35 = arith.addi %scan3A_33, %scan3A_34 : i32
    %scan3A_36 = arith.constant 1 : i32
    scf.for %scan3A_43 = %scan3A_33 to %scan3A_35 step %scan3A_36  : i32 {
      %mul3A_44 = arith.constant 44 : i32
      %mul3A_45 = arith.muli %add3A, %mul3A_44 : i32
      %mul3A_46 = arith.constant 4 : i32
      %mul3A_47 = arith.muli %scan3A_43, %mul3A_46 : i32
      %add3A_48 = arith.addi %mul3A_45, %mul3A_47 : i32
      "tpu.region"() ({
        %run_scoped3A_1118 = tpu.sem_alloc : memref<!tpu.dma_semaphore, #tpu.memory_space<semaphore_mem>>
        %dma_start3A_1119 = arith.constant 0 : i32
        %dma_start3A_1120 = tpu.memref_slice %arg2[%add3A_48, %dma_start3A_1119] : memref<1408x128xi32, #tpu.memory_space<hbm>> -> memref<4x128xi32, #tpu.memory_space<hbm>>
        %dma_start3A_1121 = arith.constant 0 : i32
        %dma_start3A_1122 = tpu.memref_slice %arg2[%add3A_48, %dma_start3A_1121] : memref<1408x128xi32, #tpu.memory_space<hbm>> -> memref<4x128xi32, #tpu.memory_space<hbm>>
        tpu.enqueue_dma source(%dma_start3A_1122 : memref<4x128xi32, #tpu.memory_space<hbm>>) target(%arg11 : memref<4x128xi32, #tpu.memory_space<vmem>>) target_semaphore(%run_scoped3A_1118 : memref<!tpu.dma_semaphore, #tpu.memory_space<semaphore_mem>>)
        %dma_wait3A_1123 = arith.constant 0 : i32
        %dma_wait3A_1124 = tpu.memref_slice %arg2[%add3A_48, %dma_wait3A_1123] : memref<1408x128xi32, #tpu.memory_space<hbm>> -> memref<4x128xi32, #tpu.memory_space<hbm>>
        %dma_wait3A_1125 = arith.constant 0 : i32
        %dma_wait3A_1126 = tpu.memref_slice %arg2[%add3A_48, %dma_wait3A_1125] : memref<1408x128xi32, #tpu.memory_space<hbm>> -> memref<4x128xi32, #tpu.memory_space<hbm>>
        tpu.wait_dma2 semaphore(%run_scoped3A_1118 : memref<!tpu.dma_semaphore, #tpu.memory_space<semaphore_mem>>) src(%dma_wait3A_1126 : memref<4x128xi32, #tpu.memory_space<hbm>>) dst(%arg11 : memref<4x128xi32, #tpu.memory_space<vmem>>)
        tpu.yield
      }) : () -> ()
      "tpu.region"() ({
        %run_scoped3A_1118 = tpu.sem_alloc : memref<!tpu.dma_semaphore, #tpu.memory_space<semaphore_mem>>
        %dma_start3A_1119 = arith.constant 0 : i32
        %dma_start3A_1120 = tpu.memref_slice %arg3[%add3A_48, %dma_start3A_1119] : memref<1408x128xi32, #tpu.memory_space<hbm>> -> memref<4x128xi32, #tpu.memory_space<hbm>>
        %dma_start3A_1121 = arith.constant 0 : i32
        %dma_start3A_1122 = tpu.memref_slice %arg3[%add3A_48, %dma_start3A_1121] : memref<1408x128xi32, #tpu.memory_space<hbm>> -> memref<4x128xi32, #tpu.memory_space<hbm>>
        tpu.enqueue_dma source(%dma_start3A_1122 : memref<4x128xi32, #tpu.memory_space<hbm>>) target(%arg12 : memref<4x128xi32, #tpu.memory_space<vmem>>) target_semaphore(%run_scoped3A_1118 : memref<!tpu.dma_semaphore, #tpu.memory_space<semaphore_mem>>)
        %dma_wait3A_1123 = arith.constant 0 : i32
        %dma_wait3A_1124 = tpu.memref_slice %arg3[%add3A_48, %dma_wait3A_1123] : memref<1408x128xi32, #tpu.memory_space<hbm>> -> memref<4x128xi32, #tpu.memory_space<hbm>>
        %dma_wait3A_1125 = arith.constant 0 : i32
        %dma_wait3A_1126 = tpu.memref_slice %arg3[%add3A_48, %dma_wait3A_1125] : memref<1408x128xi32, #tpu.memory_space<hbm>> -> memref<4x128xi32, #tpu.memory_space<hbm>>
        tpu.wait_dma2 semaphore(%run_scoped3A_1118 : memref<!tpu.dma_semaphore, #tpu.memory_space<semaphore_mem>>) src(%dma_wait3A_1126 : memref<4x128xi32, #tpu.memory_space<hbm>>) dst(%arg12 : memref<4x128xi32, #tpu.memory_space<vmem>>)
        tpu.yield
      }) : () -> ()
      %dma_start3A = arith.constant 0 : i32
      %dma_start3A_49 = arith.constant 0 : i32
      %dma_start3A_50 = arith.constant 0 : i32
      %dma_start3A_51 = tpu.memref_slice %arg14[%dma_start3A_49, %dma_start3A_50] : memref<512x32xf32, #tpu.memory_space<vmem>> -> memref<128x32xf32, #tpu.memory_space<vmem>>
      %dma_start3A_52 = arith.constant 0 : i32
      %dma_start3A_53 = tpu.memref_slice %arg12[%dma_start3A, %dma_start3A_52] : memref<4x128xi32, #tpu.memory_space<vmem>> -> memref<1x128xi32, #tpu.memory_space<vmem>>
      %dma_start3A_54 = tpu.memref_squeeze %dma_start3A_53 : memref<1x128xi32, #tpu.memory_space<vmem>> -> memref<128xi32, #tpu.memory_space<vmem>>
      %dma_start3A_55 = arith.constant 0 : i32
      %dma_start3A_56 = arith.constant 0 : i32
      %dma_start3A_57 = tpu.memref_slice %arg6[%dma_start3A_55, %dma_start3A_56] : memref<10240x32xf32, #tpu.memory_space<hbm>> -> memref<10240x32xf32, #tpu.memory_space<hbm>>
      tpu.enqueue_indirect_dma source(%dma_start3A_57 : memref<10240x32xf32, #tpu.memory_space<hbm>>) target(%dma_start3A_51 : memref<128x32xf32, #tpu.memory_space<vmem>>) offsets(%dma_start3A_54 : memref<128xi32, #tpu.memory_space<vmem>>) semaphore(%arg17 : memref<!tpu.dma_semaphore, #tpu.memory_space<semaphore_mem>>)
      %dma_start3A_58 = arith.constant 1 : i32
      %dma_start3A_59 = arith.constant 128 : i32
      %dma_start3A_60 = arith.constant 0 : i32
      %dma_start3A_61 = tpu.memref_slice %arg14[%dma_start3A_59, %dma_start3A_60] : memref<512x32xf32, #tpu.memory_space<vmem>> -> memref<128x32xf32, #tpu.memory_space<vmem>>
      %dma_start3A_62 = arith.constant 0 : i32
      %dma_start3A_63 = tpu.memref_slice %arg12[%dma_start3A_58, %dma_start3A_62] : memref<4x128xi32, #tpu.memory_space<vmem>> -> memref<1x128xi32, #tpu.memory_space<vmem>>
      %dma_start3A_64 = tpu.memref_squeeze %dma_start3A_63 : memref<1x128xi32, #tpu.memory_space<vmem>> -> memref<128xi32, #tpu.memory_space<vmem>>
      %dma_start3A_65 = arith.constant 0 : i32
      %dma_start3A_66 = arith.constant 0 : i32
      %dma_start3A_67 = tpu.memref_slice %arg6[%dma_start3A_65, %dma_start3A_66] : memref<10240x32xf32, #tpu.memory_space<hbm>> -> memref<10240x32xf32, #tpu.memory_space<hbm>>
      tpu.enqueue_indirect_dma source(%dma_start3A_67 : memref<10240x32xf32, #tpu.memory_space<hbm>>) target(%dma_start3A_61 : memref<128x32xf32, #tpu.memory_space<vmem>>) offsets(%dma_start3A_64 : memref<128xi32, #tpu.memory_space<vmem>>) semaphore(%arg17 : memref<!tpu.dma_semaphore, #tpu.memory_space<semaphore_mem>>)
      %dma_start3A_68 = arith.constant 2 : i32
      %dma_start3A_69 = arith.constant 256 : i32
      %dma_start3A_70 = arith.constant 0 : i32
      %dma_start3A_71 = tpu.memref_slice %arg14[%dma_start3A_69, %dma_start3A_70] : memref<512x32xf32, #tpu.memory_space<vmem>> -> memref<128x32xf32, #tpu.memory_space<vmem>>
      %dma_start3A_72 = arith.constant 0 : i32
      %dma_start3A_73 = tpu.memref_slice %arg12[%dma_start3A_68, %dma_start3A_72] : memref<4x128xi32, #tpu.memory_space<vmem>> -> memref<1x128xi32, #tpu.memory_space<vmem>>
      %dma_start3A_74 = tpu.memref_squeeze %dma_start3A_73 : memref<1x128xi32, #tpu.memory_space<vmem>> -> memref<128xi32, #tpu.memory_space<vmem>>
      %dma_start3A_75 = arith.constant 0 : i32
      %dma_start3A_76 = arith.constant 0 : i32
      %dma_start3A_77 = tpu.memref_slice %arg6[%dma_start3A_75, %dma_start3A_76] : memref<10240x32xf32, #tpu.memory_space<hbm>> -> memref<10240x32xf32, #tpu.memory_space<hbm>>
      tpu.enqueue_indirect_dma source(%dma_start3A_77 : memref<10240x32xf32, #tpu.memory_space<hbm>>) target(%dma_start3A_71 : memref<128x32xf32, #tpu.memory_space<vmem>>) offsets(%dma_start3A_74 : memref<128xi32, #tpu.memory_space<vmem>>) semaphore(%arg17 : memref<!tpu.dma_semaphore, #tpu.memory_space<semaphore_mem>>)
      %dma_start3A_78 = arith.constant 3 : i32
      %dma_start3A_79 = arith.constant 384 : i32
      %dma_start3A_80 = arith.constant 0 : i32
      %dma_start3A_81 = tpu.memref_slice %arg14[%dma_start3A_79, %dma_start3A_80] : memref<512x32xf32, #tpu.memory_space<vmem>> -> memref<128x32xf32, #tpu.memory_space<vmem>>
      %dma_start3A_82 = arith.constant 0 : i32
      %dma_start3A_83 = tpu.memref_slice %arg12[%dma_start3A_78, %dma_start3A_82] : memref<4x128xi32, #tpu.memory_space<vmem>> -> memref<1x128xi32, #tpu.memory_space<vmem>>
      %dma_start3A_84 = tpu.memref_squeeze %dma_start3A_83 : memref<1x128xi32, #tpu.memory_space<vmem>> -> memref<128xi32, #tpu.memory_space<vmem>>
      %dma_start3A_85 = arith.constant 0 : i32
      %dma_start3A_86 = arith.constant 0 : i32
      %dma_start3A_87 = tpu.memref_slice %arg6[%dma_start3A_85, %dma_start3A_86] : memref<10240x32xf32, #tpu.memory_space<hbm>> -> memref<10240x32xf32, #tpu.memory_space<hbm>>
      tpu.enqueue_indirect_dma source(%dma_start3A_87 : memref<10240x32xf32, #tpu.memory_space<hbm>>) target(%dma_start3A_81 : memref<128x32xf32, #tpu.memory_space<vmem>>) offsets(%dma_start3A_84 : memref<128xi32, #tpu.memory_space<vmem>>) semaphore(%arg17 : memref<!tpu.dma_semaphore, #tpu.memory_space<semaphore_mem>>)
      %get3A = arith.constant 0 : i32
      %get3A_88 = arith.index_cast %get3A : i32 to index
      %get3A_89 = arith.constant 0 : index
      %get3A_90 = tpu.vector_load %arg11[%get3A_88, %get3A_89] {strides = array<i32>} : memref<4x128xi32, #tpu.memory_space<vmem>>, vector<16xi32>,
      %get3A_91 = arith.constant 0 : i32
      %get3A_92 = arith.index_cast %get3A_91 : i32 to index
      %get3A_93 = arith.constant 0 : index
      %get3A_94 = tpu.vector_load %arg12[%get3A_92, %get3A_93] {strides = array<i32>} : memref<4x128xi32, #tpu.memory_space<vmem>>, vector<16xi32>,
      %gather3A = tpu.vector_load_idx %arg8[%get3A_90] : memref<10240xf32, #tpu.memory_space<vmem>>[vector<16xi32>], vector<16xf32>,
      %gather3A_95 = tpu.vector_load_idx %arg9[%get3A_94] : memref<10240xf32, #tpu.memory_space<vmem>>[vector<16xi32>], vector<16xf32>,
      %add3A_96 = arith.addf %gather3A, %gather3A_95 : vector<16xf32>
      %ge3A = arith.constant 0.000000e+00 : f32
      %ge3A_97 = vector.broadcast %ge3A : f32 to vector<16xf32>
      %ge3A_98 = arith.cmpf oge, %add3A_96, %ge3A_97 : vector<16xf32>
      %mul3A_99 = arith.constant 2.000000e-01 : f32
      %mul3A_100 = vector.broadcast %mul3A_99 : f32 to vector<16xf32>
      %mul3A_101 = arith.mulf %mul3A_100, %add3A_96 : vector<16xf32>
      %select_n3A = arith.select %ge3A_98, %add3A_96, %mul3A_101 : vector<16xi1>, vector<16xf32>
      %jit3A = arith.constant -2.000000e+00 : f32
      %jit3A_102 = arith.constant 2.000000e+00 : f32
      %max3A = vector.broadcast %jit3A : f32 to vector<16xf32>
      %max3A_103 = arith.maximumf %max3A, %select_n3A : vector<16xf32>
      %min3A = vector.broadcast %jit3A_102 : f32 to vector<16xf32>
      %min3A_104 = arith.minimumf %min3A, %max3A_103 : vector<16xf32>
      %exp3A = math.exp %min3A_104 : vector<16xf32>
      %gather3A_105 = tpu.vector_load_idx %arg10[%get3A_90] : memref<10240xf32, #tpu.memory_space<vmem>>[vector<16xi32>], vector<16xf32>,
      %div3A = arith.divf %exp3A, %gather3A_105 : vector<16xf32>
      %swap3A = arith.constant 0 : i32
      %swap3A_106 = arith.index_cast %swap3A : i32 to index
      %swap3A_107 = arith.constant 0 : index
      %swap3A_108 = tpu.vector_load %arg13[%swap3A_106, %swap3A_107] {strides = array<i32>} : memref<4x128xf32, #tpu.memory_space<vmem>>, vector<16xf32>,
      tpu.vector_store %arg13[%swap3A_106, %swap3A_107], %div3A {strides = array<i32>} : memref<4x128xf32, #tpu.memory_space<vmem>>, vector<16xf32>,
      %get3A_109 = arith.constant 0 : i32
      %get3A_110 = arith.index_cast %get3A_109 : i32 to index
      %get3A_111 = arith.constant 16 : index
      %get3A_112 = tpu.vector_load %arg11[%get3A_110, %get3A_111] {strides = array<i32>} : memref<4x128xi32, #tpu.memory_space<vmem>>, vector<16xi32>,
      %get3A_113 = arith.constant 0 : i32
      %get3A_114 = arith.index_cast %get3A_113 : i32 to index
      %get3A_115 = arith.constant 16 : index
      %get3A_116 = tpu.vector_load %arg12[%get3A_114, %get3A_115] {strides = array<i32>} : memref<4x128xi32, #tpu.memory_space<vmem>>, vector<16xi32>,
      %gather3A_117 = tpu.vector_load_idx %arg8[%get3A_112] : memref<10240xf32, #tpu.memory_space<vmem>>[vector<16xi32>], vector<16xf32>,
      %gather3A_118 = tpu.vector_load_idx %arg9[%get3A_116] : memref<10240xf32, #tpu.memory_space<vmem>>[vector<16xi32>], vector<16xf32>,
      %add3A_119 = arith.addf %gather3A_117, %gather3A_118 : vector<16xf32>
      %ge3A_120 = arith.constant 0.000000e+00 : f32
      %ge3A_121 = vector.broadcast %ge3A_120 : f32 to vector<16xf32>
      %ge3A_122 = arith.cmpf oge, %add3A_119, %ge3A_121 : vector<16xf32>
      %mul3A_123 = arith.constant 2.000000e-01 : f32
      %mul3A_124 = vector.broadcast %mul3A_123 : f32 to vector<16xf32>
      %mul3A_125 = arith.mulf %mul3A_124, %add3A_119 : vector<16xf32>
      %select_n3A_126 = arith.select %ge3A_122, %add3A_119, %mul3A_125 : vector<16xi1>, vector<16xf32>
      %jit3A_127 = arith.constant -2.000000e+00 : f32
      %jit3A_128 = arith.constant 2.000000e+00 : f32
      %max3A_129 = vector.broadcast %jit3A_127 : f32 to vector<16xf32>
      %max3A_130 = arith.maximumf %max3A_129, %select_n3A_126 : vector<16xf32>
      %min3A_131 = vector.broadcast %jit3A_128 : f32 to vector<16xf32>
      %min3A_132 = arith.minimumf %min3A_131, %max3A_130 : vector<16xf32>
      %exp3A_133 = math.exp %min3A_132 : vector<16xf32>
      %gather3A_134 = tpu.vector_load_idx %arg10[%get3A_112] : memref<10240xf32, #tpu.memory_space<vmem>>[vector<16xi32>], vector<16xf32>,
      %div3A_135 = arith.divf %exp3A_133, %gather3A_134 : vector<16xf32>
      %swap3A_136 = arith.constant 0 : i32
      %swap3A_137 = arith.index_cast %swap3A_136 : i32 to index
      %swap3A_138 = arith.constant 16 : index
      %swap3A_139 = tpu.vector_load %arg13[%swap3A_137, %swap3A_138] {strides = array<i32>} : memref<4x128xf32, #tpu.memory_space<vmem>>, vector<16xf32>,
      tpu.vector_store %arg13[%swap3A_137, %swap3A_138], %div3A_135 {strides = array<i32>} : memref<4x128xf32, #tpu.memory_space<vmem>>, vector<16xf32>,
      %get3A_140 = arith.constant 0 : i32
      %get3A_141 = arith.index_cast %get3A_140 : i32 to index
      %get3A_142 = arith.constant 32 : index
      %get3A_143 = tpu.vector_load %arg11[%get3A_141, %get3A_142] {strides = array<i32>} : memref<4x128xi32, #tpu.memory_space<vmem>>, vector<16xi32>,
      %get3A_144 = arith.constant 0 : i32
      %get3A_145 = arith.index_cast %get3A_144 : i32 to index
      %get3A_146 = arith.constant 32 : index
      %get3A_147 = tpu.vector_load %arg12[%get3A_145, %get3A_146] {strides = array<i32>} : memref<4x128xi32, #tpu.memory_space<vmem>>, vector<16xi32>,
      %gather3A_148 = tpu.vector_load_idx %arg8[%get3A_143] : memref<10240xf32, #tpu.memory_space<vmem>>[vector<16xi32>], vector<16xf32>,
      %gather3A_149 = tpu.vector_load_idx %arg9[%get3A_147] : memref<10240xf32, #tpu.memory_space<vmem>>[vector<16xi32>], vector<16xf32>,
      %add3A_150 = arith.addf %gather3A_148, %gather3A_149 : vector<16xf32>
      %ge3A_151 = arith.constant 0.000000e+00 : f32
      %ge3A_152 = vector.broadcast %ge3A_151 : f32 to vector<16xf32>
      %ge3A_153 = arith.cmpf oge, %add3A_150, %ge3A_152 : vector<16xf32>
      %mul3A_154 = arith.constant 2.000000e-01 : f32
      %mul3A_155 = vector.broadcast %mul3A_154 : f32 to vector<16xf32>
      %mul3A_156 = arith.mulf %mul3A_155, %add3A_150 : vector<16xf32>
      %select_n3A_157 = arith.select %ge3A_153, %add3A_150, %mul3A_156 : vector<16xi1>, vector<16xf32>
      %jit3A_158 = arith.constant -2.000000e+00 : f32
      %jit3A_159 = arith.constant 2.000000e+00 : f32
      %max3A_160 = vector.broadcast %jit3A_158 : f32 to vector<16xf32>
      %max3A_161 = arith.maximumf %max3A_160, %select_n3A_157 : vector<16xf32>
      %min3A_162 = vector.broadcast %jit3A_159 : f32 to vector<16xf32>
      %min3A_163 = arith.minimumf %min3A_162, %max3A_161 : vector<16xf32>
      %exp3A_164 = math.exp %min3A_163 : vector<16xf32>
      %gather3A_165 = tpu.vector_load_idx %arg10[%get3A_143] : memref<10240xf32, #tpu.memory_space<vmem>>[vector<16xi32>], vector<16xf32>,
      %div3A_166 = arith.divf %exp3A_164, %gather3A_165 : vector<16xf32>
      %swap3A_167 = arith.constant 0 : i32
      %swap3A_168 = arith.index_cast %swap3A_167 : i32 to index
      %swap3A_169 = arith.constant 32 : index
      %swap3A_170 = tpu.vector_load %arg13[%swap3A_168, %swap3A_169] {strides = array<i32>} : memref<4x128xf32, #tpu.memory_space<vmem>>, vector<16xf32>,
      tpu.vector_store %arg13[%swap3A_168, %swap3A_169], %div3A_166 {strides = array<i32>} : memref<4x128xf32, #tpu.memory_space<vmem>>, vector<16xf32>,
      %get3A_171 = arith.constant 0 : i32
      %get3A_172 = arith.index_cast %get3A_171 : i32 to index
      %get3A_173 = arith.constant 48 : index
      %get3A_174 = tpu.vector_load %arg11[%get3A_172, %get3A_173] {strides = array<i32>} : memref<4x128xi32, #tpu.memory_space<vmem>>, vector<16xi32>,
      %get3A_175 = arith.constant 0 : i32
      %get3A_176 = arith.index_cast %get3A_175 : i32 to index
      %get3A_177 = arith.constant 48 : index
      %get3A_178 = tpu.vector_load %arg12[%get3A_176, %get3A_177] {strides = array<i32>} : memref<4x128xi32, #tpu.memory_space<vmem>>, vector<16xi32>,
      %gather3A_179 = tpu.vector_load_idx %arg8[%get3A_174] : memref<10240xf32, #tpu.memory_space<vmem>>[vector<16xi32>], vector<16xf32>,
      %gather3A_180 = tpu.vector_load_idx %arg9[%get3A_178] : memref<10240xf32, #tpu.memory_space<vmem>>[vector<16xi32>], vector<16xf32>,
      %add3A_181 = arith.addf %gather3A_179, %gather3A_180 : vector<16xf32>
      %ge3A_182 = arith.constant 0.000000e+00 : f32
      %ge3A_183 = vector.broadcast %ge3A_182 : f32 to vector<16xf32>
      %ge3A_184 = arith.cmpf oge, %add3A_181, %ge3A_183 : vector<16xf32>
      %mul3A_185 = arith.constant 2.000000e-01 : f32
      %mul3A_186 = vector.broadcast %mul3A_185 : f32 to vector<16xf32>
      %mul3A_187 = arith.mulf %mul3A_186, %add3A_181 : vector<16xf32>
      %select_n3A_188 = arith.select %ge3A_184, %add3A_181, %mul3A_187 : vector<16xi1>, vector<16xf32>
      %jit3A_189 = arith.constant -2.000000e+00 : f32
      %jit3A_190 = arith.constant 2.000000e+00 : f32
      %max3A_191 = vector.broadcast %jit3A_189 : f32 to vector<16xf32>
      %max3A_192 = arith.maximumf %max3A_191, %select_n3A_188 : vector<16xf32>
      %min3A_193 = vector.broadcast %jit3A_190 : f32 to vector<16xf32>
      %min3A_194 = arith.minimumf %min3A_193, %max3A_192 : vector<16xf32>
      %exp3A_195 = math.exp %min3A_194 : vector<16xf32>
      %gather3A_196 = tpu.vector_load_idx %arg10[%get3A_174] : memref<10240xf32, #tpu.memory_space<vmem>>[vector<16xi32>], vector<16xf32>,
      %div3A_197 = arith.divf %exp3A_195, %gather3A_196 : vector<16xf32>
      %swap3A_198 = arith.constant 0 : i32
      %swap3A_199 = arith.index_cast %swap3A_198 : i32 to index
      %swap3A_200 = arith.constant 48 : index
      %swap3A_201 = tpu.vector_load %arg13[%swap3A_199, %swap3A_200] {strides = array<i32>} : memref<4x128xf32, #tpu.memory_space<vmem>>, vector<16xf32>,
      tpu.vector_store %arg13[%swap3A_199, %swap3A_200], %div3A_197 {strides = array<i32>} : memref<4x128xf32, #tpu.memory_space<vmem>>, vector<16xf32>,
      %get3A_202 = arith.constant 0 : i32
      %get3A_203 = arith.index_cast %get3A_202 : i32 to index
      %get3A_204 = arith.constant 64 : index
      %get3A_205 = tpu.vector_load %arg11[%get3A_203, %get3A_204] {strides = array<i32>} : memref<4x128xi32, #tpu.memory_space<vmem>>, vector<16xi32>,
      %get3A_206 = arith.constant 0 : i32
      %get3A_207 = arith.index_cast %get3A_206 : i32 to index
      %get3A_208 = arith.constant 64 : index
      %get3A_209 = tpu.vector_load %arg12[%get3A_207, %get3A_208] {strides = array<i32>} : memref<4x128xi32, #tpu.memory_space<vmem>>, vector<16xi32>,
      %gather3A_210 = tpu.vector_load_idx %arg8[%get3A_205] : memref<10240xf32, #tpu.memory_space<vmem>>[vector<16xi32>], vector<16xf32>,
      %gather3A_211 = tpu.vector_load_idx %arg9[%get3A_209] : memref<10240xf32, #tpu.memory_space<vmem>>[vector<16xi32>], vector<16xf32>,
      %add3A_212 = arith.addf %gather3A_210, %gather3A_211 : vector<16xf32>
      %ge3A_213 = arith.constant 0.000000e+00 : f32
      %ge3A_214 = vector.broadcast %ge3A_213 : f32 to vector<16xf32>
      %ge3A_215 = arith.cmpf oge, %add3A_212, %ge3A_214 : vector<16xf32>
      %mul3A_216 = arith.constant 2.000000e-01 : f32
      %mul3A_217 = vector.broadcast %mul3A_216 : f32 to vector<16xf32>
      %mul3A_218 = arith.mulf %mul3A_217, %add3A_212 : vector<16xf32>
      %select_n3A_219 = arith.select %ge3A_215, %add3A_212, %mul3A_218 : vector<16xi1>, vector<16xf32>
      %jit3A_220 = arith.constant -2.000000e+00 : f32
      %jit3A_221 = arith.constant 2.000000e+00 : f32
      %max3A_222 = vector.broadcast %jit3A_220 : f32 to vector<16xf32>
      %max3A_223 = arith.maximumf %max3A_222, %select_n3A_219 : vector<16xf32>
      %min3A_224 = vector.broadcast %jit3A_221 : f32 to vector<16xf32>
      %min3A_225 = arith.minimumf %min3A_224, %max3A_223 : vector<16xf32>
      %exp3A_226 = math.exp %min3A_225 : vector<16xf32>
      %gather3A_227 = tpu.vector_load_idx %arg10[%get3A_205] : memref<10240xf32, #tpu.memory_space<vmem>>[vector<16xi32>], vector<16xf32>,
      %div3A_228 = arith.divf %exp3A_226, %gather3A_227 : vector<16xf32>
      %swap3A_229 = arith.constant 0 : i32
      %swap3A_230 = arith.index_cast %swap3A_229 : i32 to index
      %swap3A_231 = arith.constant 64 : index
      %swap3A_232 = tpu.vector_load %arg13[%swap3A_230, %swap3A_231] {strides = array<i32>} : memref<4x128xf32, #tpu.memory_space<vmem>>, vector<16xf32>,
      tpu.vector_store %arg13[%swap3A_230, %swap3A_231], %div3A_228 {strides = array<i32>} : memref<4x128xf32, #tpu.memory_space<vmem>>, vector<16xf32>,
      %get3A_233 = arith.constant 0 : i32
      %get3A_234 = arith.index_cast %get3A_233 : i32 to index
      %get3A_235 = arith.constant 80 : index
      %get3A_236 = tpu.vector_load %arg11[%get3A_234, %get3A_235] {strides = array<i32>} : memref<4x128xi32, #tpu.memory_space<vmem>>, vector<16xi32>,
      %get3A_237 = arith.constant 0 : i32
      %get3A_238 = arith.index_cast %get3A_237 : i32 to index
      %get3A_239 = arith.constant 80 : index
      %get3A_240 = tpu.vector_load %arg12[%get3A_238, %get3A_239] {strides = array<i32>} : memref<4x128xi32, #tpu.memory_space<vmem>>, vector<16xi32>,
      %gather3A_241 = tpu.vector_load_idx %arg8[%get3A_236] : memref<10240xf32, #tpu.memory_space<vmem>>[vector<16xi32>], vector<16xf32>,
      %gather3A_242 = tpu.vector_load_idx %arg9[%get3A_240] : memref<10240xf32, #tpu.memory_space<vmem>>[vector<16xi32>], vector<16xf32>,
      %add3A_243 = arith.addf %gather3A_241, %gather3A_242 : vector<16xf32>
      %ge3A_244 = arith.constant 0.000000e+00 : f32
      %ge3A_245 = vector.broadcast %ge3A_244 : f32 to vector<16xf32>
      %ge3A_246 = arith.cmpf oge, %add3A_243, %ge3A_245 : vector<16xf32>
      %mul3A_247 = arith.constant 2.000000e-01 : f32
      %mul3A_248 = vector.broadcast %mul3A_247 : f32 to vector<16xf32>
      %mul3A_249 = arith.mulf %mul3A_248, %add3A_243 : vector<16xf32>
      %select_n3A_250 = arith.select %ge3A_246, %add3A_243, %mul3A_249 : vector<16xi1>, vector<16xf32>
      %jit3A_251 = arith.constant -2.000000e+00 : f32
      %jit3A_252 = arith.constant 2.000000e+00 : f32
      %max3A_253 = vector.broadcast %jit3A_251 : f32 to vector<16xf32>
      %max3A_254 = arith.maximumf %max3A_253, %select_n3A_250 : vector<16xf32>
      %min3A_255 = vector.broadcast %jit3A_252 : f32 to vector<16xf32>
      %min3A_256 = arith.minimumf %min3A_255, %max3A_254 : vector<16xf32>
      %exp3A_257 = math.exp %min3A_256 : vector<16xf32>
      %gather3A_258 = tpu.vector_load_idx %arg10[%get3A_236] : memref<10240xf32, #tpu.memory_space<vmem>>[vector<16xi32>], vector<16xf32>,
      %div3A_259 = arith.divf %exp3A_257, %gather3A_258 : vector<16xf32>
      %swap3A_260 = arith.constant 0 : i32
      %swap3A_261 = arith.index_cast %swap3A_260 : i32 to index
      %swap3A_262 = arith.constant 80 : index
      %swap3A_263 = tpu.vector_load %arg13[%swap3A_261, %swap3A_262] {strides = array<i32>} : memref<4x128xf32, #tpu.memory_space<vmem>>, vector<16xf32>,
      tpu.vector_store %arg13[%swap3A_261, %swap3A_262], %div3A_259 {strides = array<i32>} : memref<4x128xf32, #tpu.memory_space<vmem>>, vector<16xf32>,
      %get3A_264 = arith.constant 0 : i32
      %get3A_265 = arith.index_cast %get3A_264 : i32 to index
      %get3A_266 = arith.constant 96 : index
      %get3A_267 = tpu.vector_load %arg11[%get3A_265, %get3A_266] {strides = array<i32>} : memref<4x128xi32, #tpu.memory_space<vmem>>, vector<16xi32>,
      %get3A_268 = arith.constant 0 : i32
      %get3A_269 = arith.index_cast %get3A_268 : i32 to index
      %get3A_270 = arith.constant 96 : index
      %get3A_271 = tpu.vector_load %arg12[%get3A_269, %get3A_270] {strides = array<i32>} : memref<4x128xi32, #tpu.memory_space<vmem>>, vector<16xi32>,
      %gather3A_272 = tpu.vector_load_idx %arg8[%get3A_267] : memref<10240xf32, #tpu.memory_space<vmem>>[vector<16xi32>], vector<16xf32>,
      %gather3A_273 = tpu.vector_load_idx %arg9[%get3A_271] : memref<10240xf32, #tpu.memory_space<vmem>>[vector<16xi32>], vector<16xf32>,
      %add3A_274 = arith.addf %gather3A_272, %gather3A_273 : vector<16xf32>
      %ge3A_275 = arith.constant 0.000000e+00 : f32
      %ge3A_276 = vector.broadcast %ge3A_275 : f32 to vector<16xf32>
      %ge3A_277 = arith.cmpf oge, %add3A_274, %ge3A_276 : vector<16xf32>
      %mul3A_278 = arith.constant 2.000000e-01 : f32
      %mul3A_279 = vector.broadcast %mul3A_278 : f32 to vector<16xf32>
      %mul3A_280 = arith.mulf %mul3A_279, %add3A_274 : vector<16xf32>
      %select_n3A_281 = arith.select %ge3A_277, %add3A_274, %mul3A_280 : vector<16xi1>, vector<16xf32>
      %jit3A_282 = arith.constant -2.000000e+00 : f32
      %jit3A_283 = arith.constant 2.000000e+00 : f32
      %max3A_284 = vector.broadcast %jit3A_282 : f32 to vector<16xf32>
      %max3A_285 = arith.maximumf %max3A_284, %select_n3A_281 : vector<16xf32>
      %min3A_286 = vector.broadcast %jit3A_283 : f32 to vector<16xf32>
      %min3A_287 = arith.minimumf %min3A_286, %max3A_285 : vector<16xf32>
      %exp3A_288 = math.exp %min3A_287 : vector<16xf32>
      %gather3A_289 = tpu.vector_load_idx %arg10[%get3A_267] : memref<10240xf32, #tpu.memory_space<vmem>>[vector<16xi32>], vector<16xf32>,
      %div3A_290 = arith.divf %exp3A_288, %gather3A_289 : vector<16xf32>
      %swap3A_291 = arith.constant 0 : i32
      %swap3A_292 = arith.index_cast %swap3A_291 : i32 to index
      %swap3A_293 = arith.constant 96 : index
      %swap3A_294 = tpu.vector_load %arg13[%swap3A_292, %swap3A_293] {strides = array<i32>} : memref<4x128xf32, #tpu.memory_space<vmem>>, vector<16xf32>,
      tpu.vector_store %arg13[%swap3A_292, %swap3A_293], %div3A_290 {strides = array<i32>} : memref<4x128xf32, #tpu.memory_space<vmem>>, vector<16xf32>,
      %get3A_295 = arith.constant 0 : i32
      %get3A_296 = arith.index_cast %get3A_295 : i32 to index
      %get3A_297 = arith.constant 112 : index
      %get3A_298 = tpu.vector_load %arg11[%get3A_296, %get3A_297] {strides = array<i32>} : memref<4x128xi32, #tpu.memory_space<vmem>>, vector<16xi32>,
      %get3A_299 = arith.constant 0 : i32
      %get3A_300 = arith.index_cast %get3A_299 : i32 to index
      %get3A_301 = arith.constant 112 : index
      %get3A_302 = tpu.vector_load %arg12[%get3A_300, %get3A_301] {strides = array<i32>} : memref<4x128xi32, #tpu.memory_space<vmem>>, vector<16xi32>,
      %gather3A_303 = tpu.vector_load_idx %arg8[%get3A_298] : memref<10240xf32, #tpu.memory_space<vmem>>[vector<16xi32>], vector<16xf32>,
      %gather3A_304 = tpu.vector_load_idx %arg9[%get3A_302] : memref<10240xf32, #tpu.memory_space<vmem>>[vector<16xi32>], vector<16xf32>,
      %add3A_305 = arith.addf %gather3A_303, %gather3A_304 : vector<16xf32>
      %ge3A_306 = arith.constant 0.000000e+00 : f32
      %ge3A_307 = vector.broadcast %ge3A_306 : f32 to vector<16xf32>
      %ge3A_308 = arith.cmpf oge, %add3A_305, %ge3A_307 : vector<16xf32>
      %mul3A_309 = arith.constant 2.000000e-01 : f32
      %mul3A_310 = vector.broadcast %mul3A_309 : f32 to vector<16xf32>
      %mul3A_311 = arith.mulf %mul3A_310, %add3A_305 : vector<16xf32>
      %select_n3A_312 = arith.select %ge3A_308, %add3A_305, %mul3A_311 : vector<16xi1>, vector<16xf32>
      %jit3A_313 = arith.constant -2.000000e+00 : f32
      %jit3A_314 = arith.constant 2.000000e+00 : f32
      %max3A_315 = vector.broadcast %jit3A_313 : f32 to vector<16xf32>
      %max3A_316 = arith.maximumf %max3A_315, %select_n3A_312 : vector<16xf32>
      %min3A_317 = vector.broadcast %jit3A_314 : f32 to vector<16xf32>
      %min3A_318 = arith.minimumf %min3A_317, %max3A_316 : vector<16xf32>
      %exp3A_319 = math.exp %min3A_318 : vector<16xf32>
      %gather3A_320 = tpu.vector_load_idx %arg10[%get3A_298] : memref<10240xf32, #tpu.memory_space<vmem>>[vector<16xi32>], vector<16xf32>,
      %div3A_321 = arith.divf %exp3A_319, %gather3A_320 : vector<16xf32>
      %swap3A_322 = arith.constant 0 : i32
      %swap3A_323 = arith.index_cast %swap3A_322 : i32 to index
      %swap3A_324 = arith.constant 112 : index
      %swap3A_325 = tpu.vector_load %arg13[%swap3A_323, %swap3A_324] {strides = array<i32>} : memref<4x128xf32, #tpu.memory_space<vmem>>, vector<16xf32>,
      tpu.vector_store %arg13[%swap3A_323, %swap3A_324], %div3A_321 {strides = array<i32>} : memref<4x128xf32, #tpu.memory_space<vmem>>, vector<16xf32>,
      %get3A_326 = arith.constant 1 : i32
      %get3A_327 = arith.index_cast %get3A_326 : i32 to index
      %get3A_328 = arith.constant 0 : index
      %get3A_329 = tpu.vector_load %arg11[%get3A_327, %get3A_328] {strides = array<i32>} : memref<4x128xi32, #tpu.memory_space<vmem>>, vector<16xi32>,
      %get3A_330 = arith.constant 1 : i32
      %get3A_331 = arith.index_cast %get3A_330 : i32 to index
      %get3A_332 = arith.constant 0 : index
      %get3A_333 = tpu.vector_load %arg12[%get3A_331, %get3A_332] {strides = array<i32>} : memref<4x128xi32, #tpu.memory_space<vmem>>, vector<16xi32>,
      %gather3A_334 = tpu.vector_load_idx %arg8[%get3A_329] : memref<10240xf32, #tpu.memory_space<vmem>>[vector<16xi32>], vector<16xf32>,
      %gather3A_335 = tpu.vector_load_idx %arg9[%get3A_333] : memref<10240xf32, #tpu.memory_space<vmem>>[vector<16xi32>], vector<16xf32>,
      %add3A_336 = arith.addf %gather3A_334, %gather3A_335 : vector<16xf32>
      %ge3A_337 = arith.constant 0.000000e+00 : f32
      %ge3A_338 = vector.broadcast %ge3A_337 : f32 to vector<16xf32>
      %ge3A_339 = arith.cmpf oge, %add3A_336, %ge3A_338 : vector<16xf32>
      %mul3A_340 = arith.constant 2.000000e-01 : f32
      %mul3A_341 = vector.broadcast %mul3A_340 : f32 to vector<16xf32>
      %mul3A_342 = arith.mulf %mul3A_341, %add3A_336 : vector<16xf32>
      %select_n3A_343 = arith.select %ge3A_339, %add3A_336, %mul3A_342 : vector<16xi1>, vector<16xf32>
      %jit3A_344 = arith.constant -2.000000e+00 : f32
      %jit3A_345 = arith.constant 2.000000e+00 : f32
      %max3A_346 = vector.broadcast %jit3A_344 : f32 to vector<16xf32>
      %max3A_347 = arith.maximumf %max3A_346, %select_n3A_343 : vector<16xf32>
      %min3A_348 = vector.broadcast %jit3A_345 : f32 to vector<16xf32>
      %min3A_349 = arith.minimumf %min3A_348, %max3A_347 : vector<16xf32>
      %exp3A_350 = math.exp %min3A_349 : vector<16xf32>
      %gather3A_351 = tpu.vector_load_idx %arg10[%get3A_329] : memref<10240xf32, #tpu.memory_space<vmem>>[vector<16xi32>], vector<16xf32>,
      %div3A_352 = arith.divf %exp3A_350, %gather3A_351 : vector<16xf32>
      %swap3A_353 = arith.constant 1 : i32
      %swap3A_354 = arith.index_cast %swap3A_353 : i32 to index
      %swap3A_355 = arith.constant 0 : index
      %swap3A_356 = tpu.vector_load %arg13[%swap3A_354, %swap3A_355] {strides = array<i32>} : memref<4x128xf32, #tpu.memory_space<vmem>>, vector<16xf32>,
      tpu.vector_store %arg13[%swap3A_354, %swap3A_355], %div3A_352 {strides = array<i32>} : memref<4x128xf32, #tpu.memory_space<vmem>>, vector<16xf32>,
      %get3A_357 = arith.constant 1 : i32
      %get3A_358 = arith.index_cast %get3A_357 : i32 to index
      %get3A_359 = arith.constant 16 : index
      %get3A_360 = tpu.vector_load %arg11[%get3A_358, %get3A_359] {strides = array<i32>} : memref<4x128xi32, #tpu.memory_space<vmem>>, vector<16xi32>,
      %get3A_361 = arith.constant 1 : i32
      %get3A_362 = arith.index_cast %get3A_361 : i32 to index
      %get3A_363 = arith.constant 16 : index
      %get3A_364 = tpu.vector_load %arg12[%get3A_362, %get3A_363] {strides = array<i32>} : memref<4x128xi32, #tpu.memory_space<vmem>>, vector<16xi32>,
      %gather3A_365 = tpu.vector_load_idx %arg8[%get3A_360] : memref<10240xf32, #tpu.memory_space<vmem>>[vector<16xi32>], vector<16xf32>,
      %gather3A_366 = tpu.vector_load_idx %arg9[%get3A_364] : memref<10240xf32, #tpu.memory_space<vmem>>[vector<16xi32>], vector<16xf32>,
      %add3A_367 = arith.addf %gather3A_365, %gather3A_366 : vector<16xf32>
      %ge3A_368 = arith.constant 0.000000e+00 : f32
      %ge3A_369 = vector.broadcast %ge3A_368 : f32 to vector<16xf32>
      %ge3A_370 = arith.cmpf oge, %add3A_367, %ge3A_369 : vector<16xf32>
      %mul3A_371 = arith.constant 2.000000e-01 : f32
      %mul3A_372 = vector.broadcast %mul3A_371 : f32 to vector<16xf32>
      %mul3A_373 = arith.mulf %mul3A_372, %add3A_367 : vector<16xf32>
      %select_n3A_374 = arith.select %ge3A_370, %add3A_367, %mul3A_373 : vector<16xi1>, vector<16xf32>
      %jit3A_375 = arith.constant -2.000000e+00 : f32
      %jit3A_376 = arith.constant 2.000000e+00 : f32
      %max3A_377 = vector.broadcast %jit3A_375 : f32 to vector<16xf32>
      %max3A_378 = arith.maximumf %max3A_377, %select_n3A_374 : vector<16xf32>
      %min3A_379 = vector.broadcast %jit3A_376 : f32 to vector<16xf32>
      %min3A_380 = arith.minimumf %min3A_379, %max3A_378 : vector<16xf32>
      %exp3A_381 = math.exp %min3A_380 : vector<16xf32>
      %gather3A_382 = tpu.vector_load_idx %arg10[%get3A_360] : memref<10240xf32, #tpu.memory_space<vmem>>[vector<16xi32>], vector<16xf32>,
      %div3A_383 = arith.divf %exp3A_381, %gather3A_382 : vector<16xf32>
      %swap3A_384 = arith.constant 1 : i32
      %swap3A_385 = arith.index_cast %swap3A_384 : i32 to index
      %swap3A_386 = arith.constant 16 : index
      %swap3A_387 = tpu.vector_load %arg13[%swap3A_385, %swap3A_386] {strides = array<i32>} : memref<4x128xf32, #tpu.memory_space<vmem>>, vector<16xf32>,
      tpu.vector_store %arg13[%swap3A_385, %swap3A_386], %div3A_383 {strides = array<i32>} : memref<4x128xf32, #tpu.memory_space<vmem>>, vector<16xf32>,
      %get3A_388 = arith.constant 1 : i32
      %get3A_389 = arith.index_cast %get3A_388 : i32 to index
      %get3A_390 = arith.constant 32 : index
      %get3A_391 = tpu.vector_load %arg11[%get3A_389, %get3A_390] {strides = array<i32>} : memref<4x128xi32, #tpu.memory_space<vmem>>, vector<16xi32>,
      %get3A_392 = arith.constant 1 : i32
      %get3A_393 = arith.index_cast %get3A_392 : i32 to index
      %get3A_394 = arith.constant 32 : index
      %get3A_395 = tpu.vector_load %arg12[%get3A_393, %get3A_394] {strides = array<i32>} : memref<4x128xi32, #tpu.memory_space<vmem>>, vector<16xi32>,
      %gather3A_396 = tpu.vector_load_idx %arg8[%get3A_391] : memref<10240xf32, #tpu.memory_space<vmem>>[vector<16xi32>], vector<16xf32>,
      %gather3A_397 = tpu.vector_load_idx %arg9[%get3A_395] : memref<10240xf32, #tpu.memory_space<vmem>>[vector<16xi32>], vector<16xf32>,
      %add3A_398 = arith.addf %gather3A_396, %gather3A_397 : vector<16xf32>
      %ge3A_399 = arith.constant 0.000000e+00 : f32
      %ge3A_400 = vector.broadcast %ge3A_399 : f32 to vector<16xf32>
      %ge3A_401 = arith.cmpf oge, %add3A_398, %ge3A_400 : vector<16xf32>
      %mul3A_402 = arith.constant 2.000000e-01 : f32
      %mul3A_403 = vector.broadcast %mul3A_402 : f32 to vector<16xf32>
      %mul3A_404 = arith.mulf %mul3A_403, %add3A_398 : vector<16xf32>
      %select_n3A_405 = arith.select %ge3A_401, %add3A_398, %mul3A_404 : vector<16xi1>, vector<16xf32>
      %jit3A_406 = arith.constant -2.000000e+00 : f32
      %jit3A_407 = arith.constant 2.000000e+00 : f32
      %max3A_408 = vector.broadcast %jit3A_406 : f32 to vector<16xf32>
      %max3A_409 = arith.maximumf %max3A_408, %select_n3A_405 : vector<16xf32>
      %min3A_410 = vector.broadcast %jit3A_407 : f32 to vector<16xf32>
      %min3A_411 = arith.minimumf %min3A_410, %max3A_409 : vector<16xf32>
      %exp3A_412 = math.exp %min3A_411 : vector<16xf32>
      %gather3A_413 = tpu.vector_load_idx %arg10[%get3A_391] : memref<10240xf32, #tpu.memory_space<vmem>>[vector<16xi32>], vector<16xf32>,
      %div3A_414 = arith.divf %exp3A_412, %gather3A_413 : vector<16xf32>
      %swap3A_415 = arith.constant 1 : i32
      %swap3A_416 = arith.index_cast %swap3A_415 : i32 to index
      %swap3A_417 = arith.constant 32 : index
      %swap3A_418 = tpu.vector_load %arg13[%swap3A_416, %swap3A_417] {strides = array<i32>} : memref<4x128xf32, #tpu.memory_space<vmem>>, vector<16xf32>,
      tpu.vector_store %arg13[%swap3A_416, %swap3A_417], %div3A_414 {strides = array<i32>} : memref<4x128xf32, #tpu.memory_space<vmem>>, vector<16xf32>,
      %get3A_419 = arith.constant 1 : i32
      %get3A_420 = arith.index_cast %get3A_419 : i32 to index
      %get3A_421 = arith.constant 48 : index
      %get3A_422 = tpu.vector_load %arg11[%get3A_420, %get3A_421] {strides = array<i32>} : memref<4x128xi32, #tpu.memory_space<vmem>>, vector<16xi32>,
      %get3A_423 = arith.constant 1 : i32
      %get3A_424 = arith.index_cast %get3A_423 : i32 to index
      %get3A_425 = arith.constant 48 : index
      %get3A_426 = tpu.vector_load %arg12[%get3A_424, %get3A_425] {strides = array<i32>} : memref<4x128xi32, #tpu.memory_space<vmem>>, vector<16xi32>,
      %gather3A_427 = tpu.vector_load_idx %arg8[%get3A_422] : memref<10240xf32, #tpu.memory_space<vmem>>[vector<16xi32>], vector<16xf32>,
      %gather3A_428 = tpu.vector_load_idx %arg9[%get3A_426] : memref<10240xf32, #tpu.memory_space<vmem>>[vector<16xi32>], vector<16xf32>,
      %add3A_429 = arith.addf %gather3A_427, %gather3A_428 : vector<16xf32>
      %ge3A_430 = arith.constant 0.000000e+00 : f32
      %ge3A_431 = vector.broadcast %ge3A_430 : f32 to vector<16xf32>
      %ge3A_432 = arith.cmpf oge, %add3A_429, %ge3A_431 : vector<16xf32>
      %mul3A_433 = arith.constant 2.000000e-01 : f32
      %mul3A_434 = vector.broadcast %mul3A_433 : f32 to vector<16xf32>
      %mul3A_435 = arith.mulf %mul3A_434, %add3A_429 : vector<16xf32>
      %select_n3A_436 = arith.select %ge3A_432, %add3A_429, %mul3A_435 : vector<16xi1>, vector<16xf32>
      %jit3A_437 = arith.constant -2.000000e+00 : f32
      %jit3A_438 = arith.constant 2.000000e+00 : f32
      %max3A_439 = vector.broadcast %jit3A_437 : f32 to vector<16xf32>
      %max3A_440 = arith.maximumf %max3A_439, %select_n3A_436 : vector<16xf32>
      %min3A_441 = vector.broadcast %jit3A_438 : f32 to vector<16xf32>
      %min3A_442 = arith.minimumf %min3A_441, %max3A_440 : vector<16xf32>
      %exp3A_443 = math.exp %min3A_442 : vector<16xf32>
      %gather3A_444 = tpu.vector_load_idx %arg10[%get3A_422] : memref<10240xf32, #tpu.memory_space<vmem>>[vector<16xi32>], vector<16xf32>,
      %div3A_445 = arith.divf %exp3A_443, %gather3A_444 : vector<16xf32>
      %swap3A_446 = arith.constant 1 : i32
      %swap3A_447 = arith.index_cast %swap3A_446 : i32 to index
      %swap3A_448 = arith.constant 48 : index
      %swap3A_449 = tpu.vector_load %arg13[%swap3A_447, %swap3A_448] {strides = array<i32>} : memref<4x128xf32, #tpu.memory_space<vmem>>, vector<16xf32>,
      tpu.vector_store %arg13[%swap3A_447, %swap3A_448], %div3A_445 {strides = array<i32>} : memref<4x128xf32, #tpu.memory_space<vmem>>, vector<16xf32>,
      %get3A_450 = arith.constant 1 : i32
      %get3A_451 = arith.index_cast %get3A_450 : i32 to index
      %get3A_452 = arith.constant 64 : index
      %get3A_453 = tpu.vector_load %arg11[%get3A_451, %get3A_452] {strides = array<i32>} : memref<4x128xi32, #tpu.memory_space<vmem>>, vector<16xi32>,
      %get3A_454 = arith.constant 1 : i32
      %get3A_455 = arith.index_cast %get3A_454 : i32 to index
      %get3A_456 = arith.constant 64 : index
      %get3A_457 = tpu.vector_load %arg12[%get3A_455, %get3A_456] {strides = array<i32>} : memref<4x128xi32, #tpu.memory_space<vmem>>, vector<16xi32>,
      %gather3A_458 = tpu.vector_load_idx %arg8[%get3A_453] : memref<10240xf32, #tpu.memory_space<vmem>>[vector<16xi32>], vector<16xf32>,
      %gather3A_459 = tpu.vector_load_idx %arg9[%get3A_457] : memref<10240xf32, #tpu.memory_space<vmem>>[vector<16xi32>], vector<16xf32>,
      %add3A_460 = arith.addf %gather3A_458, %gather3A_459 : vector<16xf32>
      %ge3A_461 = arith.constant 0.000000e+00 : f32
      %ge3A_462 = vector.broadcast %ge3A_461 : f32 to vector<16xf32>
      %ge3A_463 = arith.cmpf oge, %add3A_460, %ge3A_462 : vector<16xf32>
      %mul3A_464 = arith.constant 2.000000e-01 : f32
      %mul3A_465 = vector.broadcast %mul3A_464 : f32 to vector<16xf32>
      %mul3A_466 = arith.mulf %mul3A_465, %add3A_460 : vector<16xf32>
      %select_n3A_467 = arith.select %ge3A_463, %add3A_460, %mul3A_466 : vector<16xi1>, vector<16xf32>
      %jit3A_468 = arith.constant -2.000000e+00 : f32
      %jit3A_469 = arith.constant 2.000000e+00 : f32
      %max3A_470 = vector.broadcast %jit3A_468 : f32 to vector<16xf32>
      %max3A_471 = arith.maximumf %max3A_470, %select_n3A_467 : vector<16xf32>
      %min3A_472 = vector.broadcast %jit3A_469 : f32 to vector<16xf32>
      %min3A_473 = arith.minimumf %min3A_472, %max3A_471 : vector<16xf32>
      %exp3A_474 = math.exp %min3A_473 : vector<16xf32>
      %gather3A_475 = tpu.vector_load_idx %arg10[%get3A_453] : memref<10240xf32, #tpu.memory_space<vmem>>[vector<16xi32>], vector<16xf32>,
      %div3A_476 = arith.divf %exp3A_474, %gather3A_475 : vector<16xf32>
      %swap3A_477 = arith.constant 1 : i32
      %swap3A_478 = arith.index_cast %swap3A_477 : i32 to index
      %swap3A_479 = arith.constant 64 : index
      %swap3A_480 = tpu.vector_load %arg13[%swap3A_478, %swap3A_479] {strides = array<i32>} : memref<4x128xf32, #tpu.memory_space<vmem>>, vector<16xf32>,
      tpu.vector_store %arg13[%swap3A_478, %swap3A_479], %div3A_476 {strides = array<i32>} : memref<4x128xf32, #tpu.memory_space<vmem>>, vector<16xf32>,
      %get3A_481 = arith.constant 1 : i32
      %get3A_482 = arith.index_cast %get3A_481 : i32 to index
      %get3A_483 = arith.constant 80 : index
      %get3A_484 = tpu.vector_load %arg11[%get3A_482, %get3A_483] {strides = array<i32>} : memref<4x128xi32, #tpu.memory_space<vmem>>, vector<16xi32>,
      %get3A_485 = arith.constant 1 : i32
      %get3A_486 = arith.index_cast %get3A_485 : i32 to index
      %get3A_487 = arith.constant 80 : index
      %get3A_488 = tpu.vector_load %arg12[%get3A_486, %get3A_487] {strides = array<i32>} : memref<4x128xi32, #tpu.memory_space<vmem>>, vector<16xi32>,
      %gather3A_489 = tpu.vector_load_idx %arg8[%get3A_484] : memref<10240xf32, #tpu.memory_space<vmem>>[vector<16xi32>], vector<16xf32>,
      %gather3A_490 = tpu.vector_load_idx %arg9[%get3A_488] : memref<10240xf32, #tpu.memory_space<vmem>>[vector<16xi32>], vector<16xf32>,
      %add3A_491 = arith.addf %gather3A_489, %gather3A_490 : vector<16xf32>
      %ge3A_492 = arith.constant 0.000000e+00 : f32
      %ge3A_493 = vector.broadcast %ge3A_492 : f32 to vector<16xf32>
      %ge3A_494 = arith.cmpf oge, %add3A_491, %ge3A_493 : vector<16xf32>
      %mul3A_495 = arith.constant 2.000000e-01 : f32
      %mul3A_496 = vector.broadcast %mul3A_495 : f32 to vector<16xf32>
      %mul3A_497 = arith.mulf %mul3A_496, %add3A_491 : vector<16xf32>
      %select_n3A_498 = arith.select %ge3A_494, %add3A_491, %mul3A_497 : vector<16xi1>, vector<16xf32>
      %jit3A_499 = arith.constant -2.000000e+00 : f32
      %jit3A_500 = arith.constant 2.000000e+00 : f32
      %max3A_501 = vector.broadcast %jit3A_499 : f32 to vector<16xf32>
      %max3A_502 = arith.maximumf %max3A_501, %select_n3A_498 : vector<16xf32>
      %min3A_503 = vector.broadcast %jit3A_500 : f32 to vector<16xf32>
      %min3A_504 = arith.minimumf %min3A_503, %max3A_502 : vector<16xf32>
      %exp3A_505 = math.exp %min3A_504 : vector<16xf32>
      %gather3A_506 = tpu.vector_load_idx %arg10[%get3A_484] : memref<10240xf32, #tpu.memory_space<vmem>>[vector<16xi32>], vector<16xf32>,
      %div3A_507 = arith.divf %exp3A_505, %gather3A_506 : vector<16xf32>
      %swap3A_508 = arith.constant 1 : i32
      %swap3A_509 = arith.index_cast %swap3A_508 : i32 to index
      %swap3A_510 = arith.constant 80 : index
      %swap3A_511 = tpu.vector_load %arg13[%swap3A_509, %swap3A_510] {strides = array<i32>} : memref<4x128xf32, #tpu.memory_space<vmem>>, vector<16xf32>,
      tpu.vector_store %arg13[%swap3A_509, %swap3A_510], %div3A_507 {strides = array<i32>} : memref<4x128xf32, #tpu.memory_space<vmem>>, vector<16xf32>,
      %get3A_512 = arith.constant 1 : i32
      %get3A_513 = arith.index_cast %get3A_512 : i32 to index
      %get3A_514 = arith.constant 96 : index
      %get3A_515 = tpu.vector_load %arg11[%get3A_513, %get3A_514] {strides = array<i32>} : memref<4x128xi32, #tpu.memory_space<vmem>>, vector<16xi32>,
      %get3A_516 = arith.constant 1 : i32
      %get3A_517 = arith.index_cast %get3A_516 : i32 to index
      %get3A_518 = arith.constant 96 : index
      %get3A_519 = tpu.vector_load %arg12[%get3A_517, %get3A_518] {strides = array<i32>} : memref<4x128xi32, #tpu.memory_space<vmem>>, vector<16xi32>,
      %gather3A_520 = tpu.vector_load_idx %arg8[%get3A_515] : memref<10240xf32, #tpu.memory_space<vmem>>[vector<16xi32>], vector<16xf32>,
      %gather3A_521 = tpu.vector_load_idx %arg9[%get3A_519] : memref<10240xf32, #tpu.memory_space<vmem>>[vector<16xi32>], vector<16xf32>,
      %add3A_522 = arith.addf %gather3A_520, %gather3A_521 : vector<16xf32>
      %ge3A_523 = arith.constant 0.000000e+00 : f32
      %ge3A_524 = vector.broadcast %ge3A_523 : f32 to vector<16xf32>
      %ge3A_525 = arith.cmpf oge, %add3A_522, %ge3A_524 : vector<16xf32>
      %mul3A_526 = arith.constant 2.000000e-01 : f32
      %mul3A_527 = vector.broadcast %mul3A_526 : f32 to vector<16xf32>
      %mul3A_528 = arith.mulf %mul3A_527, %add3A_522 : vector<16xf32>
      %select_n3A_529 = arith.select %ge3A_525, %add3A_522, %mul3A_528 : vector<16xi1>, vector<16xf32>
      %jit3A_530 = arith.constant -2.000000e+00 : f32
      %jit3A_531 = arith.constant 2.000000e+00 : f32
      %max3A_532 = vector.broadcast %jit3A_530 : f32 to vector<16xf32>
      %max3A_533 = arith.maximumf %max3A_532, %select_n3A_529 : vector<16xf32>
      %min3A_534 = vector.broadcast %jit3A_531 : f32 to vector<16xf32>
      %min3A_535 = arith.minimumf %min3A_534, %max3A_533 : vector<16xf32>
      %exp3A_536 = math.exp %min3A_535 : vector<16xf32>
      %gather3A_537 = tpu.vector_load_idx %arg10[%get3A_515] : memref<10240xf32, #tpu.memory_space<vmem>>[vector<16xi32>], vector<16xf32>,
      %div3A_538 = arith.divf %exp3A_536, %gather3A_537 : vector<16xf32>
      %swap3A_539 = arith.constant 1 : i32
      %swap3A_540 = arith.index_cast %swap3A_539 : i32 to index
      %swap3A_541 = arith.constant 96 : index
      %swap3A_542 = tpu.vector_load %arg13[%swap3A_540, %swap3A_541] {strides = array<i32>} : memref<4x128xf32, #tpu.memory_space<vmem>>, vector<16xf32>,
      tpu.vector_store %arg13[%swap3A_540, %swap3A_541], %div3A_538 {strides = array<i32>} : memref<4x128xf32, #tpu.memory_space<vmem>>, vector<16xf32>,
      %get3A_543 = arith.constant 1 : i32
      %get3A_544 = arith.index_cast %get3A_543 : i32 to index
      %get3A_545 = arith.constant 112 : index
      %get3A_546 = tpu.vector_load %arg11[%get3A_544, %get3A_545] {strides = array<i32>} : memref<4x128xi32, #tpu.memory_space<vmem>>, vector<16xi32>,
      %get3A_547 = arith.constant 1 : i32
      %get3A_548 = arith.index_cast %get3A_547 : i32 to index
      %get3A_549 = arith.constant 112 : index
      %get3A_550 = tpu.vector_load %arg12[%get3A_548, %get3A_549] {strides = array<i32>} : memref<4x128xi32, #tpu.memory_space<vmem>>, vector<16xi32>,
      %gather3A_551 = tpu.vector_load_idx %arg8[%get3A_546] : memref<10240xf32, #tpu.memory_space<vmem>>[vector<16xi32>], vector<16xf32>,
      %gather3A_552 = tpu.vector_load_idx %arg9[%get3A_550] : memref<10240xf32, #tpu.memory_space<vmem>>[vector<16xi32>], vector<16xf32>,
      %add3A_553 = arith.addf %gather3A_551, %gather3A_552 : vector<16xf32>
      %ge3A_554 = arith.constant 0.000000e+00 : f32
      %ge3A_555 = vector.broadcast %ge3A_554 : f32 to vector<16xf32>
      %ge3A_556 = arith.cmpf oge, %add3A_553, %ge3A_555 : vector<16xf32>
      %mul3A_557 = arith.constant 2.000000e-01 : f32
      %mul3A_558 = vector.broadcast %mul3A_557 : f32 to vector<16xf32>
      %mul3A_559 = arith.mulf %mul3A_558, %add3A_553 : vector<16xf32>
      %select_n3A_560 = arith.select %ge3A_556, %add3A_553, %mul3A_559 : vector<16xi1>, vector<16xf32>
      %jit3A_561 = arith.constant -2.000000e+00 : f32
      %jit3A_562 = arith.constant 2.000000e+00 : f32
      %max3A_563 = vector.broadcast %jit3A_561 : f32 to vector<16xf32>
      %max3A_564 = arith.maximumf %max3A_563, %select_n3A_560 : vector<16xf32>
      %min3A_565 = vector.broadcast %jit3A_562 : f32 to vector<16xf32>
      %min3A_566 = arith.minimumf %min3A_565, %max3A_564 : vector<16xf32>
      %exp3A_567 = math.exp %min3A_566 : vector<16xf32>
      %gather3A_568 = tpu.vector_load_idx %arg10[%get3A_546] : memref<10240xf32, #tpu.memory_space<vmem>>[vector<16xi32>], vector<16xf32>,
      %div3A_569 = arith.divf %exp3A_567, %gather3A_568 : vector<16xf32>
      %swap3A_570 = arith.constant 1 : i32
      %swap3A_571 = arith.index_cast %swap3A_570 : i32 to index
      %swap3A_572 = arith.constant 112 : index
      %swap3A_573 = tpu.vector_load %arg13[%swap3A_571, %swap3A_572] {strides = array<i32>} : memref<4x128xf32, #tpu.memory_space<vmem>>, vector<16xf32>,
      tpu.vector_store %arg13[%swap3A_571, %swap3A_572], %div3A_569 {strides = array<i32>} : memref<4x128xf32, #tpu.memory_space<vmem>>, vector<16xf32>,
      %get3A_574 = arith.constant 2 : i32
      %get3A_575 = arith.index_cast %get3A_574 : i32 to index
      %get3A_576 = arith.constant 0 : index
      %get3A_577 = tpu.vector_load %arg11[%get3A_575, %get3A_576] {strides = array<i32>} : memref<4x128xi32, #tpu.memory_space<vmem>>, vector<16xi32>,
      %get3A_578 = arith.constant 2 : i32
      %get3A_579 = arith.index_cast %get3A_578 : i32 to index
      %get3A_580 = arith.constant 0 : index
      %get3A_581 = tpu.vector_load %arg12[%get3A_579, %get3A_580] {strides = array<i32>} : memref<4x128xi32, #tpu.memory_space<vmem>>, vector<16xi32>,
      %gather3A_582 = tpu.vector_load_idx %arg8[%get3A_577] : memref<10240xf32, #tpu.memory_space<vmem>>[vector<16xi32>], vector<16xf32>,
      %gather3A_583 = tpu.vector_load_idx %arg9[%get3A_581] : memref<10240xf32, #tpu.memory_space<vmem>>[vector<16xi32>], vector<16xf32>,
      %add3A_584 = arith.addf %gather3A_582, %gather3A_583 : vector<16xf32>
      %ge3A_585 = arith.constant 0.000000e+00 : f32
      %ge3A_586 = vector.broadcast %ge3A_585 : f32 to vector<16xf32>
      %ge3A_587 = arith.cmpf oge, %add3A_584, %ge3A_586 : vector<16xf32>
      %mul3A_588 = arith.constant 2.000000e-01 : f32
      %mul3A_589 = vector.broadcast %mul3A_588 : f32 to vector<16xf32>
      %mul3A_590 = arith.mulf %mul3A_589, %add3A_584 : vector<16xf32>
      %select_n3A_591 = arith.select %ge3A_587, %add3A_584, %mul3A_590 : vector<16xi1>, vector<16xf32>
      %jit3A_592 = arith.constant -2.000000e+00 : f32
      %jit3A_593 = arith.constant 2.000000e+00 : f32
      %max3A_594 = vector.broadcast %jit3A_592 : f32 to vector<16xf32>
      %max3A_595 = arith.maximumf %max3A_594, %select_n3A_591 : vector<16xf32>
      %min3A_596 = vector.broadcast %jit3A_593 : f32 to vector<16xf32>
      %min3A_597 = arith.minimumf %min3A_596, %max3A_595 : vector<16xf32>
      %exp3A_598 = math.exp %min3A_597 : vector<16xf32>
      %gather3A_599 = tpu.vector_load_idx %arg10[%get3A_577] : memref<10240xf32, #tpu.memory_space<vmem>>[vector<16xi32>], vector<16xf32>,
      %div3A_600 = arith.divf %exp3A_598, %gather3A_599 : vector<16xf32>
      %swap3A_601 = arith.constant 2 : i32
      %swap3A_602 = arith.index_cast %swap3A_601 : i32 to index
      %swap3A_603 = arith.constant 0 : index
      %swap3A_604 = tpu.vector_load %arg13[%swap3A_602, %swap3A_603] {strides = array<i32>} : memref<4x128xf32, #tpu.memory_space<vmem>>, vector<16xf32>,
      tpu.vector_store %arg13[%swap3A_602, %swap3A_603], %div3A_600 {strides = array<i32>} : memref<4x128xf32, #tpu.memory_space<vmem>>, vector<16xf32>,
      %get3A_605 = arith.constant 2 : i32
      %get3A_606 = arith.index_cast %get3A_605 : i32 to index
      %get3A_607 = arith.constant 16 : index
      %get3A_608 = tpu.vector_load %arg11[%get3A_606, %get3A_607] {strides = array<i32>} : memref<4x128xi32, #tpu.memory_space<vmem>>, vector<16xi32>,
      %get3A_609 = arith.constant 2 : i32
      %get3A_610 = arith.index_cast %get3A_609 : i32 to index
      %get3A_611 = arith.constant 16 : index
      %get3A_612 = tpu.vector_load %arg12[%get3A_610, %get3A_611] {strides = array<i32>} : memref<4x128xi32, #tpu.memory_space<vmem>>, vector<16xi32>,
      %gather3A_613 = tpu.vector_load_idx %arg8[%get3A_608] : memref<10240xf32, #tpu.memory_space<vmem>>[vector<16xi32>], vector<16xf32>,
      %gather3A_614 = tpu.vector_load_idx %arg9[%get3A_612] : memref<10240xf32, #tpu.memory_space<vmem>>[vector<16xi32>], vector<16xf32>,
      %add3A_615 = arith.addf %gather3A_613, %gather3A_614 : vector<16xf32>
      %ge3A_616 = arith.constant 0.000000e+00 : f32
      %ge3A_617 = vector.broadcast %ge3A_616 : f32 to vector<16xf32>
      %ge3A_618 = arith.cmpf oge, %add3A_615, %ge3A_617 : vector<16xf32>
      %mul3A_619 = arith.constant 2.000000e-01 : f32
      %mul3A_620 = vector.broadcast %mul3A_619 : f32 to vector<16xf32>
      %mul3A_621 = arith.mulf %mul3A_620, %add3A_615 : vector<16xf32>
      %select_n3A_622 = arith.select %ge3A_618, %add3A_615, %mul3A_621 : vector<16xi1>, vector<16xf32>
      %jit3A_623 = arith.constant -2.000000e+00 : f32
      %jit3A_624 = arith.constant 2.000000e+00 : f32
      %max3A_625 = vector.broadcast %jit3A_623 : f32 to vector<16xf32>
      %max3A_626 = arith.maximumf %max3A_625, %select_n3A_622 : vector<16xf32>
      %min3A_627 = vector.broadcast %jit3A_624 : f32 to vector<16xf32>
      %min3A_628 = arith.minimumf %min3A_627, %max3A_626 : vector<16xf32>
      %exp3A_629 = math.exp %min3A_628 : vector<16xf32>
      %gather3A_630 = tpu.vector_load_idx %arg10[%get3A_608] : memref<10240xf32, #tpu.memory_space<vmem>>[vector<16xi32>], vector<16xf32>,
      %div3A_631 = arith.divf %exp3A_629, %gather3A_630 : vector<16xf32>
      %swap3A_632 = arith.constant 2 : i32
      %swap3A_633 = arith.index_cast %swap3A_632 : i32 to index
      %swap3A_634 = arith.constant 16 : index
      %swap3A_635 = tpu.vector_load %arg13[%swap3A_633, %swap3A_634] {strides = array<i32>} : memref<4x128xf32, #tpu.memory_space<vmem>>, vector<16xf32>,
      tpu.vector_store %arg13[%swap3A_633, %swap3A_634], %div3A_631 {strides = array<i32>} : memref<4x128xf32, #tpu.memory_space<vmem>>, vector<16xf32>,
      %get3A_636 = arith.constant 2 : i32
      %get3A_637 = arith.index_cast %get3A_636 : i32 to index
      %get3A_638 = arith.constant 32 : index
      %get3A_639 = tpu.vector_load %arg11[%get3A_637, %get3A_638] {strides = array<i32>} : memref<4x128xi32, #tpu.memory_space<vmem>>, vector<16xi32>,
      %get3A_640 = arith.constant 2 : i32
      %get3A_641 = arith.index_cast %get3A_640 : i32 to index
      %get3A_642 = arith.constant 32 : index
      %get3A_643 = tpu.vector_load %arg12[%get3A_641, %get3A_642] {strides = array<i32>} : memref<4x128xi32, #tpu.memory_space<vmem>>, vector<16xi32>,
      %gather3A_644 = tpu.vector_load_idx %arg8[%get3A_639] : memref<10240xf32, #tpu.memory_space<vmem>>[vector<16xi32>], vector<16xf32>,
      %gather3A_645 = tpu.vector_load_idx %arg9[%get3A_643] : memref<10240xf32, #tpu.memory_space<vmem>>[vector<16xi32>], vector<16xf32>,
      %add3A_646 = arith.addf %gather3A_644, %gather3A_645 : vector<16xf32>
      %ge3A_647 = arith.constant 0.000000e+00 : f32
      %ge3A_648 = vector.broadcast %ge3A_647 : f32 to vector<16xf32>
      %ge3A_649 = arith.cmpf oge, %add3A_646, %ge3A_648 : vector<16xf32>
      %mul3A_650 = arith.constant 2.000000e-01 : f32
      %mul3A_651 = vector.broadcast %mul3A_650 : f32 to vector<16xf32>
      %mul3A_652 = arith.mulf %mul3A_651, %add3A_646 : vector<16xf32>
      %select_n3A_653 = arith.select %ge3A_649, %add3A_646, %mul3A_652 : vector<16xi1>, vector<16xf32>
      %jit3A_654 = arith.constant -2.000000e+00 : f32
      %jit3A_655 = arith.constant 2.000000e+00 : f32
      %max3A_656 = vector.broadcast %jit3A_654 : f32 to vector<16xf32>
      %max3A_657 = arith.maximumf %max3A_656, %select_n3A_653 : vector<16xf32>
      %min3A_658 = vector.broadcast %jit3A_655 : f32 to vector<16xf32>
      %min3A_659 = arith.minimumf %min3A_658, %max3A_657 : vector<16xf32>
      %exp3A_660 = math.exp %min3A_659 : vector<16xf32>
      %gather3A_661 = tpu.vector_load_idx %arg10[%get3A_639] : memref<10240xf32, #tpu.memory_space<vmem>>[vector<16xi32>], vector<16xf32>,
      %div3A_662 = arith.divf %exp3A_660, %gather3A_661 : vector<16xf32>
      %swap3A_663 = arith.constant 2 : i32
      %swap3A_664 = arith.index_cast %swap3A_663 : i32 to index
      %swap3A_665 = arith.constant 32 : index
      %swap3A_666 = tpu.vector_load %arg13[%swap3A_664, %swap3A_665] {strides = array<i32>} : memref<4x128xf32, #tpu.memory_space<vmem>>, vector<16xf32>,
      tpu.vector_store %arg13[%swap3A_664, %swap3A_665], %div3A_662 {strides = array<i32>} : memref<4x128xf32, #tpu.memory_space<vmem>>, vector<16xf32>,
      %get3A_667 = arith.constant 2 : i32
      %get3A_668 = arith.index_cast %get3A_667 : i32 to index
      %get3A_669 = arith.constant 48 : index
      %get3A_670 = tpu.vector_load %arg11[%get3A_668, %get3A_669] {strides = array<i32>} : memref<4x128xi32, #tpu.memory_space<vmem>>, vector<16xi32>,
      %get3A_671 = arith.constant 2 : i32
      %get3A_672 = arith.index_cast %get3A_671 : i32 to index
      %get3A_673 = arith.constant 48 : index
      %get3A_674 = tpu.vector_load %arg12[%get3A_672, %get3A_673] {strides = array<i32>} : memref<4x128xi32, #tpu.memory_space<vmem>>, vector<16xi32>,
      %gather3A_675 = tpu.vector_load_idx %arg8[%get3A_670] : memref<10240xf32, #tpu.memory_space<vmem>>[vector<16xi32>], vector<16xf32>,
      %gather3A_676 = tpu.vector_load_idx %arg9[%get3A_674] : memref<10240xf32, #tpu.memory_space<vmem>>[vector<16xi32>], vector<16xf32>,
      %add3A_677 = arith.addf %gather3A_675, %gather3A_676 : vector<16xf32>
      %ge3A_678 = arith.constant 0.000000e+00 : f32
      %ge3A_679 = vector.broadcast %ge3A_678 : f32 to vector<16xf32>
      %ge3A_680 = arith.cmpf oge, %add3A_677, %ge3A_679 : vector<16xf32>
      %mul3A_681 = arith.constant 2.000000e-01 : f32
      %mul3A_682 = vector.broadcast %mul3A_681 : f32 to vector<16xf32>
      %mul3A_683 = arith.mulf %mul3A_682, %add3A_677 : vector<16xf32>
      %select_n3A_684 = arith.select %ge3A_680, %add3A_677, %mul3A_683 : vector<16xi1>, vector<16xf32>
      %jit3A_685 = arith.constant -2.000000e+00 : f32
      %jit3A_686 = arith.constant 2.000000e+00 : f32
      %max3A_687 = vector.broadcast %jit3A_685 : f32 to vector<16xf32>
      %max3A_688 = arith.maximumf %max3A_687, %select_n3A_684 : vector<16xf32>
      %min3A_689 = vector.broadcast %jit3A_686 : f32 to vector<16xf32>
      %min3A_690 = arith.minimumf %min3A_689, %max3A_688 : vector<16xf32>
      %exp3A_691 = math.exp %min3A_690 : vector<16xf32>
      %gather3A_692 = tpu.vector_load_idx %arg10[%get3A_670] : memref<10240xf32, #tpu.memory_space<vmem>>[vector<16xi32>], vector<16xf32>,
      %div3A_693 = arith.divf %exp3A_691, %gather3A_692 : vector<16xf32>
      %swap3A_694 = arith.constant 2 : i32
      %swap3A_695 = arith.index_cast %swap3A_694 : i32 to index
      %swap3A_696 = arith.constant 48 : index
      %swap3A_697 = tpu.vector_load %arg13[%swap3A_695, %swap3A_696] {strides = array<i32>} : memref<4x128xf32, #tpu.memory_space<vmem>>, vector<16xf32>,
      tpu.vector_store %arg13[%swap3A_695, %swap3A_696], %div3A_693 {strides = array<i32>} : memref<4x128xf32, #tpu.memory_space<vmem>>, vector<16xf32>,
      %get3A_698 = arith.constant 2 : i32
      %get3A_699 = arith.index_cast %get3A_698 : i32 to index
      %get3A_700 = arith.constant 64 : index
      %get3A_701 = tpu.vector_load %arg11[%get3A_699, %get3A_700] {strides = array<i32>} : memref<4x128xi32, #tpu.memory_space<vmem>>, vector<16xi32>,
      %get3A_702 = arith.constant 2 : i32
      %get3A_703 = arith.index_cast %get3A_702 : i32 to index
      %get3A_704 = arith.constant 64 : index
      %get3A_705 = tpu.vector_load %arg12[%get3A_703, %get3A_704] {strides = array<i32>} : memref<4x128xi32, #tpu.memory_space<vmem>>, vector<16xi32>,
      %gather3A_706 = tpu.vector_load_idx %arg8[%get3A_701] : memref<10240xf32, #tpu.memory_space<vmem>>[vector<16xi32>], vector<16xf32>,
      %gather3A_707 = tpu.vector_load_idx %arg9[%get3A_705] : memref<10240xf32, #tpu.memory_space<vmem>>[vector<16xi32>], vector<16xf32>,
      %add3A_708 = arith.addf %gather3A_706, %gather3A_707 : vector<16xf32>
      %ge3A_709 = arith.constant 0.000000e+00 : f32
      %ge3A_710 = vector.broadcast %ge3A_709 : f32 to vector<16xf32>
      %ge3A_711 = arith.cmpf oge, %add3A_708, %ge3A_710 : vector<16xf32>
      %mul3A_712 = arith.constant 2.000000e-01 : f32
      %mul3A_713 = vector.broadcast %mul3A_712 : f32 to vector<16xf32>
      %mul3A_714 = arith.mulf %mul3A_713, %add3A_708 : vector<16xf32>
      %select_n3A_715 = arith.select %ge3A_711, %add3A_708, %mul3A_714 : vector<16xi1>, vector<16xf32>
      %jit3A_716 = arith.constant -2.000000e+00 : f32
      %jit3A_717 = arith.constant 2.000000e+00 : f32
      %max3A_718 = vector.broadcast %jit3A_716 : f32 to vector<16xf32>
      %max3A_719 = arith.maximumf %max3A_718, %select_n3A_715 : vector<16xf32>
      %min3A_720 = vector.broadcast %jit3A_717 : f32 to vector<16xf32>
      %min3A_721 = arith.minimumf %min3A_720, %max3A_719 : vector<16xf32>
      %exp3A_722 = math.exp %min3A_721 : vector<16xf32>
      %gather3A_723 = tpu.vector_load_idx %arg10[%get3A_701] : memref<10240xf32, #tpu.memory_space<vmem>>[vector<16xi32>], vector<16xf32>,
      %div3A_724 = arith.divf %exp3A_722, %gather3A_723 : vector<16xf32>
      %swap3A_725 = arith.constant 2 : i32
      %swap3A_726 = arith.index_cast %swap3A_725 : i32 to index
      %swap3A_727 = arith.constant 64 : index
      %swap3A_728 = tpu.vector_load %arg13[%swap3A_726, %swap3A_727] {strides = array<i32>} : memref<4x128xf32, #tpu.memory_space<vmem>>, vector<16xf32>,
      tpu.vector_store %arg13[%swap3A_726, %swap3A_727], %div3A_724 {strides = array<i32>} : memref<4x128xf32, #tpu.memory_space<vmem>>, vector<16xf32>,
      %get3A_729 = arith.constant 2 : i32
      %get3A_730 = arith.index_cast %get3A_729 : i32 to index
      %get3A_731 = arith.constant 80 : index
      %get3A_732 = tpu.vector_load %arg11[%get3A_730, %get3A_731] {strides = array<i32>} : memref<4x128xi32, #tpu.memory_space<vmem>>, vector<16xi32>,
      %get3A_733 = arith.constant 2 : i32
      %get3A_734 = arith.index_cast %get3A_733 : i32 to index
      %get3A_735 = arith.constant 80 : index
      %get3A_736 = tpu.vector_load %arg12[%get3A_734, %get3A_735] {strides = array<i32>} : memref<4x128xi32, #tpu.memory_space<vmem>>, vector<16xi32>,
      %gather3A_737 = tpu.vector_load_idx %arg8[%get3A_732] : memref<10240xf32, #tpu.memory_space<vmem>>[vector<16xi32>], vector<16xf32>,
      %gather3A_738 = tpu.vector_load_idx %arg9[%get3A_736] : memref<10240xf32, #tpu.memory_space<vmem>>[vector<16xi32>], vector<16xf32>,
      %add3A_739 = arith.addf %gather3A_737, %gather3A_738 : vector<16xf32>
      %ge3A_740 = arith.constant 0.000000e+00 : f32
      %ge3A_741 = vector.broadcast %ge3A_740 : f32 to vector<16xf32>
      %ge3A_742 = arith.cmpf oge, %add3A_739, %ge3A_741 : vector<16xf32>
      %mul3A_743 = arith.constant 2.000000e-01 : f32
      %mul3A_744 = vector.broadcast %mul3A_743 : f32 to vector<16xf32>
      %mul3A_745 = arith.mulf %mul3A_744, %add3A_739 : vector<16xf32>
      %select_n3A_746 = arith.select %ge3A_742, %add3A_739, %mul3A_745 : vector<16xi1>, vector<16xf32>
      %jit3A_747 = arith.constant -2.000000e+00 : f32
      %jit3A_748 = arith.constant 2.000000e+00 : f32
      %max3A_749 = vector.broadcast %jit3A_747 : f32 to vector<16xf32>
      %max3A_750 = arith.maximumf %max3A_749, %select_n3A_746 : vector<16xf32>
      %min3A_751 = vector.broadcast %jit3A_748 : f32 to vector<16xf32>
      %min3A_752 = arith.minimumf %min3A_751, %max3A_750 : vector<16xf32>
      %exp3A_753 = math.exp %min3A_752 : vector<16xf32>
      %gather3A_754 = tpu.vector_load_idx %arg10[%get3A_732] : memref<10240xf32, #tpu.memory_space<vmem>>[vector<16xi32>], vector<16xf32>,
      %div3A_755 = arith.divf %exp3A_753, %gather3A_754 : vector<16xf32>
      %swap3A_756 = arith.constant 2 : i32
      %swap3A_757 = arith.index_cast %swap3A_756 : i32 to index
      %swap3A_758 = arith.constant 80 : index
      %swap3A_759 = tpu.vector_load %arg13[%swap3A_757, %swap3A_758] {strides = array<i32>} : memref<4x128xf32, #tpu.memory_space<vmem>>, vector<16xf32>,
      tpu.vector_store %arg13[%swap3A_757, %swap3A_758], %div3A_755 {strides = array<i32>} : memref<4x128xf32, #tpu.memory_space<vmem>>, vector<16xf32>,
      %get3A_760 = arith.constant 2 : i32
      %get3A_761 = arith.index_cast %get3A_760 : i32 to index
      %get3A_762 = arith.constant 96 : index
      %get3A_763 = tpu.vector_load %arg11[%get3A_761, %get3A_762] {strides = array<i32>} : memref<4x128xi32, #tpu.memory_space<vmem>>, vector<16xi32>,
      %get3A_764 = arith.constant 2 : i32
      %get3A_765 = arith.index_cast %get3A_764 : i32 to index
      %get3A_766 = arith.constant 96 : index
      %get3A_767 = tpu.vector_load %arg12[%get3A_765, %get3A_766] {strides = array<i32>} : memref<4x128xi32, #tpu.memory_space<vmem>>, vector<16xi32>,
      %gather3A_768 = tpu.vector_load_idx %arg8[%get3A_763] : memref<10240xf32, #tpu.memory_space<vmem>>[vector<16xi32>], vector<16xf32>,
      %gather3A_769 = tpu.vector_load_idx %arg9[%get3A_767] : memref<10240xf32, #tpu.memory_space<vmem>>[vector<16xi32>], vector<16xf32>,
      %add3A_770 = arith.addf %gather3A_768, %gather3A_769 : vector<16xf32>
      %ge3A_771 = arith.constant 0.000000e+00 : f32
      %ge3A_772 = vector.broadcast %ge3A_771 : f32 to vector<16xf32>
      %ge3A_773 = arith.cmpf oge, %add3A_770, %ge3A_772 : vector<16xf32>
      %mul3A_774 = arith.constant 2.000000e-01 : f32
      %mul3A_775 = vector.broadcast %mul3A_774 : f32 to vector<16xf32>
      %mul3A_776 = arith.mulf %mul3A_775, %add3A_770 : vector<16xf32>
      %select_n3A_777 = arith.select %ge3A_773, %add3A_770, %mul3A_776 : vector<16xi1>, vector<16xf32>
      %jit3A_778 = arith.constant -2.000000e+00 : f32
      %jit3A_779 = arith.constant 2.000000e+00 : f32
      %max3A_780 = vector.broadcast %jit3A_778 : f32 to vector<16xf32>
      %max3A_781 = arith.maximumf %max3A_780, %select_n3A_777 : vector<16xf32>
      %min3A_782 = vector.broadcast %jit3A_779 : f32 to vector<16xf32>
      %min3A_783 = arith.minimumf %min3A_782, %max3A_781 : vector<16xf32>
      %exp3A_784 = math.exp %min3A_783 : vector<16xf32>
      %gather3A_785 = tpu.vector_load_idx %arg10[%get3A_763] : memref<10240xf32, #tpu.memory_space<vmem>>[vector<16xi32>], vector<16xf32>,
      %div3A_786 = arith.divf %exp3A_784, %gather3A_785 : vector<16xf32>
      %swap3A_787 = arith.constant 2 : i32
      %swap3A_788 = arith.index_cast %swap3A_787 : i32 to index
      %swap3A_789 = arith.constant 96 : index
      %swap3A_790 = tpu.vector_load %arg13[%swap3A_788, %swap3A_789] {strides = array<i32>} : memref<4x128xf32, #tpu.memory_space<vmem>>, vector<16xf32>,
      tpu.vector_store %arg13[%swap3A_788, %swap3A_789], %div3A_786 {strides = array<i32>} : memref<4x128xf32, #tpu.memory_space<vmem>>, vector<16xf32>,
      %get3A_791 = arith.constant 2 : i32
      %get3A_792 = arith.index_cast %get3A_791 : i32 to index
      %get3A_793 = arith.constant 112 : index
      %get3A_794 = tpu.vector_load %arg11[%get3A_792, %get3A_793] {strides = array<i32>} : memref<4x128xi32, #tpu.memory_space<vmem>>, vector<16xi32>,
      %get3A_795 = arith.constant 2 : i32
      %get3A_796 = arith.index_cast %get3A_795 : i32 to index
      %get3A_797 = arith.constant 112 : index
      %get3A_798 = tpu.vector_load %arg12[%get3A_796, %get3A_797] {strides = array<i32>} : memref<4x128xi32, #tpu.memory_space<vmem>>, vector<16xi32>,
      %gather3A_799 = tpu.vector_load_idx %arg8[%get3A_794] : memref<10240xf32, #tpu.memory_space<vmem>>[vector<16xi32>], vector<16xf32>,
      %gather3A_800 = tpu.vector_load_idx %arg9[%get3A_798] : memref<10240xf32, #tpu.memory_space<vmem>>[vector<16xi32>], vector<16xf32>,
      %add3A_801 = arith.addf %gather3A_799, %gather3A_800 : vector<16xf32>
      %ge3A_802 = arith.constant 0.000000e+00 : f32
      %ge3A_803 = vector.broadcast %ge3A_802 : f32 to vector<16xf32>
      %ge3A_804 = arith.cmpf oge, %add3A_801, %ge3A_803 : vector<16xf32>
      %mul3A_805 = arith.constant 2.000000e-01 : f32
      %mul3A_806 = vector.broadcast %mul3A_805 : f32 to vector<16xf32>
      %mul3A_807 = arith.mulf %mul3A_806, %add3A_801 : vector<16xf32>
      %select_n3A_808 = arith.select %ge3A_804, %add3A_801, %mul3A_807 : vector<16xi1>, vector<16xf32>
      %jit3A_809 = arith.constant -2.000000e+00 : f32
      %jit3A_810 = arith.constant 2.000000e+00 : f32
      %max3A_811 = vector.broadcast %jit3A_809 : f32 to vector<16xf32>
      %max3A_812 = arith.maximumf %max3A_811, %select_n3A_808 : vector<16xf32>
      %min3A_813 = vector.broadcast %jit3A_810 : f32 to vector<16xf32>
      %min3A_814 = arith.minimumf %min3A_813, %max3A_812 : vector<16xf32>
      %exp3A_815 = math.exp %min3A_814 : vector<16xf32>
      %gather3A_816 = tpu.vector_load_idx %arg10[%get3A_794] : memref<10240xf32, #tpu.memory_space<vmem>>[vector<16xi32>], vector<16xf32>,
      %div3A_817 = arith.divf %exp3A_815, %gather3A_816 : vector<16xf32>
      %swap3A_818 = arith.constant 2 : i32
      %swap3A_819 = arith.index_cast %swap3A_818 : i32 to index
      %swap3A_820 = arith.constant 112 : index
      %swap3A_821 = tpu.vector_load %arg13[%swap3A_819, %swap3A_820] {strides = array<i32>} : memref<4x128xf32, #tpu.memory_space<vmem>>, vector<16xf32>,
      tpu.vector_store %arg13[%swap3A_819, %swap3A_820], %div3A_817 {strides = array<i32>} : memref<4x128xf32, #tpu.memory_space<vmem>>, vector<16xf32>,
      %get3A_822 = arith.constant 3 : i32
      %get3A_823 = arith.index_cast %get3A_822 : i32 to index
      %get3A_824 = arith.constant 0 : index
      %get3A_825 = tpu.vector_load %arg11[%get3A_823, %get3A_824] {strides = array<i32>} : memref<4x128xi32, #tpu.memory_space<vmem>>, vector<16xi32>,
      %get3A_826 = arith.constant 3 : i32
      %get3A_827 = arith.index_cast %get3A_826 : i32 to index
      %get3A_828 = arith.constant 0 : index
      %get3A_829 = tpu.vector_load %arg12[%get3A_827, %get3A_828] {strides = array<i32>} : memref<4x128xi32, #tpu.memory_space<vmem>>, vector<16xi32>,
      %gather3A_830 = tpu.vector_load_idx %arg8[%get3A_825] : memref<10240xf32, #tpu.memory_space<vmem>>[vector<16xi32>], vector<16xf32>,
      %gather3A_831 = tpu.vector_load_idx %arg9[%get3A_829] : memref<10240xf32, #tpu.memory_space<vmem>>[vector<16xi32>], vector<16xf32>,
      %add3A_832 = arith.addf %gather3A_830, %gather3A_831 : vector<16xf32>
      %ge3A_833 = arith.constant 0.000000e+00 : f32
      %ge3A_834 = vector.broadcast %ge3A_833 : f32 to vector<16xf32>
      %ge3A_835 = arith.cmpf oge, %add3A_832, %ge3A_834 : vector<16xf32>
      %mul3A_836 = arith.constant 2.000000e-01 : f32
      %mul3A_837 = vector.broadcast %mul3A_836 : f32 to vector<16xf32>
      %mul3A_838 = arith.mulf %mul3A_837, %add3A_832 : vector<16xf32>
      %select_n3A_839 = arith.select %ge3A_835, %add3A_832, %mul3A_838 : vector<16xi1>, vector<16xf32>
      %jit3A_840 = arith.constant -2.000000e+00 : f32
      %jit3A_841 = arith.constant 2.000000e+00 : f32
      %max3A_842 = vector.broadcast %jit3A_840 : f32 to vector<16xf32>
      %max3A_843 = arith.maximumf %max3A_842, %select_n3A_839 : vector<16xf32>
      %min3A_844 = vector.broadcast %jit3A_841 : f32 to vector<16xf32>
      %min3A_845 = arith.minimumf %min3A_844, %max3A_843 : vector<16xf32>
      %exp3A_846 = math.exp %min3A_845 : vector<16xf32>
      %gather3A_847 = tpu.vector_load_idx %arg10[%get3A_825] : memref<10240xf32, #tpu.memory_space<vmem>>[vector<16xi32>], vector<16xf32>,
      %div3A_848 = arith.divf %exp3A_846, %gather3A_847 : vector<16xf32>
      %swap3A_849 = arith.constant 3 : i32
      %swap3A_850 = arith.index_cast %swap3A_849 : i32 to index
      %swap3A_851 = arith.constant 0 : index
      %swap3A_852 = tpu.vector_load %arg13[%swap3A_850, %swap3A_851] {strides = array<i32>} : memref<4x128xf32, #tpu.memory_space<vmem>>, vector<16xf32>,
      tpu.vector_store %arg13[%swap3A_850, %swap3A_851], %div3A_848 {strides = array<i32>} : memref<4x128xf32, #tpu.memory_space<vmem>>, vector<16xf32>,
      %get3A_853 = arith.constant 3 : i32
      %get3A_854 = arith.index_cast %get3A_853 : i32 to index
      %get3A_855 = arith.constant 16 : index
      %get3A_856 = tpu.vector_load %arg11[%get3A_854, %get3A_855] {strides = array<i32>} : memref<4x128xi32, #tpu.memory_space<vmem>>, vector<16xi32>,
      %get3A_857 = arith.constant 3 : i32
      %get3A_858 = arith.index_cast %get3A_857 : i32 to index
      %get3A_859 = arith.constant 16 : index
      %get3A_860 = tpu.vector_load %arg12[%get3A_858, %get3A_859] {strides = array<i32>} : memref<4x128xi32, #tpu.memory_space<vmem>>, vector<16xi32>,
      %gather3A_861 = tpu.vector_load_idx %arg8[%get3A_856] : memref<10240xf32, #tpu.memory_space<vmem>>[vector<16xi32>], vector<16xf32>,
      %gather3A_862 = tpu.vector_load_idx %arg9[%get3A_860] : memref<10240xf32, #tpu.memory_space<vmem>>[vector<16xi32>], vector<16xf32>,
      %add3A_863 = arith.addf %gather3A_861, %gather3A_862 : vector<16xf32>
      %ge3A_864 = arith.constant 0.000000e+00 : f32
      %ge3A_865 = vector.broadcast %ge3A_864 : f32 to vector<16xf32>
      %ge3A_866 = arith.cmpf oge, %add3A_863, %ge3A_865 : vector<16xf32>
      %mul3A_867 = arith.constant 2.000000e-01 : f32
      %mul3A_868 = vector.broadcast %mul3A_867 : f32 to vector<16xf32>
      %mul3A_869 = arith.mulf %mul3A_868, %add3A_863 : vector<16xf32>
      %select_n3A_870 = arith.select %ge3A_866, %add3A_863, %mul3A_869 : vector<16xi1>, vector<16xf32>
      %jit3A_871 = arith.constant -2.000000e+00 : f32
      %jit3A_872 = arith.constant 2.000000e+00 : f32
      %max3A_873 = vector.broadcast %jit3A_871 : f32 to vector<16xf32>
      %max3A_874 = arith.maximumf %max3A_873, %select_n3A_870 : vector<16xf32>
      %min3A_875 = vector.broadcast %jit3A_872 : f32 to vector<16xf32>
      %min3A_876 = arith.minimumf %min3A_875, %max3A_874 : vector<16xf32>
      %exp3A_877 = math.exp %min3A_876 : vector<16xf32>
      %gather3A_878 = tpu.vector_load_idx %arg10[%get3A_856] : memref<10240xf32, #tpu.memory_space<vmem>>[vector<16xi32>], vector<16xf32>,
      %div3A_879 = arith.divf %exp3A_877, %gather3A_878 : vector<16xf32>
      %swap3A_880 = arith.constant 3 : i32
      %swap3A_881 = arith.index_cast %swap3A_880 : i32 to index
      %swap3A_882 = arith.constant 16 : index
      %swap3A_883 = tpu.vector_load %arg13[%swap3A_881, %swap3A_882] {strides = array<i32>} : memref<4x128xf32, #tpu.memory_space<vmem>>, vector<16xf32>,
      tpu.vector_store %arg13[%swap3A_881, %swap3A_882], %div3A_879 {strides = array<i32>} : memref<4x128xf32, #tpu.memory_space<vmem>>, vector<16xf32>,
      %get3A_884 = arith.constant 3 : i32
      %get3A_885 = arith.index_cast %get3A_884 : i32 to index
      %get3A_886 = arith.constant 32 : index
      %get3A_887 = tpu.vector_load %arg11[%get3A_885, %get3A_886] {strides = array<i32>} : memref<4x128xi32, #tpu.memory_space<vmem>>, vector<16xi32>,
      %get3A_888 = arith.constant 3 : i32
      %get3A_889 = arith.index_cast %get3A_888 : i32 to index
      %get3A_890 = arith.constant 32 : index
      %get3A_891 = tpu.vector_load %arg12[%get3A_889, %get3A_890] {strides = array<i32>} : memref<4x128xi32, #tpu.memory_space<vmem>>, vector<16xi32>,
      %gather3A_892 = tpu.vector_load_idx %arg8[%get3A_887] : memref<10240xf32, #tpu.memory_space<vmem>>[vector<16xi32>], vector<16xf32>,
      %gather3A_893 = tpu.vector_load_idx %arg9[%get3A_891] : memref<10240xf32, #tpu.memory_space<vmem>>[vector<16xi32>], vector<16xf32>,
      %add3A_894 = arith.addf %gather3A_892, %gather3A_893 : vector<16xf32>
      %ge3A_895 = arith.constant 0.000000e+00 : f32
      %ge3A_896 = vector.broadcast %ge3A_895 : f32 to vector<16xf32>
      %ge3A_897 = arith.cmpf oge, %add3A_894, %ge3A_896 : vector<16xf32>
      %mul3A_898 = arith.constant 2.000000e-01 : f32
      %mul3A_899 = vector.broadcast %mul3A_898 : f32 to vector<16xf32>
      %mul3A_900 = arith.mulf %mul3A_899, %add3A_894 : vector<16xf32>
      %select_n3A_901 = arith.select %ge3A_897, %add3A_894, %mul3A_900 : vector<16xi1>, vector<16xf32>
      %jit3A_902 = arith.constant -2.000000e+00 : f32
      %jit3A_903 = arith.constant 2.000000e+00 : f32
      %max3A_904 = vector.broadcast %jit3A_902 : f32 to vector<16xf32>
      %max3A_905 = arith.maximumf %max3A_904, %select_n3A_901 : vector<16xf32>
      %min3A_906 = vector.broadcast %jit3A_903 : f32 to vector<16xf32>
      %min3A_907 = arith.minimumf %min3A_906, %max3A_905 : vector<16xf32>
      %exp3A_908 = math.exp %min3A_907 : vector<16xf32>
      %gather3A_909 = tpu.vector_load_idx %arg10[%get3A_887] : memref<10240xf32, #tpu.memory_space<vmem>>[vector<16xi32>], vector<16xf32>,
      %div3A_910 = arith.divf %exp3A_908, %gather3A_909 : vector<16xf32>
      %swap3A_911 = arith.constant 3 : i32
      %swap3A_912 = arith.index_cast %swap3A_911 : i32 to index
      %swap3A_913 = arith.constant 32 : index
      %swap3A_914 = tpu.vector_load %arg13[%swap3A_912, %swap3A_913] {strides = array<i32>} : memref<4x128xf32, #tpu.memory_space<vmem>>, vector<16xf32>,
      tpu.vector_store %arg13[%swap3A_912, %swap3A_913], %div3A_910 {strides = array<i32>} : memref<4x128xf32, #tpu.memory_space<vmem>>, vector<16xf32>,
      %get3A_915 = arith.constant 3 : i32
      %get3A_916 = arith.index_cast %get3A_915 : i32 to index
      %get3A_917 = arith.constant 48 : index
      %get3A_918 = tpu.vector_load %arg11[%get3A_916, %get3A_917] {strides = array<i32>} : memref<4x128xi32, #tpu.memory_space<vmem>>, vector<16xi32>,
      %get3A_919 = arith.constant 3 : i32
      %get3A_920 = arith.index_cast %get3A_919 : i32 to index
      %get3A_921 = arith.constant 48 : index
      %get3A_922 = tpu.vector_load %arg12[%get3A_920, %get3A_921] {strides = array<i32>} : memref<4x128xi32, #tpu.memory_space<vmem>>, vector<16xi32>,
      %gather3A_923 = tpu.vector_load_idx %arg8[%get3A_918] : memref<10240xf32, #tpu.memory_space<vmem>>[vector<16xi32>], vector<16xf32>,
      %gather3A_924 = tpu.vector_load_idx %arg9[%get3A_922] : memref<10240xf32, #tpu.memory_space<vmem>>[vector<16xi32>], vector<16xf32>,
      %add3A_925 = arith.addf %gather3A_923, %gather3A_924 : vector<16xf32>
      %ge3A_926 = arith.constant 0.000000e+00 : f32
      %ge3A_927 = vector.broadcast %ge3A_926 : f32 to vector<16xf32>
      %ge3A_928 = arith.cmpf oge, %add3A_925, %ge3A_927 : vector<16xf32>
      %mul3A_929 = arith.constant 2.000000e-01 : f32
      %mul3A_930 = vector.broadcast %mul3A_929 : f32 to vector<16xf32>
      %mul3A_931 = arith.mulf %mul3A_930, %add3A_925 : vector<16xf32>
      %select_n3A_932 = arith.select %ge3A_928, %add3A_925, %mul3A_931 : vector<16xi1>, vector<16xf32>
      %jit3A_933 = arith.constant -2.000000e+00 : f32
      %jit3A_934 = arith.constant 2.000000e+00 : f32
      %max3A_935 = vector.broadcast %jit3A_933 : f32 to vector<16xf32>
      %max3A_936 = arith.maximumf %max3A_935, %select_n3A_932 : vector<16xf32>
      %min3A_937 = vector.broadcast %jit3A_934 : f32 to vector<16xf32>
      %min3A_938 = arith.minimumf %min3A_937, %max3A_936 : vector<16xf32>
      %exp3A_939 = math.exp %min3A_938 : vector<16xf32>
      %gather3A_940 = tpu.vector_load_idx %arg10[%get3A_918] : memref<10240xf32, #tpu.memory_space<vmem>>[vector<16xi32>], vector<16xf32>,
      %div3A_941 = arith.divf %exp3A_939, %gather3A_940 : vector<16xf32>
      %swap3A_942 = arith.constant 3 : i32
      %swap3A_943 = arith.index_cast %swap3A_942 : i32 to index
      %swap3A_944 = arith.constant 48 : index
      %swap3A_945 = tpu.vector_load %arg13[%swap3A_943, %swap3A_944] {strides = array<i32>} : memref<4x128xf32, #tpu.memory_space<vmem>>, vector<16xf32>,
      tpu.vector_store %arg13[%swap3A_943, %swap3A_944], %div3A_941 {strides = array<i32>} : memref<4x128xf32, #tpu.memory_space<vmem>>, vector<16xf32>,
      %get3A_946 = arith.constant 3 : i32
      %get3A_947 = arith.index_cast %get3A_946 : i32 to index
      %get3A_948 = arith.constant 64 : index
      %get3A_949 = tpu.vector_load %arg11[%get3A_947, %get3A_948] {strides = array<i32>} : memref<4x128xi32, #tpu.memory_space<vmem>>, vector<16xi32>,
      %get3A_950 = arith.constant 3 : i32
      %get3A_951 = arith.index_cast %get3A_950 : i32 to index
      %get3A_952 = arith.constant 64 : index
      %get3A_953 = tpu.vector_load %arg12[%get3A_951, %get3A_952] {strides = array<i32>} : memref<4x128xi32, #tpu.memory_space<vmem>>, vector<16xi32>,
      %gather3A_954 = tpu.vector_load_idx %arg8[%get3A_949] : memref<10240xf32, #tpu.memory_space<vmem>>[vector<16xi32>], vector<16xf32>,
      %gather3A_955 = tpu.vector_load_idx %arg9[%get3A_953] : memref<10240xf32, #tpu.memory_space<vmem>>[vector<16xi32>], vector<16xf32>,
      %add3A_956 = arith.addf %gather3A_954, %gather3A_955 : vector<16xf32>
      %ge3A_957 = arith.constant 0.000000e+00 : f32
      %ge3A_958 = vector.broadcast %ge3A_957 : f32 to vector<16xf32>
      %ge3A_959 = arith.cmpf oge, %add3A_956, %ge3A_958 : vector<16xf32>
      %mul3A_960 = arith.constant 2.000000e-01 : f32
      %mul3A_961 = vector.broadcast %mul3A_960 : f32 to vector<16xf32>
      %mul3A_962 = arith.mulf %mul3A_961, %add3A_956 : vector<16xf32>
      %select_n3A_963 = arith.select %ge3A_959, %add3A_956, %mul3A_962 : vector<16xi1>, vector<16xf32>
      %jit3A_964 = arith.constant -2.000000e+00 : f32
      %jit3A_965 = arith.constant 2.000000e+00 : f32
      %max3A_966 = vector.broadcast %jit3A_964 : f32 to vector<16xf32>
      %max3A_967 = arith.maximumf %max3A_966, %select_n3A_963 : vector<16xf32>
      %min3A_968 = vector.broadcast %jit3A_965 : f32 to vector<16xf32>
      %min3A_969 = arith.minimumf %min3A_968, %max3A_967 : vector<16xf32>
      %exp3A_970 = math.exp %min3A_969 : vector<16xf32>
      %gather3A_971 = tpu.vector_load_idx %arg10[%get3A_949] : memref<10240xf32, #tpu.memory_space<vmem>>[vector<16xi32>], vector<16xf32>,
      %div3A_972 = arith.divf %exp3A_970, %gather3A_971 : vector<16xf32>
      %swap3A_973 = arith.constant 3 : i32
      %swap3A_974 = arith.index_cast %swap3A_973 : i32 to index
      %swap3A_975 = arith.constant 64 : index
      %swap3A_976 = tpu.vector_load %arg13[%swap3A_974, %swap3A_975] {strides = array<i32>} : memref<4x128xf32, #tpu.memory_space<vmem>>, vector<16xf32>,
      tpu.vector_store %arg13[%swap3A_974, %swap3A_975], %div3A_972 {strides = array<i32>} : memref<4x128xf32, #tpu.memory_space<vmem>>, vector<16xf32>,
      %get3A_977 = arith.constant 3 : i32
      %get3A_978 = arith.index_cast %get3A_977 : i32 to index
      %get3A_979 = arith.constant 80 : index
      %get3A_980 = tpu.vector_load %arg11[%get3A_978, %get3A_979] {strides = array<i32>} : memref<4x128xi32, #tpu.memory_space<vmem>>, vector<16xi32>,
      %get3A_981 = arith.constant 3 : i32
      %get3A_982 = arith.index_cast %get3A_981 : i32 to index
      %get3A_983 = arith.constant 80 : index
      %get3A_984 = tpu.vector_load %arg12[%get3A_982, %get3A_983] {strides = array<i32>} : memref<4x128xi32, #tpu.memory_space<vmem>>, vector<16xi32>,
      %gather3A_985 = tpu.vector_load_idx %arg8[%get3A_980] : memref<10240xf32, #tpu.memory_space<vmem>>[vector<16xi32>], vector<16xf32>,
      %gather3A_986 = tpu.vector_load_idx %arg9[%get3A_984] : memref<10240xf32, #tpu.memory_space<vmem>>[vector<16xi32>], vector<16xf32>,
      %add3A_987 = arith.addf %gather3A_985, %gather3A_986 : vector<16xf32>
      %ge3A_988 = arith.constant 0.000000e+00 : f32
      %ge3A_989 = vector.broadcast %ge3A_988 : f32 to vector<16xf32>
      %ge3A_990 = arith.cmpf oge, %add3A_987, %ge3A_989 : vector<16xf32>
      %mul3A_991 = arith.constant 2.000000e-01 : f32
      %mul3A_992 = vector.broadcast %mul3A_991 : f32 to vector<16xf32>
      %mul3A_993 = arith.mulf %mul3A_992, %add3A_987 : vector<16xf32>
      %select_n3A_994 = arith.select %ge3A_990, %add3A_987, %mul3A_993 : vector<16xi1>, vector<16xf32>
      %jit3A_995 = arith.constant -2.000000e+00 : f32
      %jit3A_996 = arith.constant 2.000000e+00 : f32
      %max3A_997 = vector.broadcast %jit3A_995 : f32 to vector<16xf32>
      %max3A_998 = arith.maximumf %max3A_997, %select_n3A_994 : vector<16xf32>
      %min3A_999 = vector.broadcast %jit3A_996 : f32 to vector<16xf32>
      %min3A_1000 = arith.minimumf %min3A_999, %max3A_998 : vector<16xf32>
      %exp3A_1001 = math.exp %min3A_1000 : vector<16xf32>
      %gather3A_1002 = tpu.vector_load_idx %arg10[%get3A_980] : memref<10240xf32, #tpu.memory_space<vmem>>[vector<16xi32>], vector<16xf32>,
      %div3A_1003 = arith.divf %exp3A_1001, %gather3A_1002 : vector<16xf32>
      %swap3A_1004 = arith.constant 3 : i32
      %swap3A_1005 = arith.index_cast %swap3A_1004 : i32 to index
      %swap3A_1006 = arith.constant 80 : index
      %swap3A_1007 = tpu.vector_load %arg13[%swap3A_1005, %swap3A_1006] {strides = array<i32>} : memref<4x128xf32, #tpu.memory_space<vmem>>, vector<16xf32>,
      tpu.vector_store %arg13[%swap3A_1005, %swap3A_1006], %div3A_1003 {strides = array<i32>} : memref<4x128xf32, #tpu.memory_space<vmem>>, vector<16xf32>,
      %get3A_1008 = arith.constant 3 : i32
      %get3A_1009 = arith.index_cast %get3A_1008 : i32 to index
      %get3A_1010 = arith.constant 96 : index
      %get3A_1011 = tpu.vector_load %arg11[%get3A_1009, %get3A_1010] {strides = array<i32>} : memref<4x128xi32, #tpu.memory_space<vmem>>, vector<16xi32>,
      %get3A_1012 = arith.constant 3 : i32
      %get3A_1013 = arith.index_cast %get3A_1012 : i32 to index
      %get3A_1014 = arith.constant 96 : index
      %get3A_1015 = tpu.vector_load %arg12[%get3A_1013, %get3A_1014] {strides = array<i32>} : memref<4x128xi32, #tpu.memory_space<vmem>>, vector<16xi32>,
      %gather3A_1016 = tpu.vector_load_idx %arg8[%get3A_1011] : memref<10240xf32, #tpu.memory_space<vmem>>[vector<16xi32>], vector<16xf32>,
      %gather3A_1017 = tpu.vector_load_idx %arg9[%get3A_1015] : memref<10240xf32, #tpu.memory_space<vmem>>[vector<16xi32>], vector<16xf32>,
      %add3A_1018 = arith.addf %gather3A_1016, %gather3A_1017 : vector<16xf32>
      %ge3A_1019 = arith.constant 0.000000e+00 : f32
      %ge3A_1020 = vector.broadcast %ge3A_1019 : f32 to vector<16xf32>
      %ge3A_1021 = arith.cmpf oge, %add3A_1018, %ge3A_1020 : vector<16xf32>
      %mul3A_1022 = arith.constant 2.000000e-01 : f32
      %mul3A_1023 = vector.broadcast %mul3A_1022 : f32 to vector<16xf32>
      %mul3A_1024 = arith.mulf %mul3A_1023, %add3A_1018 : vector<16xf32>
      %select_n3A_1025 = arith.select %ge3A_1021, %add3A_1018, %mul3A_1024 : vector<16xi1>, vector<16xf32>
      %jit3A_1026 = arith.constant -2.000000e+00 : f32
      %jit3A_1027 = arith.constant 2.000000e+00 : f32
      %max3A_1028 = vector.broadcast %jit3A_1026 : f32 to vector<16xf32>
      %max3A_1029 = arith.maximumf %max3A_1028, %select_n3A_1025 : vector<16xf32>
      %min3A_1030 = vector.broadcast %jit3A_1027 : f32 to vector<16xf32>
      %min3A_1031 = arith.minimumf %min3A_1030, %max3A_1029 : vector<16xf32>
      %exp3A_1032 = math.exp %min3A_1031 : vector<16xf32>
      %gather3A_1033 = tpu.vector_load_idx %arg10[%get3A_1011] : memref<10240xf32, #tpu.memory_space<vmem>>[vector<16xi32>], vector<16xf32>,
      %div3A_1034 = arith.divf %exp3A_1032, %gather3A_1033 : vector<16xf32>
      %swap3A_1035 = arith.constant 3 : i32
      %swap3A_1036 = arith.index_cast %swap3A_1035 : i32 to index
      %swap3A_1037 = arith.constant 96 : index
      %swap3A_1038 = tpu.vector_load %arg13[%swap3A_1036, %swap3A_1037] {strides = array<i32>} : memref<4x128xf32, #tpu.memory_space<vmem>>, vector<16xf32>,
      tpu.vector_store %arg13[%swap3A_1036, %swap3A_1037], %div3A_1034 {strides = array<i32>} : memref<4x128xf32, #tpu.memory_space<vmem>>, vector<16xf32>,
      %get3A_1039 = arith.constant 3 : i32
      %get3A_1040 = arith.index_cast %get3A_1039 : i32 to index
      %get3A_1041 = arith.constant 112 : index
      %get3A_1042 = tpu.vector_load %arg11[%get3A_1040, %get3A_1041] {strides = array<i32>} : memref<4x128xi32, #tpu.memory_space<vmem>>, vector<16xi32>,
      %get3A_1043 = arith.constant 3 : i32
      %get3A_1044 = arith.index_cast %get3A_1043 : i32 to index
      %get3A_1045 = arith.constant 112 : index
      %get3A_1046 = tpu.vector_load %arg12[%get3A_1044, %get3A_1045] {strides = array<i32>} : memref<4x128xi32, #tpu.memory_space<vmem>>, vector<16xi32>,
      %gather3A_1047 = tpu.vector_load_idx %arg8[%get3A_1042] : memref<10240xf32, #tpu.memory_space<vmem>>[vector<16xi32>], vector<16xf32>,
      %gather3A_1048 = tpu.vector_load_idx %arg9[%get3A_1046] : memref<10240xf32, #tpu.memory_space<vmem>>[vector<16xi32>], vector<16xf32>,
      %add3A_1049 = arith.addf %gather3A_1047, %gather3A_1048 : vector<16xf32>
      %ge3A_1050 = arith.constant 0.000000e+00 : f32
      %ge3A_1051 = vector.broadcast %ge3A_1050 : f32 to vector<16xf32>
      %ge3A_1052 = arith.cmpf oge, %add3A_1049, %ge3A_1051 : vector<16xf32>
      %mul3A_1053 = arith.constant 2.000000e-01 : f32
      %mul3A_1054 = vector.broadcast %mul3A_1053 : f32 to vector<16xf32>
      %mul3A_1055 = arith.mulf %mul3A_1054, %add3A_1049 : vector<16xf32>
      %select_n3A_1056 = arith.select %ge3A_1052, %add3A_1049, %mul3A_1055 : vector<16xi1>, vector<16xf32>
      %jit3A_1057 = arith.constant -2.000000e+00 : f32
      %jit3A_1058 = arith.constant 2.000000e+00 : f32
      %max3A_1059 = vector.broadcast %jit3A_1057 : f32 to vector<16xf32>
      %max3A_1060 = arith.maximumf %max3A_1059, %select_n3A_1056 : vector<16xf32>
      %min3A_1061 = vector.broadcast %jit3A_1058 : f32 to vector<16xf32>
      %min3A_1062 = arith.minimumf %min3A_1061, %max3A_1060 : vector<16xf32>
      %exp3A_1063 = math.exp %min3A_1062 : vector<16xf32>
      %gather3A_1064 = tpu.vector_load_idx %arg10[%get3A_1042] : memref<10240xf32, #tpu.memory_space<vmem>>[vector<16xi32>], vector<16xf32>,
      %div3A_1065 = arith.divf %exp3A_1063, %gather3A_1064 : vector<16xf32>
      %swap3A_1066 = arith.constant 3 : i32
      %swap3A_1067 = arith.index_cast %swap3A_1066 : i32 to index
      %swap3A_1068 = arith.constant 112 : index
      %swap3A_1069 = tpu.vector_load %arg13[%swap3A_1067, %swap3A_1068] {strides = array<i32>} : memref<4x128xf32, #tpu.memory_space<vmem>>, vector<16xf32>,
      tpu.vector_store %arg13[%swap3A_1067, %swap3A_1068], %div3A_1065 {strides = array<i32>} : memref<4x128xf32, #tpu.memory_space<vmem>>, vector<16xf32>,
      %dma_wait3A = arith.constant 0 : i32
      %dma_wait3A_1070 = arith.constant 0 : i32
      %dma_wait3A_1071 = arith.constant 0 : i32
      %dma_wait3A_1072 = tpu.memref_slice %arg14[%dma_wait3A_1070, %dma_wait3A_1071] : memref<512x32xf32, #tpu.memory_space<vmem>> -> memref<128x32xf32, #tpu.memory_space<vmem>>
      %dma_wait3A_1073 = arith.constant 0 : i32
      %dma_wait3A_1074 = tpu.memref_slice %arg12[%dma_wait3A, %dma_wait3A_1073] : memref<4x128xi32, #tpu.memory_space<vmem>> -> memref<1x128xi32, #tpu.memory_space<vmem>>
      %dma_wait3A_1075 = tpu.memref_squeeze %dma_wait3A_1074 : memref<1x128xi32, #tpu.memory_space<vmem>> -> memref<128xi32, #tpu.memory_space<vmem>>
      %dma_wait3A_1076 = arith.constant 0 : i32
      %dma_wait3A_1077 = arith.constant 0 : i32
      %dma_wait3A_1078 = tpu.memref_slice %arg6[%dma_wait3A_1076, %dma_wait3A_1077] : memref<10240x32xf32, #tpu.memory_space<hbm>> -> memref<10240x32xf32, #tpu.memory_space<hbm>>
      tpu.wait_indirect_dma semaphore(%arg17 : memref<!tpu.dma_semaphore, #tpu.memory_space<semaphore_mem>>) src(%dma_wait3A_1078 : memref<10240x32xf32, #tpu.memory_space<hbm>>) dst(%dma_wait3A_1072 : memref<128x32xf32, #tpu.memory_space<vmem>>)
      %dma_wait3A_1079 = arith.constant 1 : i32
      %dma_wait3A_1080 = arith.constant 128 : i32
      %dma_wait3A_1081 = arith.constant 0 : i32
      %dma_wait3A_1082 = tpu.memref_slice %arg14[%dma_wait3A_1080, %dma_wait3A_1081] : memref<512x32xf32, #tpu.memory_space<vmem>> -> memref<128x32xf32, #tpu.memory_space<vmem>>
      %dma_wait3A_1083 = arith.constant 0 : i32
      %dma_wait3A_1084 = tpu.memref_slice %arg12[%dma_wait3A_1079, %dma_wait3A_1083] : memref<4x128xi32, #tpu.memory_space<vmem>> -> memref<1x128xi32, #tpu.memory_space<vmem>>
      %dma_wait3A_1085 = tpu.memref_squeeze %dma_wait3A_1084 : memref<1x128xi32, #tpu.memory_space<vmem>> -> memref<128xi32, #tpu.memory_space<vmem>>
      %dma_wait3A_1086 = arith.constant 0 : i32
      %dma_wait3A_1087 = arith.constant 0 : i32
      %dma_wait3A_1088 = tpu.memref_slice %arg6[%dma_wait3A_1086, %dma_wait3A_1087] : memref<10240x32xf32, #tpu.memory_space<hbm>> -> memref<10240x32xf32, #tpu.memory_space<hbm>>
      tpu.wait_indirect_dma semaphore(%arg17 : memref<!tpu.dma_semaphore, #tpu.memory_space<semaphore_mem>>) src(%dma_wait3A_1088 : memref<10240x32xf32, #tpu.memory_space<hbm>>) dst(%dma_wait3A_1082 : memref<128x32xf32, #tpu.memory_space<vmem>>)
      %dma_wait3A_1089 = arith.constant 2 : i32
      %dma_wait3A_1090 = arith.constant 256 : i32
      %dma_wait3A_1091 = arith.constant 0 : i32
      %dma_wait3A_1092 = tpu.memref_slice %arg14[%dma_wait3A_1090, %dma_wait3A_1091] : memref<512x32xf32, #tpu.memory_space<vmem>> -> memref<128x32xf32, #tpu.memory_space<vmem>>
      %dma_wait3A_1093 = arith.constant 0 : i32
      %dma_wait3A_1094 = tpu.memref_slice %arg12[%dma_wait3A_1089, %dma_wait3A_1093] : memref<4x128xi32, #tpu.memory_space<vmem>> -> memref<1x128xi32, #tpu.memory_space<vmem>>
      %dma_wait3A_1095 = tpu.memref_squeeze %dma_wait3A_1094 : memref<1x128xi32, #tpu.memory_space<vmem>> -> memref<128xi32, #tpu.memory_space<vmem>>
      %dma_wait3A_1096 = arith.constant 0 : i32
      %dma_wait3A_1097 = arith.constant 0 : i32
      %dma_wait3A_1098 = tpu.memref_slice %arg6[%dma_wait3A_1096, %dma_wait3A_1097] : memref<10240x32xf32, #tpu.memory_space<hbm>> -> memref<10240x32xf32, #tpu.memory_space<hbm>>
      tpu.wait_indirect_dma semaphore(%arg17 : memref<!tpu.dma_semaphore, #tpu.memory_space<semaphore_mem>>) src(%dma_wait3A_1098 : memref<10240x32xf32, #tpu.memory_space<hbm>>) dst(%dma_wait3A_1092 : memref<128x32xf32, #tpu.memory_space<vmem>>)
      %dma_wait3A_1099 = arith.constant 3 : i32
      %dma_wait3A_1100 = arith.constant 384 : i32
      %dma_wait3A_1101 = arith.constant 0 : i32
      %dma_wait3A_1102 = tpu.memref_slice %arg14[%dma_wait3A_1100, %dma_wait3A_1101] : memref<512x32xf32, #tpu.memory_space<vmem>> -> memref<128x32xf32, #tpu.memory_space<vmem>>
      %dma_wait3A_1103 = arith.constant 0 : i32
      %dma_wait3A_1104 = tpu.memref_slice %arg12[%dma_wait3A_1099, %dma_wait3A_1103] : memref<4x128xi32, #tpu.memory_space<vmem>> -> memref<1x128xi32, #tpu.memory_space<vmem>>
      %dma_wait3A_1105 = tpu.memref_squeeze %dma_wait3A_1104 : memref<1x128xi32, #tpu.memory_space<vmem>> -> memref<128xi32, #tpu.memory_space<vmem>>
      %dma_wait3A_1106 = arith.constant 0 : i32
      %dma_wait3A_1107 = arith.constant 0 : i32
      %dma_wait3A_1108 = tpu.memref_slice %arg6[%dma_wait3A_1106, %dma_wait3A_1107] : memref<10240x32xf32, #tpu.memory_space<hbm>> -> memref<10240x32xf32, #tpu.memory_space<hbm>>
      tpu.wait_indirect_dma semaphore(%arg17 : memref<!tpu.dma_semaphore, #tpu.memory_space<semaphore_mem>>) src(%dma_wait3A_1108 : memref<10240x32xf32, #tpu.memory_space<hbm>>) dst(%dma_wait3A_1102 : memref<128x32xf32, #tpu.memory_space<vmem>>)
      %scan3A_1109 = arith.constant 0 : i32
      %scan3A_1110 = arith.constant 0 : i32
      %scan3A_1111 = arith.constant 8 : i32
      %scan3A_1112 = arith.addi %scan3A_1110, %scan3A_1111 : i32
      %scan3A_1113 = arith.constant 1 : i32
      scf.for %scan3A_1118 = %scan3A_1110 to %scan3A_1112 step %scan3A_1113  : i32 {
        %mul3A_1119 = arith.constant 16 : i32
        %mul3A_1120 = arith.muli %scan3A_1118, %mul3A_1119 : i32
        %get3A_1121 = arith.constant 0 : i32
        %get3A_1122 = arith.index_cast %get3A_1121 : i32 to index
        %get3A_1123 = arith.index_cast %mul3A_1120 : i32 to index
        %get3A_1124 = tpu.vector_load %arg13[%get3A_1122, %get3A_1123] {strides = array<i32>} : memref<4x128xf32, #tpu.memory_space<vmem>>, vector<16xf32>,
        %slice3A = vector.extract_strided_slice %get3A_1124 {offsets = [0], sizes = [1], strides = [1]} : vector<16xf32> to vector<1xf32>
        %squeeze3A = vector.extract %slice3A[0] : f32 from vector<1xf32>
        %broadcast_in_dim3A_1125 = vector.broadcast %squeeze3A : f32 to vector<16xf32>
        %mul3A_1126 = arith.constant 16 : i32
        %mul3A_1127 = arith.muli %scan3A_1118, %mul3A_1126 : i32
        %add3A_1128 = arith.constant 0 : i32
        %add3A_1129 = arith.addi %add3A_1128, %mul3A_1127 : i32
        %add3A_1130 = arith.constant 0 : i32
        %add3A_1131 = arith.addi %add3A_1129, %add3A_1130 : i32
        %get3A_1132 = arith.index_cast %add3A_1131 : i32 to index
        %get3A_1133 = arith.constant 0 : index
        %get3A_1134 = tpu.vector_load %arg14[%get3A_1132, %get3A_1133] {strides = array<i32>} : memref<512x32xf32, #tpu.memory_space<vmem>>, vector<16xf32>,
        %mul3A_1135 = arith.mulf %get3A_1134, %broadcast_in_dim3A_1125 : vector<16xf32>
        %swap3A_1136 = arith.index_cast %add3A_1131 : i32 to index
        %swap3A_1137 = arith.constant 0 : index
        %swap3A_1138 = tpu.vector_load %arg14[%swap3A_1136, %swap3A_1137] {strides = array<i32>} : memref<512x32xf32, #tpu.memory_space<vmem>>, vector<16xf32>,
        tpu.vector_store %arg14[%swap3A_1136, %swap3A_1137], %mul3A_1135 {strides = array<i32>} : memref<512x32xf32, #tpu.memory_space<vmem>>, vector<16xf32>,
        %get3A_1139 = arith.index_cast %add3A_1131 : i32 to index
        %get3A_1140 = arith.constant 16 : index
        %get3A_1141 = tpu.vector_load %arg14[%get3A_1139, %get3A_1140] {strides = array<i32>} : memref<512x32xf32, #tpu.memory_space<vmem>>, vector<16xf32>,
        %mul3A_1142 = arith.mulf %get3A_1141, %broadcast_in_dim3A_1125 : vector<16xf32>
        %swap3A_1143 = arith.index_cast %add3A_1131 : i32 to index
        %swap3A_1144 = arith.constant 16 : index
        %swap3A_1145 = tpu.vector_load %arg14[%swap3A_1143, %swap3A_1144] {strides = array<i32>} : memref<512x32xf32, #tpu.memory_space<vmem>>, vector<16xf32>,
        tpu.vector_store %arg14[%swap3A_1143, %swap3A_1144], %mul3A_1142 {strides = array<i32>} : memref<512x32xf32, #tpu.memory_space<vmem>>, vector<16xf32>,
        %slice3A_1146 = vector.extract_strided_slice %get3A_1124 {offsets = [1], sizes = [1], strides = [1]} : vector<16xf32> to vector<1xf32>
        %squeeze3A_1147 = vector.extract %slice3A_1146[0] : f32 from vector<1xf32>
        %broadcast_in_dim3A_1148 = vector.broadcast %squeeze3A_1147 : f32 to vector<16xf32>
        %mul3A_1149 = arith.constant 16 : i32
        %mul3A_1150 = arith.muli %scan3A_1118, %mul3A_1149 : i32
        %add3A_1151 = arith.constant 0 : i32
        %add3A_1152 = arith.addi %add3A_1151, %mul3A_1150 : i32
        %add3A_1153 = arith.constant 1 : i32
        %add3A_1154 = arith.addi %add3A_1152, %add3A_1153 : i32
        %get3A_1155 = arith.index_cast %add3A_1154 : i32 to index
        %get3A_1156 = arith.constant 0 : index
        %get3A_1157 = tpu.vector_load %arg14[%get3A_1155, %get3A_1156] {strides = array<i32>} : memref<512x32xf32, #tpu.memory_space<vmem>>, vector<16xf32>,
        %mul3A_1158 = arith.mulf %get3A_1157, %broadcast_in_dim3A_1148 : vector<16xf32>
        %swap3A_1159 = arith.index_cast %add3A_1154 : i32 to index
        %swap3A_1160 = arith.constant 0 : index
        %swap3A_1161 = tpu.vector_load %arg14[%swap3A_1159, %swap3A_1160] {strides = array<i32>} : memref<512x32xf32, #tpu.memory_space<vmem>>, vector<16xf32>,
        tpu.vector_store %arg14[%swap3A_1159, %swap3A_1160], %mul3A_1158 {strides = array<i32>} : memref<512x32xf32, #tpu.memory_space<vmem>>, vector<16xf32>,
        %get3A_1162 = arith.index_cast %add3A_1154 : i32 to index
        %get3A_1163 = arith.constant 16 : index
        %get3A_1164 = tpu.vector_load %arg14[%get3A_1162, %get3A_1163] {strides = array<i32>} : memref<512x32xf32, #tpu.memory_space<vmem>>, vector<16xf32>,
        %mul3A_1165 = arith.mulf %get3A_1164, %broadcast_in_dim3A_1148 : vector<16xf32>
        %swap3A_1166 = arith.index_cast %add3A_1154 : i32 to index
        %swap3A_1167 = arith.constant 16 : index
        %swap3A_1168 = tpu.vector_load %arg14[%swap3A_1166, %swap3A_1167] {strides = array<i32>} : memref<512x32xf32, #tpu.memory_space<vmem>>, vector<16xf32>,
        tpu.vector_store %arg14[%swap3A_1166, %swap3A_1167], %mul3A_1165 {strides = array<i32>} : memref<512x32xf32, #tpu.memory_space<vmem>>, vector<16xf32>,
        %slice3A_1169 = vector.extract_strided_slice %get3A_1124 {offsets = [2], sizes = [1], strides = [1]} : vector<16xf32> to vector<1xf32>
        %squeeze3A_1170 = vector.extract %slice3A_1169[0] : f32 from vector<1xf32>
        %broadcast_in_dim3A_1171 = vector.broadcast %squeeze3A_1170 : f32 to vector<16xf32>
        %mul3A_1172 = arith.constant 16 : i32
        %mul3A_1173 = arith.muli %scan3A_1118, %mul3A_1172 : i32
        %add3A_1174 = arith.constant 0 : i32
        %add3A_1175 = arith.addi %add3A_1174, %mul3A_1173 : i32
        %add3A_1176 = arith.constant 2 : i32
        %add3A_1177 = arith.addi %add3A_1175, %add3A_1176 : i32
        %get3A_1178 = arith.index_cast %add3A_1177 : i32 to index
        %get3A_1179 = arith.constant 0 : index
        %get3A_1180 = tpu.vector_load %arg14[%get3A_1178, %get3A_1179] {strides = array<i32>} : memref<512x32xf32, #tpu.memory_space<vmem>>, vector<16xf32>,
        %mul3A_1181 = arith.mulf %get3A_1180, %broadcast_in_dim3A_1171 : vector<16xf32>
        %swap3A_1182 = arith.index_cast %add3A_1177 : i32 to index
        %swap3A_1183 = arith.constant 0 : index
        %swap3A_1184 = tpu.vector_load %arg14[%swap3A_1182, %swap3A_1183] {strides = array<i32>} : memref<512x32xf32, #tpu.memory_space<vmem>>, vector<16xf32>,
        tpu.vector_store %arg14[%swap3A_1182, %swap3A_1183], %mul3A_1181 {strides = array<i32>} : memref<512x32xf32, #tpu.memory_space<vmem>>, vector<16xf32>,
        %get3A_1185 = arith.index_cast %add3A_1177 : i32 to index
        %get3A_1186 = arith.constant 16 : index
        %get3A_1187 = tpu.vector_load %arg14[%get3A_1185, %get3A_1186] {strides = array<i32>} : memref<512x32xf32, #tpu.memory_space<vmem>>, vector<16xf32>,
        %mul3A_1188 = arith.mulf %get3A_1187, %broadcast_in_dim3A_1171 : vector<16xf32>
        %swap3A_1189 = arith.index_cast %add3A_1177 : i32 to index
        %swap3A_1190 = arith.constant 16 : index
        %swap3A_1191 = tpu.vector_load %arg14[%swap3A_1189, %swap3A_1190] {strides = array<i32>} : memref<512x32xf32, #tpu.memory_space<vmem>>, vector<16xf32>,
        tpu.vector_store %arg14[%swap3A_1189, %swap3A_1190], %mul3A_1188 {strides = array<i32>} : memref<512x32xf32, #tpu.memory_space<vmem>>, vector<16xf32>,
        %slice3A_1192 = vector.extract_strided_slice %get3A_1124 {offsets = [3], sizes = [1], strides = [1]} : vector<16xf32> to vector<1xf32>
        %squeeze3A_1193 = vector.extract %slice3A_1192[0] : f32 from vector<1xf32>
        %broadcast_in_dim3A_1194 = vector.broadcast %squeeze3A_1193 : f32 to vector<16xf32>
        %mul3A_1195 = arith.constant 16 : i32
        %mul3A_1196 = arith.muli %scan3A_1118, %mul3A_1195 : i32
        %add3A_1197 = arith.constant 0 : i32
        %add3A_1198 = arith.addi %add3A_1197, %mul3A_1196 : i32
        %add3A_1199 = arith.constant 3 : i32
        %add3A_1200 = arith.addi %add3A_1198, %add3A_1199 : i32
        %get3A_1201 = arith.index_cast %add3A_1200 : i32 to index
        %get3A_1202 = arith.constant 0 : index
        %get3A_1203 = tpu.vector_load %arg14[%get3A_1201, %get3A_1202] {strides = array<i32>} : memref<512x32xf32, #tpu.memory_space<vmem>>, vector<16xf32>,
        %mul3A_1204 = arith.mulf %get3A_1203, %broadcast_in_dim3A_1194 : vector<16xf32>
        %swap3A_1205 = arith.index_cast %add3A_1200 : i32 to index
        %swap3A_1206 = arith.constant 0 : index
        %swap3A_1207 = tpu.vector_load %arg14[%swap3A_1205, %swap3A_1206] {strides = array<i32>} : memref<512x32xf32, #tpu.memory_space<vmem>>, vector<16xf32>,
        tpu.vector_store %arg14[%swap3A_1205, %swap3A_1206], %mul3A_1204 {strides = array<i32>} : memref<512x32xf32, #tpu.memory_space<vmem>>, vector<16xf32>,
        %get3A_1208 = arith.index_cast %add3A_1200 : i32 to index
        %get3A_1209 = arith.constant 16 : index
        %get3A_1210 = tpu.vector_load %arg14[%get3A_1208, %get3A_1209] {strides = array<i32>} : memref<512x32xf32, #tpu.memory_space<vmem>>, vector<16xf32>,
        %mul3A_1211 = arith.mulf %get3A_1210, %broadcast_in_dim3A_1194 : vector<16xf32>
        %swap3A_1212 = arith.index_cast %add3A_1200 : i32 to index
        %swap3A_1213 = arith.constant 16 : index
        %swap3A_1214 = tpu.vector_load %arg14[%swap3A_1212, %swap3A_1213] {strides = array<i32>} : memref<512x32xf32, #tpu.memory_space<vmem>>, vector<16xf32>,
        tpu.vector_store %arg14[%swap3A_1212, %swap3A_1213], %mul3A_1211 {strides = array<i32>} : memref<512x32xf32, #tpu.memory_space<vmem>>, vector<16xf32>,
        %slice3A_1215 = vector.extract_strided_slice %get3A_1124 {offsets = [4], sizes = [1], strides = [1]} : vector<16xf32> to vector<1xf32>
        %squeeze3A_1216 = vector.extract %slice3A_1215[0] : f32 from vector<1xf32>
        %broadcast_in_dim3A_1217 = vector.broadcast %squeeze3A_1216 : f32 to vector<16xf32>
        %mul3A_1218 = arith.constant 16 : i32
        %mul3A_1219 = arith.muli %scan3A_1118, %mul3A_1218 : i32
        %add3A_1220 = arith.constant 0 : i32
        %add3A_1221 = arith.addi %add3A_1220, %mul3A_1219 : i32
        %add3A_1222 = arith.constant 4 : i32
        %add3A_1223 = arith.addi %add3A_1221, %add3A_1222 : i32
        %get3A_1224 = arith.index_cast %add3A_1223 : i32 to index
        %get3A_1225 = arith.constant 0 : index
        %get3A_1226 = tpu.vector_load %arg14[%get3A_1224, %get3A_1225] {strides = array<i32>} : memref<512x32xf32, #tpu.memory_space<vmem>>, vector<16xf32>,
        %mul3A_1227 = arith.mulf %get3A_1226, %broadcast_in_dim3A_1217 : vector<16xf32>
        %swap3A_1228 = arith.index_cast %add3A_1223 : i32 to index
        %swap3A_1229 = arith.constant 0 : index
        %swap3A_1230 = tpu.vector_load %arg14[%swap3A_1228, %swap3A_1229] {strides = array<i32>} : memref<512x32xf32, #tpu.memory_space<vmem>>, vector<16xf32>,
        tpu.vector_store %arg14[%swap3A_1228, %swap3A_1229], %mul3A_1227 {strides = array<i32>} : memref<512x32xf32, #tpu.memory_space<vmem>>, vector<16xf32>,
        %get3A_1231 = arith.index_cast %add3A_1223 : i32 to index
        %get3A_1232 = arith.constant 16 : index
        %get3A_1233 = tpu.vector_load %arg14[%get3A_1231, %get3A_1232] {strides = array<i32>} : memref<512x32xf32, #tpu.memory_space<vmem>>, vector<16xf32>,
        %mul3A_1234 = arith.mulf %get3A_1233, %broadcast_in_dim3A_1217 : vector<16xf32>
        %swap3A_1235 = arith.index_cast %add3A_1223 : i32 to index
        %swap3A_1236 = arith.constant 16 : index
        %swap3A_1237 = tpu.vector_load %arg14[%swap3A_1235, %swap3A_1236] {strides = array<i32>} : memref<512x32xf32, #tpu.memory_space<vmem>>, vector<16xf32>,
        tpu.vector_store %arg14[%swap3A_1235, %swap3A_1236], %mul3A_1234 {strides = array<i32>} : memref<512x32xf32, #tpu.memory_space<vmem>>, vector<16xf32>,
        %slice3A_1238 = vector.extract_strided_slice %get3A_1124 {offsets = [5], sizes = [1], strides = [1]} : vector<16xf32> to vector<1xf32>
        %squeeze3A_1239 = vector.extract %slice3A_1238[0] : f32 from vector<1xf32>
        %broadcast_in_dim3A_1240 = vector.broadcast %squeeze3A_1239 : f32 to vector<16xf32>
        %mul3A_1241 = arith.constant 16 : i32
        %mul3A_1242 = arith.muli %scan3A_1118, %mul3A_1241 : i32
        %add3A_1243 = arith.constant 0 : i32
        %add3A_1244 = arith.addi %add3A_1243, %mul3A_1242 : i32
        %add3A_1245 = arith.constant 5 : i32
        %add3A_1246 = arith.addi %add3A_1244, %add3A_1245 : i32
        %get3A_1247 = arith.index_cast %add3A_1246 : i32 to index
        %get3A_1248 = arith.constant 0 : index
        %get3A_1249 = tpu.vector_load %arg14[%get3A_1247, %get3A_1248] {strides = array<i32>} : memref<512x32xf32, #tpu.memory_space<vmem>>, vector<16xf32>,
        %mul3A_1250 = arith.mulf %get3A_1249, %broadcast_in_dim3A_1240 : vector<16xf32>
        %swap3A_1251 = arith.index_cast %add3A_1246 : i32 to index
        %swap3A_1252 = arith.constant 0 : index
        %swap3A_1253 = tpu.vector_load %arg14[%swap3A_1251, %swap3A_1252] {strides = array<i32>} : memref<512x32xf32, #tpu.memory_space<vmem>>, vector<16xf32>,
        tpu.vector_store %arg14[%swap3A_1251, %swap3A_1252], %mul3A_1250 {strides = array<i32>} : memref<512x32xf32, #tpu.memory_space<vmem>>, vector<16xf32>,
        %get3A_1254 = arith.index_cast %add3A_1246 : i32 to index
        %get3A_1255 = arith.constant 16 : index
        %get3A_1256 = tpu.vector_load %arg14[%get3A_1254, %get3A_1255] {strides = array<i32>} : memref<512x32xf32, #tpu.memory_space<vmem>>, vector<16xf32>,
        %mul3A_1257 = arith.mulf %get3A_1256, %broadcast_in_dim3A_1240 : vector<16xf32>
        %swap3A_1258 = arith.index_cast %add3A_1246 : i32 to index
        %swap3A_1259 = arith.constant 16 : index
        %swap3A_1260 = tpu.vector_load %arg14[%swap3A_1258, %swap3A_1259] {strides = array<i32>} : memref<512x32xf32, #tpu.memory_space<vmem>>, vector<16xf32>,
        tpu.vector_store %arg14[%swap3A_1258, %swap3A_1259], %mul3A_1257 {strides = array<i32>} : memref<512x32xf32, #tpu.memory_space<vmem>>, vector<16xf32>,
        %slice3A_1261 = vector.extract_strided_slice %get3A_1124 {offsets = [6], sizes = [1], strides = [1]} : vector<16xf32> to vector<1xf32>
        %squeeze3A_1262 = vector.extract %slice3A_1261[0] : f32 from vector<1xf32>
        %broadcast_in_dim3A_1263 = vector.broadcast %squeeze3A_1262 : f32 to vector<16xf32>
        %mul3A_1264 = arith.constant 16 : i32
        %mul3A_1265 = arith.muli %scan3A_1118, %mul3A_1264 : i32
        %add3A_1266 = arith.constant 0 : i32
        %add3A_1267 = arith.addi %add3A_1266, %mul3A_1265 : i32
        %add3A_1268 = arith.constant 6 : i32
        %add3A_1269 = arith.addi %add3A_1267, %add3A_1268 : i32
        %get3A_1270 = arith.index_cast %add3A_1269 : i32 to index
        %get3A_1271 = arith.constant 0 : index
        %get3A_1272 = tpu.vector_load %arg14[%get3A_1270, %get3A_1271] {strides = array<i32>} : memref<512x32xf32, #tpu.memory_space<vmem>>, vector<16xf32>,
        %mul3A_1273 = arith.mulf %get3A_1272, %broadcast_in_dim3A_1263 : vector<16xf32>
        %swap3A_1274 = arith.index_cast %add3A_1269 : i32 to index
        %swap3A_1275 = arith.constant 0 : index
        %swap3A_1276 = tpu.vector_load %arg14[%swap3A_1274, %swap3A_1275] {strides = array<i32>} : memref<512x32xf32, #tpu.memory_space<vmem>>, vector<16xf32>,
        tpu.vector_store %arg14[%swap3A_1274, %swap3A_1275], %mul3A_1273 {strides = array<i32>} : memref<512x32xf32, #tpu.memory_space<vmem>>, vector<16xf32>,
        %get3A_1277 = arith.index_cast %add3A_1269 : i32 to index
        %get3A_1278 = arith.constant 16 : index
        %get3A_1279 = tpu.vector_load %arg14[%get3A_1277, %get3A_1278] {strides = array<i32>} : memref<512x32xf32, #tpu.memory_space<vmem>>, vector<16xf32>,
        %mul3A_1280 = arith.mulf %get3A_1279, %broadcast_in_dim3A_1263 : vector<16xf32>
        %swap3A_1281 = arith.index_cast %add3A_1269 : i32 to index
        %swap3A_1282 = arith.constant 16 : index
        %swap3A_1283 = tpu.vector_load %arg14[%swap3A_1281, %swap3A_1282] {strides = array<i32>} : memref<512x32xf32, #tpu.memory_space<vmem>>, vector<16xf32>,
        tpu.vector_store %arg14[%swap3A_1281, %swap3A_1282], %mul3A_1280 {strides = array<i32>} : memref<512x32xf32, #tpu.memory_space<vmem>>, vector<16xf32>,
        %slice3A_1284 = vector.extract_strided_slice %get3A_1124 {offsets = [7], sizes = [1], strides = [1]} : vector<16xf32> to vector<1xf32>
        %squeeze3A_1285 = vector.extract %slice3A_1284[0] : f32 from vector<1xf32>
        %broadcast_in_dim3A_1286 = vector.broadcast %squeeze3A_1285 : f32 to vector<16xf32>
        %mul3A_1287 = arith.constant 16 : i32
        %mul3A_1288 = arith.muli %scan3A_1118, %mul3A_1287 : i32
        %add3A_1289 = arith.constant 0 : i32
        %add3A_1290 = arith.addi %add3A_1289, %mul3A_1288 : i32
        %add3A_1291 = arith.constant 7 : i32
        %add3A_1292 = arith.addi %add3A_1290, %add3A_1291 : i32
        %get3A_1293 = arith.index_cast %add3A_1292 : i32 to index
        %get3A_1294 = arith.constant 0 : index
        %get3A_1295 = tpu.vector_load %arg14[%get3A_1293, %get3A_1294] {strides = array<i32>} : memref<512x32xf32, #tpu.memory_space<vmem>>, vector<16xf32>,
        %mul3A_1296 = arith.mulf %get3A_1295, %broadcast_in_dim3A_1286 : vector<16xf32>
        %swap3A_1297 = arith.index_cast %add3A_1292 : i32 to index
        %swap3A_1298 = arith.constant 0 : index
        %swap3A_1299 = tpu.vector_load %arg14[%swap3A_1297, %swap3A_1298] {strides = array<i32>} : memref<512x32xf32, #tpu.memory_space<vmem>>, vector<16xf32>,
        tpu.vector_store %arg14[%swap3A_1297, %swap3A_1298], %mul3A_1296 {strides = array<i32>} : memref<512x32xf32, #tpu.memory_space<vmem>>, vector<16xf32>,
        %get3A_1300 = arith.index_cast %add3A_1292 : i32 to index
        %get3A_1301 = arith.constant 16 : index
        %get3A_1302 = tpu.vector_load %arg14[%get3A_1300, %get3A_1301] {strides = array<i32>} : memref<512x32xf32, #tpu.memory_space<vmem>>, vector<16xf32>,
        %mul3A_1303 = arith.mulf %get3A_1302, %broadcast_in_dim3A_1286 : vector<16xf32>
        %swap3A_1304 = arith.index_cast %add3A_1292 : i32 to index
        %swap3A_1305 = arith.constant 16 : index
        %swap3A_1306 = tpu.vector_load %arg14[%swap3A_1304, %swap3A_1305] {strides = array<i32>} : memref<512x32xf32, #tpu.memory_space<vmem>>, vector<16xf32>,
        tpu.vector_store %arg14[%swap3A_1304, %swap3A_1305], %mul3A_1303 {strides = array<i32>} : memref<512x32xf32, #tpu.memory_space<vmem>>, vector<16xf32>,
        %slice3A_1307 = vector.extract_strided_slice %get3A_1124 {offsets = [8], sizes = [1], strides = [1]} : vector<16xf32> to vector<1xf32>
        %squeeze3A_1308 = vector.extract %slice3A_1307[0] : f32 from vector<1xf32>
        %broadcast_in_dim3A_1309 = vector.broadcast %squeeze3A_1308 : f32 to vector<16xf32>
        %mul3A_1310 = arith.constant 16 : i32
        %mul3A_1311 = arith.muli %scan3A_1118, %mul3A_1310 : i32
        %add3A_1312 = arith.constant 0 : i32
        %add3A_1313 = arith.addi %add3A_1312, %mul3A_1311 : i32
        %add3A_1314 = arith.constant 8 : i32
        %add3A_1315 = arith.addi %add3A_1313, %add3A_1314 : i32
        %get3A_1316 = arith.index_cast %add3A_1315 : i32 to index
        %get3A_1317 = arith.constant 0 : index
        %get3A_1318 = tpu.vector_load %arg14[%get3A_1316, %get3A_1317] {strides = array<i32>} : memref<512x32xf32, #tpu.memory_space<vmem>>, vector<16xf32>,
        %mul3A_1319 = arith.mulf %get3A_1318, %broadcast_in_dim3A_1309 : vector<16xf32>
        %swap3A_1320 = arith.index_cast %add3A_1315 : i32 to index
        %swap3A_1321 = arith.constant 0 : index
        %swap3A_1322 = tpu.vector_load %arg14[%swap3A_1320, %swap3A_1321] {strides = array<i32>} : memref<512x32xf32, #tpu.memory_space<vmem>>, vector<16xf32>,
        tpu.vector_store %arg14[%swap3A_1320, %swap3A_1321], %mul3A_1319 {strides = array<i32>} : memref<512x32xf32, #tpu.memory_space<vmem>>, vector<16xf32>,
        %get3A_1323 = arith.index_cast %add3A_1315 : i32 to index
        %get3A_1324 = arith.constant 16 : index
        %get3A_1325 = tpu.vector_load %arg14[%get3A_1323, %get3A_1324] {strides = array<i32>} : memref<512x32xf32, #tpu.memory_space<vmem>>, vector<16xf32>,
        %mul3A_1326 = arith.mulf %get3A_1325, %broadcast_in_dim3A_1309 : vector<16xf32>
        %swap3A_1327 = arith.index_cast %add3A_1315 : i32 to index
        %swap3A_1328 = arith.constant 16 : index
        %swap3A_1329 = tpu.vector_load %arg14[%swap3A_1327, %swap3A_1328] {strides = array<i32>} : memref<512x32xf32, #tpu.memory_space<vmem>>, vector<16xf32>,
        tpu.vector_store %arg14[%swap3A_1327, %swap3A_1328], %mul3A_1326 {strides = array<i32>} : memref<512x32xf32, #tpu.memory_space<vmem>>, vector<16xf32>,
        %slice3A_1330 = vector.extract_strided_slice %get3A_1124 {offsets = [9], sizes = [1], strides = [1]} : vector<16xf32> to vector<1xf32>
        %squeeze3A_1331 = vector.extract %slice3A_1330[0] : f32 from vector<1xf32>
        %broadcast_in_dim3A_1332 = vector.broadcast %squeeze3A_1331 : f32 to vector<16xf32>
        %mul3A_1333 = arith.constant 16 : i32
        %mul3A_1334 = arith.muli %scan3A_1118, %mul3A_1333 : i32
        %add3A_1335 = arith.constant 0 : i32
        %add3A_1336 = arith.addi %add3A_1335, %mul3A_1334 : i32
        %add3A_1337 = arith.constant 9 : i32
        %add3A_1338 = arith.addi %add3A_1336, %add3A_1337 : i32
        %get3A_1339 = arith.index_cast %add3A_1338 : i32 to index
        %get3A_1340 = arith.constant 0 : index
        %get3A_1341 = tpu.vector_load %arg14[%get3A_1339, %get3A_1340] {strides = array<i32>} : memref<512x32xf32, #tpu.memory_space<vmem>>, vector<16xf32>,
        %mul3A_1342 = arith.mulf %get3A_1341, %broadcast_in_dim3A_1332 : vector<16xf32>
        %swap3A_1343 = arith.index_cast %add3A_1338 : i32 to index
        %swap3A_1344 = arith.constant 0 : index
        %swap3A_1345 = tpu.vector_load %arg14[%swap3A_1343, %swap3A_1344] {strides = array<i32>} : memref<512x32xf32, #tpu.memory_space<vmem>>, vector<16xf32>,
        tpu.vector_store %arg14[%swap3A_1343, %swap3A_1344], %mul3A_1342 {strides = array<i32>} : memref<512x32xf32, #tpu.memory_space<vmem>>, vector<16xf32>,
        %get3A_1346 = arith.index_cast %add3A_1338 : i32 to index
        %get3A_1347 = arith.constant 16 : index
        %get3A_1348 = tpu.vector_load %arg14[%get3A_1346, %get3A_1347] {strides = array<i32>} : memref<512x32xf32, #tpu.memory_space<vmem>>, vector<16xf32>,
        %mul3A_1349 = arith.mulf %get3A_1348, %broadcast_in_dim3A_1332 : vector<16xf32>
        %swap3A_1350 = arith.index_cast %add3A_1338 : i32 to index
        %swap3A_1351 = arith.constant 16 : index
        %swap3A_1352 = tpu.vector_load %arg14[%swap3A_1350, %swap3A_1351] {strides = array<i32>} : memref<512x32xf32, #tpu.memory_space<vmem>>, vector<16xf32>,
        tpu.vector_store %arg14[%swap3A_1350, %swap3A_1351], %mul3A_1349 {strides = array<i32>} : memref<512x32xf32, #tpu.memory_space<vmem>>, vector<16xf32>,
        %slice3A_1353 = vector.extract_strided_slice %get3A_1124 {offsets = [10], sizes = [1], strides = [1]} : vector<16xf32> to vector<1xf32>
        %squeeze3A_1354 = vector.extract %slice3A_1353[0] : f32 from vector<1xf32>
        %broadcast_in_dim3A_1355 = vector.broadcast %squeeze3A_1354 : f32 to vector<16xf32>
        %mul3A_1356 = arith.constant 16 : i32
        %mul3A_1357 = arith.muli %scan3A_1118, %mul3A_1356 : i32
        %add3A_1358 = arith.constant 0 : i32
        %add3A_1359 = arith.addi %add3A_1358, %mul3A_1357 : i32
        %add3A_1360 = arith.constant 10 : i32
        %add3A_1361 = arith.addi %add3A_1359, %add3A_1360 : i32
        %get3A_1362 = arith.index_cast %add3A_1361 : i32 to index
        %get3A_1363 = arith.constant 0 : index
        %get3A_1364 = tpu.vector_load %arg14[%get3A_1362, %get3A_1363] {strides = array<i32>} : memref<512x32xf32, #tpu.memory_space<vmem>>, vector<16xf32>,
        %mul3A_1365 = arith.mulf %get3A_1364, %broadcast_in_dim3A_1355 : vector<16xf32>
        %swap3A_1366 = arith.index_cast %add3A_1361 : i32 to index
        %swap3A_1367 = arith.constant 0 : index
        %swap3A_1368 = tpu.vector_load %arg14[%swap3A_1366, %swap3A_1367] {strides = array<i32>} : memref<512x32xf32, #tpu.memory_space<vmem>>, vector<16xf32>,
        tpu.vector_store %arg14[%swap3A_1366, %swap3A_1367], %mul3A_1365 {strides = array<i32>} : memref<512x32xf32, #tpu.memory_space<vmem>>, vector<16xf32>,
        %get3A_1369 = arith.index_cast %add3A_1361 : i32 to index
        %get3A_1370 = arith.constant 16 : index
        %get3A_1371 = tpu.vector_load %arg14[%get3A_1369, %get3A_1370] {strides = array<i32>} : memref<512x32xf32, #tpu.memory_space<vmem>>, vector<16xf32>,
        %mul3A_1372 = arith.mulf %get3A_1371, %broadcast_in_dim3A_1355 : vector<16xf32>
        %swap3A_1373 = arith.index_cast %add3A_1361 : i32 to index
        %swap3A_1374 = arith.constant 16 : index
        %swap3A_1375 = tpu.vector_load %arg14[%swap3A_1373, %swap3A_1374] {strides = array<i32>} : memref<512x32xf32, #tpu.memory_space<vmem>>, vector<16xf32>,
        tpu.vector_store %arg14[%swap3A_1373, %swap3A_1374], %mul3A_1372 {strides = array<i32>} : memref<512x32xf32, #tpu.memory_space<vmem>>, vector<16xf32>,
        %slice3A_1376 = vector.extract_strided_slice %get3A_1124 {offsets = [11], sizes = [1], strides = [1]} : vector<16xf32> to vector<1xf32>
        %squeeze3A_1377 = vector.extract %slice3A_1376[0] : f32 from vector<1xf32>
        %broadcast_in_dim3A_1378 = vector.broadcast %squeeze3A_1377 : f32 to vector<16xf32>
        %mul3A_1379 = arith.constant 16 : i32
        %mul3A_1380 = arith.muli %scan3A_1118, %mul3A_1379 : i32
        %add3A_1381 = arith.constant 0 : i32
        %add3A_1382 = arith.addi %add3A_1381, %mul3A_1380 : i32
        %add3A_1383 = arith.constant 11 : i32
        %add3A_1384 = arith.addi %add3A_1382, %add3A_1383 : i32
        %get3A_1385 = arith.index_cast %add3A_1384 : i32 to index
        %get3A_1386 = arith.constant 0 : index
        %get3A_1387 = tpu.vector_load %arg14[%get3A_1385, %get3A_1386] {strides = array<i32>} : memref<512x32xf32, #tpu.memory_space<vmem>>, vector<16xf32>,
        %mul3A_1388 = arith.mulf %get3A_1387, %broadcast_in_dim3A_1378 : vector<16xf32>
        %swap3A_1389 = arith.index_cast %add3A_1384 : i32 to index
        %swap3A_1390 = arith.constant 0 : index
        %swap3A_1391 = tpu.vector_load %arg14[%swap3A_1389, %swap3A_1390] {strides = array<i32>} : memref<512x32xf32, #tpu.memory_space<vmem>>, vector<16xf32>,
        tpu.vector_store %arg14[%swap3A_1389, %swap3A_1390], %mul3A_1388 {strides = array<i32>} : memref<512x32xf32, #tpu.memory_space<vmem>>, vector<16xf32>,
        %get3A_1392 = arith.index_cast %add3A_1384 : i32 to index
        %get3A_1393 = arith.constant 16 : index
        %get3A_1394 = tpu.vector_load %arg14[%get3A_1392, %get3A_1393] {strides = array<i32>} : memref<512x32xf32, #tpu.memory_space<vmem>>, vector<16xf32>,
        %mul3A_1395 = arith.mulf %get3A_1394, %broadcast_in_dim3A_1378 : vector<16xf32>
        %swap3A_1396 = arith.index_cast %add3A_1384 : i32 to index
        %swap3A_1397 = arith.constant 16 : index
        %swap3A_1398 = tpu.vector_load %arg14[%swap3A_1396, %swap3A_1397] {strides = array<i32>} : memref<512x32xf32, #tpu.memory_space<vmem>>, vector<16xf32>,
        tpu.vector_store %arg14[%swap3A_1396, %swap3A_1397], %mul3A_1395 {strides = array<i32>} : memref<512x32xf32, #tpu.memory_space<vmem>>, vector<16xf32>,
        %slice3A_1399 = vector.extract_strided_slice %get3A_1124 {offsets = [12], sizes = [1], strides = [1]} : vector<16xf32> to vector<1xf32>
        %squeeze3A_1400 = vector.extract %slice3A_1399[0] : f32 from vector<1xf32>
        %broadcast_in_dim3A_1401 = vector.broadcast %squeeze3A_1400 : f32 to vector<16xf32>
        %mul3A_1402 = arith.constant 16 : i32
        %mul3A_1403 = arith.muli %scan3A_1118, %mul3A_1402 : i32
        %add3A_1404 = arith.constant 0 : i32
        %add3A_1405 = arith.addi %add3A_1404, %mul3A_1403 : i32
        %add3A_1406 = arith.constant 12 : i32
        %add3A_1407 = arith.addi %add3A_1405, %add3A_1406 : i32
        %get3A_1408 = arith.index_cast %add3A_1407 : i32 to index
        %get3A_1409 = arith.constant 0 : index
        %get3A_1410 = tpu.vector_load %arg14[%get3A_1408, %get3A_1409] {strides = array<i32>} : memref<512x32xf32, #tpu.memory_space<vmem>>, vector<16xf32>,
        %mul3A_1411 = arith.mulf %get3A_1410, %broadcast_in_dim3A_1401 : vector<16xf32>
        %swap3A_1412 = arith.index_cast %add3A_1407 : i32 to index
        %swap3A_1413 = arith.constant 0 : index
        %swap3A_1414 = tpu.vector_load %arg14[%swap3A_1412, %swap3A_1413] {strides = array<i32>} : memref<512x32xf32, #tpu.memory_space<vmem>>, vector<16xf32>,
        tpu.vector_store %arg14[%swap3A_1412, %swap3A_1413], %mul3A_1411 {strides = array<i32>} : memref<512x32xf32, #tpu.memory_space<vmem>>, vector<16xf32>,
        %get3A_1415 = arith.index_cast %add3A_1407 : i32 to index
        %get3A_1416 = arith.constant 16 : index
        %get3A_1417 = tpu.vector_load %arg14[%get3A_1415, %get3A_1416] {strides = array<i32>} : memref<512x32xf32, #tpu.memory_space<vmem>>, vector<16xf32>,
        %mul3A_1418 = arith.mulf %get3A_1417, %broadcast_in_dim3A_1401 : vector<16xf32>
        %swap3A_1419 = arith.index_cast %add3A_1407 : i32 to index
        %swap3A_1420 = arith.constant 16 : index
        %swap3A_1421 = tpu.vector_load %arg14[%swap3A_1419, %swap3A_1420] {strides = array<i32>} : memref<512x32xf32, #tpu.memory_space<vmem>>, vector<16xf32>,
        tpu.vector_store %arg14[%swap3A_1419, %swap3A_1420], %mul3A_1418 {strides = array<i32>} : memref<512x32xf32, #tpu.memory_space<vmem>>, vector<16xf32>,
        %slice3A_1422 = vector.extract_strided_slice %get3A_1124 {offsets = [13], sizes = [1], strides = [1]} : vector<16xf32> to vector<1xf32>
        %squeeze3A_1423 = vector.extract %slice3A_1422[0] : f32 from vector<1xf32>
        %broadcast_in_dim3A_1424 = vector.broadcast %squeeze3A_1423 : f32 to vector<16xf32>
        %mul3A_1425 = arith.constant 16 : i32
        %mul3A_1426 = arith.muli %scan3A_1118, %mul3A_1425 : i32
        %add3A_1427 = arith.constant 0 : i32
        %add3A_1428 = arith.addi %add3A_1427, %mul3A_1426 : i32
        %add3A_1429 = arith.constant 13 : i32
        %add3A_1430 = arith.addi %add3A_1428, %add3A_1429 : i32
        %get3A_1431 = arith.index_cast %add3A_1430 : i32 to index
        %get3A_1432 = arith.constant 0 : index
        %get3A_1433 = tpu.vector_load %arg14[%get3A_1431, %get3A_1432] {strides = array<i32>} : memref<512x32xf32, #tpu.memory_space<vmem>>, vector<16xf32>,
        %mul3A_1434 = arith.mulf %get3A_1433, %broadcast_in_dim3A_1424 : vector<16xf32>
        %swap3A_1435 = arith.index_cast %add3A_1430 : i32 to index
        %swap3A_1436 = arith.constant 0 : index
        %swap3A_1437 = tpu.vector_load %arg14[%swap3A_1435, %swap3A_1436] {strides = array<i32>} : memref<512x32xf32, #tpu.memory_space<vmem>>, vector<16xf32>,
        tpu.vector_store %arg14[%swap3A_1435, %swap3A_1436], %mul3A_1434 {strides = array<i32>} : memref<512x32xf32, #tpu.memory_space<vmem>>, vector<16xf32>,
        %get3A_1438 = arith.index_cast %add3A_1430 : i32 to index
        %get3A_1439 = arith.constant 16 : index
        %get3A_1440 = tpu.vector_load %arg14[%get3A_1438, %get3A_1439] {strides = array<i32>} : memref<512x32xf32, #tpu.memory_space<vmem>>, vector<16xf32>,
        %mul3A_1441 = arith.mulf %get3A_1440, %broadcast_in_dim3A_1424 : vector<16xf32>
        %swap3A_1442 = arith.index_cast %add3A_1430 : i32 to index
        %swap3A_1443 = arith.constant 16 : index
        %swap3A_1444 = tpu.vector_load %arg14[%swap3A_1442, %swap3A_1443] {strides = array<i32>} : memref<512x32xf32, #tpu.memory_space<vmem>>, vector<16xf32>,
        tpu.vector_store %arg14[%swap3A_1442, %swap3A_1443], %mul3A_1441 {strides = array<i32>} : memref<512x32xf32, #tpu.memory_space<vmem>>, vector<16xf32>,
        %slice3A_1445 = vector.extract_strided_slice %get3A_1124 {offsets = [14], sizes = [1], strides = [1]} : vector<16xf32> to vector<1xf32>
        %squeeze3A_1446 = vector.extract %slice3A_1445[0] : f32 from vector<1xf32>
        %broadcast_in_dim3A_1447 = vector.broadcast %squeeze3A_1446 : f32 to vector<16xf32>
        %mul3A_1448 = arith.constant 16 : i32
        %mul3A_1449 = arith.muli %scan3A_1118, %mul3A_1448 : i32
        %add3A_1450 = arith.constant 0 : i32
        %add3A_1451 = arith.addi %add3A_1450, %mul3A_1449 : i32
        %add3A_1452 = arith.constant 14 : i32
        %add3A_1453 = arith.addi %add3A_1451, %add3A_1452 : i32
        %get3A_1454 = arith.index_cast %add3A_1453 : i32 to index
        %get3A_1455 = arith.constant 0 : index
        %get3A_1456 = tpu.vector_load %arg14[%get3A_1454, %get3A_1455] {strides = array<i32>} : memref<512x32xf32, #tpu.memory_space<vmem>>, vector<16xf32>,
        %mul3A_1457 = arith.mulf %get3A_1456, %broadcast_in_dim3A_1447 : vector<16xf32>
        %swap3A_1458 = arith.index_cast %add3A_1453 : i32 to index
        %swap3A_1459 = arith.constant 0 : index
        %swap3A_1460 = tpu.vector_load %arg14[%swap3A_1458, %swap3A_1459] {strides = array<i32>} : memref<512x32xf32, #tpu.memory_space<vmem>>, vector<16xf32>,
        tpu.vector_store %arg14[%swap3A_1458, %swap3A_1459], %mul3A_1457 {strides = array<i32>} : memref<512x32xf32, #tpu.memory_space<vmem>>, vector<16xf32>,
        %get3A_1461 = arith.index_cast %add3A_1453 : i32 to index
        %get3A_1462 = arith.constant 16 : index
        %get3A_1463 = tpu.vector_load %arg14[%get3A_1461, %get3A_1462] {strides = array<i32>} : memref<512x32xf32, #tpu.memory_space<vmem>>, vector<16xf32>,
        %mul3A_1464 = arith.mulf %get3A_1463, %broadcast_in_dim3A_1447 : vector<16xf32>
        %swap3A_1465 = arith.index_cast %add3A_1453 : i32 to index
        %swap3A_1466 = arith.constant 16 : index
        %swap3A_1467 = tpu.vector_load %arg14[%swap3A_1465, %swap3A_1466] {strides = array<i32>} : memref<512x32xf32, #tpu.memory_space<vmem>>, vector<16xf32>,
        tpu.vector_store %arg14[%swap3A_1465, %swap3A_1466], %mul3A_1464 {strides = array<i32>} : memref<512x32xf32, #tpu.memory_space<vmem>>, vector<16xf32>,
        %slice3A_1468 = vector.extract_strided_slice %get3A_1124 {offsets = [15], sizes = [1], strides = [1]} : vector<16xf32> to vector<1xf32>
        %squeeze3A_1469 = vector.extract %slice3A_1468[0] : f32 from vector<1xf32>
        %broadcast_in_dim3A_1470 = vector.broadcast %squeeze3A_1469 : f32 to vector<16xf32>
        %mul3A_1471 = arith.constant 16 : i32
        %mul3A_1472 = arith.muli %scan3A_1118, %mul3A_1471 : i32
        %add3A_1473 = arith.constant 0 : i32
        %add3A_1474 = arith.addi %add3A_1473, %mul3A_1472 : i32
        %add3A_1475 = arith.constant 15 : i32
        %add3A_1476 = arith.addi %add3A_1474, %add3A_1475 : i32
        %get3A_1477 = arith.index_cast %add3A_1476 : i32 to index
        %get3A_1478 = arith.constant 0 : index
        %get3A_1479 = tpu.vector_load %arg14[%get3A_1477, %get3A_1478] {strides = array<i32>} : memref<512x32xf32, #tpu.memory_space<vmem>>, vector<16xf32>,
        %mul3A_1480 = arith.mulf %get3A_1479, %broadcast_in_dim3A_1470 : vector<16xf32>
        %swap3A_1481 = arith.index_cast %add3A_1476 : i32 to index
        %swap3A_1482 = arith.constant 0 : index
        %swap3A_1483 = tpu.vector_load %arg14[%swap3A_1481, %swap3A_1482] {strides = array<i32>} : memref<512x32xf32, #tpu.memory_space<vmem>>, vector<16xf32>,
        tpu.vector_store %arg14[%swap3A_1481, %swap3A_1482], %mul3A_1480 {strides = array<i32>} : memref<512x32xf32, #tpu.memory_space<vmem>>, vector<16xf32>,
        %get3A_1484 = arith.index_cast %add3A_1476 : i32 to index
        %get3A_1485 = arith.constant 16 : index
        %get3A_1486 = tpu.vector_load %arg14[%get3A_1484, %get3A_1485] {strides = array<i32>} : memref<512x32xf32, #tpu.memory_space<vmem>>, vector<16xf32>,
        %mul3A_1487 = arith.mulf %get3A_1486, %broadcast_in_dim3A_1470 : vector<16xf32>
        %swap3A_1488 = arith.index_cast %add3A_1476 : i32 to index
        %swap3A_1489 = arith.constant 16 : index
        %swap3A_1490 = tpu.vector_load %arg14[%swap3A_1488, %swap3A_1489] {strides = array<i32>} : memref<512x32xf32, #tpu.memory_space<vmem>>, vector<16xf32>,
        tpu.vector_store %arg14[%swap3A_1488, %swap3A_1489], %mul3A_1487 {strides = array<i32>} : memref<512x32xf32, #tpu.memory_space<vmem>>, vector<16xf32>,
        %mul3A_1491 = arith.constant 16 : i32
        %mul3A_1492 = arith.muli %scan3A_1118, %mul3A_1491 : i32
        %get3A_1493 = arith.constant 1 : i32
        %get3A_1494 = arith.index_cast %get3A_1493 : i32 to index
        %get3A_1495 = arith.index_cast %mul3A_1492 : i32 to index
        %get3A_1496 = tpu.vector_load %arg13[%get3A_1494, %get3A_1495] {strides = array<i32>} : memref<4x128xf32, #tpu.memory_space<vmem>>, vector<16xf32>,
        %slice3A_1497 = vector.extract_strided_slice %get3A_1496 {offsets = [0], sizes = [1], strides = [1]} : vector<16xf32> to vector<1xf32>
        %squeeze3A_1498 = vector.extract %slice3A_1497[0] : f32 from vector<1xf32>
        %broadcast_in_dim3A_1499 = vector.broadcast %squeeze3A_1498 : f32 to vector<16xf32>
        %mul3A_1500 = arith.constant 16 : i32
        %mul3A_1501 = arith.muli %scan3A_1118, %mul3A_1500 : i32
        %add3A_1502 = arith.constant 128 : i32
        %add3A_1503 = arith.addi %add3A_1502, %mul3A_1501 : i32
        %add3A_1504 = arith.constant 0 : i32
        %add3A_1505 = arith.addi %add3A_1503, %add3A_1504 : i32
        %get3A_1506 = arith.index_cast %add3A_1505 : i32 to index
        %get3A_1507 = arith.constant 0 : index
        %get3A_1508 = tpu.vector_load %arg14[%get3A_1506, %get3A_1507] {strides = array<i32>} : memref<512x32xf32, #tpu.memory_space<vmem>>, vector<16xf32>,
        %mul3A_1509 = arith.mulf %get3A_1508, %broadcast_in_dim3A_1499 : vector<16xf32>
        %swap3A_1510 = arith.index_cast %add3A_1505 : i32 to index
        %swap3A_1511 = arith.constant 0 : index
        %swap3A_1512 = tpu.vector_load %arg14[%swap3A_1510, %swap3A_1511] {strides = array<i32>} : memref<512x32xf32, #tpu.memory_space<vmem>>, vector<16xf32>,
        tpu.vector_store %arg14[%swap3A_1510, %swap3A_1511], %mul3A_1509 {strides = array<i32>} : memref<512x32xf32, #tpu.memory_space<vmem>>, vector<16xf32>,
        %get3A_1513 = arith.index_cast %add3A_1505 : i32 to index
        %get3A_1514 = arith.constant 16 : index
        %get3A_1515 = tpu.vector_load %arg14[%get3A_1513, %get3A_1514] {strides = array<i32>} : memref<512x32xf32, #tpu.memory_space<vmem>>, vector<16xf32>,
        %mul3A_1516 = arith.mulf %get3A_1515, %broadcast_in_dim3A_1499 : vector<16xf32>
        %swap3A_1517 = arith.index_cast %add3A_1505 : i32 to index
        %swap3A_1518 = arith.constant 16 : index
        %swap3A_1519 = tpu.vector_load %arg14[%swap3A_1517, %swap3A_1518] {strides = array<i32>} : memref<512x32xf32, #tpu.memory_space<vmem>>, vector<16xf32>,
        tpu.vector_store %arg14[%swap3A_1517, %swap3A_1518], %mul3A_1516 {strides = array<i32>} : memref<512x32xf32, #tpu.memory_space<vmem>>, vector<16xf32>,
        %slice3A_1520 = vector.extract_strided_slice %get3A_1496 {offsets = [1], sizes = [1], strides = [1]} : vector<16xf32> to vector<1xf32>
        %squeeze3A_1521 = vector.extract %slice3A_1520[0] : f32 from vector<1xf32>
        %broadcast_in_dim3A_1522 = vector.broadcast %squeeze3A_1521 : f32 to vector<16xf32>
        %mul3A_1523 = arith.constant 16 : i32
        %mul3A_1524 = arith.muli %scan3A_1118, %mul3A_1523 : i32
        %add3A_1525 = arith.constant 128 : i32
        %add3A_1526 = arith.addi %add3A_1525, %mul3A_1524 : i32
        %add3A_1527 = arith.constant 1 : i32
        %add3A_1528 = arith.addi %add3A_1526, %add3A_1527 : i32
        %get3A_1529 = arith.index_cast %add3A_1528 : i32 to index
        %get3A_1530 = arith.constant 0 : index
        %get3A_1531 = tpu.vector_load %arg14[%get3A_1529, %get3A_1530] {strides = array<i32>} : memref<512x32xf32, #tpu.memory_space<vmem>>, vector<16xf32>,
        %mul3A_1532 = arith.mulf %get3A_1531, %broadcast_in_dim3A_1522 : vector<16xf32>
        %swap3A_1533 = arith.index_cast %add3A_1528 : i32 to index
        %swap3A_1534 = arith.constant 0 : index
        %swap3A_1535 = tpu.vector_load %arg14[%swap3A_1533, %swap3A_1534] {strides = array<i32>} : memref<512x32xf32, #tpu.memory_space<vmem>>, vector<16xf32>,
        tpu.vector_store %arg14[%swap3A_1533, %swap3A_1534], %mul3A_1532 {strides = array<i32>} : memref<512x32xf32, #tpu.memory_space<vmem>>, vector<16xf32>,
        %get3A_1536 = arith.index_cast %add3A_1528 : i32 to index
        %get3A_1537 = arith.constant 16 : index
        %get3A_1538 = tpu.vector_load %arg14[%get3A_1536, %get3A_1537] {strides = array<i32>} : memref<512x32xf32, #tpu.memory_space<vmem>>, vector<16xf32>,
        %mul3A_1539 = arith.mulf %get3A_1538, %broadcast_in_dim3A_1522 : vector<16xf32>
        %swap3A_1540 = arith.index_cast %add3A_1528 : i32 to index
        %swap3A_1541 = arith.constant 16 : index
        %swap3A_1542 = tpu.vector_load %arg14[%swap3A_1540, %swap3A_1541] {strides = array<i32>} : memref<512x32xf32, #tpu.memory_space<vmem>>, vector<16xf32>,
        tpu.vector_store %arg14[%swap3A_1540, %swap3A_1541], %mul3A_1539 {strides = array<i32>} : memref<512x32xf32, #tpu.memory_space<vmem>>, vector<16xf32>,
        %slice3A_1543 = vector.extract_strided_slice %get3A_1496 {offsets = [2], sizes = [1], strides = [1]} : vector<16xf32> to vector<1xf32>
        %squeeze3A_1544 = vector.extract %slice3A_1543[0] : f32 from vector<1xf32>
        %broadcast_in_dim3A_1545 = vector.broadcast %squeeze3A_1544 : f32 to vector<16xf32>
        %mul3A_1546 = arith.constant 16 : i32
        %mul3A_1547 = arith.muli %scan3A_1118, %mul3A_1546 : i32
        %add3A_1548 = arith.constant 128 : i32
        %add3A_1549 = arith.addi %add3A_1548, %mul3A_1547 : i32
        %add3A_1550 = arith.constant 2 : i32
        %add3A_1551 = arith.addi %add3A_1549, %add3A_1550 : i32
        %get3A_1552 = arith.index_cast %add3A_1551 : i32 to index
        %get3A_1553 = arith.constant 0 : index
        %get3A_1554 = tpu.vector_load %arg14[%get3A_1552, %get3A_1553] {strides = array<i32>} : memref<512x32xf32, #tpu.memory_space<vmem>>, vector<16xf32>,
        %mul3A_1555 = arith.mulf %get3A_1554, %broadcast_in_dim3A_1545 : vector<16xf32>
        %swap3A_1556 = arith.index_cast %add3A_1551 : i32 to index
        %swap3A_1557 = arith.constant 0 : index
        %swap3A_1558 = tpu.vector_load %arg14[%swap3A_1556, %swap3A_1557] {strides = array<i32>} : memref<512x32xf32, #tpu.memory_space<vmem>>, vector<16xf32>,
        tpu.vector_store %arg14[%swap3A_1556, %swap3A_1557], %mul3A_1555 {strides = array<i32>} : memref<512x32xf32, #tpu.memory_space<vmem>>, vector<16xf32>,
        %get3A_1559 = arith.index_cast %add3A_1551 : i32 to index
        %get3A_1560 = arith.constant 16 : index
        %get3A_1561 = tpu.vector_load %arg14[%get3A_1559, %get3A_1560] {strides = array<i32>} : memref<512x32xf32, #tpu.memory_space<vmem>>, vector<16xf32>,
        %mul3A_1562 = arith.mulf %get3A_1561, %broadcast_in_dim3A_1545 : vector<16xf32>
        %swap3A_1563 = arith.index_cast %add3A_1551 : i32 to index
        %swap3A_1564 = arith.constant 16 : index
        %swap3A_1565 = tpu.vector_load %arg14[%swap3A_1563, %swap3A_1564] {strides = array<i32>} : memref<512x32xf32, #tpu.memory_space<vmem>>, vector<16xf32>,
        tpu.vector_store %arg14[%swap3A_1563, %swap3A_1564], %mul3A_1562 {strides = array<i32>} : memref<512x32xf32, #tpu.memory_space<vmem>>, vector<16xf32>,
        %slice3A_1566 = vector.extract_strided_slice %get3A_1496 {offsets = [3], sizes = [1], strides = [1]} : vector<16xf32> to vector<1xf32>
        %squeeze3A_1567 = vector.extract %slice3A_1566[0] : f32 from vector<1xf32>
        %broadcast_in_dim3A_1568 = vector.broadcast %squeeze3A_1567 : f32 to vector<16xf32>
        %mul3A_1569 = arith.constant 16 : i32
        %mul3A_1570 = arith.muli %scan3A_1118, %mul3A_1569 : i32
        %add3A_1571 = arith.constant 128 : i32
        %add3A_1572 = arith.addi %add3A_1571, %mul3A_1570 : i32
        %add3A_1573 = arith.constant 3 : i32
        %add3A_1574 = arith.addi %add3A_1572, %add3A_1573 : i32
        %get3A_1575 = arith.index_cast %add3A_1574 : i32 to index
        %get3A_1576 = arith.constant 0 : index
        %get3A_1577 = tpu.vector_load %arg14[%get3A_1575, %get3A_1576] {strides = array<i32>} : memref<512x32xf32, #tpu.memory_space<vmem>>, vector<16xf32>,
        %mul3A_1578 = arith.mulf %get3A_1577, %broadcast_in_dim3A_1568 : vector<16xf32>
        %swap3A_1579 = arith.index_cast %add3A_1574 : i32 to index
        %swap3A_1580 = arith.constant 0 : index
        %swap3A_1581 = tpu.vector_load %arg14[%swap3A_1579, %swap3A_1580] {strides = array<i32>} : memref<512x32xf32, #tpu.memory_space<vmem>>, vector<16xf32>,
        tpu.vector_store %arg14[%swap3A_1579, %swap3A_1580], %mul3A_1578 {strides = array<i32>} : memref<512x32xf32, #tpu.memory_space<vmem>>, vector<16xf32>,
        %get3A_1582 = arith.index_cast %add3A_1574 : i32 to index
        %get3A_1583 = arith.constant 16 : index
        %get3A_1584 = tpu.vector_load %arg14[%get3A_1582, %get3A_1583] {strides = array<i32>} : memref<512x32xf32, #tpu.memory_space<vmem>>, vector<16xf32>,
        %mul3A_1585 = arith.mulf %get3A_1584, %broadcast_in_dim3A_1568 : vector<16xf32>
        %swap3A_1586 = arith.index_cast %add3A_1574 : i32 to index
        %swap3A_1587 = arith.constant 16 : index
        %swap3A_1588 = tpu.vector_load %arg14[%swap3A_1586, %swap3A_1587] {strides = array<i32>} : memref<512x32xf32, #tpu.memory_space<vmem>>, vector<16xf32>,
        tpu.vector_store %arg14[%swap3A_1586, %swap3A_1587], %mul3A_1585 {strides = array<i32>} : memref<512x32xf32, #tpu.memory_space<vmem>>, vector<16xf32>,
        %slice3A_1589 = vector.extract_strided_slice %get3A_1496 {offsets = [4], sizes = [1], strides = [1]} : vector<16xf32> to vector<1xf32>
        %squeeze3A_1590 = vector.extract %slice3A_1589[0] : f32 from vector<1xf32>
        %broadcast_in_dim3A_1591 = vector.broadcast %squeeze3A_1590 : f32 to vector<16xf32>
        %mul3A_1592 = arith.constant 16 : i32
        %mul3A_1593 = arith.muli %scan3A_1118, %mul3A_1592 : i32
        %add3A_1594 = arith.constant 128 : i32
        %add3A_1595 = arith.addi %add3A_1594, %mul3A_1593 : i32
        %add3A_1596 = arith.constant 4 : i32
        %add3A_1597 = arith.addi %add3A_1595, %add3A_1596 : i32
        %get3A_1598 = arith.index_cast %add3A_1597 : i32 to index
        %get3A_1599 = arith.constant 0 : index
        %get3A_1600 = tpu.vector_load %arg14[%get3A_1598, %get3A_1599] {strides = array<i32>} : memref<512x32xf32, #tpu.memory_space<vmem>>, vector<16xf32>,
        %mul3A_1601 = arith.mulf %get3A_1600, %broadcast_in_dim3A_1591 : vector<16xf32>
        %swap3A_1602 = arith.index_cast %add3A_1597 : i32 to index
        %swap3A_1603 = arith.constant 0 : index
        %swap3A_1604 = tpu.vector_load %arg14[%swap3A_1602, %swap3A_1603] {strides = array<i32>} : memref<512x32xf32, #tpu.memory_space<vmem>>, vector<16xf32>,
        tpu.vector_store %arg14[%swap3A_1602, %swap3A_1603], %mul3A_1601 {strides = array<i32>} : memref<512x32xf32, #tpu.memory_space<vmem>>, vector<16xf32>,
        %get3A_1605 = arith.index_cast %add3A_1597 : i32 to index
        %get3A_1606 = arith.constant 16 : index
        %get3A_1607 = tpu.vector_load %arg14[%get3A_1605, %get3A_1606] {strides = array<i32>} : memref<512x32xf32, #tpu.memory_space<vmem>>, vector<16xf32>,
        %mul3A_1608 = arith.mulf %get3A_1607, %broadcast_in_dim3A_1591 : vector<16xf32>
        %swap3A_1609 = arith.index_cast %add3A_1597 : i32 to index
        %swap3A_1610 = arith.constant 16 : index
        %swap3A_1611 = tpu.vector_load %arg14[%swap3A_1609, %swap3A_1610] {strides = array<i32>} : memref<512x32xf32, #tpu.memory_space<vmem>>, vector<16xf32>,
        tpu.vector_store %arg14[%swap3A_1609, %swap3A_1610], %mul3A_1608 {strides = array<i32>} : memref<512x32xf32, #tpu.memory_space<vmem>>, vector<16xf32>,
        %slice3A_1612 = vector.extract_strided_slice %get3A_1496 {offsets = [5], sizes = [1], strides = [1]} : vector<16xf32> to vector<1xf32>
        %squeeze3A_1613 = vector.extract %slice3A_1612[0] : f32 from vector<1xf32>
        %broadcast_in_dim3A_1614 = vector.broadcast %squeeze3A_1613 : f32 to vector<16xf32>
        %mul3A_1615 = arith.constant 16 : i32
        %mul3A_1616 = arith.muli %scan3A_1118, %mul3A_1615 : i32
        %add3A_1617 = arith.constant 128 : i32
        %add3A_1618 = arith.addi %add3A_1617, %mul3A_1616 : i32
        %add3A_1619 = arith.constant 5 : i32
        %add3A_1620 = arith.addi %add3A_1618, %add3A_1619 : i32
        %get3A_1621 = arith.index_cast %add3A_1620 : i32 to index
        %get3A_1622 = arith.constant 0 : index
        %get3A_1623 = tpu.vector_load %arg14[%get3A_1621, %get3A_1622] {strides = array<i32>} : memref<512x32xf32, #tpu.memory_space<vmem>>, vector<16xf32>,
        %mul3A_1624 = arith.mulf %get3A_1623, %broadcast_in_dim3A_1614 : vector<16xf32>
        %swap3A_1625 = arith.index_cast %add3A_1620 : i32 to index
        %swap3A_1626 = arith.constant 0 : index
        %swap3A_1627 = tpu.vector_load %arg14[%swap3A_1625, %swap3A_1626] {strides = array<i32>} : memref<512x32xf32, #tpu.memory_space<vmem>>, vector<16xf32>,
        tpu.vector_store %arg14[%swap3A_1625, %swap3A_1626], %mul3A_1624 {strides = array<i32>} : memref<512x32xf32, #tpu.memory_space<vmem>>, vector<16xf32>,
        %get3A_1628 = arith.index_cast %add3A_1620 : i32 to index
        %get3A_1629 = arith.constant 16 : index
        %get3A_1630 = tpu.vector_load %arg14[%get3A_1628, %get3A_1629] {strides = array<i32>} : memref<512x32xf32, #tpu.memory_space<vmem>>, vector<16xf32>,
        %mul3A_1631 = arith.mulf %get3A_1630, %broadcast_in_dim3A_1614 : vector<16xf32>
        %swap3A_1632 = arith.index_cast %add3A_1620 : i32 to index
        %swap3A_1633 = arith.constant 16 : index
        %swap3A_1634 = tpu.vector_load %arg14[%swap3A_1632, %swap3A_1633] {strides = array<i32>} : memref<512x32xf32, #tpu.memory_space<vmem>>, vector<16xf32>,
        tpu.vector_store %arg14[%swap3A_1632, %swap3A_1633], %mul3A_1631 {strides = array<i32>} : memref<512x32xf32, #tpu.memory_space<vmem>>, vector<16xf32>,
        %slice3A_1635 = vector.extract_strided_slice %get3A_1496 {offsets = [6], sizes = [1], strides = [1]} : vector<16xf32> to vector<1xf32>
        %squeeze3A_1636 = vector.extract %slice3A_1635[0] : f32 from vector<1xf32>
        %broadcast_in_dim3A_1637 = vector.broadcast %squeeze3A_1636 : f32 to vector<16xf32>
        %mul3A_1638 = arith.constant 16 : i32
        %mul3A_1639 = arith.muli %scan3A_1118, %mul3A_1638 : i32
        %add3A_1640 = arith.constant 128 : i32
        %add3A_1641 = arith.addi %add3A_1640, %mul3A_1639 : i32
        %add3A_1642 = arith.constant 6 : i32
        %add3A_1643 = arith.addi %add3A_1641, %add3A_1642 : i32
        %get3A_1644 = arith.index_cast %add3A_1643 : i32 to index
        %get3A_1645 = arith.constant 0 : index
        %get3A_1646 = tpu.vector_load %arg14[%get3A_1644, %get3A_1645] {strides = array<i32>} : memref<512x32xf32, #tpu.memory_space<vmem>>, vector<16xf32>,
        %mul3A_1647 = arith.mulf %get3A_1646, %broadcast_in_dim3A_1637 : vector<16xf32>
        %swap3A_1648 = arith.index_cast %add3A_1643 : i32 to index
        %swap3A_1649 = arith.constant 0 : index
        %swap3A_1650 = tpu.vector_load %arg14[%swap3A_1648, %swap3A_1649] {strides = array<i32>} : memref<512x32xf32, #tpu.memory_space<vmem>>, vector<16xf32>,
        tpu.vector_store %arg14[%swap3A_1648, %swap3A_1649], %mul3A_1647 {strides = array<i32>} : memref<512x32xf32, #tpu.memory_space<vmem>>, vector<16xf32>,
        %get3A_1651 = arith.index_cast %add3A_1643 : i32 to index
        %get3A_1652 = arith.constant 16 : index
        %get3A_1653 = tpu.vector_load %arg14[%get3A_1651, %get3A_1652] {strides = array<i32>} : memref<512x32xf32, #tpu.memory_space<vmem>>, vector<16xf32>,
        %mul3A_1654 = arith.mulf %get3A_1653, %broadcast_in_dim3A_1637 : vector<16xf32>
        %swap3A_1655 = arith.index_cast %add3A_1643 : i32 to index
        %swap3A_1656 = arith.constant 16 : index
        %swap3A_1657 = tpu.vector_load %arg14[%swap3A_1655, %swap3A_1656] {strides = array<i32>} : memref<512x32xf32, #tpu.memory_space<vmem>>, vector<16xf32>,
        tpu.vector_store %arg14[%swap3A_1655, %swap3A_1656], %mul3A_1654 {strides = array<i32>} : memref<512x32xf32, #tpu.memory_space<vmem>>, vector<16xf32>,
        %slice3A_1658 = vector.extract_strided_slice %get3A_1496 {offsets = [7], sizes = [1], strides = [1]} : vector<16xf32> to vector<1xf32>
        %squeeze3A_1659 = vector.extract %slice3A_1658[0] : f32 from vector<1xf32>
        %broadcast_in_dim3A_1660 = vector.broadcast %squeeze3A_1659 : f32 to vector<16xf32>
        %mul3A_1661 = arith.constant 16 : i32
        %mul3A_1662 = arith.muli %scan3A_1118, %mul3A_1661 : i32
        %add3A_1663 = arith.constant 128 : i32
        %add3A_1664 = arith.addi %add3A_1663, %mul3A_1662 : i32
        %add3A_1665 = arith.constant 7 : i32
        %add3A_1666 = arith.addi %add3A_1664, %add3A_1665 : i32
        %get3A_1667 = arith.index_cast %add3A_1666 : i32 to index
        %get3A_1668 = arith.constant 0 : index
        %get3A_1669 = tpu.vector_load %arg14[%get3A_1667, %get3A_1668] {strides = array<i32>} : memref<512x32xf32, #tpu.memory_space<vmem>>, vector<16xf32>,
        %mul3A_1670 = arith.mulf %get3A_1669, %broadcast_in_dim3A_1660 : vector<16xf32>
        %swap3A_1671 = arith.index_cast %add3A_1666 : i32 to index
        %swap3A_1672 = arith.constant 0 : index
        %swap3A_1673 = tpu.vector_load %arg14[%swap3A_1671, %swap3A_1672] {strides = array<i32>} : memref<512x32xf32, #tpu.memory_space<vmem>>, vector<16xf32>,
        tpu.vector_store %arg14[%swap3A_1671, %swap3A_1672], %mul3A_1670 {strides = array<i32>} : memref<512x32xf32, #tpu.memory_space<vmem>>, vector<16xf32>,
        %get3A_1674 = arith.index_cast %add3A_1666 : i32 to index
        %get3A_1675 = arith.constant 16 : index
        %get3A_1676 = tpu.vector_load %arg14[%get3A_1674, %get3A_1675] {strides = array<i32>} : memref<512x32xf32, #tpu.memory_space<vmem>>, vector<16xf32>,
        %mul3A_1677 = arith.mulf %get3A_1676, %broadcast_in_dim3A_1660 : vector<16xf32>
        %swap3A_1678 = arith.index_cast %add3A_1666 : i32 to index
        %swap3A_1679 = arith.constant 16 : index
        %swap3A_1680 = tpu.vector_load %arg14[%swap3A_1678, %swap3A_1679] {strides = array<i32>} : memref<512x32xf32, #tpu.memory_space<vmem>>, vector<16xf32>,
        tpu.vector_store %arg14[%swap3A_1678, %swap3A_1679], %mul3A_1677 {strides = array<i32>} : memref<512x32xf32, #tpu.memory_space<vmem>>, vector<16xf32>,
        %slice3A_1681 = vector.extract_strided_slice %get3A_1496 {offsets = [8], sizes = [1], strides = [1]} : vector<16xf32> to vector<1xf32>
        %squeeze3A_1682 = vector.extract %slice3A_1681[0] : f32 from vector<1xf32>
        %broadcast_in_dim3A_1683 = vector.broadcast %squeeze3A_1682 : f32 to vector<16xf32>
        %mul3A_1684 = arith.constant 16 : i32
        %mul3A_1685 = arith.muli %scan3A_1118, %mul3A_1684 : i32
        %add3A_1686 = arith.constant 128 : i32
        %add3A_1687 = arith.addi %add3A_1686, %mul3A_1685 : i32
        %add3A_1688 = arith.constant 8 : i32
        %add3A_1689 = arith.addi %add3A_1687, %add3A_1688 : i32
        %get3A_1690 = arith.index_cast %add3A_1689 : i32 to index
        %get3A_1691 = arith.constant 0 : index
        %get3A_1692 = tpu.vector_load %arg14[%get3A_1690, %get3A_1691] {strides = array<i32>} : memref<512x32xf32, #tpu.memory_space<vmem>>, vector<16xf32>,
        %mul3A_1693 = arith.mulf %get3A_1692, %broadcast_in_dim3A_1683 : vector<16xf32>
        %swap3A_1694 = arith.index_cast %add3A_1689 : i32 to index
        %swap3A_1695 = arith.constant 0 : index
        %swap3A_1696 = tpu.vector_load %arg14[%swap3A_1694, %swap3A_1695] {strides = array<i32>} : memref<512x32xf32, #tpu.memory_space<vmem>>, vector<16xf32>,
        tpu.vector_store %arg14[%swap3A_1694, %swap3A_1695], %mul3A_1693 {strides = array<i32>} : memref<512x32xf32, #tpu.memory_space<vmem>>, vector<16xf32>,
        %get3A_1697 = arith.index_cast %add3A_1689 : i32 to index
        %get3A_1698 = arith.constant 16 : index
        %get3A_1699 = tpu.vector_load %arg14[%get3A_1697, %get3A_1698] {strides = array<i32>} : memref<512x32xf32, #tpu.memory_space<vmem>>, vector<16xf32>,
        %mul3A_1700 = arith.mulf %get3A_1699, %broadcast_in_dim3A_1683 : vector<16xf32>
        %swap3A_1701 = arith.index_cast %add3A_1689 : i32 to index
        %swap3A_1702 = arith.constant 16 : index
        %swap3A_1703 = tpu.vector_load %arg14[%swap3A_1701, %swap3A_1702] {strides = array<i32>} : memref<512x32xf32, #tpu.memory_space<vmem>>, vector<16xf32>,
        tpu.vector_store %arg14[%swap3A_1701, %swap3A_1702], %mul3A_1700 {strides = array<i32>} : memref<512x32xf32, #tpu.memory_space<vmem>>, vector<16xf32>,
        %slice3A_1704 = vector.extract_strided_slice %get3A_1496 {offsets = [9], sizes = [1], strides = [1]} : vector<16xf32> to vector<1xf32>
        %squeeze3A_1705 = vector.extract %slice3A_1704[0] : f32 from vector<1xf32>
        %broadcast_in_dim3A_1706 = vector.broadcast %squeeze3A_1705 : f32 to vector<16xf32>
        %mul3A_1707 = arith.constant 16 : i32
        %mul3A_1708 = arith.muli %scan3A_1118, %mul3A_1707 : i32
        %add3A_1709 = arith.constant 128 : i32
        %add3A_1710 = arith.addi %add3A_1709, %mul3A_1708 : i32
        %add3A_1711 = arith.constant 9 : i32
        %add3A_1712 = arith.addi %add3A_1710, %add3A_1711 : i32
        %get3A_1713 = arith.index_cast %add3A_1712 : i32 to index
        %get3A_1714 = arith.constant 0 : index
        %get3A_1715 = tpu.vector_load %arg14[%get3A_1713, %get3A_1714] {strides = array<i32>} : memref<512x32xf32, #tpu.memory_space<vmem>>, vector<16xf32>,
        %mul3A_1716 = arith.mulf %get3A_1715, %broadcast_in_dim3A_1706 : vector<16xf32>
        %swap3A_1717 = arith.index_cast %add3A_1712 : i32 to index
        %swap3A_1718 = arith.constant 0 : index
        %swap3A_1719 = tpu.vector_load %arg14[%swap3A_1717, %swap3A_1718] {strides = array<i32>} : memref<512x32xf32, #tpu.memory_space<vmem>>, vector<16xf32>,
        tpu.vector_store %arg14[%swap3A_1717, %swap3A_1718], %mul3A_1716 {strides = array<i32>} : memref<512x32xf32, #tpu.memory_space<vmem>>, vector<16xf32>,
        %get3A_1720 = arith.index_cast %add3A_1712 : i32 to index
        %get3A_1721 = arith.constant 16 : index
        %get3A_1722 = tpu.vector_load %arg14[%get3A_1720, %get3A_1721] {strides = array<i32>} : memref<512x32xf32, #tpu.memory_space<vmem>>, vector<16xf32>,
        %mul3A_1723 = arith.mulf %get3A_1722, %broadcast_in_dim3A_1706 : vector<16xf32>
        %swap3A_1724 = arith.index_cast %add3A_1712 : i32 to index
        %swap3A_1725 = arith.constant 16 : index
        %swap3A_1726 = tpu.vector_load %arg14[%swap3A_1724, %swap3A_1725] {strides = array<i32>} : memref<512x32xf32, #tpu.memory_space<vmem>>, vector<16xf32>,
        tpu.vector_store %arg14[%swap3A_1724, %swap3A_1725], %mul3A_1723 {strides = array<i32>} : memref<512x32xf32, #tpu.memory_space<vmem>>, vector<16xf32>,
        %slice3A_1727 = vector.extract_strided_slice %get3A_1496 {offsets = [10], sizes = [1], strides = [1]} : vector<16xf32> to vector<1xf32>
        %squeeze3A_1728 = vector.extract %slice3A_1727[0] : f32 from vector<1xf32>
        %broadcast_in_dim3A_1729 = vector.broadcast %squeeze3A_1728 : f32 to vector<16xf32>
        %mul3A_1730 = arith.constant 16 : i32
        %mul3A_1731 = arith.muli %scan3A_1118, %mul3A_1730 : i32
        %add3A_1732 = arith.constant 128 : i32
        %add3A_1733 = arith.addi %add3A_1732, %mul3A_1731 : i32
        %add3A_1734 = arith.constant 10 : i32
        %add3A_1735 = arith.addi %add3A_1733, %add3A_1734 : i32
        %get3A_1736 = arith.index_cast %add3A_1735 : i32 to index
        %get3A_1737 = arith.constant 0 : index
        %get3A_1738 = tpu.vector_load %arg14[%get3A_1736, %get3A_1737] {strides = array<i32>} : memref<512x32xf32, #tpu.memory_space<vmem>>, vector<16xf32>,
        %mul3A_1739 = arith.mulf %get3A_1738, %broadcast_in_dim3A_1729 : vector<16xf32>
        %swap3A_1740 = arith.index_cast %add3A_1735 : i32 to index
        %swap3A_1741 = arith.constant 0 : index
        %swap3A_1742 = tpu.vector_load %arg14[%swap3A_1740, %swap3A_1741] {strides = array<i32>} : memref<512x32xf32, #tpu.memory_space<vmem>>, vector<16xf32>,
        tpu.vector_store %arg14[%swap3A_1740, %swap3A_1741], %mul3A_1739 {strides = array<i32>} : memref<512x32xf32, #tpu.memory_space<vmem>>, vector<16xf32>,
        %get3A_1743 = arith.index_cast %add3A_1735 : i32 to index
        %get3A_1744 = arith.constant 16 : index
        %get3A_1745 = tpu.vector_load %arg14[%get3A_1743, %get3A_1744] {strides = array<i32>} : memref<512x32xf32, #tpu.memory_space<vmem>>, vector<16xf32>,
        %mul3A_1746 = arith.mulf %get3A_1745, %broadcast_in_dim3A_1729 : vector<16xf32>
        %swap3A_1747 = arith.index_cast %add3A_1735 : i32 to index
        %swap3A_1748 = arith.constant 16 : index
        %swap3A_1749 = tpu.vector_load %arg14[%swap3A_1747, %swap3A_1748] {strides = array<i32>} : memref<512x32xf32, #tpu.memory_space<vmem>>, vector<16xf32>,
        tpu.vector_store %arg14[%swap3A_1747, %swap3A_1748], %mul3A_1746 {strides = array<i32>} : memref<512x32xf32, #tpu.memory_space<vmem>>, vector<16xf32>,
        %slice3A_1750 = vector.extract_strided_slice %get3A_1496 {offsets = [11], sizes = [1], strides = [1]} : vector<16xf32> to vector<1xf32>
        %squeeze3A_1751 = vector.extract %slice3A_1750[0] : f32 from vector<1xf32>
        %broadcast_in_dim3A_1752 = vector.broadcast %squeeze3A_1751 : f32 to vector<16xf32>
        %mul3A_1753 = arith.constant 16 : i32
        %mul3A_1754 = arith.muli %scan3A_1118, %mul3A_1753 : i32
        %add3A_1755 = arith.constant 128 : i32
        %add3A_1756 = arith.addi %add3A_1755, %mul3A_1754 : i32
        %add3A_1757 = arith.constant 11 : i32
        %add3A_1758 = arith.addi %add3A_1756, %add3A_1757 : i32
        %get3A_1759 = arith.index_cast %add3A_1758 : i32 to index
        %get3A_1760 = arith.constant 0 : index
        %get3A_1761 = tpu.vector_load %arg14[%get3A_1759, %get3A_1760] {strides = array<i32>} : memref<512x32xf32, #tpu.memory_space<vmem>>, vector<16xf32>,
        %mul3A_1762 = arith.mulf %get3A_1761, %broadcast_in_dim3A_1752 : vector<16xf32>
        %swap3A_1763 = arith.index_cast %add3A_1758 : i32 to index
        %swap3A_1764 = arith.constant 0 : index
        %swap3A_1765 = tpu.vector_load %arg14[%swap3A_1763, %swap3A_1764] {strides = array<i32>} : memref<512x32xf32, #tpu.memory_space<vmem>>, vector<16xf32>,
        tpu.vector_store %arg14[%swap3A_1763, %swap3A_1764], %mul3A_1762 {strides = array<i32>} : memref<512x32xf32, #tpu.memory_space<vmem>>, vector<16xf32>,
        %get3A_1766 = arith.index_cast %add3A_1758 : i32 to index
        %get3A_1767 = arith.constant 16 : index
        %get3A_1768 = tpu.vector_load %arg14[%get3A_1766, %get3A_1767] {strides = array<i32>} : memref<512x32xf32, #tpu.memory_space<vmem>>, vector<16xf32>,
        %mul3A_1769 = arith.mulf %get3A_1768, %broadcast_in_dim3A_1752 : vector<16xf32>
        %swap3A_1770 = arith.index_cast %add3A_1758 : i32 to index
        %swap3A_1771 = arith.constant 16 : index
        %swap3A_1772 = tpu.vector_load %arg14[%swap3A_1770, %swap3A_1771] {strides = array<i32>} : memref<512x32xf32, #tpu.memory_space<vmem>>, vector<16xf32>,
        tpu.vector_store %arg14[%swap3A_1770, %swap3A_1771], %mul3A_1769 {strides = array<i32>} : memref<512x32xf32, #tpu.memory_space<vmem>>, vector<16xf32>,
        %slice3A_1773 = vector.extract_strided_slice %get3A_1496 {offsets = [12], sizes = [1], strides = [1]} : vector<16xf32> to vector<1xf32>
        %squeeze3A_1774 = vector.extract %slice3A_1773[0] : f32 from vector<1xf32>
        %broadcast_in_dim3A_1775 = vector.broadcast %squeeze3A_1774 : f32 to vector<16xf32>
        %mul3A_1776 = arith.constant 16 : i32
        %mul3A_1777 = arith.muli %scan3A_1118, %mul3A_1776 : i32
        %add3A_1778 = arith.constant 128 : i32
        %add3A_1779 = arith.addi %add3A_1778, %mul3A_1777 : i32
        %add3A_1780 = arith.constant 12 : i32
        %add3A_1781 = arith.addi %add3A_1779, %add3A_1780 : i32
        %get3A_1782 = arith.index_cast %add3A_1781 : i32 to index
        %get3A_1783 = arith.constant 0 : index
        %get3A_1784 = tpu.vector_load %arg14[%get3A_1782, %get3A_1783] {strides = array<i32>} : memref<512x32xf32, #tpu.memory_space<vmem>>, vector<16xf32>,
        %mul3A_1785 = arith.mulf %get3A_1784, %broadcast_in_dim3A_1775 : vector<16xf32>
        %swap3A_1786 = arith.index_cast %add3A_1781 : i32 to index
        %swap3A_1787 = arith.constant 0 : index
        %swap3A_1788 = tpu.vector_load %arg14[%swap3A_1786, %swap3A_1787] {strides = array<i32>} : memref<512x32xf32, #tpu.memory_space<vmem>>, vector<16xf32>,
        tpu.vector_store %arg14[%swap3A_1786, %swap3A_1787], %mul3A_1785 {strides = array<i32>} : memref<512x32xf32, #tpu.memory_space<vmem>>, vector<16xf32>,
        %get3A_1789 = arith.index_cast %add3A_1781 : i32 to index
        %get3A_1790 = arith.constant 16 : index
        %get3A_1791 = tpu.vector_load %arg14[%get3A_1789, %get3A_1790] {strides = array<i32>} : memref<512x32xf32, #tpu.memory_space<vmem>>, vector<16xf32>,
        %mul3A_1792 = arith.mulf %get3A_1791, %broadcast_in_dim3A_1775 : vector<16xf32>
        %swap3A_1793 = arith.index_cast %add3A_1781 : i32 to index
        %swap3A_1794 = arith.constant 16 : index
        %swap3A_1795 = tpu.vector_load %arg14[%swap3A_1793, %swap3A_1794] {strides = array<i32>} : memref<512x32xf32, #tpu.memory_space<vmem>>, vector<16xf32>,
        tpu.vector_store %arg14[%swap3A_1793, %swap3A_1794], %mul3A_1792 {strides = array<i32>} : memref<512x32xf32, #tpu.memory_space<vmem>>, vector<16xf32>,
        %slice3A_1796 = vector.extract_strided_slice %get3A_1496 {offsets = [13], sizes = [1], strides = [1]} : vector<16xf32> to vector<1xf32>
        %squeeze3A_1797 = vector.extract %slice3A_1796[0] : f32 from vector<1xf32>
        %broadcast_in_dim3A_1798 = vector.broadcast %squeeze3A_1797 : f32 to vector<16xf32>
        %mul3A_1799 = arith.constant 16 : i32
        %mul3A_1800 = arith.muli %scan3A_1118, %mul3A_1799 : i32
        %add3A_1801 = arith.constant 128 : i32
        %add3A_1802 = arith.addi %add3A_1801, %mul3A_1800 : i32
        %add3A_1803 = arith.constant 13 : i32
        %add3A_1804 = arith.addi %add3A_1802, %add3A_1803 : i32
        %get3A_1805 = arith.index_cast %add3A_1804 : i32 to index
        %get3A_1806 = arith.constant 0 : index
        %get3A_1807 = tpu.vector_load %arg14[%get3A_1805, %get3A_1806] {strides = array<i32>} : memref<512x32xf32, #tpu.memory_space<vmem>>, vector<16xf32>,
        %mul3A_1808 = arith.mulf %get3A_1807, %broadcast_in_dim3A_1798 : vector<16xf32>
        %swap3A_1809 = arith.index_cast %add3A_1804 : i32 to index
        %swap3A_1810 = arith.constant 0 : index
        %swap3A_1811 = tpu.vector_load %arg14[%swap3A_1809, %swap3A_1810] {strides = array<i32>} : memref<512x32xf32, #tpu.memory_space<vmem>>, vector<16xf32>,
        tpu.vector_store %arg14[%swap3A_1809, %swap3A_1810], %mul3A_1808 {strides = array<i32>} : memref<512x32xf32, #tpu.memory_space<vmem>>, vector<16xf32>,
        %get3A_1812 = arith.index_cast %add3A_1804 : i32 to index
        %get3A_1813 = arith.constant 16 : index
        %get3A_1814 = tpu.vector_load %arg14[%get3A_1812, %get3A_1813] {strides = array<i32>} : memref<512x32xf32, #tpu.memory_space<vmem>>, vector<16xf32>,
        %mul3A_1815 = arith.mulf %get3A_1814, %broadcast_in_dim3A_1798 : vector<16xf32>
        %swap3A_1816 = arith.index_cast %add3A_1804 : i32 to index
        %swap3A_1817 = arith.constant 16 : index
        %swap3A_1818 = tpu.vector_load %arg14[%swap3A_1816, %swap3A_1817] {strides = array<i32>} : memref<512x32xf32, #tpu.memory_space<vmem>>, vector<16xf32>,
        tpu.vector_store %arg14[%swap3A_1816, %swap3A_1817], %mul3A_1815 {strides = array<i32>} : memref<512x32xf32, #tpu.memory_space<vmem>>, vector<16xf32>,
        %slice3A_1819 = vector.extract_strided_slice %get3A_1496 {offsets = [14], sizes = [1], strides = [1]} : vector<16xf32> to vector<1xf32>
        %squeeze3A_1820 = vector.extract %slice3A_1819[0] : f32 from vector<1xf32>
        %broadcast_in_dim3A_1821 = vector.broadcast %squeeze3A_1820 : f32 to vector<16xf32>
        %mul3A_1822 = arith.constant 16 : i32
        %mul3A_1823 = arith.muli %scan3A_1118, %mul3A_1822 : i32
        %add3A_1824 = arith.constant 128 : i32
        %add3A_1825 = arith.addi %add3A_1824, %mul3A_1823 : i32
        %add3A_1826 = arith.constant 14 : i32
        %add3A_1827 = arith.addi %add3A_1825, %add3A_1826 : i32
        %get3A_1828 = arith.index_cast %add3A_1827 : i32 to index
        %get3A_1829 = arith.constant 0 : index
        %get3A_1830 = tpu.vector_load %arg14[%get3A_1828, %get3A_1829] {strides = array<i32>} : memref<512x32xf32, #tpu.memory_space<vmem>>, vector<16xf32>,
        %mul3A_1831 = arith.mulf %get3A_1830, %broadcast_in_dim3A_1821 : vector<16xf32>
        %swap3A_1832 = arith.index_cast %add3A_1827 : i32 to index
        %swap3A_1833 = arith.constant 0 : index
        %swap3A_1834 = tpu.vector_load %arg14[%swap3A_1832, %swap3A_1833] {strides = array<i32>} : memref<512x32xf32, #tpu.memory_space<vmem>>, vector<16xf32>,
        tpu.vector_store %arg14[%swap3A_1832, %swap3A_1833], %mul3A_1831 {strides = array<i32>} : memref<512x32xf32, #tpu.memory_space<vmem>>, vector<16xf32>,
        %get3A_1835 = arith.index_cast %add3A_1827 : i32 to index
        %get3A_1836 = arith.constant 16 : index
        %get3A_1837 = tpu.vector_load %arg14[%get3A_1835, %get3A_1836] {strides = array<i32>} : memref<512x32xf32, #tpu.memory_space<vmem>>, vector<16xf32>,
        %mul3A_1838 = arith.mulf %get3A_1837, %broadcast_in_dim3A_1821 : vector<16xf32>
        %swap3A_1839 = arith.index_cast %add3A_1827 : i32 to index
        %swap3A_1840 = arith.constant 16 : index
        %swap3A_1841 = tpu.vector_load %arg14[%swap3A_1839, %swap3A_1840] {strides = array<i32>} : memref<512x32xf32, #tpu.memory_space<vmem>>, vector<16xf32>,
        tpu.vector_store %arg14[%swap3A_1839, %swap3A_1840], %mul3A_1838 {strides = array<i32>} : memref<512x32xf32, #tpu.memory_space<vmem>>, vector<16xf32>,
        %slice3A_1842 = vector.extract_strided_slice %get3A_1496 {offsets = [15], sizes = [1], strides = [1]} : vector<16xf32> to vector<1xf32>
        %squeeze3A_1843 = vector.extract %slice3A_1842[0] : f32 from vector<1xf32>
        %broadcast_in_dim3A_1844 = vector.broadcast %squeeze3A_1843 : f32 to vector<16xf32>
        %mul3A_1845 = arith.constant 16 : i32
        %mul3A_1846 = arith.muli %scan3A_1118, %mul3A_1845 : i32
        %add3A_1847 = arith.constant 128 : i32
        %add3A_1848 = arith.addi %add3A_1847, %mul3A_1846 : i32
        %add3A_1849 = arith.constant 15 : i32
        %add3A_1850 = arith.addi %add3A_1848, %add3A_1849 : i32
        %get3A_1851 = arith.index_cast %add3A_1850 : i32 to index
        %get3A_1852 = arith.constant 0 : index
        %get3A_1853 = tpu.vector_load %arg14[%get3A_1851, %get3A_1852] {strides = array<i32>} : memref<512x32xf32, #tpu.memory_space<vmem>>, vector<16xf32>,
        %mul3A_1854 = arith.mulf %get3A_1853, %broadcast_in_dim3A_1844 : vector<16xf32>
        %swap3A_1855 = arith.index_cast %add3A_1850 : i32 to index
        %swap3A_1856 = arith.constant 0 : index
        %swap3A_1857 = tpu.vector_load %arg14[%swap3A_1855, %swap3A_1856] {strides = array<i32>} : memref<512x32xf32, #tpu.memory_space<vmem>>, vector<16xf32>,
        tpu.vector_store %arg14[%swap3A_1855, %swap3A_1856], %mul3A_1854 {strides = array<i32>} : memref<512x32xf32, #tpu.memory_space<vmem>>, vector<16xf32>,
        %get3A_1858 = arith.index_cast %add3A_1850 : i32 to index
        %get3A_1859 = arith.constant 16 : index
        %get3A_1860 = tpu.vector_load %arg14[%get3A_1858, %get3A_1859] {strides = array<i32>} : memref<512x32xf32, #tpu.memory_space<vmem>>, vector<16xf32>,
        %mul3A_1861 = arith.mulf %get3A_1860, %broadcast_in_dim3A_1844 : vector<16xf32>
        %swap3A_1862 = arith.index_cast %add3A_1850 : i32 to index
        %swap3A_1863 = arith.constant 16 : index
        %swap3A_1864 = tpu.vector_load %arg14[%swap3A_1862, %swap3A_1863] {strides = array<i32>} : memref<512x32xf32, #tpu.memory_space<vmem>>, vector<16xf32>,
        tpu.vector_store %arg14[%swap3A_1862, %swap3A_1863], %mul3A_1861 {strides = array<i32>} : memref<512x32xf32, #tpu.memory_space<vmem>>, vector<16xf32>,
        %mul3A_1865 = arith.constant 16 : i32
        %mul3A_1866 = arith.muli %scan3A_1118, %mul3A_1865 : i32
        %get3A_1867 = arith.constant 2 : i32
        %get3A_1868 = arith.index_cast %get3A_1867 : i32 to index
        %get3A_1869 = arith.index_cast %mul3A_1866 : i32 to index
        %get3A_1870 = tpu.vector_load %arg13[%get3A_1868, %get3A_1869] {strides = array<i32>} : memref<4x128xf32, #tpu.memory_space<vmem>>, vector<16xf32>,
        %slice3A_1871 = vector.extract_strided_slice %get3A_1870 {offsets = [0], sizes = [1], strides = [1]} : vector<16xf32> to vector<1xf32>
        %squeeze3A_1872 = vector.extract %slice3A_1871[0] : f32 from vector<1xf32>
        %broadcast_in_dim3A_1873 = vector.broadcast %squeeze3A_1872 : f32 to vector<16xf32>
        %mul3A_1874 = arith.constant 16 : i32
        %mul3A_1875 = arith.muli %scan3A_1118, %mul3A_1874 : i32
        %add3A_1876 = arith.constant 256 : i32
        %add3A_1877 = arith.addi %add3A_1876, %mul3A_1875 : i32
        %add3A_1878 = arith.constant 0 : i32
        %add3A_1879 = arith.addi %add3A_1877, %add3A_1878 : i32
        %get3A_1880 = arith.index_cast %add3A_1879 : i32 to index
        %get3A_1881 = arith.constant 0 : index
        %get3A_1882 = tpu.vector_load %arg14[%get3A_1880, %get3A_1881] {strides = array<i32>} : memref<512x32xf32, #tpu.memory_space<vmem>>, vector<16xf32>,
        %mul3A_1883 = arith.mulf %get3A_1882, %broadcast_in_dim3A_1873 : vector<16xf32>
        %swap3A_1884 = arith.index_cast %add3A_1879 : i32 to index
        %swap3A_1885 = arith.constant 0 : index
        %swap3A_1886 = tpu.vector_load %arg14[%swap3A_1884, %swap3A_1885] {strides = array<i32>} : memref<512x32xf32, #tpu.memory_space<vmem>>, vector<16xf32>,
        tpu.vector_store %arg14[%swap3A_1884, %swap3A_1885], %mul3A_1883 {strides = array<i32>} : memref<512x32xf32, #tpu.memory_space<vmem>>, vector<16xf32>,
        %get3A_1887 = arith.index_cast %add3A_1879 : i32 to index
        %get3A_1888 = arith.constant 16 : index
        %get3A_1889 = tpu.vector_load %arg14[%get3A_1887, %get3A_1888] {strides = array<i32>} : memref<512x32xf32, #tpu.memory_space<vmem>>, vector<16xf32>,
        %mul3A_1890 = arith.mulf %get3A_1889, %broadcast_in_dim3A_1873 : vector<16xf32>
        %swap3A_1891 = arith.index_cast %add3A_1879 : i32 to index
        %swap3A_1892 = arith.constant 16 : index
        %swap3A_1893 = tpu.vector_load %arg14[%swap3A_1891, %swap3A_1892] {strides = array<i32>} : memref<512x32xf32, #tpu.memory_space<vmem>>, vector<16xf32>,
        tpu.vector_store %arg14[%swap3A_1891, %swap3A_1892], %mul3A_1890 {strides = array<i32>} : memref<512x32xf32, #tpu.memory_space<vmem>>, vector<16xf32>,
        %slice3A_1894 = vector.extract_strided_slice %get3A_1870 {offsets = [1], sizes = [1], strides = [1]} : vector<16xf32> to vector<1xf32>
        %squeeze3A_1895 = vector.extract %slice3A_1894[0] : f32 from vector<1xf32>
        %broadcast_in_dim3A_1896 = vector.broadcast %squeeze3A_1895 : f32 to vector<16xf32>
        %mul3A_1897 = arith.constant 16 : i32
        %mul3A_1898 = arith.muli %scan3A_1118, %mul3A_1897 : i32
        %add3A_1899 = arith.constant 256 : i32
        %add3A_1900 = arith.addi %add3A_1899, %mul3A_1898 : i32
        %add3A_1901 = arith.constant 1 : i32
        %add3A_1902 = arith.addi %add3A_1900, %add3A_1901 : i32
        %get3A_1903 = arith.index_cast %add3A_1902 : i32 to index
        %get3A_1904 = arith.constant 0 : index
        %get3A_1905 = tpu.vector_load %arg14[%get3A_1903, %get3A_1904] {strides = array<i32>} : memref<512x32xf32, #tpu.memory_space<vmem>>, vector<16xf32>,
        %mul3A_1906 = arith.mulf %get3A_1905, %broadcast_in_dim3A_1896 : vector<16xf32>
        %swap3A_1907 = arith.index_cast %add3A_1902 : i32 to index
        %swap3A_1908 = arith.constant 0 : index
        %swap3A_1909 = tpu.vector_load %arg14[%swap3A_1907, %swap3A_1908] {strides = array<i32>} : memref<512x32xf32, #tpu.memory_space<vmem>>, vector<16xf32>,
        tpu.vector_store %arg14[%swap3A_1907, %swap3A_1908], %mul3A_1906 {strides = array<i32>} : memref<512x32xf32, #tpu.memory_space<vmem>>, vector<16xf32>,
        %get3A_1910 = arith.index_cast %add3A_1902 : i32 to index
        %get3A_1911 = arith.constant 16 : index
        %get3A_1912 = tpu.vector_load %arg14[%get3A_1910, %get3A_1911] {strides = array<i32>} : memref<512x32xf32, #tpu.memory_space<vmem>>, vector<16xf32>,
        %mul3A_1913 = arith.mulf %get3A_1912, %broadcast_in_dim3A_1896 : vector<16xf32>
        %swap3A_1914 = arith.index_cast %add3A_1902 : i32 to index
        %swap3A_1915 = arith.constant 16 : index
        %swap3A_1916 = tpu.vector_load %arg14[%swap3A_1914, %swap3A_1915] {strides = array<i32>} : memref<512x32xf32, #tpu.memory_space<vmem>>, vector<16xf32>,
        tpu.vector_store %arg14[%swap3A_1914, %swap3A_1915], %mul3A_1913 {strides = array<i32>} : memref<512x32xf32, #tpu.memory_space<vmem>>, vector<16xf32>,
        %slice3A_1917 = vector.extract_strided_slice %get3A_1870 {offsets = [2], sizes = [1], strides = [1]} : vector<16xf32> to vector<1xf32>
        %squeeze3A_1918 = vector.extract %slice3A_1917[0] : f32 from vector<1xf32>
        %broadcast_in_dim3A_1919 = vector.broadcast %squeeze3A_1918 : f32 to vector<16xf32>
        %mul3A_1920 = arith.constant 16 : i32
        %mul3A_1921 = arith.muli %scan3A_1118, %mul3A_1920 : i32
        %add3A_1922 = arith.constant 256 : i32
        %add3A_1923 = arith.addi %add3A_1922, %mul3A_1921 : i32
        %add3A_1924 = arith.constant 2 : i32
        %add3A_1925 = arith.addi %add3A_1923, %add3A_1924 : i32
        %get3A_1926 = arith.index_cast %add3A_1925 : i32 to index
        %get3A_1927 = arith.constant 0 : index
        %get3A_1928 = tpu.vector_load %arg14[%get3A_1926, %get3A_1927] {strides = array<i32>} : memref<512x32xf32, #tpu.memory_space<vmem>>, vector<16xf32>,
        %mul3A_1929 = arith.mulf %get3A_1928, %broadcast_in_dim3A_1919 : vector<16xf32>
        %swap3A_1930 = arith.index_cast %add3A_1925 : i32 to index
        %swap3A_1931 = arith.constant 0 : index
        %swap3A_1932 = tpu.vector_load %arg14[%swap3A_1930, %swap3A_1931] {strides = array<i32>} : memref<512x32xf32, #tpu.memory_space<vmem>>, vector<16xf32>,
        tpu.vector_store %arg14[%swap3A_1930, %swap3A_1931], %mul3A_1929 {strides = array<i32>} : memref<512x32xf32, #tpu.memory_space<vmem>>, vector<16xf32>,
        %get3A_1933 = arith.index_cast %add3A_1925 : i32 to index
        %get3A_1934 = arith.constant 16 : index
        %get3A_1935 = tpu.vector_load %arg14[%get3A_1933, %get3A_1934] {strides = array<i32>} : memref<512x32xf32, #tpu.memory_space<vmem>>, vector<16xf32>,
        %mul3A_1936 = arith.mulf %get3A_1935, %broadcast_in_dim3A_1919 : vector<16xf32>
        %swap3A_1937 = arith.index_cast %add3A_1925 : i32 to index
        %swap3A_1938 = arith.constant 16 : index
        %swap3A_1939 = tpu.vector_load %arg14[%swap3A_1937, %swap3A_1938] {strides = array<i32>} : memref<512x32xf32, #tpu.memory_space<vmem>>, vector<16xf32>,
        tpu.vector_store %arg14[%swap3A_1937, %swap3A_1938], %mul3A_1936 {strides = array<i32>} : memref<512x32xf32, #tpu.memory_space<vmem>>, vector<16xf32>,
        %slice3A_1940 = vector.extract_strided_slice %get3A_1870 {offsets = [3], sizes = [1], strides = [1]} : vector<16xf32> to vector<1xf32>
        %squeeze3A_1941 = vector.extract %slice3A_1940[0] : f32 from vector<1xf32>
        %broadcast_in_dim3A_1942 = vector.broadcast %squeeze3A_1941 : f32 to vector<16xf32>
        %mul3A_1943 = arith.constant 16 : i32
        %mul3A_1944 = arith.muli %scan3A_1118, %mul3A_1943 : i32
        %add3A_1945 = arith.constant 256 : i32
        %add3A_1946 = arith.addi %add3A_1945, %mul3A_1944 : i32
        %add3A_1947 = arith.constant 3 : i32
        %add3A_1948 = arith.addi %add3A_1946, %add3A_1947 : i32
        %get3A_1949 = arith.index_cast %add3A_1948 : i32 to index
        %get3A_1950 = arith.constant 0 : index
        %get3A_1951 = tpu.vector_load %arg14[%get3A_1949, %get3A_1950] {strides = array<i32>} : memref<512x32xf32, #tpu.memory_space<vmem>>, vector<16xf32>,
        %mul3A_1952 = arith.mulf %get3A_1951, %broadcast_in_dim3A_1942 : vector<16xf32>
        %swap3A_1953 = arith.index_cast %add3A_1948 : i32 to index
        %swap3A_1954 = arith.constant 0 : index
        %swap3A_1955 = tpu.vector_load %arg14[%swap3A_1953, %swap3A_1954] {strides = array<i32>} : memref<512x32xf32, #tpu.memory_space<vmem>>, vector<16xf32>,
        tpu.vector_store %arg14[%swap3A_1953, %swap3A_1954], %mul3A_1952 {strides = array<i32>} : memref<512x32xf32, #tpu.memory_space<vmem>>, vector<16xf32>,
        %get3A_1956 = arith.index_cast %add3A_1948 : i32 to index
        %get3A_1957 = arith.constant 16 : index
        %get3A_1958 = tpu.vector_load %arg14[%get3A_1956, %get3A_1957] {strides = array<i32>} : memref<512x32xf32, #tpu.memory_space<vmem>>, vector<16xf32>,
        %mul3A_1959 = arith.mulf %get3A_1958, %broadcast_in_dim3A_1942 : vector<16xf32>
        %swap3A_1960 = arith.index_cast %add3A_1948 : i32 to index
        %swap3A_1961 = arith.constant 16 : index
        %swap3A_1962 = tpu.vector_load %arg14[%swap3A_1960, %swap3A_1961] {strides = array<i32>} : memref<512x32xf32, #tpu.memory_space<vmem>>, vector<16xf32>,
        tpu.vector_store %arg14[%swap3A_1960, %swap3A_1961], %mul3A_1959 {strides = array<i32>} : memref<512x32xf32, #tpu.memory_space<vmem>>, vector<16xf32>,
        %slice3A_1963 = vector.extract_strided_slice %get3A_1870 {offsets = [4], sizes = [1], strides = [1]} : vector<16xf32> to vector<1xf32>
        %squeeze3A_1964 = vector.extract %slice3A_1963[0] : f32 from vector<1xf32>
        %broadcast_in_dim3A_1965 = vector.broadcast %squeeze3A_1964 : f32 to vector<16xf32>
        %mul3A_1966 = arith.constant 16 : i32
        %mul3A_1967 = arith.muli %scan3A_1118, %mul3A_1966 : i32
        %add3A_1968 = arith.constant 256 : i32
        %add3A_1969 = arith.addi %add3A_1968, %mul3A_1967 : i32
        %add3A_1970 = arith.constant 4 : i32
        %add3A_1971 = arith.addi %add3A_1969, %add3A_1970 : i32
        %get3A_1972 = arith.index_cast %add3A_1971 : i32 to index
        %get3A_1973 = arith.constant 0 : index
        %get3A_1974 = tpu.vector_load %arg14[%get3A_1972, %get3A_1973] {strides = array<i32>} : memref<512x32xf32, #tpu.memory_space<vmem>>, vector<16xf32>,
        %mul3A_1975 = arith.mulf %get3A_1974, %broadcast_in_dim3A_1965 : vector<16xf32>
        %swap3A_1976 = arith.index_cast %add3A_1971 : i32 to index
        %swap3A_1977 = arith.constant 0 : index
        %swap3A_1978 = tpu.vector_load %arg14[%swap3A_1976, %swap3A_1977] {strides = array<i32>} : memref<512x32xf32, #tpu.memory_space<vmem>>, vector<16xf32>,
        tpu.vector_store %arg14[%swap3A_1976, %swap3A_1977], %mul3A_1975 {strides = array<i32>} : memref<512x32xf32, #tpu.memory_space<vmem>>, vector<16xf32>,
        %get3A_1979 = arith.index_cast %add3A_1971 : i32 to index
        %get3A_1980 = arith.constant 16 : index
        %get3A_1981 = tpu.vector_load %arg14[%get3A_1979, %get3A_1980] {strides = array<i32>} : memref<512x32xf32, #tpu.memory_space<vmem>>, vector<16xf32>,
        %mul3A_1982 = arith.mulf %get3A_1981, %broadcast_in_dim3A_1965 : vector<16xf32>
        %swap3A_1983 = arith.index_cast %add3A_1971 : i32 to index
        %swap3A_1984 = arith.constant 16 : index
        %swap3A_1985 = tpu.vector_load %arg14[%swap3A_1983, %swap3A_1984] {strides = array<i32>} : memref<512x32xf32, #tpu.memory_space<vmem>>, vector<16xf32>,
        tpu.vector_store %arg14[%swap3A_1983, %swap3A_1984], %mul3A_1982 {strides = array<i32>} : memref<512x32xf32, #tpu.memory_space<vmem>>, vector<16xf32>,
        %slice3A_1986 = vector.extract_strided_slice %get3A_1870 {offsets = [5], sizes = [1], strides = [1]} : vector<16xf32> to vector<1xf32>
        %squeeze3A_1987 = vector.extract %slice3A_1986[0] : f32 from vector<1xf32>
        %broadcast_in_dim3A_1988 = vector.broadcast %squeeze3A_1987 : f32 to vector<16xf32>
        %mul3A_1989 = arith.constant 16 : i32
        %mul3A_1990 = arith.muli %scan3A_1118, %mul3A_1989 : i32
        %add3A_1991 = arith.constant 256 : i32
        %add3A_1992 = arith.addi %add3A_1991, %mul3A_1990 : i32
        %add3A_1993 = arith.constant 5 : i32
        %add3A_1994 = arith.addi %add3A_1992, %add3A_1993 : i32
        %get3A_1995 = arith.index_cast %add3A_1994 : i32 to index
        %get3A_1996 = arith.constant 0 : index
        %get3A_1997 = tpu.vector_load %arg14[%get3A_1995, %get3A_1996] {strides = array<i32>} : memref<512x32xf32, #tpu.memory_space<vmem>>, vector<16xf32>,
        %mul3A_1998 = arith.mulf %get3A_1997, %broadcast_in_dim3A_1988 : vector<16xf32>
        %swap3A_1999 = arith.index_cast %add3A_1994 : i32 to index
        %swap3A_2000 = arith.constant 0 : index
        %swap3A_2001 = tpu.vector_load %arg14[%swap3A_1999, %swap3A_2000] {strides = array<i32>} : memref<512x32xf32, #tpu.memory_space<vmem>>, vector<16xf32>,
        tpu.vector_store %arg14[%swap3A_1999, %swap3A_2000], %mul3A_1998 {strides = array<i32>} : memref<512x32xf32, #tpu.memory_space<vmem>>, vector<16xf32>,
        %get3A_2002 = arith.index_cast %add3A_1994 : i32 to index
        %get3A_2003 = arith.constant 16 : index
        %get3A_2004 = tpu.vector_load %arg14[%get3A_2002, %get3A_2003] {strides = array<i32>} : memref<512x32xf32, #tpu.memory_space<vmem>>, vector<16xf32>,
        %mul3A_2005 = arith.mulf %get3A_2004, %broadcast_in_dim3A_1988 : vector<16xf32>
        %swap3A_2006 = arith.index_cast %add3A_1994 : i32 to index
        %swap3A_2007 = arith.constant 16 : index
        %swap3A_2008 = tpu.vector_load %arg14[%swap3A_2006, %swap3A_2007] {strides = array<i32>} : memref<512x32xf32, #tpu.memory_space<vmem>>, vector<16xf32>,
        tpu.vector_store %arg14[%swap3A_2006, %swap3A_2007], %mul3A_2005 {strides = array<i32>} : memref<512x32xf32, #tpu.memory_space<vmem>>, vector<16xf32>,
        %slice3A_2009 = vector.extract_strided_slice %get3A_1870 {offsets = [6], sizes = [1], strides = [1]} : vector<16xf32> to vector<1xf32>
        %squeeze3A_2010 = vector.extract %slice3A_2009[0] : f32 from vector<1xf32>
        %broadcast_in_dim3A_2011 = vector.broadcast %squeeze3A_2010 : f32 to vector<16xf32>
        %mul3A_2012 = arith.constant 16 : i32
        %mul3A_2013 = arith.muli %scan3A_1118, %mul3A_2012 : i32
        %add3A_2014 = arith.constant 256 : i32
        %add3A_2015 = arith.addi %add3A_2014, %mul3A_2013 : i32
        %add3A_2016 = arith.constant 6 : i32
        %add3A_2017 = arith.addi %add3A_2015, %add3A_2016 : i32
        %get3A_2018 = arith.index_cast %add3A_2017 : i32 to index
        %get3A_2019 = arith.constant 0 : index
        %get3A_2020 = tpu.vector_load %arg14[%get3A_2018, %get3A_2019] {strides = array<i32>} : memref<512x32xf32, #tpu.memory_space<vmem>>, vector<16xf32>,
        %mul3A_2021 = arith.mulf %get3A_2020, %broadcast_in_dim3A_2011 : vector<16xf32>
        %swap3A_2022 = arith.index_cast %add3A_2017 : i32 to index
        %swap3A_2023 = arith.constant 0 : index
        %swap3A_2024 = tpu.vector_load %arg14[%swap3A_2022, %swap3A_2023] {strides = array<i32>} : memref<512x32xf32, #tpu.memory_space<vmem>>, vector<16xf32>,
        tpu.vector_store %arg14[%swap3A_2022, %swap3A_2023], %mul3A_2021 {strides = array<i32>} : memref<512x32xf32, #tpu.memory_space<vmem>>, vector<16xf32>,
        %get3A_2025 = arith.index_cast %add3A_2017 : i32 to index
        %get3A_2026 = arith.constant 16 : index
        %get3A_2027 = tpu.vector_load %arg14[%get3A_2025, %get3A_2026] {strides = array<i32>} : memref<512x32xf32, #tpu.memory_space<vmem>>, vector<16xf32>,
        %mul3A_2028 = arith.mulf %get3A_2027, %broadcast_in_dim3A_2011 : vector<16xf32>
        %swap3A_2029 = arith.index_cast %add3A_2017 : i32 to index
        %swap3A_2030 = arith.constant 16 : index
        %swap3A_2031 = tpu.vector_load %arg14[%swap3A_2029, %swap3A_2030] {strides = array<i32>} : memref<512x32xf32, #tpu.memory_space<vmem>>, vector<16xf32>,
        tpu.vector_store %arg14[%swap3A_2029, %swap3A_2030], %mul3A_2028 {strides = array<i32>} : memref<512x32xf32, #tpu.memory_space<vmem>>, vector<16xf32>,
        %slice3A_2032 = vector.extract_strided_slice %get3A_1870 {offsets = [7], sizes = [1], strides = [1]} : vector<16xf32> to vector<1xf32>
        %squeeze3A_2033 = vector.extract %slice3A_2032[0] : f32 from vector<1xf32>
        %broadcast_in_dim3A_2034 = vector.broadcast %squeeze3A_2033 : f32 to vector<16xf32>
        %mul3A_2035 = arith.constant 16 : i32
        %mul3A_2036 = arith.muli %scan3A_1118, %mul3A_2035 : i32
        %add3A_2037 = arith.constant 256 : i32
        %add3A_2038 = arith.addi %add3A_2037, %mul3A_2036 : i32
        %add3A_2039 = arith.constant 7 : i32
        %add3A_2040 = arith.addi %add3A_2038, %add3A_2039 : i32
        %get3A_2041 = arith.index_cast %add3A_2040 : i32 to index
        %get3A_2042 = arith.constant 0 : index
        %get3A_2043 = tpu.vector_load %arg14[%get3A_2041, %get3A_2042] {strides = array<i32>} : memref<512x32xf32, #tpu.memory_space<vmem>>, vector<16xf32>,
        %mul3A_2044 = arith.mulf %get3A_2043, %broadcast_in_dim3A_2034 : vector<16xf32>
        %swap3A_2045 = arith.index_cast %add3A_2040 : i32 to index
        %swap3A_2046 = arith.constant 0 : index
        %swap3A_2047 = tpu.vector_load %arg14[%swap3A_2045, %swap3A_2046] {strides = array<i32>} : memref<512x32xf32, #tpu.memory_space<vmem>>, vector<16xf32>,
        tpu.vector_store %arg14[%swap3A_2045, %swap3A_2046], %mul3A_2044 {strides = array<i32>} : memref<512x32xf32, #tpu.memory_space<vmem>>, vector<16xf32>,
        %get3A_2048 = arith.index_cast %add3A_2040 : i32 to index
        %get3A_2049 = arith.constant 16 : index
        %get3A_2050 = tpu.vector_load %arg14[%get3A_2048, %get3A_2049] {strides = array<i32>} : memref<512x32xf32, #tpu.memory_space<vmem>>, vector<16xf32>,
        %mul3A_2051 = arith.mulf %get3A_2050, %broadcast_in_dim3A_2034 : vector<16xf32>
        %swap3A_2052 = arith.index_cast %add3A_2040 : i32 to index
        %swap3A_2053 = arith.constant 16 : index
        %swap3A_2054 = tpu.vector_load %arg14[%swap3A_2052, %swap3A_2053] {strides = array<i32>} : memref<512x32xf32, #tpu.memory_space<vmem>>, vector<16xf32>,
        tpu.vector_store %arg14[%swap3A_2052, %swap3A_2053], %mul3A_2051 {strides = array<i32>} : memref<512x32xf32, #tpu.memory_space<vmem>>, vector<16xf32>,
        %slice3A_2055 = vector.extract_strided_slice %get3A_1870 {offsets = [8], sizes = [1], strides = [1]} : vector<16xf32> to vector<1xf32>
        %squeeze3A_2056 = vector.extract %slice3A_2055[0] : f32 from vector<1xf32>
        %broadcast_in_dim3A_2057 = vector.broadcast %squeeze3A_2056 : f32 to vector<16xf32>
        %mul3A_2058 = arith.constant 16 : i32
        %mul3A_2059 = arith.muli %scan3A_1118, %mul3A_2058 : i32
        %add3A_2060 = arith.constant 256 : i32
        %add3A_2061 = arith.addi %add3A_2060, %mul3A_2059 : i32
        %add3A_2062 = arith.constant 8 : i32
        %add3A_2063 = arith.addi %add3A_2061, %add3A_2062 : i32
        %get3A_2064 = arith.index_cast %add3A_2063 : i32 to index
        %get3A_2065 = arith.constant 0 : index
        %get3A_2066 = tpu.vector_load %arg14[%get3A_2064, %get3A_2065] {strides = array<i32>} : memref<512x32xf32, #tpu.memory_space<vmem>>, vector<16xf32>,
        %mul3A_2067 = arith.mulf %get3A_2066, %broadcast_in_dim3A_2057 : vector<16xf32>
        %swap3A_2068 = arith.index_cast %add3A_2063 : i32 to index
        %swap3A_2069 = arith.constant 0 : index
        %swap3A_2070 = tpu.vector_load %arg14[%swap3A_2068, %swap3A_2069] {strides = array<i32>} : memref<512x32xf32, #tpu.memory_space<vmem>>, vector<16xf32>,
        tpu.vector_store %arg14[%swap3A_2068, %swap3A_2069], %mul3A_2067 {strides = array<i32>} : memref<512x32xf32, #tpu.memory_space<vmem>>, vector<16xf32>,
        %get3A_2071 = arith.index_cast %add3A_2063 : i32 to index
        %get3A_2072 = arith.constant 16 : index
        %get3A_2073 = tpu.vector_load %arg14[%get3A_2071, %get3A_2072] {strides = array<i32>} : memref<512x32xf32, #tpu.memory_space<vmem>>, vector<16xf32>,
        %mul3A_2074 = arith.mulf %get3A_2073, %broadcast_in_dim3A_2057 : vector<16xf32>
        %swap3A_2075 = arith.index_cast %add3A_2063 : i32 to index
        %swap3A_2076 = arith.constant 16 : index
        %swap3A_2077 = tpu.vector_load %arg14[%swap3A_2075, %swap3A_2076] {strides = array<i32>} : memref<512x32xf32, #tpu.memory_space<vmem>>, vector<16xf32>,
        tpu.vector_store %arg14[%swap3A_2075, %swap3A_2076], %mul3A_2074 {strides = array<i32>} : memref<512x32xf32, #tpu.memory_space<vmem>>, vector<16xf32>,
        %slice3A_2078 = vector.extract_strided_slice %get3A_1870 {offsets = [9], sizes = [1], strides = [1]} : vector<16xf32> to vector<1xf32>
        %squeeze3A_2079 = vector.extract %slice3A_2078[0] : f32 from vector<1xf32>
        %broadcast_in_dim3A_2080 = vector.broadcast %squeeze3A_2079 : f32 to vector<16xf32>
        %mul3A_2081 = arith.constant 16 : i32
        %mul3A_2082 = arith.muli %scan3A_1118, %mul3A_2081 : i32
        %add3A_2083 = arith.constant 256 : i32
        %add3A_2084 = arith.addi %add3A_2083, %mul3A_2082 : i32
        %add3A_2085 = arith.constant 9 : i32
        %add3A_2086 = arith.addi %add3A_2084, %add3A_2085 : i32
        %get3A_2087 = arith.index_cast %add3A_2086 : i32 to index
        %get3A_2088 = arith.constant 0 : index
        %get3A_2089 = tpu.vector_load %arg14[%get3A_2087, %get3A_2088] {strides = array<i32>} : memref<512x32xf32, #tpu.memory_space<vmem>>, vector<16xf32>,
        %mul3A_2090 = arith.mulf %get3A_2089, %broadcast_in_dim3A_2080 : vector<16xf32>
        %swap3A_2091 = arith.index_cast %add3A_2086 : i32 to index
        %swap3A_2092 = arith.constant 0 : index
        %swap3A_2093 = tpu.vector_load %arg14[%swap3A_2091, %swap3A_2092] {strides = array<i32>} : memref<512x32xf32, #tpu.memory_space<vmem>>, vector<16xf32>,
        tpu.vector_store %arg14[%swap3A_2091, %swap3A_2092], %mul3A_2090 {strides = array<i32>} : memref<512x32xf32, #tpu.memory_space<vmem>>, vector<16xf32>,
        %get3A_2094 = arith.index_cast %add3A_2086 : i32 to index
        %get3A_2095 = arith.constant 16 : index
        %get3A_2096 = tpu.vector_load %arg14[%get3A_2094, %get3A_2095] {strides = array<i32>} : memref<512x32xf32, #tpu.memory_space<vmem>>, vector<16xf32>,
        %mul3A_2097 = arith.mulf %get3A_2096, %broadcast_in_dim3A_2080 : vector<16xf32>
        %swap3A_2098 = arith.index_cast %add3A_2086 : i32 to index
        %swap3A_2099 = arith.constant 16 : index
        %swap3A_2100 = tpu.vector_load %arg14[%swap3A_2098, %swap3A_2099] {strides = array<i32>} : memref<512x32xf32, #tpu.memory_space<vmem>>, vector<16xf32>,
        tpu.vector_store %arg14[%swap3A_2098, %swap3A_2099], %mul3A_2097 {strides = array<i32>} : memref<512x32xf32, #tpu.memory_space<vmem>>, vector<16xf32>,
        %slice3A_2101 = vector.extract_strided_slice %get3A_1870 {offsets = [10], sizes = [1], strides = [1]} : vector<16xf32> to vector<1xf32>
        %squeeze3A_2102 = vector.extract %slice3A_2101[0] : f32 from vector<1xf32>
        %broadcast_in_dim3A_2103 = vector.broadcast %squeeze3A_2102 : f32 to vector<16xf32>
        %mul3A_2104 = arith.constant 16 : i32
        %mul3A_2105 = arith.muli %scan3A_1118, %mul3A_2104 : i32
        %add3A_2106 = arith.constant 256 : i32
        %add3A_2107 = arith.addi %add3A_2106, %mul3A_2105 : i32
        %add3A_2108 = arith.constant 10 : i32
        %add3A_2109 = arith.addi %add3A_2107, %add3A_2108 : i32
        %get3A_2110 = arith.index_cast %add3A_2109 : i32 to index
        %get3A_2111 = arith.constant 0 : index
        %get3A_2112 = tpu.vector_load %arg14[%get3A_2110, %get3A_2111] {strides = array<i32>} : memref<512x32xf32, #tpu.memory_space<vmem>>, vector<16xf32>,
        %mul3A_2113 = arith.mulf %get3A_2112, %broadcast_in_dim3A_2103 : vector<16xf32>
        %swap3A_2114 = arith.index_cast %add3A_2109 : i32 to index
        %swap3A_2115 = arith.constant 0 : index
        %swap3A_2116 = tpu.vector_load %arg14[%swap3A_2114, %swap3A_2115] {strides = array<i32>} : memref<512x32xf32, #tpu.memory_space<vmem>>, vector<16xf32>,
        tpu.vector_store %arg14[%swap3A_2114, %swap3A_2115], %mul3A_2113 {strides = array<i32>} : memref<512x32xf32, #tpu.memory_space<vmem>>, vector<16xf32>,
        %get3A_2117 = arith.index_cast %add3A_2109 : i32 to index
        %get3A_2118 = arith.constant 16 : index
        %get3A_2119 = tpu.vector_load %arg14[%get3A_2117, %get3A_2118] {strides = array<i32>} : memref<512x32xf32, #tpu.memory_space<vmem>>, vector<16xf32>,
        %mul3A_2120 = arith.mulf %get3A_2119, %broadcast_in_dim3A_2103 : vector<16xf32>
        %swap3A_2121 = arith.index_cast %add3A_2109 : i32 to index
        %swap3A_2122 = arith.constant 16 : index
        %swap3A_2123 = tpu.vector_load %arg14[%swap3A_2121, %swap3A_2122] {strides = array<i32>} : memref<512x32xf32, #tpu.memory_space<vmem>>, vector<16xf32>,
        tpu.vector_store %arg14[%swap3A_2121, %swap3A_2122], %mul3A_2120 {strides = array<i32>} : memref<512x32xf32, #tpu.memory_space<vmem>>, vector<16xf32>,
        %slice3A_2124 = vector.extract_strided_slice %get3A_1870 {offsets = [11], sizes = [1], strides = [1]} : vector<16xf32> to vector<1xf32>
        %squeeze3A_2125 = vector.extract %slice3A_2124[0] : f32 from vector<1xf32>
        %broadcast_in_dim3A_2126 = vector.broadcast %squeeze3A_2125 : f32 to vector<16xf32>
        %mul3A_2127 = arith.constant 16 : i32
        %mul3A_2128 = arith.muli %scan3A_1118, %mul3A_2127 : i32
        %add3A_2129 = arith.constant 256 : i32
        %add3A_2130 = arith.addi %add3A_2129, %mul3A_2128 : i32
        %add3A_2131 = arith.constant 11 : i32
        %add3A_2132 = arith.addi %add3A_2130, %add3A_2131 : i32
        %get3A_2133 = arith.index_cast %add3A_2132 : i32 to index
        %get3A_2134 = arith.constant 0 : index
        %get3A_2135 = tpu.vector_load %arg14[%get3A_2133, %get3A_2134] {strides = array<i32>} : memref<512x32xf32, #tpu.memory_space<vmem>>, vector<16xf32>,
        %mul3A_2136 = arith.mulf %get3A_2135, %broadcast_in_dim3A_2126 : vector<16xf32>
        %swap3A_2137 = arith.index_cast %add3A_2132 : i32 to index
        %swap3A_2138 = arith.constant 0 : index
        %swap3A_2139 = tpu.vector_load %arg14[%swap3A_2137, %swap3A_2138] {strides = array<i32>} : memref<512x32xf32, #tpu.memory_space<vmem>>, vector<16xf32>,
        tpu.vector_store %arg14[%swap3A_2137, %swap3A_2138], %mul3A_2136 {strides = array<i32>} : memref<512x32xf32, #tpu.memory_space<vmem>>, vector<16xf32>,
        %get3A_2140 = arith.index_cast %add3A_2132 : i32 to index
        %get3A_2141 = arith.constant 16 : index
        %get3A_2142 = tpu.vector_load %arg14[%get3A_2140, %get3A_2141] {strides = array<i32>} : memref<512x32xf32, #tpu.memory_space<vmem>>, vector<16xf32>,
        %mul3A_2143 = arith.mulf %get3A_2142, %broadcast_in_dim3A_2126 : vector<16xf32>
        %swap3A_2144 = arith.index_cast %add3A_2132 : i32 to index
        %swap3A_2145 = arith.constant 16 : index
        %swap3A_2146 = tpu.vector_load %arg14[%swap3A_2144, %swap3A_2145] {strides = array<i32>} : memref<512x32xf32, #tpu.memory_space<vmem>>, vector<16xf32>,
        tpu.vector_store %arg14[%swap3A_2144, %swap3A_2145], %mul3A_2143 {strides = array<i32>} : memref<512x32xf32, #tpu.memory_space<vmem>>, vector<16xf32>,
        %slice3A_2147 = vector.extract_strided_slice %get3A_1870 {offsets = [12], sizes = [1], strides = [1]} : vector<16xf32> to vector<1xf32>
        %squeeze3A_2148 = vector.extract %slice3A_2147[0] : f32 from vector<1xf32>
        %broadcast_in_dim3A_2149 = vector.broadcast %squeeze3A_2148 : f32 to vector<16xf32>
        %mul3A_2150 = arith.constant 16 : i32
        %mul3A_2151 = arith.muli %scan3A_1118, %mul3A_2150 : i32
        %add3A_2152 = arith.constant 256 : i32
        %add3A_2153 = arith.addi %add3A_2152, %mul3A_2151 : i32
        %add3A_2154 = arith.constant 12 : i32
        %add3A_2155 = arith.addi %add3A_2153, %add3A_2154 : i32
        %get3A_2156 = arith.index_cast %add3A_2155 : i32 to index
        %get3A_2157 = arith.constant 0 : index
        %get3A_2158 = tpu.vector_load %arg14[%get3A_2156, %get3A_2157] {strides = array<i32>} : memref<512x32xf32, #tpu.memory_space<vmem>>, vector<16xf32>,
        %mul3A_2159 = arith.mulf %get3A_2158, %broadcast_in_dim3A_2149 : vector<16xf32>
        %swap3A_2160 = arith.index_cast %add3A_2155 : i32 to index
        %swap3A_2161 = arith.constant 0 : index
        %swap3A_2162 = tpu.vector_load %arg14[%swap3A_2160, %swap3A_2161] {strides = array<i32>} : memref<512x32xf32, #tpu.memory_space<vmem>>, vector<16xf32>,
        tpu.vector_store %arg14[%swap3A_2160, %swap3A_2161], %mul3A_2159 {strides = array<i32>} : memref<512x32xf32, #tpu.memory_space<vmem>>, vector<16xf32>,
        %get3A_2163 = arith.index_cast %add3A_2155 : i32 to index
        %get3A_2164 = arith.constant 16 : index
        %get3A_2165 = tpu.vector_load %arg14[%get3A_2163, %get3A_2164] {strides = array<i32>} : memref<512x32xf32, #tpu.memory_space<vmem>>, vector<16xf32>,
        %mul3A_2166 = arith.mulf %get3A_2165, %broadcast_in_dim3A_2149 : vector<16xf32>
        %swap3A_2167 = arith.index_cast %add3A_2155 : i32 to index
        %swap3A_2168 = arith.constant 16 : index
        %swap3A_2169 = tpu.vector_load %arg14[%swap3A_2167, %swap3A_2168] {strides = array<i32>} : memref<512x32xf32, #tpu.memory_space<vmem>>, vector<16xf32>,
        tpu.vector_store %arg14[%swap3A_2167, %swap3A_2168], %mul3A_2166 {strides = array<i32>} : memref<512x32xf32, #tpu.memory_space<vmem>>, vector<16xf32>,
        %slice3A_2170 = vector.extract_strided_slice %get3A_1870 {offsets = [13], sizes = [1], strides = [1]} : vector<16xf32> to vector<1xf32>
        %squeeze3A_2171 = vector.extract %slice3A_2170[0] : f32 from vector<1xf32>
        %broadcast_in_dim3A_2172 = vector.broadcast %squeeze3A_2171 : f32 to vector<16xf32>
        %mul3A_2173 = arith.constant 16 : i32
        %mul3A_2174 = arith.muli %scan3A_1118, %mul3A_2173 : i32
        %add3A_2175 = arith.constant 256 : i32
        %add3A_2176 = arith.addi %add3A_2175, %mul3A_2174 : i32
        %add3A_2177 = arith.constant 13 : i32
        %add3A_2178 = arith.addi %add3A_2176, %add3A_2177 : i32
        %get3A_2179 = arith.index_cast %add3A_2178 : i32 to index
        %get3A_2180 = arith.constant 0 : index
        %get3A_2181 = tpu.vector_load %arg14[%get3A_2179, %get3A_2180] {strides = array<i32>} : memref<512x32xf32, #tpu.memory_space<vmem>>, vector<16xf32>,
        %mul3A_2182 = arith.mulf %get3A_2181, %broadcast_in_dim3A_2172 : vector<16xf32>
        %swap3A_2183 = arith.index_cast %add3A_2178 : i32 to index
        %swap3A_2184 = arith.constant 0 : index
        %swap3A_2185 = tpu.vector_load %arg14[%swap3A_2183, %swap3A_2184] {strides = array<i32>} : memref<512x32xf32, #tpu.memory_space<vmem>>, vector<16xf32>,
        tpu.vector_store %arg14[%swap3A_2183, %swap3A_2184], %mul3A_2182 {strides = array<i32>} : memref<512x32xf32, #tpu.memory_space<vmem>>, vector<16xf32>,
        %get3A_2186 = arith.index_cast %add3A_2178 : i32 to index
        %get3A_2187 = arith.constant 16 : index
        %get3A_2188 = tpu.vector_load %arg14[%get3A_2186, %get3A_2187] {strides = array<i32>} : memref<512x32xf32, #tpu.memory_space<vmem>>, vector<16xf32>,
        %mul3A_2189 = arith.mulf %get3A_2188, %broadcast_in_dim3A_2172 : vector<16xf32>
        %swap3A_2190 = arith.index_cast %add3A_2178 : i32 to index
        %swap3A_2191 = arith.constant 16 : index
        %swap3A_2192 = tpu.vector_load %arg14[%swap3A_2190, %swap3A_2191] {strides = array<i32>} : memref<512x32xf32, #tpu.memory_space<vmem>>, vector<16xf32>,
        tpu.vector_store %arg14[%swap3A_2190, %swap3A_2191], %mul3A_2189 {strides = array<i32>} : memref<512x32xf32, #tpu.memory_space<vmem>>, vector<16xf32>,
        %slice3A_2193 = vector.extract_strided_slice %get3A_1870 {offsets = [14], sizes = [1], strides = [1]} : vector<16xf32> to vector<1xf32>
        %squeeze3A_2194 = vector.extract %slice3A_2193[0] : f32 from vector<1xf32>
        %broadcast_in_dim3A_2195 = vector.broadcast %squeeze3A_2194 : f32 to vector<16xf32>
        %mul3A_2196 = arith.constant 16 : i32
        %mul3A_2197 = arith.muli %scan3A_1118, %mul3A_2196 : i32
        %add3A_2198 = arith.constant 256 : i32
        %add3A_2199 = arith.addi %add3A_2198, %mul3A_2197 : i32
        %add3A_2200 = arith.constant 14 : i32
        %add3A_2201 = arith.addi %add3A_2199, %add3A_2200 : i32
        %get3A_2202 = arith.index_cast %add3A_2201 : i32 to index
        %get3A_2203 = arith.constant 0 : index
        %get3A_2204 = tpu.vector_load %arg14[%get3A_2202, %get3A_2203] {strides = array<i32>} : memref<512x32xf32, #tpu.memory_space<vmem>>, vector<16xf32>,
        %mul3A_2205 = arith.mulf %get3A_2204, %broadcast_in_dim3A_2195 : vector<16xf32>
        %swap3A_2206 = arith.index_cast %add3A_2201 : i32 to index
        %swap3A_2207 = arith.constant 0 : index
        %swap3A_2208 = tpu.vector_load %arg14[%swap3A_2206, %swap3A_2207] {strides = array<i32>} : memref<512x32xf32, #tpu.memory_space<vmem>>, vector<16xf32>,
        tpu.vector_store %arg14[%swap3A_2206, %swap3A_2207], %mul3A_2205 {strides = array<i32>} : memref<512x32xf32, #tpu.memory_space<vmem>>, vector<16xf32>,
        %get3A_2209 = arith.index_cast %add3A_2201 : i32 to index
        %get3A_2210 = arith.constant 16 : index
        %get3A_2211 = tpu.vector_load %arg14[%get3A_2209, %get3A_2210] {strides = array<i32>} : memref<512x32xf32, #tpu.memory_space<vmem>>, vector<16xf32>,
        %mul3A_2212 = arith.mulf %get3A_2211, %broadcast_in_dim3A_2195 : vector<16xf32>
        %swap3A_2213 = arith.index_cast %add3A_2201 : i32 to index
        %swap3A_2214 = arith.constant 16 : index
        %swap3A_2215 = tpu.vector_load %arg14[%swap3A_2213, %swap3A_2214] {strides = array<i32>} : memref<512x32xf32, #tpu.memory_space<vmem>>, vector<16xf32>,
        tpu.vector_store %arg14[%swap3A_2213, %swap3A_2214], %mul3A_2212 {strides = array<i32>} : memref<512x32xf32, #tpu.memory_space<vmem>>, vector<16xf32>,
        %slice3A_2216 = vector.extract_strided_slice %get3A_1870 {offsets = [15], sizes = [1], strides = [1]} : vector<16xf32> to vector<1xf32>
        %squeeze3A_2217 = vector.extract %slice3A_2216[0] : f32 from vector<1xf32>
        %broadcast_in_dim3A_2218 = vector.broadcast %squeeze3A_2217 : f32 to vector<16xf32>
        %mul3A_2219 = arith.constant 16 : i32
        %mul3A_2220 = arith.muli %scan3A_1118, %mul3A_2219 : i32
        %add3A_2221 = arith.constant 256 : i32
        %add3A_2222 = arith.addi %add3A_2221, %mul3A_2220 : i32
        %add3A_2223 = arith.constant 15 : i32
        %add3A_2224 = arith.addi %add3A_2222, %add3A_2223 : i32
        %get3A_2225 = arith.index_cast %add3A_2224 : i32 to index
        %get3A_2226 = arith.constant 0 : index
        %get3A_2227 = tpu.vector_load %arg14[%get3A_2225, %get3A_2226] {strides = array<i32>} : memref<512x32xf32, #tpu.memory_space<vmem>>, vector<16xf32>,
        %mul3A_2228 = arith.mulf %get3A_2227, %broadcast_in_dim3A_2218 : vector<16xf32>
        %swap3A_2229 = arith.index_cast %add3A_2224 : i32 to index
        %swap3A_2230 = arith.constant 0 : index
        %swap3A_2231 = tpu.vector_load %arg14[%swap3A_2229, %swap3A_2230] {strides = array<i32>} : memref<512x32xf32, #tpu.memory_space<vmem>>, vector<16xf32>,
        tpu.vector_store %arg14[%swap3A_2229, %swap3A_2230], %mul3A_2228 {strides = array<i32>} : memref<512x32xf32, #tpu.memory_space<vmem>>, vector<16xf32>,
        %get3A_2232 = arith.index_cast %add3A_2224 : i32 to index
        %get3A_2233 = arith.constant 16 : index
        %get3A_2234 = tpu.vector_load %arg14[%get3A_2232, %get3A_2233] {strides = array<i32>} : memref<512x32xf32, #tpu.memory_space<vmem>>, vector<16xf32>,
        %mul3A_2235 = arith.mulf %get3A_2234, %broadcast_in_dim3A_2218 : vector<16xf32>
        %swap3A_2236 = arith.index_cast %add3A_2224 : i32 to index
        %swap3A_2237 = arith.constant 16 : index
        %swap3A_2238 = tpu.vector_load %arg14[%swap3A_2236, %swap3A_2237] {strides = array<i32>} : memref<512x32xf32, #tpu.memory_space<vmem>>, vector<16xf32>,
        tpu.vector_store %arg14[%swap3A_2236, %swap3A_2237], %mul3A_2235 {strides = array<i32>} : memref<512x32xf32, #tpu.memory_space<vmem>>, vector<16xf32>,
        %mul3A_2239 = arith.constant 16 : i32
        %mul3A_2240 = arith.muli %scan3A_1118, %mul3A_2239 : i32
        %get3A_2241 = arith.constant 3 : i32
        %get3A_2242 = arith.index_cast %get3A_2241 : i32 to index
        %get3A_2243 = arith.index_cast %mul3A_2240 : i32 to index
        %get3A_2244 = tpu.vector_load %arg13[%get3A_2242, %get3A_2243] {strides = array<i32>} : memref<4x128xf32, #tpu.memory_space<vmem>>, vector<16xf32>,
        %slice3A_2245 = vector.extract_strided_slice %get3A_2244 {offsets = [0], sizes = [1], strides = [1]} : vector<16xf32> to vector<1xf32>
        %squeeze3A_2246 = vector.extract %slice3A_2245[0] : f32 from vector<1xf32>
        %broadcast_in_dim3A_2247 = vector.broadcast %squeeze3A_2246 : f32 to vector<16xf32>
        %mul3A_2248 = arith.constant 16 : i32
        %mul3A_2249 = arith.muli %scan3A_1118, %mul3A_2248 : i32
        %add3A_2250 = arith.constant 384 : i32
        %add3A_2251 = arith.addi %add3A_2250, %mul3A_2249 : i32
        %add3A_2252 = arith.constant 0 : i32
        %add3A_2253 = arith.addi %add3A_2251, %add3A_2252 : i32
        %get3A_2254 = arith.index_cast %add3A_2253 : i32 to index
        %get3A_2255 = arith.constant 0 : index
        %get3A_2256 = tpu.vector_load %arg14[%get3A_2254, %get3A_2255] {strides = array<i32>} : memref<512x32xf32, #tpu.memory_space<vmem>>, vector<16xf32>,
        %mul3A_2257 = arith.mulf %get3A_2256, %broadcast_in_dim3A_2247 : vector<16xf32>
        %swap3A_2258 = arith.index_cast %add3A_2253 : i32 to index
        %swap3A_2259 = arith.constant 0 : index
        %swap3A_2260 = tpu.vector_load %arg14[%swap3A_2258, %swap3A_2259] {strides = array<i32>} : memref<512x32xf32, #tpu.memory_space<vmem>>, vector<16xf32>,
        tpu.vector_store %arg14[%swap3A_2258, %swap3A_2259], %mul3A_2257 {strides = array<i32>} : memref<512x32xf32, #tpu.memory_space<vmem>>, vector<16xf32>,
        %get3A_2261 = arith.index_cast %add3A_2253 : i32 to index
        %get3A_2262 = arith.constant 16 : index
        %get3A_2263 = tpu.vector_load %arg14[%get3A_2261, %get3A_2262] {strides = array<i32>} : memref<512x32xf32, #tpu.memory_space<vmem>>, vector<16xf32>,
        %mul3A_2264 = arith.mulf %get3A_2263, %broadcast_in_dim3A_2247 : vector<16xf32>
        %swap3A_2265 = arith.index_cast %add3A_2253 : i32 to index
        %swap3A_2266 = arith.constant 16 : index
        %swap3A_2267 = tpu.vector_load %arg14[%swap3A_2265, %swap3A_2266] {strides = array<i32>} : memref<512x32xf32, #tpu.memory_space<vmem>>, vector<16xf32>,
        tpu.vector_store %arg14[%swap3A_2265, %swap3A_2266], %mul3A_2264 {strides = array<i32>} : memref<512x32xf32, #tpu.memory_space<vmem>>, vector<16xf32>,
        %slice3A_2268 = vector.extract_strided_slice %get3A_2244 {offsets = [1], sizes = [1], strides = [1]} : vector<16xf32> to vector<1xf32>
        %squeeze3A_2269 = vector.extract %slice3A_2268[0] : f32 from vector<1xf32>
        %broadcast_in_dim3A_2270 = vector.broadcast %squeeze3A_2269 : f32 to vector<16xf32>
        %mul3A_2271 = arith.constant 16 : i32
        %mul3A_2272 = arith.muli %scan3A_1118, %mul3A_2271 : i32
        %add3A_2273 = arith.constant 384 : i32
        %add3A_2274 = arith.addi %add3A_2273, %mul3A_2272 : i32
        %add3A_2275 = arith.constant 1 : i32
        %add3A_2276 = arith.addi %add3A_2274, %add3A_2275 : i32
        %get3A_2277 = arith.index_cast %add3A_2276 : i32 to index
        %get3A_2278 = arith.constant 0 : index
        %get3A_2279 = tpu.vector_load %arg14[%get3A_2277, %get3A_2278] {strides = array<i32>} : memref<512x32xf32, #tpu.memory_space<vmem>>, vector<16xf32>,
        %mul3A_2280 = arith.mulf %get3A_2279, %broadcast_in_dim3A_2270 : vector<16xf32>
        %swap3A_2281 = arith.index_cast %add3A_2276 : i32 to index
        %swap3A_2282 = arith.constant 0 : index
        %swap3A_2283 = tpu.vector_load %arg14[%swap3A_2281, %swap3A_2282] {strides = array<i32>} : memref<512x32xf32, #tpu.memory_space<vmem>>, vector<16xf32>,
        tpu.vector_store %arg14[%swap3A_2281, %swap3A_2282], %mul3A_2280 {strides = array<i32>} : memref<512x32xf32, #tpu.memory_space<vmem>>, vector<16xf32>,
        %get3A_2284 = arith.index_cast %add3A_2276 : i32 to index
        %get3A_2285 = arith.constant 16 : index
        %get3A_2286 = tpu.vector_load %arg14[%get3A_2284, %get3A_2285] {strides = array<i32>} : memref<512x32xf32, #tpu.memory_space<vmem>>, vector<16xf32>,
        %mul3A_2287 = arith.mulf %get3A_2286, %broadcast_in_dim3A_2270 : vector<16xf32>
        %swap3A_2288 = arith.index_cast %add3A_2276 : i32 to index
        %swap3A_2289 = arith.constant 16 : index
        %swap3A_2290 = tpu.vector_load %arg14[%swap3A_2288, %swap3A_2289] {strides = array<i32>} : memref<512x32xf32, #tpu.memory_space<vmem>>, vector<16xf32>,
        tpu.vector_store %arg14[%swap3A_2288, %swap3A_2289], %mul3A_2287 {strides = array<i32>} : memref<512x32xf32, #tpu.memory_space<vmem>>, vector<16xf32>,
        %slice3A_2291 = vector.extract_strided_slice %get3A_2244 {offsets = [2], sizes = [1], strides = [1]} : vector<16xf32> to vector<1xf32>
        %squeeze3A_2292 = vector.extract %slice3A_2291[0] : f32 from vector<1xf32>
        %broadcast_in_dim3A_2293 = vector.broadcast %squeeze3A_2292 : f32 to vector<16xf32>
        %mul3A_2294 = arith.constant 16 : i32
        %mul3A_2295 = arith.muli %scan3A_1118, %mul3A_2294 : i32
        %add3A_2296 = arith.constant 384 : i32
        %add3A_2297 = arith.addi %add3A_2296, %mul3A_2295 : i32
        %add3A_2298 = arith.constant 2 : i32
        %add3A_2299 = arith.addi %add3A_2297, %add3A_2298 : i32
        %get3A_2300 = arith.index_cast %add3A_2299 : i32 to index
        %get3A_2301 = arith.constant 0 : index
        %get3A_2302 = tpu.vector_load %arg14[%get3A_2300, %get3A_2301] {strides = array<i32>} : memref<512x32xf32, #tpu.memory_space<vmem>>, vector<16xf32>,
        %mul3A_2303 = arith.mulf %get3A_2302, %broadcast_in_dim3A_2293 : vector<16xf32>
        %swap3A_2304 = arith.index_cast %add3A_2299 : i32 to index
        %swap3A_2305 = arith.constant 0 : index
        %swap3A_2306 = tpu.vector_load %arg14[%swap3A_2304, %swap3A_2305] {strides = array<i32>} : memref<512x32xf32, #tpu.memory_space<vmem>>, vector<16xf32>,
        tpu.vector_store %arg14[%swap3A_2304, %swap3A_2305], %mul3A_2303 {strides = array<i32>} : memref<512x32xf32, #tpu.memory_space<vmem>>, vector<16xf32>,
        %get3A_2307 = arith.index_cast %add3A_2299 : i32 to index
        %get3A_2308 = arith.constant 16 : index
        %get3A_2309 = tpu.vector_load %arg14[%get3A_2307, %get3A_2308] {strides = array<i32>} : memref<512x32xf32, #tpu.memory_space<vmem>>, vector<16xf32>,
        %mul3A_2310 = arith.mulf %get3A_2309, %broadcast_in_dim3A_2293 : vector<16xf32>
        %swap3A_2311 = arith.index_cast %add3A_2299 : i32 to index
        %swap3A_2312 = arith.constant 16 : index
        %swap3A_2313 = tpu.vector_load %arg14[%swap3A_2311, %swap3A_2312] {strides = array<i32>} : memref<512x32xf32, #tpu.memory_space<vmem>>, vector<16xf32>,
        tpu.vector_store %arg14[%swap3A_2311, %swap3A_2312], %mul3A_2310 {strides = array<i32>} : memref<512x32xf32, #tpu.memory_space<vmem>>, vector<16xf32>,
        %slice3A_2314 = vector.extract_strided_slice %get3A_2244 {offsets = [3], sizes = [1], strides = [1]} : vector<16xf32> to vector<1xf32>
        %squeeze3A_2315 = vector.extract %slice3A_2314[0] : f32 from vector<1xf32>
        %broadcast_in_dim3A_2316 = vector.broadcast %squeeze3A_2315 : f32 to vector<16xf32>
        %mul3A_2317 = arith.constant 16 : i32
        %mul3A_2318 = arith.muli %scan3A_1118, %mul3A_2317 : i32
        %add3A_2319 = arith.constant 384 : i32
        %add3A_2320 = arith.addi %add3A_2319, %mul3A_2318 : i32
        %add3A_2321 = arith.constant 3 : i32
        %add3A_2322 = arith.addi %add3A_2320, %add3A_2321 : i32
        %get3A_2323 = arith.index_cast %add3A_2322 : i32 to index
        %get3A_2324 = arith.constant 0 : index
        %get3A_2325 = tpu.vector_load %arg14[%get3A_2323, %get3A_2324] {strides = array<i32>} : memref<512x32xf32, #tpu.memory_space<vmem>>, vector<16xf32>,
        %mul3A_2326 = arith.mulf %get3A_2325, %broadcast_in_dim3A_2316 : vector<16xf32>
        %swap3A_2327 = arith.index_cast %add3A_2322 : i32 to index
        %swap3A_2328 = arith.constant 0 : index
        %swap3A_2329 = tpu.vector_load %arg14[%swap3A_2327, %swap3A_2328] {strides = array<i32>} : memref<512x32xf32, #tpu.memory_space<vmem>>, vector<16xf32>,
        tpu.vector_store %arg14[%swap3A_2327, %swap3A_2328], %mul3A_2326 {strides = array<i32>} : memref<512x32xf32, #tpu.memory_space<vmem>>, vector<16xf32>,
        %get3A_2330 = arith.index_cast %add3A_2322 : i32 to index
        %get3A_2331 = arith.constant 16 : index
        %get3A_2332 = tpu.vector_load %arg14[%get3A_2330, %get3A_2331] {strides = array<i32>} : memref<512x32xf32, #tpu.memory_space<vmem>>, vector<16xf32>,
        %mul3A_2333 = arith.mulf %get3A_2332, %broadcast_in_dim3A_2316 : vector<16xf32>
        %swap3A_2334 = arith.index_cast %add3A_2322 : i32 to index
        %swap3A_2335 = arith.constant 16 : index
        %swap3A_2336 = tpu.vector_load %arg14[%swap3A_2334, %swap3A_2335] {strides = array<i32>} : memref<512x32xf32, #tpu.memory_space<vmem>>, vector<16xf32>,
        tpu.vector_store %arg14[%swap3A_2334, %swap3A_2335], %mul3A_2333 {strides = array<i32>} : memref<512x32xf32, #tpu.memory_space<vmem>>, vector<16xf32>,
        %slice3A_2337 = vector.extract_strided_slice %get3A_2244 {offsets = [4], sizes = [1], strides = [1]} : vector<16xf32> to vector<1xf32>
        %squeeze3A_2338 = vector.extract %slice3A_2337[0] : f32 from vector<1xf32>
        %broadcast_in_dim3A_2339 = vector.broadcast %squeeze3A_2338 : f32 to vector<16xf32>
        %mul3A_2340 = arith.constant 16 : i32
        %mul3A_2341 = arith.muli %scan3A_1118, %mul3A_2340 : i32
        %add3A_2342 = arith.constant 384 : i32
        %add3A_2343 = arith.addi %add3A_2342, %mul3A_2341 : i32
        %add3A_2344 = arith.constant 4 : i32
        %add3A_2345 = arith.addi %add3A_2343, %add3A_2344 : i32
        %get3A_2346 = arith.index_cast %add3A_2345 : i32 to index
        %get3A_2347 = arith.constant 0 : index
        %get3A_2348 = tpu.vector_load %arg14[%get3A_2346, %get3A_2347] {strides = array<i32>} : memref<512x32xf32, #tpu.memory_space<vmem>>, vector<16xf32>,
        %mul3A_2349 = arith.mulf %get3A_2348, %broadcast_in_dim3A_2339 : vector<16xf32>
        %swap3A_2350 = arith.index_cast %add3A_2345 : i32 to index
        %swap3A_2351 = arith.constant 0 : index
        %swap3A_2352 = tpu.vector_load %arg14[%swap3A_2350, %swap3A_2351] {strides = array<i32>} : memref<512x32xf32, #tpu.memory_space<vmem>>, vector<16xf32>,
        tpu.vector_store %arg14[%swap3A_2350, %swap3A_2351], %mul3A_2349 {strides = array<i32>} : memref<512x32xf32, #tpu.memory_space<vmem>>, vector<16xf32>,
        %get3A_2353 = arith.index_cast %add3A_2345 : i32 to index
        %get3A_2354 = arith.constant 16 : index
        %get3A_2355 = tpu.vector_load %arg14[%get3A_2353, %get3A_2354] {strides = array<i32>} : memref<512x32xf32, #tpu.memory_space<vmem>>, vector<16xf32>,
        %mul3A_2356 = arith.mulf %get3A_2355, %broadcast_in_dim3A_2339 : vector<16xf32>
        %swap3A_2357 = arith.index_cast %add3A_2345 : i32 to index
        %swap3A_2358 = arith.constant 16 : index
        %swap3A_2359 = tpu.vector_load %arg14[%swap3A_2357, %swap3A_2358] {strides = array<i32>} : memref<512x32xf32, #tpu.memory_space<vmem>>, vector<16xf32>,
        tpu.vector_store %arg14[%swap3A_2357, %swap3A_2358], %mul3A_2356 {strides = array<i32>} : memref<512x32xf32, #tpu.memory_space<vmem>>, vector<16xf32>,
        %slice3A_2360 = vector.extract_strided_slice %get3A_2244 {offsets = [5], sizes = [1], strides = [1]} : vector<16xf32> to vector<1xf32>
        %squeeze3A_2361 = vector.extract %slice3A_2360[0] : f32 from vector<1xf32>
        %broadcast_in_dim3A_2362 = vector.broadcast %squeeze3A_2361 : f32 to vector<16xf32>
        %mul3A_2363 = arith.constant 16 : i32
        %mul3A_2364 = arith.muli %scan3A_1118, %mul3A_2363 : i32
        %add3A_2365 = arith.constant 384 : i32
        %add3A_2366 = arith.addi %add3A_2365, %mul3A_2364 : i32
        %add3A_2367 = arith.constant 5 : i32
        %add3A_2368 = arith.addi %add3A_2366, %add3A_2367 : i32
        %get3A_2369 = arith.index_cast %add3A_2368 : i32 to index
        %get3A_2370 = arith.constant 0 : index
        %get3A_2371 = tpu.vector_load %arg14[%get3A_2369, %get3A_2370] {strides = array<i32>} : memref<512x32xf32, #tpu.memory_space<vmem>>, vector<16xf32>,
        %mul3A_2372 = arith.mulf %get3A_2371, %broadcast_in_dim3A_2362 : vector<16xf32>
        %swap3A_2373 = arith.index_cast %add3A_2368 : i32 to index
        %swap3A_2374 = arith.constant 0 : index
        %swap3A_2375 = tpu.vector_load %arg14[%swap3A_2373, %swap3A_2374] {strides = array<i32>} : memref<512x32xf32, #tpu.memory_space<vmem>>, vector<16xf32>,
        tpu.vector_store %arg14[%swap3A_2373, %swap3A_2374], %mul3A_2372 {strides = array<i32>} : memref<512x32xf32, #tpu.memory_space<vmem>>, vector<16xf32>,
        %get3A_2376 = arith.index_cast %add3A_2368 : i32 to index
        %get3A_2377 = arith.constant 16 : index
        %get3A_2378 = tpu.vector_load %arg14[%get3A_2376, %get3A_2377] {strides = array<i32>} : memref<512x32xf32, #tpu.memory_space<vmem>>, vector<16xf32>,
        %mul3A_2379 = arith.mulf %get3A_2378, %broadcast_in_dim3A_2362 : vector<16xf32>
        %swap3A_2380 = arith.index_cast %add3A_2368 : i32 to index
        %swap3A_2381 = arith.constant 16 : index
        %swap3A_2382 = tpu.vector_load %arg14[%swap3A_2380, %swap3A_2381] {strides = array<i32>} : memref<512x32xf32, #tpu.memory_space<vmem>>, vector<16xf32>,
        tpu.vector_store %arg14[%swap3A_2380, %swap3A_2381], %mul3A_2379 {strides = array<i32>} : memref<512x32xf32, #tpu.memory_space<vmem>>, vector<16xf32>,
        %slice3A_2383 = vector.extract_strided_slice %get3A_2244 {offsets = [6], sizes = [1], strides = [1]} : vector<16xf32> to vector<1xf32>
        %squeeze3A_2384 = vector.extract %slice3A_2383[0] : f32 from vector<1xf32>
        %broadcast_in_dim3A_2385 = vector.broadcast %squeeze3A_2384 : f32 to vector<16xf32>
        %mul3A_2386 = arith.constant 16 : i32
        %mul3A_2387 = arith.muli %scan3A_1118, %mul3A_2386 : i32
        %add3A_2388 = arith.constant 384 : i32
        %add3A_2389 = arith.addi %add3A_2388, %mul3A_2387 : i32
        %add3A_2390 = arith.constant 6 : i32
        %add3A_2391 = arith.addi %add3A_2389, %add3A_2390 : i32
        %get3A_2392 = arith.index_cast %add3A_2391 : i32 to index
        %get3A_2393 = arith.constant 0 : index
        %get3A_2394 = tpu.vector_load %arg14[%get3A_2392, %get3A_2393] {strides = array<i32>} : memref<512x32xf32, #tpu.memory_space<vmem>>, vector<16xf32>,
        %mul3A_2395 = arith.mulf %get3A_2394, %broadcast_in_dim3A_2385 : vector<16xf32>
        %swap3A_2396 = arith.index_cast %add3A_2391 : i32 to index
        %swap3A_2397 = arith.constant 0 : index
        %swap3A_2398 = tpu.vector_load %arg14[%swap3A_2396, %swap3A_2397] {strides = array<i32>} : memref<512x32xf32, #tpu.memory_space<vmem>>, vector<16xf32>,
        tpu.vector_store %arg14[%swap3A_2396, %swap3A_2397], %mul3A_2395 {strides = array<i32>} : memref<512x32xf32, #tpu.memory_space<vmem>>, vector<16xf32>,
        %get3A_2399 = arith.index_cast %add3A_2391 : i32 to index
        %get3A_2400 = arith.constant 16 : index
        %get3A_2401 = tpu.vector_load %arg14[%get3A_2399, %get3A_2400] {strides = array<i32>} : memref<512x32xf32, #tpu.memory_space<vmem>>, vector<16xf32>,
        %mul3A_2402 = arith.mulf %get3A_2401, %broadcast_in_dim3A_2385 : vector<16xf32>
        %swap3A_2403 = arith.index_cast %add3A_2391 : i32 to index
        %swap3A_2404 = arith.constant 16 : index
        %swap3A_2405 = tpu.vector_load %arg14[%swap3A_2403, %swap3A_2404] {strides = array<i32>} : memref<512x32xf32, #tpu.memory_space<vmem>>, vector<16xf32>,
        tpu.vector_store %arg14[%swap3A_2403, %swap3A_2404], %mul3A_2402 {strides = array<i32>} : memref<512x32xf32, #tpu.memory_space<vmem>>, vector<16xf32>,
        %slice3A_2406 = vector.extract_strided_slice %get3A_2244 {offsets = [7], sizes = [1], strides = [1]} : vector<16xf32> to vector<1xf32>
        %squeeze3A_2407 = vector.extract %slice3A_2406[0] : f32 from vector<1xf32>
        %broadcast_in_dim3A_2408 = vector.broadcast %squeeze3A_2407 : f32 to vector<16xf32>
        %mul3A_2409 = arith.constant 16 : i32
        %mul3A_2410 = arith.muli %scan3A_1118, %mul3A_2409 : i32
        %add3A_2411 = arith.constant 384 : i32
        %add3A_2412 = arith.addi %add3A_2411, %mul3A_2410 : i32
        %add3A_2413 = arith.constant 7 : i32
        %add3A_2414 = arith.addi %add3A_2412, %add3A_2413 : i32
        %get3A_2415 = arith.index_cast %add3A_2414 : i32 to index
        %get3A_2416 = arith.constant 0 : index
        %get3A_2417 = tpu.vector_load %arg14[%get3A_2415, %get3A_2416] {strides = array<i32>} : memref<512x32xf32, #tpu.memory_space<vmem>>, vector<16xf32>,
        %mul3A_2418 = arith.mulf %get3A_2417, %broadcast_in_dim3A_2408 : vector<16xf32>
        %swap3A_2419 = arith.index_cast %add3A_2414 : i32 to index
        %swap3A_2420 = arith.constant 0 : index
        %swap3A_2421 = tpu.vector_load %arg14[%swap3A_2419, %swap3A_2420] {strides = array<i32>} : memref<512x32xf32, #tpu.memory_space<vmem>>, vector<16xf32>,
        tpu.vector_store %arg14[%swap3A_2419, %swap3A_2420], %mul3A_2418 {strides = array<i32>} : memref<512x32xf32, #tpu.memory_space<vmem>>, vector<16xf32>,
        %get3A_2422 = arith.index_cast %add3A_2414 : i32 to index
        %get3A_2423 = arith.constant 16 : index
        %get3A_2424 = tpu.vector_load %arg14[%get3A_2422, %get3A_2423] {strides = array<i32>} : memref<512x32xf32, #tpu.memory_space<vmem>>, vector<16xf32>,
        %mul3A_2425 = arith.mulf %get3A_2424, %broadcast_in_dim3A_2408 : vector<16xf32>
        %swap3A_2426 = arith.index_cast %add3A_2414 : i32 to index
        %swap3A_2427 = arith.constant 16 : index
        %swap3A_2428 = tpu.vector_load %arg14[%swap3A_2426, %swap3A_2427] {strides = array<i32>} : memref<512x32xf32, #tpu.memory_space<vmem>>, vector<16xf32>,
        tpu.vector_store %arg14[%swap3A_2426, %swap3A_2427], %mul3A_2425 {strides = array<i32>} : memref<512x32xf32, #tpu.memory_space<vmem>>, vector<16xf32>,
        %slice3A_2429 = vector.extract_strided_slice %get3A_2244 {offsets = [8], sizes = [1], strides = [1]} : vector<16xf32> to vector<1xf32>
        %squeeze3A_2430 = vector.extract %slice3A_2429[0] : f32 from vector<1xf32>
        %broadcast_in_dim3A_2431 = vector.broadcast %squeeze3A_2430 : f32 to vector<16xf32>
        %mul3A_2432 = arith.constant 16 : i32
        %mul3A_2433 = arith.muli %scan3A_1118, %mul3A_2432 : i32
        %add3A_2434 = arith.constant 384 : i32
        %add3A_2435 = arith.addi %add3A_2434, %mul3A_2433 : i32
        %add3A_2436 = arith.constant 8 : i32
        %add3A_2437 = arith.addi %add3A_2435, %add3A_2436 : i32
        %get3A_2438 = arith.index_cast %add3A_2437 : i32 to index
        %get3A_2439 = arith.constant 0 : index
        %get3A_2440 = tpu.vector_load %arg14[%get3A_2438, %get3A_2439] {strides = array<i32>} : memref<512x32xf32, #tpu.memory_space<vmem>>, vector<16xf32>,
        %mul3A_2441 = arith.mulf %get3A_2440, %broadcast_in_dim3A_2431 : vector<16xf32>
        %swap3A_2442 = arith.index_cast %add3A_2437 : i32 to index
        %swap3A_2443 = arith.constant 0 : index
        %swap3A_2444 = tpu.vector_load %arg14[%swap3A_2442, %swap3A_2443] {strides = array<i32>} : memref<512x32xf32, #tpu.memory_space<vmem>>, vector<16xf32>,
        tpu.vector_store %arg14[%swap3A_2442, %swap3A_2443], %mul3A_2441 {strides = array<i32>} : memref<512x32xf32, #tpu.memory_space<vmem>>, vector<16xf32>,
        %get3A_2445 = arith.index_cast %add3A_2437 : i32 to index
        %get3A_2446 = arith.constant 16 : index
        %get3A_2447 = tpu.vector_load %arg14[%get3A_2445, %get3A_2446] {strides = array<i32>} : memref<512x32xf32, #tpu.memory_space<vmem>>, vector<16xf32>,
        %mul3A_2448 = arith.mulf %get3A_2447, %broadcast_in_dim3A_2431 : vector<16xf32>
        %swap3A_2449 = arith.index_cast %add3A_2437 : i32 to index
        %swap3A_2450 = arith.constant 16 : index
        %swap3A_2451 = tpu.vector_load %arg14[%swap3A_2449, %swap3A_2450] {strides = array<i32>} : memref<512x32xf32, #tpu.memory_space<vmem>>, vector<16xf32>,
        tpu.vector_store %arg14[%swap3A_2449, %swap3A_2450], %mul3A_2448 {strides = array<i32>} : memref<512x32xf32, #tpu.memory_space<vmem>>, vector<16xf32>,
        %slice3A_2452 = vector.extract_strided_slice %get3A_2244 {offsets = [9], sizes = [1], strides = [1]} : vector<16xf32> to vector<1xf32>
        %squeeze3A_2453 = vector.extract %slice3A_2452[0] : f32 from vector<1xf32>
        %broadcast_in_dim3A_2454 = vector.broadcast %squeeze3A_2453 : f32 to vector<16xf32>
        %mul3A_2455 = arith.constant 16 : i32
        %mul3A_2456 = arith.muli %scan3A_1118, %mul3A_2455 : i32
        %add3A_2457 = arith.constant 384 : i32
        %add3A_2458 = arith.addi %add3A_2457, %mul3A_2456 : i32
        %add3A_2459 = arith.constant 9 : i32
        %add3A_2460 = arith.addi %add3A_2458, %add3A_2459 : i32
        %get3A_2461 = arith.index_cast %add3A_2460 : i32 to index
        %get3A_2462 = arith.constant 0 : index
        %get3A_2463 = tpu.vector_load %arg14[%get3A_2461, %get3A_2462] {strides = array<i32>} : memref<512x32xf32, #tpu.memory_space<vmem>>, vector<16xf32>,
        %mul3A_2464 = arith.mulf %get3A_2463, %broadcast_in_dim3A_2454 : vector<16xf32>
        %swap3A_2465 = arith.index_cast %add3A_2460 : i32 to index
        %swap3A_2466 = arith.constant 0 : index
        %swap3A_2467 = tpu.vector_load %arg14[%swap3A_2465, %swap3A_2466] {strides = array<i32>} : memref<512x32xf32, #tpu.memory_space<vmem>>, vector<16xf32>,
        tpu.vector_store %arg14[%swap3A_2465, %swap3A_2466], %mul3A_2464 {strides = array<i32>} : memref<512x32xf32, #tpu.memory_space<vmem>>, vector<16xf32>,
        %get3A_2468 = arith.index_cast %add3A_2460 : i32 to index
        %get3A_2469 = arith.constant 16 : index
        %get3A_2470 = tpu.vector_load %arg14[%get3A_2468, %get3A_2469] {strides = array<i32>} : memref<512x32xf32, #tpu.memory_space<vmem>>, vector<16xf32>,
        %mul3A_2471 = arith.mulf %get3A_2470, %broadcast_in_dim3A_2454 : vector<16xf32>
        %swap3A_2472 = arith.index_cast %add3A_2460 : i32 to index
        %swap3A_2473 = arith.constant 16 : index
        %swap3A_2474 = tpu.vector_load %arg14[%swap3A_2472, %swap3A_2473] {strides = array<i32>} : memref<512x32xf32, #tpu.memory_space<vmem>>, vector<16xf32>,
        tpu.vector_store %arg14[%swap3A_2472, %swap3A_2473], %mul3A_2471 {strides = array<i32>} : memref<512x32xf32, #tpu.memory_space<vmem>>, vector<16xf32>,
        %slice3A_2475 = vector.extract_strided_slice %get3A_2244 {offsets = [10], sizes = [1], strides = [1]} : vector<16xf32> to vector<1xf32>
        %squeeze3A_2476 = vector.extract %slice3A_2475[0] : f32 from vector<1xf32>
        %broadcast_in_dim3A_2477 = vector.broadcast %squeeze3A_2476 : f32 to vector<16xf32>
        %mul3A_2478 = arith.constant 16 : i32
        %mul3A_2479 = arith.muli %scan3A_1118, %mul3A_2478 : i32
        %add3A_2480 = arith.constant 384 : i32
        %add3A_2481 = arith.addi %add3A_2480, %mul3A_2479 : i32
        %add3A_2482 = arith.constant 10 : i32
        %add3A_2483 = arith.addi %add3A_2481, %add3A_2482 : i32
        %get3A_2484 = arith.index_cast %add3A_2483 : i32 to index
        %get3A_2485 = arith.constant 0 : index
        %get3A_2486 = tpu.vector_load %arg14[%get3A_2484, %get3A_2485] {strides = array<i32>} : memref<512x32xf32, #tpu.memory_space<vmem>>, vector<16xf32>,
        %mul3A_2487 = arith.mulf %get3A_2486, %broadcast_in_dim3A_2477 : vector<16xf32>
        %swap3A_2488 = arith.index_cast %add3A_2483 : i32 to index
        %swap3A_2489 = arith.constant 0 : index
        %swap3A_2490 = tpu.vector_load %arg14[%swap3A_2488, %swap3A_2489] {strides = array<i32>} : memref<512x32xf32, #tpu.memory_space<vmem>>, vector<16xf32>,
        tpu.vector_store %arg14[%swap3A_2488, %swap3A_2489], %mul3A_2487 {strides = array<i32>} : memref<512x32xf32, #tpu.memory_space<vmem>>, vector<16xf32>,
        %get3A_2491 = arith.index_cast %add3A_2483 : i32 to index
        %get3A_2492 = arith.constant 16 : index
        %get3A_2493 = tpu.vector_load %arg14[%get3A_2491, %get3A_2492] {strides = array<i32>} : memref<512x32xf32, #tpu.memory_space<vmem>>, vector<16xf32>,
        %mul3A_2494 = arith.mulf %get3A_2493, %broadcast_in_dim3A_2477 : vector<16xf32>
        %swap3A_2495 = arith.index_cast %add3A_2483 : i32 to index
        %swap3A_2496 = arith.constant 16 : index
        %swap3A_2497 = tpu.vector_load %arg14[%swap3A_2495, %swap3A_2496] {strides = array<i32>} : memref<512x32xf32, #tpu.memory_space<vmem>>, vector<16xf32>,
        tpu.vector_store %arg14[%swap3A_2495, %swap3A_2496], %mul3A_2494 {strides = array<i32>} : memref<512x32xf32, #tpu.memory_space<vmem>>, vector<16xf32>,
        %slice3A_2498 = vector.extract_strided_slice %get3A_2244 {offsets = [11], sizes = [1], strides = [1]} : vector<16xf32> to vector<1xf32>
        %squeeze3A_2499 = vector.extract %slice3A_2498[0] : f32 from vector<1xf32>
        %broadcast_in_dim3A_2500 = vector.broadcast %squeeze3A_2499 : f32 to vector<16xf32>
        %mul3A_2501 = arith.constant 16 : i32
        %mul3A_2502 = arith.muli %scan3A_1118, %mul3A_2501 : i32
        %add3A_2503 = arith.constant 384 : i32
        %add3A_2504 = arith.addi %add3A_2503, %mul3A_2502 : i32
        %add3A_2505 = arith.constant 11 : i32
        %add3A_2506 = arith.addi %add3A_2504, %add3A_2505 : i32
        %get3A_2507 = arith.index_cast %add3A_2506 : i32 to index
        %get3A_2508 = arith.constant 0 : index
        %get3A_2509 = tpu.vector_load %arg14[%get3A_2507, %get3A_2508] {strides = array<i32>} : memref<512x32xf32, #tpu.memory_space<vmem>>, vector<16xf32>,
        %mul3A_2510 = arith.mulf %get3A_2509, %broadcast_in_dim3A_2500 : vector<16xf32>
        %swap3A_2511 = arith.index_cast %add3A_2506 : i32 to index
        %swap3A_2512 = arith.constant 0 : index
        %swap3A_2513 = tpu.vector_load %arg14[%swap3A_2511, %swap3A_2512] {strides = array<i32>} : memref<512x32xf32, #tpu.memory_space<vmem>>, vector<16xf32>,
        tpu.vector_store %arg14[%swap3A_2511, %swap3A_2512], %mul3A_2510 {strides = array<i32>} : memref<512x32xf32, #tpu.memory_space<vmem>>, vector<16xf32>,
        %get3A_2514 = arith.index_cast %add3A_2506 : i32 to index
        %get3A_2515 = arith.constant 16 : index
        %get3A_2516 = tpu.vector_load %arg14[%get3A_2514, %get3A_2515] {strides = array<i32>} : memref<512x32xf32, #tpu.memory_space<vmem>>, vector<16xf32>,
        %mul3A_2517 = arith.mulf %get3A_2516, %broadcast_in_dim3A_2500 : vector<16xf32>
        %swap3A_2518 = arith.index_cast %add3A_2506 : i32 to index
        %swap3A_2519 = arith.constant 16 : index
        %swap3A_2520 = tpu.vector_load %arg14[%swap3A_2518, %swap3A_2519] {strides = array<i32>} : memref<512x32xf32, #tpu.memory_space<vmem>>, vector<16xf32>,
        tpu.vector_store %arg14[%swap3A_2518, %swap3A_2519], %mul3A_2517 {strides = array<i32>} : memref<512x32xf32, #tpu.memory_space<vmem>>, vector<16xf32>,
        %slice3A_2521 = vector.extract_strided_slice %get3A_2244 {offsets = [12], sizes = [1], strides = [1]} : vector<16xf32> to vector<1xf32>
        %squeeze3A_2522 = vector.extract %slice3A_2521[0] : f32 from vector<1xf32>
        %broadcast_in_dim3A_2523 = vector.broadcast %squeeze3A_2522 : f32 to vector<16xf32>
        %mul3A_2524 = arith.constant 16 : i32
        %mul3A_2525 = arith.muli %scan3A_1118, %mul3A_2524 : i32
        %add3A_2526 = arith.constant 384 : i32
        %add3A_2527 = arith.addi %add3A_2526, %mul3A_2525 : i32
        %add3A_2528 = arith.constant 12 : i32
        %add3A_2529 = arith.addi %add3A_2527, %add3A_2528 : i32
        %get3A_2530 = arith.index_cast %add3A_2529 : i32 to index
        %get3A_2531 = arith.constant 0 : index
        %get3A_2532 = tpu.vector_load %arg14[%get3A_2530, %get3A_2531] {strides = array<i32>} : memref<512x32xf32, #tpu.memory_space<vmem>>, vector<16xf32>,
        %mul3A_2533 = arith.mulf %get3A_2532, %broadcast_in_dim3A_2523 : vector<16xf32>
        %swap3A_2534 = arith.index_cast %add3A_2529 : i32 to index
        %swap3A_2535 = arith.constant 0 : index
        %swap3A_2536 = tpu.vector_load %arg14[%swap3A_2534, %swap3A_2535] {strides = array<i32>} : memref<512x32xf32, #tpu.memory_space<vmem>>, vector<16xf32>,
        tpu.vector_store %arg14[%swap3A_2534, %swap3A_2535], %mul3A_2533 {strides = array<i32>} : memref<512x32xf32, #tpu.memory_space<vmem>>, vector<16xf32>,
        %get3A_2537 = arith.index_cast %add3A_2529 : i32 to index
        %get3A_2538 = arith.constant 16 : index
        %get3A_2539 = tpu.vector_load %arg14[%get3A_2537, %get3A_2538] {strides = array<i32>} : memref<512x32xf32, #tpu.memory_space<vmem>>, vector<16xf32>,
        %mul3A_2540 = arith.mulf %get3A_2539, %broadcast_in_dim3A_2523 : vector<16xf32>
        %swap3A_2541 = arith.index_cast %add3A_2529 : i32 to index
        %swap3A_2542 = arith.constant 16 : index
        %swap3A_2543 = tpu.vector_load %arg14[%swap3A_2541, %swap3A_2542] {strides = array<i32>} : memref<512x32xf32, #tpu.memory_space<vmem>>, vector<16xf32>,
        tpu.vector_store %arg14[%swap3A_2541, %swap3A_2542], %mul3A_2540 {strides = array<i32>} : memref<512x32xf32, #tpu.memory_space<vmem>>, vector<16xf32>,
        %slice3A_2544 = vector.extract_strided_slice %get3A_2244 {offsets = [13], sizes = [1], strides = [1]} : vector<16xf32> to vector<1xf32>
        %squeeze3A_2545 = vector.extract %slice3A_2544[0] : f32 from vector<1xf32>
        %broadcast_in_dim3A_2546 = vector.broadcast %squeeze3A_2545 : f32 to vector<16xf32>
        %mul3A_2547 = arith.constant 16 : i32
        %mul3A_2548 = arith.muli %scan3A_1118, %mul3A_2547 : i32
        %add3A_2549 = arith.constant 384 : i32
        %add3A_2550 = arith.addi %add3A_2549, %mul3A_2548 : i32
        %add3A_2551 = arith.constant 13 : i32
        %add3A_2552 = arith.addi %add3A_2550, %add3A_2551 : i32
        %get3A_2553 = arith.index_cast %add3A_2552 : i32 to index
        %get3A_2554 = arith.constant 0 : index
        %get3A_2555 = tpu.vector_load %arg14[%get3A_2553, %get3A_2554] {strides = array<i32>} : memref<512x32xf32, #tpu.memory_space<vmem>>, vector<16xf32>,
        %mul3A_2556 = arith.mulf %get3A_2555, %broadcast_in_dim3A_2546 : vector<16xf32>
        %swap3A_2557 = arith.index_cast %add3A_2552 : i32 to index
        %swap3A_2558 = arith.constant 0 : index
        %swap3A_2559 = tpu.vector_load %arg14[%swap3A_2557, %swap3A_2558] {strides = array<i32>} : memref<512x32xf32, #tpu.memory_space<vmem>>, vector<16xf32>,
        tpu.vector_store %arg14[%swap3A_2557, %swap3A_2558], %mul3A_2556 {strides = array<i32>} : memref<512x32xf32, #tpu.memory_space<vmem>>, vector<16xf32>,
        %get3A_2560 = arith.index_cast %add3A_2552 : i32 to index
        %get3A_2561 = arith.constant 16 : index
        %get3A_2562 = tpu.vector_load %arg14[%get3A_2560, %get3A_2561] {strides = array<i32>} : memref<512x32xf32, #tpu.memory_space<vmem>>, vector<16xf32>,
        %mul3A_2563 = arith.mulf %get3A_2562, %broadcast_in_dim3A_2546 : vector<16xf32>
        %swap3A_2564 = arith.index_cast %add3A_2552 : i32 to index
        %swap3A_2565 = arith.constant 16 : index
        %swap3A_2566 = tpu.vector_load %arg14[%swap3A_2564, %swap3A_2565] {strides = array<i32>} : memref<512x32xf32, #tpu.memory_space<vmem>>, vector<16xf32>,
        tpu.vector_store %arg14[%swap3A_2564, %swap3A_2565], %mul3A_2563 {strides = array<i32>} : memref<512x32xf32, #tpu.memory_space<vmem>>, vector<16xf32>,
        %slice3A_2567 = vector.extract_strided_slice %get3A_2244 {offsets = [14], sizes = [1], strides = [1]} : vector<16xf32> to vector<1xf32>
        %squeeze3A_2568 = vector.extract %slice3A_2567[0] : f32 from vector<1xf32>
        %broadcast_in_dim3A_2569 = vector.broadcast %squeeze3A_2568 : f32 to vector<16xf32>
        %mul3A_2570 = arith.constant 16 : i32
        %mul3A_2571 = arith.muli %scan3A_1118, %mul3A_2570 : i32
        %add3A_2572 = arith.constant 384 : i32
        %add3A_2573 = arith.addi %add3A_2572, %mul3A_2571 : i32
        %add3A_2574 = arith.constant 14 : i32
        %add3A_2575 = arith.addi %add3A_2573, %add3A_2574 : i32
        %get3A_2576 = arith.index_cast %add3A_2575 : i32 to index
        %get3A_2577 = arith.constant 0 : index
        %get3A_2578 = tpu.vector_load %arg14[%get3A_2576, %get3A_2577] {strides = array<i32>} : memref<512x32xf32, #tpu.memory_space<vmem>>, vector<16xf32>,
        %mul3A_2579 = arith.mulf %get3A_2578, %broadcast_in_dim3A_2569 : vector<16xf32>
        %swap3A_2580 = arith.index_cast %add3A_2575 : i32 to index
        %swap3A_2581 = arith.constant 0 : index
        %swap3A_2582 = tpu.vector_load %arg14[%swap3A_2580, %swap3A_2581] {strides = array<i32>} : memref<512x32xf32, #tpu.memory_space<vmem>>, vector<16xf32>,
        tpu.vector_store %arg14[%swap3A_2580, %swap3A_2581], %mul3A_2579 {strides = array<i32>} : memref<512x32xf32, #tpu.memory_space<vmem>>, vector<16xf32>,
        %get3A_2583 = arith.index_cast %add3A_2575 : i32 to index
        %get3A_2584 = arith.constant 16 : index
        %get3A_2585 = tpu.vector_load %arg14[%get3A_2583, %get3A_2584] {strides = array<i32>} : memref<512x32xf32, #tpu.memory_space<vmem>>, vector<16xf32>,
        %mul3A_2586 = arith.mulf %get3A_2585, %broadcast_in_dim3A_2569 : vector<16xf32>
        %swap3A_2587 = arith.index_cast %add3A_2575 : i32 to index
        %swap3A_2588 = arith.constant 16 : index
        %swap3A_2589 = tpu.vector_load %arg14[%swap3A_2587, %swap3A_2588] {strides = array<i32>} : memref<512x32xf32, #tpu.memory_space<vmem>>, vector<16xf32>,
        tpu.vector_store %arg14[%swap3A_2587, %swap3A_2588], %mul3A_2586 {strides = array<i32>} : memref<512x32xf32, #tpu.memory_space<vmem>>, vector<16xf32>,
        %slice3A_2590 = vector.extract_strided_slice %get3A_2244 {offsets = [15], sizes = [1], strides = [1]} : vector<16xf32> to vector<1xf32>
        %squeeze3A_2591 = vector.extract %slice3A_2590[0] : f32 from vector<1xf32>
        %broadcast_in_dim3A_2592 = vector.broadcast %squeeze3A_2591 : f32 to vector<16xf32>
        %mul3A_2593 = arith.constant 16 : i32
        %mul3A_2594 = arith.muli %scan3A_1118, %mul3A_2593 : i32
        %add3A_2595 = arith.constant 384 : i32
        %add3A_2596 = arith.addi %add3A_2595, %mul3A_2594 : i32
        %add3A_2597 = arith.constant 15 : i32
        %add3A_2598 = arith.addi %add3A_2596, %add3A_2597 : i32
        %get3A_2599 = arith.index_cast %add3A_2598 : i32 to index
        %get3A_2600 = arith.constant 0 : index
        %get3A_2601 = tpu.vector_load %arg14[%get3A_2599, %get3A_2600] {strides = array<i32>} : memref<512x32xf32, #tpu.memory_space<vmem>>, vector<16xf32>,
        %mul3A_2602 = arith.mulf %get3A_2601, %broadcast_in_dim3A_2592 : vector<16xf32>
        %swap3A_2603 = arith.index_cast %add3A_2598 : i32 to index
        %swap3A_2604 = arith.constant 0 : index
        %swap3A_2605 = tpu.vector_load %arg14[%swap3A_2603, %swap3A_2604] {strides = array<i32>} : memref<512x32xf32, #tpu.memory_space<vmem>>, vector<16xf32>,
        tpu.vector_store %arg14[%swap3A_2603, %swap3A_2604], %mul3A_2602 {strides = array<i32>} : memref<512x32xf32, #tpu.memory_space<vmem>>, vector<16xf32>,
        %get3A_2606 = arith.index_cast %add3A_2598 : i32 to index
        %get3A_2607 = arith.constant 16 : index
        %get3A_2608 = tpu.vector_load %arg14[%get3A_2606, %get3A_2607] {strides = array<i32>} : memref<512x32xf32, #tpu.memory_space<vmem>>, vector<16xf32>,
        %mul3A_2609 = arith.mulf %get3A_2608, %broadcast_in_dim3A_2592 : vector<16xf32>
        %swap3A_2610 = arith.index_cast %add3A_2598 : i32 to index
        %swap3A_2611 = arith.constant 16 : index
        %swap3A_2612 = tpu.vector_load %arg14[%swap3A_2610, %swap3A_2611] {strides = array<i32>} : memref<512x32xf32, #tpu.memory_space<vmem>>, vector<16xf32>,
        tpu.vector_store %arg14[%swap3A_2610, %swap3A_2611], %mul3A_2609 {strides = array<i32>} : memref<512x32xf32, #tpu.memory_space<vmem>>, vector<16xf32>,
      }
      %scan3A_1114 = arith.constant 8 : i32
      %run_scoped3A = arith.constant 0 : i32
      "tpu.region"() ({
        %run_scoped3A_1118 = tpu.sem_alloc : memref<!tpu.dma_semaphore, #tpu.memory_space<semaphore_mem>>
        %dma_start3A_1119 = arith.constant 0 : i32
        %dma_start3A_1120 = arith.constant 0 : i32
        %dma_start3A_1121 = tpu.memref_slice %arg14[%dma_start3A_1119, %dma_start3A_1120] : memref<512x32xf32, #tpu.memory_space<vmem>> -> memref<128x32xf32, #tpu.memory_space<vmem>>
        %dma_start3A_1122 = arith.constant 0 : i32
        %dma_start3A_1123 = tpu.memref_slice %arg11[%run_scoped3A, %dma_start3A_1122] : memref<4x128xi32, #tpu.memory_space<vmem>> -> memref<1x128xi32, #tpu.memory_space<vmem>>
        %dma_start3A_1124 = tpu.memref_squeeze %dma_start3A_1123 : memref<1x128xi32, #tpu.memory_space<vmem>> -> memref<128xi32, #tpu.memory_space<vmem>>
        %dma_start3A_1125 = arith.constant 0 : i32
        %dma_start3A_1126 = arith.constant 0 : i32
        %dma_start3A_1127 = tpu.memref_slice %arg16[%dma_start3A_1125, %dma_start3A_1126] : memref<10240x32xf32, #tpu.memory_space<vmem_shared>> -> memref<10240x32xf32, #tpu.memory_space<vmem_shared>>
        tpu.enqueue_indirect_dma source(%dma_start3A_1121 : memref<128x32xf32, #tpu.memory_space<vmem>>) target(%dma_start3A_1127 : memref<10240x32xf32, #tpu.memory_space<vmem_shared>>) offsets(%dma_start3A_1124 : memref<128xi32, #tpu.memory_space<vmem>>) semaphore(%run_scoped3A_1118 : memref<!tpu.dma_semaphore, #tpu.memory_space<semaphore_mem>>) {add = true}
        %dma_wait3A_1128 = arith.constant 0 : i32
        %dma_wait3A_1129 = arith.constant 0 : i32
        %dma_wait3A_1130 = tpu.memref_slice %arg14[%dma_wait3A_1128, %dma_wait3A_1129] : memref<512x32xf32, #tpu.memory_space<vmem>> -> memref<128x32xf32, #tpu.memory_space<vmem>>
        %dma_wait3A_1131 = arith.constant 0 : i32
        %dma_wait3A_1132 = tpu.memref_slice %arg11[%run_scoped3A, %dma_wait3A_1131] : memref<4x128xi32, #tpu.memory_space<vmem>> -> memref<1x128xi32, #tpu.memory_space<vmem>>
        %dma_wait3A_1133 = tpu.memref_squeeze %dma_wait3A_1132 : memref<1x128xi32, #tpu.memory_space<vmem>> -> memref<128xi32, #tpu.memory_space<vmem>>
        %dma_wait3A_1134 = arith.constant 0 : i32
        %dma_wait3A_1135 = arith.constant 0 : i32
        %dma_wait3A_1136 = tpu.memref_slice %arg16[%dma_wait3A_1134, %dma_wait3A_1135] : memref<10240x32xf32, #tpu.memory_space<vmem_shared>> -> memref<10240x32xf32, #tpu.memory_space<vmem_shared>>
        tpu.wait_indirect_dma semaphore(%run_scoped3A_1118 : memref<!tpu.dma_semaphore, #tpu.memory_space<semaphore_mem>>) src(%dma_wait3A_1130 : memref<128x32xf32, #tpu.memory_space<vmem>>) dst(%dma_wait3A_1136 : memref<10240x32xf32, #tpu.memory_space<vmem_shared>>)
        tpu.yield
      }) : () -> ()
      %run_scoped3A_1115 = arith.constant 1 : i32
      "tpu.region"() ({
        %run_scoped3A_1118 = tpu.sem_alloc : memref<!tpu.dma_semaphore, #tpu.memory_space<semaphore_mem>>
        %dma_start3A_1119 = arith.constant 128 : i32
        %dma_start3A_1120 = arith.constant 0 : i32
        %dma_start3A_1121 = tpu.memref_slice %arg14[%dma_start3A_1119, %dma_start3A_1120] : memref<512x32xf32, #tpu.memory_space<vmem>> -> memref<128x32xf32, #tpu.memory_space<vmem>>
        %dma_start3A_1122 = arith.constant 0 : i32
        %dma_start3A_1123 = tpu.memref_slice %arg11[%run_scoped3A_1115, %dma_start3A_1122] : memref<4x128xi32, #tpu.memory_space<vmem>> -> memref<1x128xi32, #tpu.memory_space<vmem>>
        %dma_start3A_1124 = tpu.memref_squeeze %dma_start3A_1123 : memref<1x128xi32, #tpu.memory_space<vmem>> -> memref<128xi32, #tpu.memory_space<vmem>>
        %dma_start3A_1125 = arith.constant 0 : i32
        %dma_start3A_1126 = arith.constant 0 : i32
        %dma_start3A_1127 = tpu.memref_slice %arg16[%dma_start3A_1125, %dma_start3A_1126] : memref<10240x32xf32, #tpu.memory_space<vmem_shared>> -> memref<10240x32xf32, #tpu.memory_space<vmem_shared>>
        tpu.enqueue_indirect_dma source(%dma_start3A_1121 : memref<128x32xf32, #tpu.memory_space<vmem>>) target(%dma_start3A_1127 : memref<10240x32xf32, #tpu.memory_space<vmem_shared>>) offsets(%dma_start3A_1124 : memref<128xi32, #tpu.memory_space<vmem>>) semaphore(%run_scoped3A_1118 : memref<!tpu.dma_semaphore, #tpu.memory_space<semaphore_mem>>) {add = true}
        %dma_wait3A_1128 = arith.constant 128 : i32
        %dma_wait3A_1129 = arith.constant 0 : i32
        %dma_wait3A_1130 = tpu.memref_slice %arg14[%dma_wait3A_1128, %dma_wait3A_1129] : memref<512x32xf32, #tpu.memory_space<vmem>> -> memref<128x32xf32, #tpu.memory_space<vmem>>
        %dma_wait3A_1131 = arith.constant 0 : i32
        %dma_wait3A_1132 = tpu.memref_slice %arg11[%run_scoped3A_1115, %dma_wait3A_1131] : memref<4x128xi32, #tpu.memory_space<vmem>> -> memref<1x128xi32, #tpu.memory_space<vmem>>
        %dma_wait3A_1133 = tpu.memref_squeeze %dma_wait3A_1132 : memref<1x128xi32, #tpu.memory_space<vmem>> -> memref<128xi32, #tpu.memory_space<vmem>>
        %dma_wait3A_1134 = arith.constant 0 : i32
        %dma_wait3A_1135 = arith.constant 0 : i32
        %dma_wait3A_1136 = tpu.memref_slice %arg16[%dma_wait3A_1134, %dma_wait3A_1135] : memref<10240x32xf32, #tpu.memory_space<vmem_shared>> -> memref<10240x32xf32, #tpu.memory_space<vmem_shared>>
        tpu.wait_indirect_dma semaphore(%run_scoped3A_1118 : memref<!tpu.dma_semaphore, #tpu.memory_space<semaphore_mem>>) src(%dma_wait3A_1130 : memref<128x32xf32, #tpu.memory_space<vmem>>) dst(%dma_wait3A_1136 : memref<10240x32xf32, #tpu.memory_space<vmem_shared>>)
        tpu.yield
      }) : () -> ()
      %run_scoped3A_1116 = arith.constant 2 : i32
      "tpu.region"() ({
        %run_scoped3A_1118 = tpu.sem_alloc : memref<!tpu.dma_semaphore, #tpu.memory_space<semaphore_mem>>
        %dma_start3A_1119 = arith.constant 256 : i32
        %dma_start3A_1120 = arith.constant 0 : i32
        %dma_start3A_1121 = tpu.memref_slice %arg14[%dma_start3A_1119, %dma_start3A_1120] : memref<512x32xf32, #tpu.memory_space<vmem>> -> memref<128x32xf32, #tpu.memory_space<vmem>>
        %dma_start3A_1122 = arith.constant 0 : i32
        %dma_start3A_1123 = tpu.memref_slice %arg11[%run_scoped3A_1116, %dma_start3A_1122] : memref<4x128xi32, #tpu.memory_space<vmem>> -> memref<1x128xi32, #tpu.memory_space<vmem>>
        %dma_start3A_1124 = tpu.memref_squeeze %dma_start3A_1123 : memref<1x128xi32, #tpu.memory_space<vmem>> -> memref<128xi32, #tpu.memory_space<vmem>>
        %dma_start3A_1125 = arith.constant 0 : i32
        %dma_start3A_1126 = arith.constant 0 : i32
        %dma_start3A_1127 = tpu.memref_slice %arg16[%dma_start3A_1125, %dma_start3A_1126] : memref<10240x32xf32, #tpu.memory_space<vmem_shared>> -> memref<10240x32xf32, #tpu.memory_space<vmem_shared>>
        tpu.enqueue_indirect_dma source(%dma_start3A_1121 : memref<128x32xf32, #tpu.memory_space<vmem>>) target(%dma_start3A_1127 : memref<10240x32xf32, #tpu.memory_space<vmem_shared>>) offsets(%dma_start3A_1124 : memref<128xi32, #tpu.memory_space<vmem>>) semaphore(%run_scoped3A_1118 : memref<!tpu.dma_semaphore, #tpu.memory_space<semaphore_mem>>) {add = true}
        %dma_wait3A_1128 = arith.constant 256 : i32
        %dma_wait3A_1129 = arith.constant 0 : i32
        %dma_wait3A_1130 = tpu.memref_slice %arg14[%dma_wait3A_1128, %dma_wait3A_1129] : memref<512x32xf32, #tpu.memory_space<vmem>> -> memref<128x32xf32, #tpu.memory_space<vmem>>
        %dma_wait3A_1131 = arith.constant 0 : i32
        %dma_wait3A_1132 = tpu.memref_slice %arg11[%run_scoped3A_1116, %dma_wait3A_1131] : memref<4x128xi32, #tpu.memory_space<vmem>> -> memref<1x128xi32, #tpu.memory_space<vmem>>
        %dma_wait3A_1133 = tpu.memref_squeeze %dma_wait3A_1132 : memref<1x128xi32, #tpu.memory_space<vmem>> -> memref<128xi32, #tpu.memory_space<vmem>>
        %dma_wait3A_1134 = arith.constant 0 : i32
        %dma_wait3A_1135 = arith.constant 0 : i32
        %dma_wait3A_1136 = tpu.memref_slice %arg16[%dma_wait3A_1134, %dma_wait3A_1135] : memref<10240x32xf32, #tpu.memory_space<vmem_shared>> -> memref<10240x32xf32, #tpu.memory_space<vmem_shared>>
        tpu.wait_indirect_dma semaphore(%run_scoped3A_1118 : memref<!tpu.dma_semaphore, #tpu.memory_space<semaphore_mem>>) src(%dma_wait3A_1130 : memref<128x32xf32, #tpu.memory_space<vmem>>) dst(%dma_wait3A_1136 : memref<10240x32xf32, #tpu.memory_space<vmem_shared>>)
        tpu.yield
      }) : () -> ()
      %run_scoped3A_1117 = arith.constant 3 : i32
      "tpu.region"() ({
        %run_scoped3A_1118 = tpu.sem_alloc : memref<!tpu.dma_semaphore, #tpu.memory_space<semaphore_mem>>
        %dma_start3A_1119 = arith.constant 384 : i32
        %dma_start3A_1120 = arith.constant 0 : i32
        %dma_start3A_1121 = tpu.memref_slice %arg14[%dma_start3A_1119, %dma_start3A_1120] : memref<512x32xf32, #tpu.memory_space<vmem>> -> memref<128x32xf32, #tpu.memory_space<vmem>>
        %dma_start3A_1122 = arith.constant 0 : i32
        %dma_start3A_1123 = tpu.memref_slice %arg11[%run_scoped3A_1117, %dma_start3A_1122] : memref<4x128xi32, #tpu.memory_space<vmem>> -> memref<1x128xi32, #tpu.memory_space<vmem>>
        %dma_start3A_1124 = tpu.memref_squeeze %dma_start3A_1123 : memref<1x128xi32, #tpu.memory_space<vmem>> -> memref<128xi32, #tpu.memory_space<vmem>>
        %dma_start3A_1125 = arith.constant 0 : i32
        %dma_start3A_1126 = arith.constant 0 : i32
        %dma_start3A_1127 = tpu.memref_slice %arg16[%dma_start3A_1125, %dma_start3A_1126] : memref<10240x32xf32, #tpu.memory_space<vmem_shared>> -> memref<10240x32xf32, #tpu.memory_space<vmem_shared>>
        tpu.enqueue_indirect_dma source(%dma_start3A_1121 : memref<128x32xf32, #tpu.memory_space<vmem>>) target(%dma_start3A_1127 : memref<10240x32xf32, #tpu.memory_space<vmem_shared>>) offsets(%dma_start3A_1124 : memref<128xi32, #tpu.memory_space<vmem>>) semaphore(%run_scoped3A_1118 : memref<!tpu.dma_semaphore, #tpu.memory_space<semaphore_mem>>) {add = true}
        %dma_wait3A_1128 = arith.constant 384 : i32
        %dma_wait3A_1129 = arith.constant 0 : i32
        %dma_wait3A_1130 = tpu.memref_slice %arg14[%dma_wait3A_1128, %dma_wait3A_1129] : memref<512x32xf32, #tpu.memory_space<vmem>> -> memref<128x32xf32, #tpu.memory_space<vmem>>
        %dma_wait3A_1131 = arith.constant 0 : i32
        %dma_wait3A_1132 = tpu.memref_slice %arg11[%run_scoped3A_1117, %dma_wait3A_1131] : memref<4x128xi32, #tpu.memory_space<vmem>> -> memref<1x128xi32, #tpu.memory_space<vmem>>
        %dma_wait3A_1133 = tpu.memref_squeeze %dma_wait3A_1132 : memref<1x128xi32, #tpu.memory_space<vmem>> -> memref<128xi32, #tpu.memory_space<vmem>>
        %dma_wait3A_1134 = arith.constant 0 : i32
        %dma_wait3A_1135 = arith.constant 0 : i32
        %dma_wait3A_1136 = tpu.memref_slice %arg16[%dma_wait3A_1134, %dma_wait3A_1135] : memref<10240x32xf32, #tpu.memory_space<vmem_shared>> -> memref<10240x32xf32, #tpu.memory_space<vmem_shared>>
        tpu.wait_indirect_dma semaphore(%run_scoped3A_1118 : memref<!tpu.dma_semaphore, #tpu.memory_space<semaphore_mem>>) src(%dma_wait3A_1130 : memref<128x32xf32, #tpu.memory_space<vmem>>) dst(%dma_wait3A_1136 : memref<10240x32xf32, #tpu.memory_space<vmem_shared>>)
        tpu.yield
      }) : () -> ()
    }
    %scan3A_37 = arith.constant 11 : i32
    %barrier3A_38 = arith.constant 0 : index
    tpu.barrier barrier_id(%barrier3A_38)
    %mul3A_39 = arith.constant 640 : i32
    %mul3A_40 = arith.muli %arg1, %mul3A_39 : i32
    %mul3A_41 = arith.constant 640 : i32
    %mul3A_42 = arith.muli %arg1, %mul3A_41 : i32
    "tpu.region"() ({
      %run_scoped3A = tpu.sem_alloc : memref<!tpu.dma_semaphore, #tpu.memory_space<semaphore_mem>>
      %dma_start3A = arith.constant 0 : i32
      %dma_start3A_43 = tpu.memref_slice %arg7[%arg0, %mul3A_42, %dma_start3A] : memref<2x10240x32xf32, #tpu.memory_space<hbm>> -> memref<1x640x32xf32, #tpu.memory_space<hbm>>
      %dma_start3A_44 = tpu.memref_squeeze %dma_start3A_43 : memref<1x640x32xf32, #tpu.memory_space<hbm>> -> memref<640x32xf32, #tpu.memory_space<hbm>>
      %dma_start3A_45 = arith.constant 0 : i32
      %dma_start3A_46 = tpu.memref_slice %arg16[%mul3A_40, %dma_start3A_45] : memref<10240x32xf32, #tpu.memory_space<vmem_shared>> -> memref<640x32xf32, #tpu.memory_space<vmem_shared>>
      tpu.enqueue_dma source(%dma_start3A_46 : memref<640x32xf32, #tpu.memory_space<vmem_shared>>) target(%dma_start3A_44 : memref<640x32xf32, #tpu.memory_space<hbm>>) target_semaphore(%run_scoped3A : memref<!tpu.dma_semaphore, #tpu.memory_space<semaphore_mem>>)
      %dma_wait3A = arith.constant 0 : i32
      %dma_wait3A_47 = tpu.memref_slice %arg7[%arg0, %mul3A_42, %dma_wait3A] : memref<2x10240x32xf32, #tpu.memory_space<hbm>> -> memref<1x640x32xf32, #tpu.memory_space<hbm>>
      %dma_wait3A_48 = tpu.memref_squeeze %dma_wait3A_47 : memref<1x640x32xf32, #tpu.memory_space<hbm>> -> memref<640x32xf32, #tpu.memory_space<hbm>>
      %dma_wait3A_49 = arith.constant 0 : i32
      %dma_wait3A_50 = tpu.memref_slice %arg16[%mul3A_40, %dma_wait3A_49] : memref<10240x32xf32, #tpu.memory_space<vmem_shared>> -> memref<640x32xf32, #tpu.memory_space<vmem_shared>>
      tpu.wait_dma2 semaphore(%run_scoped3A : memref<!tpu.dma_semaphore, #tpu.memory_space<semaphore_mem>>) src(%dma_wait3A_50 : memref<640x32xf32, #tpu.memory_space<vmem_shared>>) dst(%dma_wait3A_48 : memref<640x32xf32, #tpu.memory_space<hbm>>)
      tpu.yield
    }) : () -> ()
    return
  }
}

module attributes {stable_mosaic.version = 14 : i64} {
  func.func @body(%arg0: i32, %arg1: memref<512x128xf32, #tpu.memory_space<vmem>>, %arg2: memref<128x32xf32, #tpu.memory_space<vmem>>, %arg3: memref<32x2xf32, #tpu.memory_space<vmem>>, %arg4: memref<512x32xf32, #tpu.memory_space<vmem>>, %arg5: memref<512x2xf32, #tpu.memory_space<vmem>>) attributes {dimension_semantics = [#tpu.dimension_semantics<arbitrary>], iteration_bounds = array<i64: 20>, scalar_prefetch = 0 : i64, scratch_operands = 0 : i64, tpu.core_type = #tpu.core_type<tc>, window_params = [{transform_indices = @transform_0, window_bounds = array<i64: 512, 128>}, {pipeline_mode = #tpu.pipeline_mode<synchronous>, transform_indices = @transform_1, window_bounds = array<i64: 128, 32>}, {pipeline_mode = #tpu.pipeline_mode<synchronous>, transform_indices = @transform_2, window_bounds = array<i64: 32, 2>}, {transform_indices = @transform_3, window_bounds = array<i64: 512, 32>}, {transform_indices = @transform_4, window_bounds = array<i64: 512, 2>}]} {
    %get3A = arith.constant 0 : index
    %get3A_0 = arith.constant 0 : index
    %get3A_1 = vector.load %arg1[%get3A, %get3A_0] : memref<512x128xf32, #tpu.memory_space<vmem>>, vector<512x128xf32>
    %get3A_2 = arith.constant 0 : index
    %get3A_3 = arith.constant 0 : index
    %get3A_4 = vector.load %arg2[%get3A_2, %get3A_3] : memref<128x32xf32, #tpu.memory_space<vmem>>, vector<128x32xf32>
    %dot_general3A = arith.constant dense<0.000000e+00> : vector<512x32xf32>
    %dot_general3A_5 = tpu.matmul %get3A_1, %get3A_4, %dot_general3A {dimension_numbers = #tpu.dot_dimension_numbers<[1], [0], [0], [1], [0, 0, 1, 1], [], []>, transpose_lhs_hint = false} : vector<512x128xf32>, vector<128x32xf32>, vector<512x32xf32> -> vector<512x32xf32>
    %swap3A = arith.constant 0 : index
    %swap3A_6 = arith.constant 0 : index
    %swap3A_7 = vector.load %arg4[%swap3A, %swap3A_6] : memref<512x32xf32, #tpu.memory_space<vmem>>, vector<512x32xf32>
    tpu.vector_store %arg4[%swap3A, %swap3A_6], %dot_general3A_5 {strides = array<i32>} : memref<512x32xf32, #tpu.memory_space<vmem>>, vector<512x32xf32>,
    %get3A_8 = arith.constant 0 : index
    %get3A_9 = arith.constant 0 : index
    %get3A_10 = vector.load %arg3[%get3A_8, %get3A_9] : memref<32x2xf32, #tpu.memory_space<vmem>>, vector<32x2xf32>
    %dot_general3A_11 = arith.constant dense<0.000000e+00> : vector<512x2xf32>
    %dot_general3A_12 = tpu.matmul %dot_general3A_5, %get3A_10, %dot_general3A_11 {dimension_numbers = #tpu.dot_dimension_numbers<[1], [0], [0], [1], [0, 0, 1, 1], [], []>, transpose_lhs_hint = false} : vector<512x32xf32>, vector<32x2xf32>, vector<512x2xf32> -> vector<512x2xf32>
    %swap3A_13 = arith.constant 0 : index
    %swap3A_14 = arith.constant 0 : index
    %swap3A_15 = vector.load %arg5[%swap3A_13, %swap3A_14] : memref<512x2xf32, #tpu.memory_space<vmem>>, vector<512x2xf32>
    tpu.vector_store %arg5[%swap3A_13, %swap3A_14], %dot_general3A_12 {strides = array<i32>} : memref<512x2xf32, #tpu.memory_space<vmem>>, vector<512x2xf32>,
    return
  }
  func.func @transform_0(%arg0: i32) -> (i32, i32) {
    %c0_i32 = arith.constant 0 : i32
    %c0_i32_0 = arith.constant 0 : i32
    return %arg0, %c0_i32 : i32, i32
  }
  func.func @transform_1(%arg0: i32) -> (i32, i32) {
    %c0_i32 = arith.constant 0 : i32
    %c0_i32_0 = arith.constant 0 : i32
    %c0_i32_1 = arith.constant 0 : i32
    return %c0_i32, %c0_i32_0 : i32, i32
  }
  func.func @transform_2(%arg0: i32) -> (i32, i32) {
    %c0_i32 = arith.constant 0 : i32
    %c0_i32_0 = arith.constant 0 : i32
    %c0_i32_1 = arith.constant 0 : i32
    return %c0_i32, %c0_i32_0 : i32, i32
  }
  func.func @transform_3(%arg0: i32) -> (i32, i32) {
    %c0_i32 = arith.constant 0 : i32
    %c0_i32_0 = arith.constant 0 : i32
    return %arg0, %c0_i32 : i32, i32
  }
  func.func @transform_4(%arg0: i32) -> (i32, i32) {
    %c0_i32 = arith.constant 0 : i32
    %c0_i32_0 = arith.constant 0 : i32
    return %arg0, %c0_i32 : i32, i32
  }
}

module attributes {stable_mosaic.version = 14 : i64} {
  func.func @body(%arg0: i32, %arg1: memref<512x32xf32, #tpu.memory_space<vmem>>, %arg2: memref<512x32xf32, #tpu.memory_space<vmem>>, %arg3: memref<1x32xf32, #tpu.memory_space<vmem>>, %arg4: memref<1x512x32xf32, #tpu.memory_space<vmem>>) attributes {dimension_semantics = [#tpu.dimension_semantics<arbitrary>], iteration_bounds = array<i64: 20>, scalar_prefetch = 0 : i64, scratch_operands = 0 : i64, tpu.core_type = #tpu.core_type<tc>, window_params = [{transform_indices = @transform_0, window_bounds = array<i64: 512, 32>}, {transform_indices = @transform_1, window_bounds = array<i64: 512, 32>}, {pipeline_mode = #tpu.pipeline_mode<synchronous>, transform_indices = @transform_2, window_bounds = array<i64: 1, 32>}, {transform_indices = @transform_3, window_bounds = array<i64: 1, 512, 32>}]} {
    %get3A = arith.constant 0 : index
    %get3A_0 = arith.constant 0 : index
    %get3A_1 = vector.load %arg1[%get3A, %get3A_0] : memref<512x32xf32, #tpu.memory_space<vmem>>, vector<512x32xf32>
    %get3A_2 = arith.constant 0 : index
    %get3A_3 = arith.constant 0 : index
    %get3A_4 = vector.load %arg2[%get3A_2, %get3A_3] : memref<512x32xf32, #tpu.memory_space<vmem>>, vector<512x32xf32>
    %add3A = arith.addf %get3A_1, %get3A_4 : vector<512x32xf32>
    %get3A_5 = arith.constant 0 : index
    %get3A_6 = arith.constant 0 : index
    %get3A_7 = vector.load %arg3[%get3A_5, %get3A_6] : memref<1x32xf32, #tpu.memory_space<vmem>>, vector<1x32xf32>
    %add3A_8 = vector.broadcast %get3A_7 : vector<1x32xf32> to vector<512x32xf32>
    %add3A_9 = arith.addf %add3A, %add3A_8 : vector<512x32xf32>
    %broadcast_in_dim3A = vector.shape_cast %add3A_9 : vector<512x32xf32> to vector<1x512x32xf32>
    %swap3A = arith.constant 0 : index
    %swap3A_10 = arith.constant 0 : index
    %swap3A_11 = arith.constant 0 : index
    %swap3A_12 = vector.load %arg4[%swap3A, %swap3A_10, %swap3A_11] : memref<1x512x32xf32, #tpu.memory_space<vmem>>, vector<1x512x32xf32>
    tpu.vector_store %arg4[%swap3A, %swap3A_10, %swap3A_11], %broadcast_in_dim3A {strides = array<i32>} : memref<1x512x32xf32, #tpu.memory_space<vmem>>, vector<1x512x32xf32>,
    return
  }
  func.func @transform_0(%arg0: i32) -> (i32, i32) {
    %c0_i32 = arith.constant 0 : i32
    %c0_i32_0 = arith.constant 0 : i32
    return %arg0, %c0_i32 : i32, i32
  }
  func.func @transform_1(%arg0: i32) -> (i32, i32) {
    %c0_i32 = arith.constant 0 : i32
    %c0_i32_0 = arith.constant 0 : i32
    return %arg0, %c0_i32 : i32, i32
  }
  func.func @transform_2(%arg0: i32) -> (i32, i32) {
    %c0_i32 = arith.constant 0 : i32
    %c0_i32_0 = arith.constant 0 : i32
    %c0_i32_1 = arith.constant 0 : i32
    return %c0_i32, %c0_i32_0 : i32, i32
  }
  func.func @transform_3(%arg0: i32) -> (i32, i32, i32) {
    %c0_i32 = arith.constant 0 : i32
    %c0_i32_0 = arith.constant 0 : i32
    %c0_i32_1 = arith.constant 0 : i32
    return %c0_i32, %arg0, %c0_i32_0 : i32, i32, i32
  }
}

</mosaic_0001>

<sc_bundles>
// kernel: kernel.5.cloned.1.call-start
scs
__scs_entry_jumppad:
0x0: {  	(pc) =	sbr.rel $0x88, $3  }
0x1: {  	(tag) =	ssettag $0x0;
	lr =	simm.s32 $0x1  }
0x2: {  	[smem:$0x3F9C] =	sst lr;
	_ =	strace $0xD0000000  }
0x3: {  	_ = 	snop  }
0x4: {  	_ = 	snop  }
0x5: {  	_ = 	snop  }
0x6: {  	_ = 	snop  }
0x7: {  	_ = 	snop  }
__scs_overlays_trampoline_lowered:
0x8: {  	[smem:$0x3FAB] =	sst s0  }
0x9: {  	[smem:$0x3FAC] =	sst s1  }
0xa: {  	[smem:$0x3FAD] =	sst s2  }
0xb: {  	[smem:$0x3FAE] =	sst s3  }
0xc: {  	[smem:$0x3FAF] =	sst s4  }
0xd: {  	[smem:$0x3FB0] =	sst s5  }
0xe: {  	[smem:$0x3FB1] =	sst s6  }
0xf: {  	[smem:$0x3FB2] =	sst s7  }
0x10: {  	[smem:$0x3FB3] =	sst s8  }
0x11: {  	[smem:$0x3FB4] =	sst s9;
	s0 =	simm.s32 @!p0 $0x0  }
0x12: {  	s1 =	sld [smem:$0x3F9A];
	s0 =	simm.s32 @p0 $0x1  }
0x13: {  	[smem:$0x3FB5] =	sst s0;
	s0 =	simm.s32 @!p1 $0x0  }
0x14: {  	s2 =	sld [smem:$0x3F99];
	s0 =	simm.s32 @p1 $0x1  }
0x15: {  	[smem:$0x3FB6] =	sst s0;
	s0 =	simm.s32 @!p2 $0x0  }
0x16: {  	s3 =	sld [smem:$0x3FDB];
	s0 =	simm.s32 @p2 $0x1  }
0x17: {  	s4 =	simm.s32 $0x1BF5;
	[smem:$0x3FB8] =	sst s0  }
0x18: {  	s0 =	sld [smem:$0x3F9B];
	_ =	swait.ge [sflag:s4], $0x0  }
0x19: {  	s7 =	sld [smem:$0x3F9C]  }
0x1a: {  	s8 =	sadd.s32 $0xFFFFE003, lr  }
0x1b: {  	s9 =	sadd.s32 $0xFFFFFEF7, lr;
	s5 =	simm.s32 $0xFFFFFFFF;
	p2 =	slt.u32 s8, $0xFFFFF086  }
0x1c: {  	p1 =	slt.u32 s9, $0xF7A;
	s5 =	simm.s32 @!p2 $0x0  }
0x1d: {  	s5 =	simm.s32 @p1 $0x1;
	p0 =	seq.s32 s7, s2  }
0x1e: {  	s7 =	smul.u32 @!p0 $0xF7A, s2;
	p2 =	seq.s32 @!p0 s5, $0x0  }
0x1f: {  	s9 =	smul.u32 $0xF7A, s1;
	s8 =	simm.s32 @!p0 $0x1BF5;
	p2 =	por !p2, p0  }
0x20: {  	[sflag:s8] =	ssyncset.s32 @!p0 $0xFFFFF086;
	s6 =	sadd.s32 @!p0 s3, s7;
	s7 =	simm.s32 @!p0 $0x108  }
0x21: {  	s3 =	sadd.s32 s3, s9;
	s6 =	sadd.s32 @!p0 $0x88, s6;
	s7 =	simm.s32 @p2 $0x1082  }
0x22: {  	[simem:s7], [sflag:s8] =	dma.local @!p0 [hbm:s6], $0xF7A  }
0x23: {  	s9 =	sor.u32 $0xD0000000, s2;
	s6 =	simm.s32 $0x108;
	_ =	swait.ge @!p0 [sflag:s8], $0x0  }
0x24: {  	s3 =	sadd.s32 $0x88, s3;
	s6 =	simm.s32 @!p1 $0x1082;
	[sflag:s4] =	ssyncset.s32 $0xFFFFF086  }
0x25: {  	[simem:s6], [sflag:s4] =	dma.local [hbm:s3], $0xF7A  }
0x26: {  	[smem:$0x3F9C] =	sst s1;
	(tag) =	ssettag s2;
	_ =	strace s9  }
0x27: {  	s1 =	sld [smem:$0x3FAC]  }
0x28: {  	s2 =	sld [smem:$0x3FAD]  }
0x29: {  	s4 =	sld [smem:$0x3FAF]  }
0x2a: {  	p0 =	seq.s32 s5, $0x0;
	s5 =	sld [smem:$0x3FB0]  }
0x2b: {  	s6 =	sld [smem:$0x3FB1]  }
0x2c: {  	s7 =	sld [smem:$0x3FB2]  }
0x2d: {  	s3 =	simm.s32 $0x108;
	s8 =	sld [smem:$0x3FB3]  }
0x2e: {  	s3 =	simm.s32 @!p0 $0x1082;
	s9 =	sld [smem:$0x3FB4]  }
0x2f: {  	lr =	sadd.s32 s0, s3;
	s0 =	sld [smem:$0x3FAB]  }
0x30: {  	s3 =	sld [smem:$0x3FAE]  }
0x31: {  	[smem:$0x3FB7] =	sst s10  }
0x32: {  	s10 =	sld [smem:$0x3FB5];
	_ =	sdelay $0x3  }
0x33: {  	p0 =	seq.s32 s10, $0x1;
	s10 =	sld [smem:$0x3FB7];
	_ =	sdelay $0x3  }
0x34: {  	[smem:$0x3FB7] =	sst s10  }
0x35: {  	s10 =	sld [smem:$0x3FB6];
	_ =	sdelay $0x3  }
0x36: {  	p1 =	seq.s32 s10, $0x1;
	s10 =	sld [smem:$0x3FB7];
	_ =	sdelay $0x3  }
0x37: {  	[smem:$0x3FB7] =	sst s10  }
0x38: {  	s10 =	sld [smem:$0x3FB8]  }
0x39: {  	_ = 	snop;
	(pc) =	sbr.ind lr, $3  }
0x3a: {  	_ = 	snop  }
0x3b: {  	_ = 	snop  }
0x3c: {  	p2 =	seq.s32 s10, $0x1;
	s10 =	sld [smem:$0x3FB7]  }
0x3d: {  	_ =	shalt  }
0x3e: {  	_ =	shalt  }
0x3f: {  	_ =	shalt  }
0x40: {  	_ =	shalt  }
0x41: {  	_ =	shalt  }
0x42: {  	_ =	shalt  }
0x43: {  	_ =	shalt  }
0x44: {  	_ =	shalt  }
0x45: {  	_ =	shalt  }
0x46: {  	_ =	shalt  }
0x47: {  	_ =	shalt  }
0x48: {  	_ =	shalt  }
0x49: {  	_ =	shalt  }
0x4a: {  	_ =	shalt  }
0x4b: {  	_ =	shalt  }
0x4c: {  	_ =	shalt  }
0x4d: {  	_ =	shalt  }
0x4e: {  	_ =	shalt  }
0x4f: {  	_ =	shalt  }
0x50: {  	_ =	shalt  }
0x51: {  	_ =	shalt  }
0x52: {  	_ =	shalt  }
0x53: {  	_ =	shalt  }
0x54: {  	_ =	shalt  }
0x55: {  	_ =	shalt  }
0x56: {  	_ =	shalt  }
0x57: {  	_ =	shalt  }
0x58: {  	_ =	shalt  }
0x59: {  	_ =	shalt  }
0x5a: {  	_ =	shalt  }
0x5b: {  	_ =	shalt  }
0x5c: {  	_ =	shalt  }
0x5d: {  	_ =	shalt  }
0x5e: {  	_ =	shalt  }
0x5f: {  	_ =	shalt  }
0x60: {  	_ =	shalt  }
0x61: {  	_ =	shalt  }
0x62: {  	_ =	shalt  }
0x63: {  	_ =	shalt  }
0x64: {  	_ =	shalt  }
0x65: {  	_ =	shalt  }
0x66: {  	_ =	shalt  }
0x67: {  	_ =	shalt  }
0x68: {  	_ =	shalt  }
0x69: {  	_ =	shalt  }
0x6a: {  	_ =	shalt  }
0x6b: {  	_ =	shalt  }
0x6c: {  	_ =	shalt  }
0x6d: {  	_ =	shalt  }
0x6e: {  	_ =	shalt  }
0x6f: {  	_ =	shalt  }
0x70: {  	_ =	shalt  }
0x71: {  	_ =	shalt  }
0x72: {  	_ =	shalt  }
0x73: {  	_ =	shalt  }
0x74: {  	_ =	shalt  }
0x75: {  	_ =	shalt  }
0x76: {  	_ =	shalt  }
0x77: {  	_ =	shalt  }
0x78: {  	_ =	shalt  }
0x79: {  	_ =	shalt  }
0x7a: {  	_ =	shalt  }
0x7b: {  	_ =	shalt  }
0x7c: {  	_ =	shalt  }
0x7d: {  	_ =	shalt  }
0x7e: {  	_ =	shalt  }
0x7f: {  	_ =	shalt  }
0x80: {  	_ =	shalt  }
0x81: {  	_ =	shalt  }
0x82: {  	_ =	shalt  }
0x83: {  	_ =	shalt  }
0x84: {  	_ =	shalt  }
0x85: {  	_ =	shalt  }
0x86: {  	_ =	shalt  }
0x87: {  	_ =	shalt  }
.Lfunc_end0:
.L_simem_size_0:
called_computation_lowered:
.L_overlay_start_0:
0x88: {  	s2 =	sld [smem:$0x3FD9]  }
0x89: {  	s3 =	sld [smem:$0x3FFE];
	_ =	sdelay $0x1  }
0x8a: {  	s1 =	srdreg.scid  }
0x8b: {  	s0 =	sand.u32 $0x1, s1  }
0x8c: {  	s17 =	sshll.u32 s0, $0xA;
	s2 =	sadd.s32 s3, s2  }
0x8d: {  	s2 =	sadd.s32 s2, s17  }
0x8e: {  	[smem:$0x3FC3] =	sst s2  }
0x8f: {  	_ = 	snop  }
0x90: {  	s2 =	sld [smem:$0x3FD0];
	(tm) =	ssettm $0x1  }
0x91: {  	s18 =	sld [smem:$0x3FFB];
	_ =	sdelay $0x3  }
0x92: {  	_ =	strace s18  }
0x93: {  	s3 =	sld [smem:$0x3FFC];
	_ =	sdelay $0x3  }
0x94: {  	_ =	strace s3  }
0x95: {  	s3 =	sld [smem:$0x3FFD];
	_ =	sdelay $0x3  }
0x96: {  	_ =	strace s3  }
0x97: {  	_ =	strace $0x8FFFFFFF  }
0x98: {  	s19 =	sld [smem:$0x3FDB];
	_ =	sdelay $0x1  }
0x99: {  	s4 =	simm.s32 $_scs_section_size  }
0x9a: {  	s5 =	simm.s32 $_size__tile_overlayer_lowered;
	s6 =	simm.s32 $_tile_overlayer_lowered  }
0x9b: {  	s22 =	simm.s32 $0x1BFF;
	s21 =	sshll.u32 s6, $0x1;
	s3 =	sadd.s32 s4, s19  }
0x9c: {  	s7 =	simm.s32 $0x0;
	s20 =	sshll.u32 s5, $0x1;
	s5 =	sadd.s32 s21, s3  }
0x9d: {  	[timem:s7], [sflag:s22] =	dma.local [hbm:s5], s20  }
0x9e: {  	_ =	swait.ge [sflag:s22], s20  }
0x9f: {  	s4 =	ssub.s32 $0x0, s20;
	[sflag:s22] =	ssyncset.done $0x0  }
0xa0: {  	[sflag:s22] =	ssyncadd.s32 s4;
	_ =	sdelay $0x1  }
0xa1: {  	s23 =	simm.s32 $0x1B8B  }
0xa2: {  	_ =	swait.ge [sflag:s23], $0x1  }
0xa3: {  	[sflag:s23] =	ssyncset.done $0x0  }
0xa4: {  	s25 =	simm.s32 $0x1B8E;
	s24 =	sld [smem:$0x3FFE];
	[sflag:s23] =	ssyncadd.s32 $0xFFFFFFFF  }
0xa5: {  	s26 =	simm.s32 $execute0_lowered;
	[smem:$0x3FD2] =	sst s25  }
0xa6: {  	s5 =	sshll.u32 s26, $0x1;
	_ =	strace $0x80000046;
	[dreg:$0x1] =	wrdreg $0xFFFFFFFF  }
0xa7: {  	s28 =	simm.s32 $_size_execute0_lowered;
	s3 =	sadd.s32 s3, s5;
	[dreg:$0x0] =	wrdreg $0x0  }
0xa8: {  	s5 =	sshll.u32 s28, $0x1;
	[dreg:$0x2] =	wrdreg s3  }
0xa9: {  	[dreg:$0x3] =	wrdreg s5  }
0xaa: {  	[dreg:$0x4] =	wrdreg $0xC0  }
0xab: {  	_ =	task [dreg:s7], $0x5FFFF  }
0xac: {  	[dreg:$0x1] =	wrdreg $0xFFFFFFFF  }
0xad: {  	[dreg:$0x0] =	wrdreg $0x60  }
0xae: {  	[dreg:$0x2] =	wrdreg s2  }
0xaf: {  	[dreg:$0x3] =	wrdreg s24  }
0xb0: {  	[dreg:$0x4] =	wrdreg $0xBE000  }
0xb1: {  	[dreg:$0x5] =	wrdreg $0xC0800  }
0xb2: {  	[dreg:$0x6] =	wrdreg $0x9  }
0xb3: {  	_ =	task.clear_ibuf [dreg:s7], $0x7FFFF;
	_ =	strace $0x90000046  }
0xb4: {  	s29 =	simm.s32 $0x9;
	_ =	strace $0x80000048  }
0xb5: {  	_ =	swait.ge [sflag:s29], $0x1  }
0xb6: {  	[sflag:s29] =	ssyncadd.s32 $0xFFFFFFFF  }
0xb7: {  	_ =	strace $0x90000048  }
0xb8: {  	_ =	sfence  }
0xb9: {  	s30 =	sld [smem:$0x0];
	_ =	sdelay $0x2  }
0xba: {  	s31 =	sshll.u32 s1, $0xD;
	s1 =	sshrl.u32 s1, $0x2  }
0xbb: {  	s3 =	sand.u32 $0x4000, s31;
	s1 =	sadd.s32 s1, s30  }
0xbc: {  	s0 =	sor.u32 s3, s0;
	s1 =	sshll.u32 s1, $0x11  }
0xbd: {  	s0 =	sor.u32 s1, s0  }
0xbe: {  	s0 =	sadd.s32 $0x8F2B, s0  }
0xbf: {  	[sflag:s0] =	ssyncadd.remote.s32 $0x1  }
0xc0: {  	_ =	sfence.sel $0xFFFF  }
0xc1: {  	[dreg:$0x0] =	wrdreg $0xFFFFFFFF;
	(pc) =	sbr.abs _section_cstart, $3  }
0xc2: {  	[dreg:$0x1] =	wrdreg $0xFFFFFFFF  }
0xc3: {  	_ =	task.clear_ibuf [dreg:s7], $0x2FFFF;
	_ =	strace $0x9FFFFFFF  }
0xc4: {  	(tm) =	ssettm $0x7FFFFFFF  }
0xc5: {  	_ =	shalt  }
tec
execute0_lowered:
.L_overlay_start_1:
0x0: {  	(tag) =	ssettag $0x1  }
0x1: {  	s13 =	rddreg [dreg:$0x0]  }
0x2: {  	s10 =	rddreg [dreg:$0x1]  }
0x3: {  	s4 =	rddreg [dreg:$0x2]  }
0x4: {  	s5 =	rddreg [dreg:$0x3]  }
0x5: {  	s0 =	srdreg.scid;
	s14 =	stileid.u32;
	s6 =	simm.s32 $0x0  }
0x6: {  	s31 =	simm.s32 $0x7C00;
	s28 =	simm.s32 $0x7880;
	s1 =	smul.u32 $0x5000, s14  }
0x7: {  	s30 =	simm.s32 $0x7900;
	s16 =	simm.s32 $0x7B80;
	s8 =	smul.u32 $0xA00, s14  }
0x8: {  	s0 =	sand.u32 $0x1, s0;
	[smem:$0x7FF] =	sst s6;
	s11 =	smul.u32 $0x14000, s14  }
0x9: {  	s7 =	sadd.s32 $0xAC00, s10;
	s3 =	sadd.s32 $0x600, s10;
	s12 =	smul.u32 $0x280, s14  }
0xa: {  	s9 =	sadd.s32 $0xC00, s10;
	s19 =	sshll.u32 s14, $0x1;
	s24 =	smul.u32 $0x580, s14  }
0xb: {  	s14 =	simm.s32 $0x9E00;
	s2 =	smul.u32 $0x50000, s0;
	_ =	strace $0x80000047  }
0xc: {  	[dreg:$0x5] =	wrdreg s3;
	s17 =	ssub.s32 $0x2, s0;
	s0 =	sor.u32 s0, s19  }
0xd: {  	s18 =	sshrl.u32 s17, $0x1;
	s20 =	sshrl.u32 s11, $0x2;
	s21 =	sadd.s32 s12, s4  }
0xe: {  	s22 =	sadd.s32 $0x5000, s12;
	s29 =	sadd.s32 s1, s5;
	s15 =	smul.u32 $0x1600, s0  }
0xf: {  	s19 =	sadd.s32 s24, s13;
	s0 =	simm.s32 $0x7980;
	s11 =	simm.s32 $0x8E00  }
0x10: {  	s12 =	simm.s32 $0x7B00;
	s13 =	simm.s32 $0x1;
	[dreg:$0x6] =	wrdreg s21  }
0x11: {  	s2 =	sadd.s32 s1, s2;
	s3 =	ssub.s32 s17, s18;
	[dreg:$0x7] =	wrdreg s22  }
0x12: {  	s18 =	sadd.s32 s24, s7;
	s21 =	simm.s32 $0x7E00;
	s22 =	simm.s32 $0x2800  }
0x13: {  	s24 =	simm.s32 $0x7A00;
	s17 =	simm.s32 $0xAE00;
	[dreg:$0x8] =	wrdreg s29  }
0x14: {  	s2 =	sshrl.u32 s2, $0x3;
	s26 =	smax.u32 s3, $0x1;
	s3 =	simm.s32 $0x5000  }
0x15: {  	s2 =	sadd.s32 s2, s10;
	s10 =	sshrl.u32 s8, $0x2;
	s8 =	sadd.s32 s20, s5  }
0x16: {  	[dreg:$0xb] =	wrdreg s26;
	s20 =	simm.s32 $0x2;
	s23 =	sadd.s32 $0x4000, s8  }
0x17: {  	s25 =	sadd.s32 $0x10400, s2;
	s2 =	simm.s32 $0x0;
	[dreg:$0x9] =	wrdreg s23  }
0x18: {  	v0 =	vimm.f32 $0.0e+00;
	[dreg:$0xa] =	wrdreg s25;
	s23 =	simm.s32 $0x7800;
	s25 =	simm.s32 $0x80  }
.LBB2_1:
0x19: {  	[dreg:$0xc] =	wrdreg s2;
	s1 =	simm.s32 $0x80;
	s2 =	simm.s32 $0x0  }
.LBB2_2:
0x1a: {  	p0 =	sne.s32 s1, $0xFF80;
	[tilespmem:s2+$0x7E00] =	vst v0;
	s26 =	smov.u32 s1;
	s1 =	sadd.s32 $0x80, s1  }
.Ltmp0:
0x1b: {  	[tilespmem:s2+$0x7E10] =	vst v0;
	(pc) =	sbr.rel @p0 .LBB2_2-.Ltmp0, $2  }
0x1c: {  	_ =	sdelay $0x2  }
0x1d: {  	s2 =	sshra.s32 s26, $0x2  }
0x1e: {  	[tilespmem:s2+$0x7E00] =	vst v0  }
0x1f: {  	[tilespmem:s2+$0x7E10] =	vst v0  }
0x20: {  	[tilespmem:s10+$0x5000] =	vst v0  }
0x21: {  	[tilespmem:s10+$0x5010] =	vst v0  }
0x22: {  	[tilespmem:s10+$0x5020] =	vst v0  }
0x23: {  	[tilespmem:s10+$0x5030] =	vst v0  }
0x24: {  	[tilespmem:s10+$0x5040] =	vst v0  }
0x25: {  	[tilespmem:s10+$0x5050] =	vst v0  }
0x26: {  	[tilespmem:s10+$0x5060] =	vst v0  }
0x27: {  	[tilespmem:s10+$0x5070] =	vst v0  }
0x28: {  	[tilespmem:s10+$0x5080] =	vst v0  }
0x29: {  	[tilespmem:s10+$0x5090] =	vst v0  }
0x2a: {  	[tilespmem:s10+$0x50A0] =	vst v0  }
0x2b: {  	[tilespmem:s10+$0x50B0] =	vst v0  }
0x2c: {  	[tilespmem:s10+$0x50C0] =	vst v0  }
0x2d: {  	[tilespmem:s10+$0x50D0] =	vst v0  }
0x2e: {  	[tilespmem:s10+$0x50E0] =	vst v0  }
0x2f: {  	[tilespmem:s10+$0x50F0] =	vst v0  }
0x30: {  	[tilespmem:s10+$0x5100] =	vst v0  }
0x31: {  	[tilespmem:s10+$0x5110] =	vst v0  }
0x32: {  	[tilespmem:s10+$0x5120] =	vst v0  }
0x33: {  	[tilespmem:s10+$0x5130] =	vst v0  }
0x34: {  	[tilespmem:s10+$0x5140] =	vst v0  }
0x35: {  	[tilespmem:s10+$0x5150] =	vst v0  }
0x36: {  	[tilespmem:s10+$0x5160] =	vst v0  }
0x37: {  	[tilespmem:s10+$0x5170] =	vst v0  }
0x38: {  	[tilespmem:s10+$0x5180] =	vst v0  }
0x39: {  	[tilespmem:s10+$0x5190] =	vst v0  }
0x3a: {  	[tilespmem:s10+$0x51A0] =	vst v0  }
0x3b: {  	[tilespmem:s10+$0x51B0] =	vst v0  }
0x3c: {  	[tilespmem:s10+$0x51C0] =	vst v0  }
0x3d: {  	[tilespmem:s10+$0x51D0] =	vst v0  }
0x3e: {  	[tilespmem:s10+$0x51E0] =	vst v0  }
0x3f: {  	[tilespmem:s10+$0x51F0] =	vst v0  }
0x40: {  	[tilespmem:s10+$0x5200] =	vst v0  }
0x41: {  	[tilespmem:s10+$0x5210] =	vst v0  }
0x42: {  	[tilespmem:s10+$0x5220] =	vst v0  }
0x43: {  	[tilespmem:s10+$0x5230] =	vst v0  }
0x44: {  	[tilespmem:s10+$0x5240] =	vst v0  }
0x45: {  	[tilespmem:s10+$0x5250] =	vst v0  }
0x46: {  	s1 =	rddreg [dreg:$0x6];
	[tilespmem:s10+$0x5260] =	vst v0  }
0x47: {  	s26 =	rddreg [dreg:$0x7];
	[tilespmem:s10+$0x5270] =	vst v0  }
0x48: {  	[spmem:s1] =	stream.linear.scatter [tilespmem:s26], [sflag:$0x2], $0x280, $0x38;
	[tilespmem:$0x11080] =	vst v63  }
0x49: {  	_ =	swait.ge [sflag:s20], $0x280  }
0x4a: {  	[sflag:s20] =	ssyncset.done $0x0  }
0x4b: {  	[sflag:s20] =	ssyncadd.s32 $0xFFFFFD80  }
0x4c: {  	[spmem:s29] =	stream.linear.scatter [tilespmem:s21], [sflag:$0x2], $0x4000, $0x38;
	[tilespmem:$0x11080] =	vst v63  }
0x4d: {  	_ =	swait.ge [sflag:s20], $0x4000  }
0x4e: {  	[sflag:s20] =	ssyncset.done $0x0  }
0x4f: {  	s2 =	rddreg [dreg:$0x9];
	[sflag:s20] =	ssyncadd.s32 $0xFFFFC000  }
0x50: {  	[spmem:s2] =	stream.linear.scatter [tilespmem:s21], [sflag:$0x2], $0x1000, $0x38;
	[tilespmem:$0x11080] =	vst v63  }
0x51: {  	_ =	swait.ge [sflag:s20], $0x1000  }
0x52: {  	[sflag:s20] =	ssyncset.done $0x0  }
0x53: {  	s1 =	simm.s32 $0x0;
	s8 =	rddreg [dreg:$0x5];
	[sflag:s20] =	ssyncadd.s32 $0xFFFFF000  }
0x54: {  	[tilespmem:s1], [sflag:$0x2] =	stream.linear.gather [hbm4b:s8+s1], $0x2800, $0x38;
	[tilespmem:$0x11080] =	vst v63  }
0x55: {  	_ =	swait.ge [sflag:s20], $0x2800  }
0x56: {  	[sflag:s20] =	ssyncset.done $0x0  }
0x57: {  	[sflag:s20] =	ssyncadd.s32 $0xFFFFD800  }
0x58: {  	s26 =	rddreg [dreg:$0x1]  }
0x59: {  	[tilespmem:s22], [sflag:$0x2] =	stream.linear.gather [hbm4b:s26+s1], $0x2800, $0x38;
	[tilespmem:$0x11080] =	vst v63  }
0x5a: {  	_ =	swait.ge [sflag:s20], $0x2800  }
0x5b: {  	[sflag:s20] =	ssyncset.done $0x0  }
0x5c: {  	s29 =	simm.s32 $0x7D00;
	[sflag:s20] =	ssyncadd.s32 $0xFFFFD800  }
0x5d: {  	s8 =	simm.s32 $0x7D80;
	s26 =	simm.s32 $0x7C80;
	[bflag:$0x0] =	sbarrier.arrive $0xFFFF  }
.LBB2_4:
0x5e: {  	s2 =	sadd.s32 s1, s19  }
0x5f: {  	[tilespmem:s23], [sflag:$0x2] =	stream.linear.gather [hbm4b:s2+s6], $0x200, $0x38;
	[tilespmem:$0x11080] =	vst v63  }
0x60: {  	_ =	swait.ge [sflag:s20], $0x200  }
0x61: {  	[sflag:s20] =	ssyncset.done $0x0  }
0x62: {  	s2 =	sadd.s32 s1, s18;
	[sflag:s20] =	ssyncadd.s32 $0xFFFFFE00  }
0x63: {  	[tilespmem:s24], [sflag:$0x2] =	stream.linear.gather [hbm4b:s2+s6], $0x200, $0x38;
	[tilespmem:$0x11080] =	vst v63  }
0x64: {  	_ =	swait.ge [sflag:s20], $0x200  }
0x65: {  	[sflag:s20] =	ssyncset.done $0x0  }
0x66: {  	[sflag:s20] =	ssyncadd.s32 $0xFFFFFE00  }
0x67: {  	v1 =	vld [tilespmem:$0x7800]  }
0x68: {  	v2 =	vld [tilespmem:$0x7A00];
	_ =	sdelay $0x6  }
0x69: {  	v1 =	vld.idx.msk [tilespmem:v1+s6+$0x0], $0xffff  }
0x6a: {  	v2 =	vld.idx.msk [tilespmem:v2+s22+$0x0], $0xffff;
	_ =	sdelay $0x4  }
0x6b: {  	v1 =	vadd.f32 v2, v1;
	_ =	sdelay $0x1  }
0x6c: {  	v2 =	vmul.f32 $2.000000030e-01, v1  }
0x6d: {  	vm0 =	vge.f32 v1, $0.0e+00  }
0x6e: {  	v1 =	vsel vm0, v1, v2  }
0x6f: {  	v1 =	vmax.f32 v1, $-2.000000000e+00  }
0x70: {  	v1 =	vmin.f32 v1, $2.000000000e+00  }
0x71: {  	v1 =	vmul.f32 $1.442695020e+00, v1;
	_ =	sdelay $0x1  }
0x72: {  	(erf) = vpow2.f32 v1;
	_ =	sdelay $0x2  }
0x73: {  	v1 =	vld [tilespmem:$0x7810]  }
0x74: {  	v2 =	vld [tilespmem:$0x7A10];
	_ =	sdelay $0x4  }
0x75: {  	v3 =	vpop (erf)  }
0x76: {  	[tilespmem:$0x7C00] =	vst v3  }
0x77: {  	v1 =	vld.idx.msk [tilespmem:v1+s6+$0x0], $0xffff  }
0x78: {  	v2 =	vld.idx.msk [tilespmem:v2+s22+$0x0], $0xffff;
	_ =	sdelay $0x4  }
0x79: {  	v1 =	vadd.f32 v2, v1;
	_ =	sdelay $0x1  }
0x7a: {  	v2 =	vmul.f32 $2.000000030e-01, v1  }
0x7b: {  	vm9 =	vge.f32 v1, $0.0e+00  }
0x7c: {  	v1 =	vsel vm9, v1, v2  }
0x7d: {  	v1 =	vmax.f32 v1, $-2.000000000e+00  }
0x7e: {  	v1 =	vmin.f32 v1, $2.000000000e+00  }
0x7f: {  	v1 =	vmul.f32 $1.442695020e+00, v1;
	_ =	sdelay $0x1  }
0x80: {  	(erf) = vpow2.f32 v1;
	_ =	sdelay $0x2  }
0x81: {  	v1 =	vld [tilespmem:$0x7820]  }
0x82: {  	v2 =	vld [tilespmem:$0x7A20];
	_ =	sdelay $0x4  }
0x83: {  	v3 =	vpop (erf)  }
0x84: {  	[tilespmem:$0x7C10] =	vst v3  }
0x85: {  	v1 =	vld.idx.msk [tilespmem:v1+s6+$0x0], $0xffff  }
0x86: {  	v2 =	vld.idx.msk [tilespmem:v2+s22+$0x0], $0xffff;
	_ =	sdelay $0x4  }
0x87: {  	v1 =	vadd.f32 v2, v1;
	_ =	sdelay $0x1  }
0x88: {  	v2 =	vmul.f32 $2.000000030e-01, v1  }
0x89: {  	vm10 =	vge.f32 v1, $0.0e+00  }
0x8a: {  	v1 =	vsel vm10, v1, v2  }
0x8b: {  	v1 =	vmax.f32 v1, $-2.000000000e+00  }
0x8c: {  	v1 =	vmin.f32 v1, $2.000000000e+00  }
0x8d: {  	v1 =	vmul.f32 $1.442695020e+00, v1;
	_ =	sdelay $0x1  }
0x8e: {  	(erf) = vpow2.f32 v1;
	_ =	sdelay $0x2  }
0x8f: {  	v1 =	vld [tilespmem:$0x7830]  }
0x90: {  	v2 =	vld [tilespmem:$0x7A30];
	_ =	sdelay $0x4  }
0x91: {  	v3 =	vpop (erf)  }
0x92: {  	[tilespmem:$0x7C20] =	vst v3  }
0x93: {  	v1 =	vld.idx.msk [tilespmem:v1+s6+$0x0], $0xffff  }
0x94: {  	v2 =	vld.idx.msk [tilespmem:v2+s22+$0x0], $0xffff;
	_ =	sdelay $0x4  }
0x95: {  	v1 =	vadd.f32 v2, v1;
	_ =	sdelay $0x1  }
0x96: {  	v2 =	vmul.f32 $2.000000030e-01, v1  }
0x97: {  	vm11 =	vge.f32 v1, $0.0e+00  }
0x98: {  	v1 =	vsel vm11, v1, v2  }
0x99: {  	v1 =	vmax.f32 v1, $-2.000000000e+00  }
0x9a: {  	v1 =	vmin.f32 v1, $2.000000000e+00  }
0x9b: {  	v1 =	vmul.f32 $1.442695020e+00, v1;
	_ =	sdelay $0x1  }
0x9c: {  	(erf) = vpow2.f32 v1;
	_ =	sdelay $0x2  }
0x9d: {  	v1 =	vld [tilespmem:$0x7840]  }
0x9e: {  	v2 =	vld [tilespmem:$0x7A40];
	_ =	sdelay $0x4  }
0x9f: {  	v3 =	vpop (erf)  }
0xa0: {  	[tilespmem:$0x7C30] =	vst v3  }
0xa1: {  	v1 =	vld.idx.msk [tilespmem:v1+s6+$0x0], $0xffff  }
0xa2: {  	v2 =	vld.idx.msk [tilespmem:v2+s22+$0x0], $0xffff;
	_ =	sdelay $0x4  }
0xa3: {  	v1 =	vadd.f32 v2, v1;
	_ =	sdelay $0x1  }
0xa4: {  	v2 =	vmul.f32 $2.000000030e-01, v1  }
0xa5: {  	vm12 =	vge.f32 v1, $0.0e+00  }
0xa6: {  	v1 =	vsel vm12, v1, v2  }
0xa7: {  	v1 =	vmax.f32 v1, $-2.000000000e+00  }
0xa8: {  	v1 =	vmin.f32 v1, $2.000000000e+00  }
0xa9: {  	v1 =	vmul.f32 $1.442695020e+00, v1;
	_ =	sdelay $0x1  }
0xaa: {  	(erf) = vpow2.f32 v1;
	_ =	sdelay $0x2  }
0xab: {  	v1 =	vld [tilespmem:$0x7850]  }
0xac: {  	v2 =	vld [tilespmem:$0x7A50];
	_ =	sdelay $0x4  }
0xad: {  	v3 =	vpop (erf)  }
0xae: {  	[tilespmem:$0x7C40] =	vst v3  }
0xaf: {  	v1 =	vld.idx.msk [tilespmem:v1+s6+$0x0], $0xffff  }
0xb0: {  	v2 =	vld.idx.msk [tilespmem:v2+s22+$0x0], $0xffff;
	_ =	sdelay $0x4  }
0xb1: {  	v1 =	vadd.f32 v2, v1;
	_ =	sdelay $0x1  }
0xb2: {  	v2 =	vmul.f32 $2.000000030e-01, v1  }
0xb3: {  	vm13 =	vge.f32 v1, $0.0e+00  }
0xb4: {  	v1 =	vsel vm13, v1, v2  }
0xb5: {  	v1 =	vmax.f32 v1, $-2.000000000e+00  }
0xb6: {  	v1 =	vmin.f32 v1, $2.000000000e+00  }
0xb7: {  	v1 =	vmul.f32 $1.442695020e+00, v1;
	_ =	sdelay $0x1  }
0xb8: {  	(erf) = vpow2.f32 v1;
	_ =	sdelay $0x2  }
0xb9: {  	v1 =	vld [tilespmem:$0x7860]  }
0xba: {  	v2 =	vld [tilespmem:$0x7A60];
	_ =	sdelay $0x4  }
0xbb: {  	v3 =	vpop (erf)  }
0xbc: {  	[tilespmem:$0x7C50] =	vst v3  }
0xbd: {  	v1 =	vld.idx.msk [tilespmem:v1+s6+$0x0], $0xffff  }
0xbe: {  	v2 =	vld.idx.msk [tilespmem:v2+s22+$0x0], $0xffff;
	_ =	sdelay $0x4  }
0xbf: {  	v1 =	vadd.f32 v2, v1;
	_ =	sdelay $0x1  }
0xc0: {  	v2 =	vmul.f32 $2.000000030e-01, v1  }
0xc1: {  	vm14 =	vge.f32 v1, $0.0e+00  }
0xc2: {  	v1 =	vsel vm14, v1, v2  }
0xc3: {  	v1 =	vmax.f32 v1, $-2.000000000e+00  }
0xc4: {  	v1 =	vmin.f32 v1, $2.000000000e+00  }
0xc5: {  	v1 =	vmul.f32 $1.442695020e+00, v1;
	_ =	sdelay $0x1  }
0xc6: {  	(erf) = vpow2.f32 v1;
	_ =	sdelay $0x2  }
0xc7: {  	v1 =	vld [tilespmem:$0x7870]  }
0xc8: {  	v2 =	vld [tilespmem:$0x7A70];
	_ =	sdelay $0x4  }
0xc9: {  	v3 =	vpop (erf)  }
0xca: {  	[tilespmem:$0x7C60] =	vst v3  }
0xcb: {  	v1 =	vld.idx.msk [tilespmem:v1+s6+$0x0], $0xffff  }
0xcc: {  	v2 =	vld.idx.msk [tilespmem:v2+s22+$0x0], $0xffff;
	_ =	sdelay $0x4  }
0xcd: {  	v1 =	vadd.f32 v2, v1;
	_ =	sdelay $0x1  }
0xce: {  	v2 =	vmul.f32 $2.000000030e-01, v1  }
0xcf: {  	vm15 =	vge.f32 v1, $0.0e+00  }
0xd0: {  	v1 =	vsel vm15, v1, v2  }
0xd1: {  	v1 =	vmax.f32 v1, $-2.000000000e+00  }
0xd2: {  	v1 =	vmin.f32 v1, $2.000000000e+00  }
0xd3: {  	v1 =	vmul.f32 $1.442695020e+00, v1;
	_ =	sdelay $0x1  }
0xd4: {  	(erf) = vpow2.f32 v1;
	_ =	sdelay $0x2  }
0xd5: {  	v1 =	vld [tilespmem:$0x7880]  }
0xd6: {  	v2 =	vld [tilespmem:$0x7A80];
	_ =	sdelay $0x4  }
0xd7: {  	v3 =	vpop (erf)  }
0xd8: {  	[tilespmem:$0x7C70] =	vst v3  }
0xd9: {  	v1 =	vld.idx.msk [tilespmem:v1+s6+$0x0], $0xffff  }
0xda: {  	v2 =	vld.idx.msk [tilespmem:v2+s22+$0x0], $0xffff;
	_ =	sdelay $0x4  }
0xdb: {  	v1 =	vadd.f32 v2, v1;
	_ =	sdelay $0x1  }
0xdc: {  	v2 =	vmul.f32 $2.000000030e-01, v1  }
0xdd: {  	vm4 =	vge.f32 v1, $0.0e+00  }
0xde: {  	v1 =	vsel vm4, v1, v2  }
0xdf: {  	v1 =	vmax.f32 v1, $-2.000000000e+00  }
0xe0: {  	v1 =	vmin.f32 v1, $2.000000000e+00  }
0xe1: {  	v1 =	vmul.f32 $1.442695020e+00, v1;
	_ =	sdelay $0x1  }
0xe2: {  	(erf) = vpow2.f32 v1;
	_ =	sdelay $0x2  }
0xe3: {  	v1 =	vld [tilespmem:$0x7890]  }
0xe4: {  	v2 =	vld [tilespmem:$0x7A90];
	_ =	sdelay $0x4  }
0xe5: {  	v3 =	vpop (erf)  }
0xe6: {  	[tilespmem:$0x7C80] =	vst v3  }
0xe7: {  	v1 =	vld.idx.msk [tilespmem:v1+s6+$0x0], $0xffff  }
0xe8: {  	v2 =	vld.idx.msk [tilespmem:v2+s22+$0x0], $0xffff;
	_ =	sdelay $0x4  }
0xe9: {  	v1 =	vadd.f32 v2, v1;
	_ =	sdelay $0x1  }
0xea: {  	v2 =	vmul.f32 $2.000000030e-01, v1  }
0xeb: {  	vm5 =	vge.f32 v1, $0.0e+00  }
0xec: {  	v1 =	vsel vm5, v1, v2  }
0xed: {  	v1 =	vmax.f32 v1, $-2.000000000e+00  }
0xee: {  	v1 =	vmin.f32 v1, $2.000000000e+00  }
0xef: {  	v1 =	vmul.f32 $1.442695020e+00, v1;
	_ =	sdelay $0x1  }
0xf0: {  	(erf) = vpow2.f32 v1;
	_ =	sdelay $0x2  }
0xf1: {  	v1 =	vld [tilespmem:$0x78A0]  }
0xf2: {  	v2 =	vld [tilespmem:$0x7AA0];
	_ =	sdelay $0x4  }
0xf3: {  	v3 =	vpop (erf)  }
0xf4: {  	[tilespmem:$0x7C90] =	vst v3  }
0xf5: {  	v1 =	vld.idx.msk [tilespmem:v1+s6+$0x0], $0xffff  }
0xf6: {  	v2 =	vld.idx.msk [tilespmem:v2+s22+$0x0], $0xffff;
	_ =	sdelay $0x4  }
0xf7: {  	v1 =	vadd.f32 v2, v1;
	_ =	sdelay $0x1  }
0xf8: {  	v2 =	vmul.f32 $2.000000030e-01, v1  }
0xf9: {  	vm6 =	vge.f32 v1, $0.0e+00  }
0xfa: {  	v1 =	vsel vm6, v1, v2  }
0xfb: {  	v1 =	vmax.f32 v1, $-2.000000000e+00  }
0xfc: {  	v1 =	vmin.f32 v1, $2.000000000e+00  }
0xfd: {  	v1 =	vmul.f32 $1.442695020e+00, v1;
	_ =	sdelay $0x1  }
0xfe: {  	(erf) = vpow2.f32 v1;
	_ =	sdelay $0x2  }
0xff: {  	v1 =	vld [tilespmem:$0x78B0]  }
0x100: {  	v2 =	vld [tilespmem:$0x7AB0];
	_ =	sdelay $0x4  }
0x101: {  	v3 =	vpop (erf)  }
0x102: {  	[tilespmem:$0x7CA0] =	vst v3  }
0x103: {  	v1 =	vld.idx.msk [tilespmem:v1+s6+$0x0], $0xffff  }
0x104: {  	v2 =	vld.idx.msk [tilespmem:v2+s22+$0x0], $0xffff;
	_ =	sdelay $0x4  }
0x105: {  	v1 =	vadd.f32 v2, v1;
	_ =	sdelay $0x1  }
0x106: {  	v2 =	vmul.f32 $2.000000030e-01, v1  }
0x107: {  	vm7 =	vge.f32 v1, $0.0e+00  }
0x108: {  	v1 =	vsel vm7, v1, v2  }
0x109: {  	v1 =	vmax.f32 v1, $-2.000000000e+00  }
0x10a: {  	v1 =	vmin.f32 v1, $2.000000000e+00  }
0x10b: {  	v1 =	vmul.f32 $1.442695020e+00, v1;
	_ =	sdelay $0x1  }
0x10c: {  	(erf) = vpow2.f32 v1;
	_ =	sdelay $0x2  }
0x10d: {  	v1 =	vld [tilespmem:$0x78C0]  }
0x10e: {  	v2 =	vld [tilespmem:$0x7AC0];
	_ =	sdelay $0x4  }
0x10f: {  	v3 =	vpop (erf)  }
0x110: {  	[tilespmem:$0x7CB0] =	vst v3  }
0x111: {  	v1 =	vld.idx.msk [tilespmem:v1+s6+$0x0], $0xffff  }
0x112: {  	v2 =	vld.idx.msk [tilespmem:v2+s22+$0x0], $0xffff;
	_ =	sdelay $0x4  }
0x113: {  	v1 =	vadd.f32 v2, v1;
	_ =	sdelay $0x1  }
0x114: {  	v2 =	vmul.f32 $2.000000030e-01, v1  }
0x115: {  	vm8 =	vge.f32 v1, $0.0e+00  }
0x116: {  	v1 =	vsel vm8, v1, v2  }
0x117: {  	v1 =	vmax.f32 v1, $-2.000000000e+00  }
0x118: {  	v1 =	vmin.f32 v1, $2.000000000e+00  }
0x119: {  	v1 =	vmul.f32 $1.442695020e+00, v1;
	_ =	sdelay $0x1  }
0x11a: {  	(erf) = vpow2.f32 v1;
	_ =	sdelay $0x2  }
0x11b: {  	v1 =	vld [tilespmem:$0x78D0]  }
0x11c: {  	v2 =	vld [tilespmem:$0x7AD0];
	_ =	sdelay $0x4  }
0x11d: {  	v3 =	vpop (erf)  }
0x11e: {  	[tilespmem:$0x7CC0] =	vst v3  }
0x11f: {  	v1 =	vld.idx.msk [tilespmem:v1+s6+$0x0], $0xffff  }
0x120: {  	v2 =	vld.idx.msk [tilespmem:v2+s22+$0x0], $0xffff;
	_ =	sdelay $0x4  }
0x121: {  	v1 =	vadd.f32 v2, v1;
	_ =	sdelay $0x1  }
0x122: {  	v2 =	vmul.f32 $2.000000030e-01, v1  }
0x123: {  	vm9 =	vge.f32 v1, $0.0e+00  }
0x124: {  	v1 =	vsel vm9, v1, v2  }
0x125: {  	v1 =	vmax.f32 v1, $-2.000000000e+00  }
0x126: {  	v1 =	vmin.f32 v1, $2.000000000e+00  }
0x127: {  	v1 =	vmul.f32 $1.442695020e+00, v1;
	_ =	sdelay $0x1  }
0x128: {  	(erf) = vpow2.f32 v1;
	_ =	sdelay $0x2  }
0x129: {  	v1 =	vld [tilespmem:$0x78E0]  }
0x12a: {  	v2 =	vld [tilespmem:$0x7AE0];
	_ =	sdelay $0x4  }
0x12b: {  	v3 =	vpop (erf)  }
0x12c: {  	[tilespmem:$0x7CD0] =	vst v3  }
0x12d: {  	v1 =	vld.idx.msk [tilespmem:v1+s6+$0x0], $0xffff  }
0x12e: {  	v2 =	vld.idx.msk [tilespmem:v2+s22+$0x0], $0xffff;
	_ =	sdelay $0x4  }
0x12f: {  	v1 =	vadd.f32 v2, v1;
	_ =	sdelay $0x1  }
0x130: {  	v2 =	vmul.f32 $2.000000030e-01, v1  }
0x131: {  	vm10 =	vge.f32 v1, $0.0e+00  }
0x132: {  	v1 =	vsel vm10, v1, v2  }
0x133: {  	v1 =	vmax.f32 v1, $-2.000000000e+00  }
0x134: {  	v1 =	vmin.f32 v1, $2.000000000e+00  }
0x135: {  	v1 =	vmul.f32 $1.442695020e+00, v1;
	_ =	sdelay $0x1  }
0x136: {  	(erf) = vpow2.f32 v1;
	_ =	sdelay $0x2  }
0x137: {  	v1 =	vld [tilespmem:$0x78F0]  }
0x138: {  	v2 =	vld [tilespmem:$0x7AF0];
	_ =	sdelay $0x4  }
0x139: {  	v3 =	vpop (erf)  }
0x13a: {  	[tilespmem:$0x7CE0] =	vst v3  }
0x13b: {  	v1 =	vld.idx.msk [tilespmem:v1+s6+$0x0], $0xffff  }
0x13c: {  	v2 =	vld.idx.msk [tilespmem:v2+s22+$0x0], $0xffff;
	_ =	sdelay $0x4  }
0x13d: {  	v1 =	vadd.f32 v2, v1;
	_ =	sdelay $0x1  }
0x13e: {  	v2 =	vmul.f32 $2.000000030e-01, v1  }
0x13f: {  	vm11 =	vge.f32 v1, $0.0e+00  }
0x140: {  	v1 =	vsel vm11, v1, v2  }
0x141: {  	v1 =	vmax.f32 v1, $-2.000000000e+00  }
0x142: {  	v1 =	vmin.f32 v1, $2.000000000e+00  }
0x143: {  	v1 =	vmul.f32 $1.442695020e+00, v1;
	_ =	sdelay $0x1  }
0x144: {  	(erf) = vpow2.f32 v1;
	_ =	sdelay $0x2  }
0x145: {  	v1 =	vld [tilespmem:$0x7900]  }
0x146: {  	v2 =	vld [tilespmem:$0x7B00];
	_ =	sdelay $0x4  }
0x147: {  	v3 =	vpop (erf)  }
0x148: {  	[tilespmem:$0x7CF0] =	vst v3  }
0x149: {  	v1 =	vld.idx.msk [tilespmem:v1+s6+$0x0], $0xffff  }
0x14a: {  	v2 =	vld.idx.msk [tilespmem:v2+s22+$0x0], $0xffff;
	_ =	sdelay $0x4  }
0x14b: {  	v1 =	vadd.f32 v2, v1;
	_ =	sdelay $0x1  }
0x14c: {  	v2 =	vmul.f32 $2.000000030e-01, v1  }
0x14d: {  	vm12 =	vge.f32 v1, $0.0e+00  }
0x14e: {  	v1 =	vsel vm12, v1, v2  }
0x14f: {  	v1 =	vmax.f32 v1, $-2.000000000e+00  }
0x150: {  	v1 =	vmin.f32 v1, $2.000000000e+00  }
0x151: {  	v1 =	vmul.f32 $1.442695020e+00, v1;
	_ =	sdelay $0x1  }
0x152: {  	(erf) = vpow2.f32 v1;
	_ =	sdelay $0x2  }
0x153: {  	v1 =	vld [tilespmem:$0x7910]  }
0x154: {  	v2 =	vld [tilespmem:$0x7B10];
	_ =	sdelay $0x4  }
0x155: {  	v3 =	vpop (erf)  }
0x156: {  	[tilespmem:$0x7D00] =	vst v3  }
0x157: {  	v1 =	vld.idx.msk [tilespmem:v1+s6+$0x0], $0xffff  }
0x158: {  	v2 =	vld.idx.msk [tilespmem:v2+s22+$0x0], $0xffff;
	_ =	sdelay $0x4  }
0x159: {  	v1 =	vadd.f32 v2, v1;
	_ =	sdelay $0x1  }
0x15a: {  	v2 =	vmul.f32 $2.000000030e-01, v1  }
0x15b: {  	vm13 =	vge.f32 v1, $0.0e+00  }
0x15c: {  	v1 =	vsel vm13, v1, v2  }
0x15d: {  	v1 =	vmax.f32 v1, $-2.000000000e+00  }
0x15e: {  	v1 =	vmin.f32 v1, $2.000000000e+00  }
0x15f: {  	v1 =	vmul.f32 $1.442695020e+00, v1;
	_ =	sdelay $0x1  }
0x160: {  	(erf) = vpow2.f32 v1;
	_ =	sdelay $0x2  }
0x161: {  	v1 =	vld [tilespmem:$0x7920]  }
0x162: {  	v2 =	vld [tilespmem:$0x7B20];
	_ =	sdelay $0x4  }
0x163: {  	v3 =	vpop (erf)  }
0x164: {  	[tilespmem:$0x7D10] =	vst v3  }
0x165: {  	v1 =	vld.idx.msk [tilespmem:v1+s6+$0x0], $0xffff  }
0x166: {  	v2 =	vld.idx.msk [tilespmem:v2+s22+$0x0], $0xffff;
	_ =	sdelay $0x4  }
0x167: {  	v1 =	vadd.f32 v2, v1;
	_ =	sdelay $0x1  }
0x168: {  	v2 =	vmul.f32 $2.000000030e-01, v1  }
0x169: {  	vm14 =	vge.f32 v1, $0.0e+00  }
0x16a: {  	v1 =	vsel vm14, v1, v2  }
0x16b: {  	v1 =	vmax.f32 v1, $-2.000000000e+00  }
0x16c: {  	v1 =	vmin.f32 v1, $2.000000000e+00  }
0x16d: {  	v1 =	vmul.f32 $1.442695020e+00, v1;
	_ =	sdelay $0x1  }
0x16e: {  	(erf) = vpow2.f32 v1;
	_ =	sdelay $0x2  }
0x16f: {  	v1 =	vld [tilespmem:$0x7930]  }
0x170: {  	v2 =	vld [tilespmem:$0x7B30];
	_ =	sdelay $0x4  }
0x171: {  	v3 =	vpop (erf)  }
0x172: {  	[tilespmem:$0x7D20] =	vst v3  }
0x173: {  	v1 =	vld.idx.msk [tilespmem:v1+s6+$0x0], $0xffff  }
0x174: {  	v2 =	vld.idx.msk [tilespmem:v2+s22+$0x0], $0xffff;
	_ =	sdelay $0x4  }
0x175: {  	v1 =	vadd.f32 v2, v1;
	_ =	sdelay $0x1  }
0x176: {  	v2 =	vmul.f32 $2.000000030e-01, v1  }
0x177: {  	vm15 =	vge.f32 v1, $0.0e+00  }
0x178: {  	v1 =	vsel vm15, v1, v2  }
0x179: {  	v1 =	vmax.f32 v1, $-2.000000000e+00  }
0x17a: {  	v1 =	vmin.f32 v1, $2.000000000e+00  }
0x17b: {  	v1 =	vmul.f32 $1.442695020e+00, v1;
	_ =	sdelay $0x1  }
0x17c: {  	(erf) = vpow2.f32 v1;
	_ =	sdelay $0x2  }
0x17d: {  	v1 =	vld [tilespmem:$0x7940]  }
0x17e: {  	v2 =	vld [tilespmem:$0x7B40];
	_ =	sdelay $0x4  }
0x17f: {  	v3 =	vpop (erf)  }
0x180: {  	[tilespmem:$0x7D30] =	vst v3  }
0x181: {  	v1 =	vld.idx.msk [tilespmem:v1+s6+$0x0], $0xffff  }
0x182: {  	v2 =	vld.idx.msk [tilespmem:v2+s22+$0x0], $0xffff;
	_ =	sdelay $0x4  }
0x183: {  	v1 =	vadd.f32 v2, v1;
	_ =	sdelay $0x1  }
0x184: {  	v2 =	vmul.f32 $2.000000030e-01, v1  }
0x185: {  	vm4 =	vge.f32 v1, $0.0e+00  }
0x186: {  	v1 =	vsel vm4, v1, v2  }
0x187: {  	v1 =	vmax.f32 v1, $-2.000000000e+00  }
0x188: {  	v1 =	vmin.f32 v1, $2.000000000e+00  }
0x189: {  	v1 =	vmul.f32 $1.442695020e+00, v1;
	_ =	sdelay $0x1  }
0x18a: {  	(erf) = vpow2.f32 v1;
	_ =	sdelay $0x2  }
0x18b: {  	v1 =	vld [tilespmem:$0x7950]  }
0x18c: {  	v2 =	vld [tilespmem:$0x7B50];
	_ =	sdelay $0x4  }
0x18d: {  	v3 =	vpop (erf)  }
0x18e: {  	[tilespmem:$0x7D40] =	vst v3  }
0x18f: {  	v1 =	vld.idx.msk [tilespmem:v1+s6+$0x0], $0xffff  }
0x190: {  	v2 =	vld.idx.msk [tilespmem:v2+s22+$0x0], $0xffff;
	_ =	sdelay $0x4  }
0x191: {  	v1 =	vadd.f32 v2, v1;
	_ =	sdelay $0x1  }
0x192: {  	v2 =	vmul.f32 $2.000000030e-01, v1  }
0x193: {  	vm5 =	vge.f32 v1, $0.0e+00  }
0x194: {  	v1 =	vsel vm5, v1, v2  }
0x195: {  	v1 =	vmax.f32 v1, $-2.000000000e+00  }
0x196: {  	v1 =	vmin.f32 v1, $2.000000000e+00  }
0x197: {  	v1 =	vmul.f32 $1.442695020e+00, v1;
	_ =	sdelay $0x1  }
0x198: {  	(erf) = vpow2.f32 v1;
	_ =	sdelay $0x2  }
0x199: {  	v1 =	vld [tilespmem:$0x7960]  }
0x19a: {  	v2 =	vld [tilespmem:$0x7B60];
	_ =	sdelay $0x4  }
0x19b: {  	v3 =	vpop (erf)  }
0x19c: {  	[tilespmem:$0x7D50] =	vst v3  }
0x19d: {  	v1 =	vld.idx.msk [tilespmem:v1+s6+$0x0], $0xffff  }
0x19e: {  	v2 =	vld.idx.msk [tilespmem:v2+s22+$0x0], $0xffff;
	_ =	sdelay $0x4  }
0x19f: {  	v1 =	vadd.f32 v2, v1;
	_ =	sdelay $0x1  }
0x1a0: {  	v2 =	vmul.f32 $2.000000030e-01, v1  }
0x1a1: {  	vm6 =	vge.f32 v1, $0.0e+00  }
0x1a2: {  	v1 =	vsel vm6, v1, v2  }
0x1a3: {  	v1 =	vmax.f32 v1, $-2.000000000e+00  }
0x1a4: {  	v1 =	vmin.f32 v1, $2.000000000e+00  }
0x1a5: {  	v1 =	vmul.f32 $1.442695020e+00, v1;
	_ =	sdelay $0x1  }
0x1a6: {  	(erf) = vpow2.f32 v1;
	_ =	sdelay $0x2  }
0x1a7: {  	v1 =	vld [tilespmem:$0x7970]  }
0x1a8: {  	v2 =	vld [tilespmem:$0x7B70];
	_ =	sdelay $0x4  }
0x1a9: {  	v3 =	vpop (erf)  }
0x1aa: {  	[tilespmem:$0x7D60] =	vst v3  }
0x1ab: {  	v1 =	vld.idx.msk [tilespmem:v1+s6+$0x0], $0xffff  }
0x1ac: {  	v2 =	vld.idx.msk [tilespmem:v2+s22+$0x0], $0xffff;
	_ =	sdelay $0x4  }
0x1ad: {  	v1 =	vadd.f32 v2, v1;
	_ =	sdelay $0x1  }
0x1ae: {  	v2 =	vmul.f32 $2.000000030e-01, v1  }
0x1af: {  	vm7 =	vge.f32 v1, $0.0e+00  }
0x1b0: {  	v1 =	vsel vm7, v1, v2  }
0x1b1: {  	v1 =	vmax.f32 v1, $-2.000000000e+00  }
0x1b2: {  	v1 =	vmin.f32 v1, $2.000000000e+00  }
0x1b3: {  	v1 =	vmul.f32 $1.442695020e+00, v1;
	_ =	sdelay $0x1  }
0x1b4: {  	(erf) = vpow2.f32 v1;
	_ =	sdelay $0x2  }
0x1b5: {  	v1 =	vld [tilespmem:$0x7980]  }
0x1b6: {  	v2 =	vld [tilespmem:$0x7B80];
	_ =	sdelay $0x4  }
0x1b7: {  	v3 =	vpop (erf)  }
0x1b8: {  	[tilespmem:$0x7D70] =	vst v3  }
0x1b9: {  	v1 =	vld.idx.msk [tilespmem:v1+s6+$0x0], $0xffff  }
0x1ba: {  	v2 =	vld.idx.msk [tilespmem:v2+s22+$0x0], $0xffff;
	_ =	sdelay $0x4  }
0x1bb: {  	v1 =	vadd.f32 v2, v1;
	_ =	sdelay $0x1  }
0x1bc: {  	v2 =	vmul.f32 $2.000000030e-01, v1  }
0x1bd: {  	vm8 =	vge.f32 v1, $0.0e+00  }
0x1be: {  	v1 =	vsel vm8, v1, v2  }
0x1bf: {  	v1 =	vmax.f32 v1, $-2.000000000e+00  }
0x1c0: {  	v1 =	vmin.f32 v1, $2.000000000e+00  }
0x1c1: {  	v1 =	vmul.f32 $1.442695020e+00, v1;
	_ =	sdelay $0x1  }
0x1c2: {  	(erf) = vpow2.f32 v1;
	_ =	sdelay $0x2  }
0x1c3: {  	v1 =	vld [tilespmem:$0x7990]  }
0x1c4: {  	v2 =	vld [tilespmem:$0x7B90];
	_ =	sdelay $0x4  }
0x1c5: {  	v3 =	vpop (erf)  }
0x1c6: {  	[tilespmem:$0x7D80] =	vst v3  }
0x1c7: {  	v1 =	vld.idx.msk [tilespmem:v1+s6+$0x0], $0xffff  }
0x1c8: {  	v2 =	vld.idx.msk [tilespmem:v2+s22+$0x0], $0xffff;
	_ =	sdelay $0x4  }
0x1c9: {  	v1 =	vadd.f32 v2, v1;
	_ =	sdelay $0x1  }
0x1ca: {  	v2 =	vmul.f32 $2.000000030e-01, v1  }
0x1cb: {  	vm9 =	vge.f32 v1, $0.0e+00  }
0x1cc: {  	v1 =	vsel vm9, v1, v2  }
0x1cd: {  	v1 =	vmax.f32 v1, $-2.000000000e+00  }
0x1ce: {  	v1 =	vmin.f32 v1, $2.000000000e+00  }
0x1cf: {  	v1 =	vmul.f32 $1.442695020e+00, v1;
	_ =	sdelay $0x1  }
0x1d0: {  	(erf) = vpow2.f32 v1;
	_ =	sdelay $0x2  }
0x1d1: {  	v1 =	vld [tilespmem:$0x79A0]  }
0x1d2: {  	v2 =	vld [tilespmem:$0x7BA0];
	_ =	sdelay $0x4  }
0x1d3: {  	v3 =	vpop (erf)  }
0x1d4: {  	[tilespmem:$0x7D90] =	vst v3  }
0x1d5: {  	v1 =	vld.idx.msk [tilespmem:v1+s6+$0x0], $0xffff  }
0x1d6: {  	v2 =	vld.idx.msk [tilespmem:v2+s22+$0x0], $0xffff;
	_ =	sdelay $0x4  }
0x1d7: {  	v1 =	vadd.f32 v2, v1;
	_ =	sdelay $0x1  }
0x1d8: {  	v2 =	vmul.f32 $2.000000030e-01, v1  }
0x1d9: {  	vm10 =	vge.f32 v1, $0.0e+00  }
0x1da: {  	v1 =	vsel vm10, v1, v2  }
0x1db: {  	v1 =	vmax.f32 v1, $-2.000000000e+00  }
0x1dc: {  	v1 =	vmin.f32 v1, $2.000000000e+00  }
0x1dd: {  	v1 =	vmul.f32 $1.442695020e+00, v1;
	_ =	sdelay $0x1  }
0x1de: {  	(erf) = vpow2.f32 v1;
	_ =	sdelay $0x2  }
0x1df: {  	v1 =	vld [tilespmem:$0x79B0]  }
0x1e0: {  	v2 =	vld [tilespmem:$0x7BB0];
	_ =	sdelay $0x4  }
0x1e1: {  	v3 =	vpop (erf)  }
0x1e2: {  	[tilespmem:$0x7DA0] =	vst v3  }
0x1e3: {  	v1 =	vld.idx.msk [tilespmem:v1+s6+$0x0], $0xffff  }
0x1e4: {  	v2 =	vld.idx.msk [tilespmem:v2+s22+$0x0], $0xffff;
	_ =	sdelay $0x4  }
0x1e5: {  	v1 =	vadd.f32 v2, v1;
	_ =	sdelay $0x1  }
0x1e6: {  	v2 =	vmul.f32 $2.000000030e-01, v1  }
0x1e7: {  	vm11 =	vge.f32 v1, $0.0e+00  }
0x1e8: {  	v1 =	vsel vm11, v1, v2  }
0x1e9: {  	v1 =	vmax.f32 v1, $-2.000000000e+00  }
0x1ea: {  	v1 =	vmin.f32 v1, $2.000000000e+00  }
0x1eb: {  	v1 =	vmul.f32 $1.442695020e+00, v1;
	_ =	sdelay $0x1  }
0x1ec: {  	(erf) = vpow2.f32 v1;
	_ =	sdelay $0x2  }
0x1ed: {  	v1 =	vld [tilespmem:$0x79C0]  }
0x1ee: {  	v2 =	vld [tilespmem:$0x7BC0];
	_ =	sdelay $0x4  }
0x1ef: {  	v3 =	vpop (erf)  }
0x1f0: {  	[tilespmem:$0x7DB0] =	vst v3  }
0x1f1: {  	v1 =	vld.idx.msk [tilespmem:v1+s6+$0x0], $0xffff  }
0x1f2: {  	v2 =	vld.idx.msk [tilespmem:v2+s22+$0x0], $0xffff;
	_ =	sdelay $0x4  }
0x1f3: {  	v1 =	vadd.f32 v2, v1;
	_ =	sdelay $0x1  }
0x1f4: {  	v2 =	vmul.f32 $2.000000030e-01, v1  }
0x1f5: {  	vm12 =	vge.f32 v1, $0.0e+00  }
0x1f6: {  	v1 =	vsel vm12, v1, v2  }
0x1f7: {  	v1 =	vmax.f32 v1, $-2.000000000e+00  }
0x1f8: {  	v1 =	vmin.f32 v1, $2.000000000e+00  }
0x1f9: {  	v1 =	vmul.f32 $1.442695020e+00, v1;
	_ =	sdelay $0x1  }
0x1fa: {  	(erf) = vpow2.f32 v1;
	_ =	sdelay $0x2  }
0x1fb: {  	v1 =	vld [tilespmem:$0x79D0]  }
0x1fc: {  	v2 =	vld [tilespmem:$0x7BD0];
	_ =	sdelay $0x4  }
0x1fd: {  	v3 =	vpop (erf)  }
0x1fe: {  	[tilespmem:$0x7DC0] =	vst v3  }
0x1ff: {  	v1 =	vld.idx.msk [tilespmem:v1+s6+$0x0], $0xffff  }
0x200: {  	v2 =	vld.idx.msk [tilespmem:v2+s22+$0x0], $0xffff;
	_ =	sdelay $0x4  }
0x201: {  	v1 =	vadd.f32 v2, v1;
	_ =	sdelay $0x1  }
0x202: {  	v2 =	vmul.f32 $2.000000030e-01, v1  }
0x203: {  	vm13 =	vge.f32 v1, $0.0e+00  }
0x204: {  	v1 =	vsel vm13, v1, v2  }
0x205: {  	v1 =	vmax.f32 v1, $-2.000000000e+00  }
0x206: {  	v1 =	vmin.f32 v1, $2.000000000e+00  }
0x207: {  	v1 =	vmul.f32 $1.442695020e+00, v1;
	_ =	sdelay $0x1  }
0x208: {  	(erf) = vpow2.f32 v1;
	_ =	sdelay $0x2  }
0x209: {  	v1 =	vld [tilespmem:$0x79E0]  }
0x20a: {  	v2 =	vld [tilespmem:$0x7BE0];
	_ =	sdelay $0x4  }
0x20b: {  	v3 =	vpop (erf)  }
0x20c: {  	[tilespmem:$0x7DD0] =	vst v3  }
0x20d: {  	v1 =	vld.idx.msk [tilespmem:v1+s6+$0x0], $0xffff  }
0x20e: {  	v2 =	vld.idx.msk [tilespmem:v2+s22+$0x0], $0xffff;
	_ =	sdelay $0x4  }
0x20f: {  	v1 =	vadd.f32 v2, v1;
	_ =	sdelay $0x1  }
0x210: {  	v2 =	vmul.f32 $2.000000030e-01, v1  }
0x211: {  	vm14 =	vge.f32 v1, $0.0e+00  }
0x212: {  	v1 =	vsel vm14, v1, v2  }
0x213: {  	v1 =	vmax.f32 v1, $-2.000000000e+00  }
0x214: {  	v1 =	vmin.f32 v1, $2.000000000e+00  }
0x215: {  	v1 =	vmul.f32 $1.442695020e+00, v1;
	_ =	sdelay $0x1  }
0x216: {  	(erf) = vpow2.f32 v1;
	_ =	sdelay $0x2  }
0x217: {  	v1 =	vld [tilespmem:$0x79F0]  }
0x218: {  	v2 =	vld [tilespmem:$0x7BF0];
	_ =	sdelay $0x4  }
0x219: {  	v3 =	vpop (erf)  }
0x21a: {  	[tilespmem:$0x7DE0] =	vst v3  }
0x21b: {  	v1 =	vld.idx.msk [tilespmem:v1+s6+$0x0], $0xffff  }
0x21c: {  	v2 =	vld.idx.msk [tilespmem:v2+s22+$0x0], $0xffff;
	_ =	sdelay $0x4  }
0x21d: {  	v1 =	vadd.f32 v2, v1;
	_ =	sdelay $0x1  }
0x21e: {  	v2 =	vmul.f32 $2.000000030e-01, v1  }
0x21f: {  	vm15 =	vge.f32 v1, $0.0e+00  }
0x220: {  	v1 =	vsel vm15, v1, v2  }
0x221: {  	v1 =	vmax.f32 v1, $-2.000000000e+00  }
0x222: {  	v1 =	vmin.f32 v1, $2.000000000e+00  }
0x223: {  	v1 =	vmul.f32 $1.442695020e+00, v1;
	_ =	sdelay $0x1  }
0x224: {  	(erf) = vpow2.f32 v1;
	_ =	sdelay $0x8  }
0x225: {  	v1 =	vpop (erf)  }
0x226: {  	[tilespmem:$0x7DF0] =	vst v1  }
0x227: {  	[spmem:s4] =	stream.indirect.scatter.add.f32 [tilespmem:s31], [sflag:$0x2], $0x1, s23, s25, $0xb8;
	[tilespmem:$0x11080] =	vst v63  }
0x228: {  	_ =	swait.ge [sflag:s20], $0x80  }
0x229: {  	[sflag:s20] =	ssyncset.done $0x0  }
0x22a: {  	[sflag:s20] =	ssyncadd.s32 $0xFFFFFF80  }
0x22b: {  	[spmem:s4] =	stream.indirect.scatter.add.f32 [tilespmem:s26], [sflag:$0x2], $0x1, s28, s25, $0xb8;
	[tilespmem:$0x11080] =	vst v63  }
0x22c: {  	_ =	swait.ge [sflag:s20], $0x80  }
0x22d: {  	[sflag:s20] =	ssyncset.done $0x0  }
0x22e: {  	[sflag:s20] =	ssyncadd.s32 $0xFFFFFF80  }
0x22f: {  	[spmem:s4] =	stream.indirect.scatter.add.f32 [tilespmem:s29], [sflag:$0x2], $0x1, s30, s25, $0xb8;
	[tilespmem:$0x11080] =	vst v63  }
0x230: {  	_ =	swait.ge [sflag:s20], $0x80  }
0x231: {  	p0 =	sne.s32 s1, $0x540;
	[sflag:s20] =	ssyncset.done $0x0  }
.Ltmp1:
0x232: {  	[sflag:s20] =	ssyncadd.s32 $0xFFFFFF80;
	(pc) =	sbr.rel @p0 .LBB2_4-.Ltmp1, $4  }
0x233: {  	[spmem:s4] =	stream.indirect.scatter.add.f32 [tilespmem:s8], [sflag:$0x2], $0x1, s0, s25, $0xb8;
	[tilespmem:$0x11080] =	vst v63  }
0x234: {  	_ =	swait.ge [sflag:s20], $0x80  }
0x235: {  	[sflag:s20] =	ssyncset.done $0x0  }
0x236: {  	s1 =	sadd.s32 $0x40, s1;
	[sflag:s20] =	ssyncadd.s32 $0xFFFFFF80  }
0x237: {  	[bflag:$0x0] =	sbarrier.arrive $0xFFFF  }
0x238: {  	[tilespmem:s3], [sflag:$0x2] =	stream.linear.gather [spmem:s4], $0x2800, $0x38;
	[tilespmem:$0x11080] =	vst v63  }
0x239: {  	_ =	swait.ge [sflag:s20], $0x2800  }
0x23a: {  	[sflag:s20] =	ssyncset.done $0x0  }
0x23b: {  	s1 =	simm.s32 $0x0;
	s26 =	simm.s32 $0x0;
	[sflag:s20] =	ssyncadd.s32 $0xFFFFD800  }
.LBB2_6:
0x23c: {  	s2 =	sshll.u32 s26, $0x9  }
0x23d: {  	s2 =	sadd.s32 s15, s2  }
0x23e: {  	s8 =	rddreg [dreg:$0x0];
	s2 =	sshrl.u32 s2, $0x3  }
0x23f: {  	s29 =	sadd.s32 s8, s2  }
0x240: {  	[tilespmem:s23], [sflag:$0x2] =	stream.linear.gather [hbm4b:s29+s1], $0x200, $0x38;
	[tilespmem:$0x11080] =	vst v63  }
0x241: {  	_ =	swait.ge [sflag:s20], $0x200  }
0x242: {  	[sflag:s20] =	ssyncset.done $0x0  }
0x243: {  	s2 =	sadd.s32 s7, s2;
	[sflag:s20] =	ssyncadd.s32 $0xFFFFFE00  }
0x244: {  	[tilespmem:s24], [sflag:$0x2] =	stream.linear.gather [hbm4b:s2+s1], $0x200, $0x38;
	[tilespmem:$0x11080] =	vst v63  }
0x245: {  	_ =	swait.ge [sflag:s20], $0x200  }
0x246: {  	[sflag:s20] =	ssyncset.done $0x0  }
0x247: {  	[sflag:s20] =	ssyncadd.s32 $0xFFFFFE00  }
0x248: {  	[tilespmem:s21], [sflag:$0x1] =	stream.indirect.gather [hbm4b:s9+s25], $0x20, s24, s25, $0xb8;
	[tilespmem:$0x11080] =	vst v63  }
0x249: {  	s31 =	simm.s32 $0x7A80  }
0x24a: {  	[tilespmem:s11], [sflag:$0x1] =	stream.indirect.gather [hbm4b:s9+s25], $0x20, s31, s25, $0xb8;
	[tilespmem:$0x11080] =	vst v63  }
0x24b: {  	_ = 	snop  }
0x24c: {  	[tilespmem:s14], [sflag:$0x1] =	stream.indirect.gather [hbm4b:s9+s25], $0x20, s12, s25, $0xb8;
	[tilespmem:$0x11080] =	vst v63  }
0x24d: {  	_ = 	snop  }
0x24e: {  	[tilespmem:s17], [sflag:$0x1] =	stream.indirect.gather [hbm4b:s9+s25], $0x20, s16, s25, $0xb8;
	[tilespmem:$0x11080] =	vst v63  }
0x24f: {  	v1 =	vld [tilespmem:$0x7800]  }
0x250: {  	v2 =	vld [tilespmem:$0x7A00];
	_ =	sdelay $0x6  }
0x251: {  	v3 =	vld.idx.msk [tilespmem:v1+s1+$0x0], $0xffff  }
0x252: {  	v2 =	vld.idx.msk [tilespmem:v2+s22+$0x0], $0xffff;
	_ =	sdelay $0x4  }
0x253: {  	v2 =	vadd.f32 v2, v3;
	_ =	sdelay $0x1  }
0x254: {  	v3 =	vmul.f32 $2.000000030e-01, v2  }
0x255: {  	vm0 =	vge.f32 v2, $0.0e+00  }
0x256: {  	v2 =	vsel vm0, v2, v3  }
0x257: {  	v1 =	vld.idx.msk [tilespmem:v1+s3+$0x0], $0xffff;
	v2 =	vmax.f32 v2, $-2.000000000e+00  }
0x258: {  	v2 =	vmin.f32 v2, $2.000000000e+00  }
0x259: {  	v2 =	vmul.f32 $1.442695020e+00, v2;
	_ =	sdelay $0x1  }
0x25a: {  	(erf) = vpow2.f32 v2  }
0x25b: {  	(erf) = vrcp.f32 v1;
	_ =	sdelay $0x4  }
0x25c: {  	v1 =	vld [tilespmem:$0x7810]  }
0x25d: {  	v2 =	vld [tilespmem:$0x7A10];
	_ =	sdelay $0x1  }
0x25e: {  	v3 =	vpop (erf)  }
0x25f: {  	v4 =	vpop (erf)  }
0x260: {  	v3 =	vmul.f32 v3, v4;
	_ =	sdelay $0x1  }
0x261: {  	[tilespmem:$0x7C00] =	vst v3  }
0x262: {  	v3 =	vld.idx.msk [tilespmem:v1+s1+$0x0], $0xffff  }
0x263: {  	v2 =	vld.idx.msk [tilespmem:v2+s22+$0x0], $0xffff;
	_ =	sdelay $0x4  }
0x264: {  	v2 =	vadd.f32 v2, v3;
	_ =	sdelay $0x1  }
0x265: {  	v3 =	vmul.f32 $2.000000030e-01, v2  }
0x266: {  	vm9 =	vge.f32 v2, $0.0e+00  }
0x267: {  	v2 =	vsel vm9, v2, v3  }
0x268: {  	v1 =	vld.idx.msk [tilespmem:v1+s3+$0x0], $0xffff;
	v2 =	vmax.f32 v2, $-2.000000000e+00  }
0x269: {  	v2 =	vmin.f32 v2, $2.000000000e+00  }
0x26a: {  	v2 =	vmul.f32 $1.442695020e+00, v2;
	_ =	sdelay $0x1  }
0x26b: {  	(erf) = vpow2.f32 v2  }
0x26c: {  	(erf) = vrcp.f32 v1;
	_ =	sdelay $0x4  }
0x26d: {  	v1 =	vld [tilespmem:$0x7820]  }
0x26e: {  	v2 =	vld [tilespmem:$0x7A20];
	_ =	sdelay $0x1  }
0x26f: {  	v3 =	vpop (erf)  }
0x270: {  	v34 =	vpop (erf)  }
0x271: {  	v3 =	vmul.f32 v3, v34;
	_ =	sdelay $0x1  }
0x272: {  	[tilespmem:$0x7C10] =	vst v3  }
0x273: {  	v3 =	vld.idx.msk [tilespmem:v1+s1+$0x0], $0xffff  }
0x274: {  	v2 =	vld.idx.msk [tilespmem:v2+s22+$0x0], $0xffff;
	_ =	sdelay $0x4  }
0x275: {  	v2 =	vadd.f32 v2, v3;
	_ =	sdelay $0x1  }
0x276: {  	v3 =	vmul.f32 $2.000000030e-01, v2  }
0x277: {  	vm10 =	vge.f32 v2, $0.0e+00  }
0x278: {  	v2 =	vsel vm10, v2, v3  }
0x279: {  	v1 =	vld.idx.msk [tilespmem:v1+s3+$0x0], $0xffff;
	v2 =	vmax.f32 v2, $-2.000000000e+00  }
0x27a: {  	v2 =	vmin.f32 v2, $2.000000000e+00  }
0x27b: {  	v2 =	vmul.f32 $1.442695020e+00, v2;
	_ =	sdelay $0x1  }
0x27c: {  	(erf) = vpow2.f32 v2  }
0x27d: {  	(erf) = vrcp.f32 v1;
	_ =	sdelay $0x4  }
0x27e: {  	v1 =	vld [tilespmem:$0x7830]  }
0x27f: {  	v2 =	vld [tilespmem:$0x7A30];
	_ =	sdelay $0x1  }
0x280: {  	v3 =	vpop (erf)  }
0x281: {  	v35 =	vpop (erf)  }
0x282: {  	v3 =	vmul.f32 v3, v35;
	_ =	sdelay $0x1  }
0x283: {  	[tilespmem:$0x7C20] =	vst v3  }
0x284: {  	v3 =	vld.idx.msk [tilespmem:v1+s1+$0x0], $0xffff  }
0x285: {  	v2 =	vld.idx.msk [tilespmem:v2+s22+$0x0], $0xffff;
	_ =	sdelay $0x4  }
0x286: {  	v2 =	vadd.f32 v2, v3;
	_ =	sdelay $0x1  }
0x287: {  	v3 =	vmul.f32 $2.000000030e-01, v2  }
0x288: {  	vm11 =	vge.f32 v2, $0.0e+00  }
0x289: {  	v2 =	vsel vm11, v2, v3  }
0x28a: {  	v1 =	vld.idx.msk [tilespmem:v1+s3+$0x0], $0xffff;
	v2 =	vmax.f32 v2, $-2.000000000e+00  }
0x28b: {  	v2 =	vmin.f32 v2, $2.000000000e+00  }
0x28c: {  	v2 =	vmul.f32 $1.442695020e+00, v2;
	_ =	sdelay $0x1  }
0x28d: {  	(erf) = vpow2.f32 v2  }
0x28e: {  	(erf) = vrcp.f32 v1;
	_ =	sdelay $0x4  }
0x28f: {  	v1 =	vld [tilespmem:$0x7840]  }
0x290: {  	v2 =	vld [tilespmem:$0x7A40];
	_ =	sdelay $0x1  }
0x291: {  	v3 =	vpop (erf)  }
0x292: {  	v36 =	vpop (erf)  }
0x293: {  	v3 =	vmul.f32 v3, v36;
	_ =	sdelay $0x1  }
0x294: {  	[tilespmem:$0x7C30] =	vst v3  }
0x295: {  	v3 =	vld.idx.msk [tilespmem:v1+s1+$0x0], $0xffff  }
0x296: {  	v2 =	vld.idx.msk [tilespmem:v2+s22+$0x0], $0xffff;
	_ =	sdelay $0x4  }
0x297: {  	v2 =	vadd.f32 v2, v3;
	_ =	sdelay $0x1  }
0x298: {  	v3 =	vmul.f32 $2.000000030e-01, v2  }
0x299: {  	vm12 =	vge.f32 v2, $0.0e+00  }
0x29a: {  	v2 =	vsel vm12, v2, v3  }
0x29b: {  	v1 =	vld.idx.msk [tilespmem:v1+s3+$0x0], $0xffff;
	v2 =	vmax.f32 v2, $-2.000000000e+00  }
0x29c: {  	v2 =	vmin.f32 v2, $2.000000000e+00  }
0x29d: {  	v2 =	vmul.f32 $1.442695020e+00, v2;
	_ =	sdelay $0x1  }
0x29e: {  	(erf) = vpow2.f32 v2  }
0x29f: {  	(erf) = vrcp.f32 v1;
	_ =	sdelay $0x4  }
0x2a0: {  	v1 =	vld [tilespmem:$0x7850]  }
0x2a1: {  	v2 =	vld [tilespmem:$0x7A50];
	_ =	sdelay $0x1  }
0x2a2: {  	v3 =	vpop (erf)  }
0x2a3: {  	v37 =	vpop (erf)  }
0x2a4: {  	v3 =	vmul.f32 v3, v37;
	_ =	sdelay $0x1  }
0x2a5: {  	[tilespmem:$0x7C40] =	vst v3  }
0x2a6: {  	v3 =	vld.idx.msk [tilespmem:v1+s1+$0x0], $0xffff  }
0x2a7: {  	v2 =	vld.idx.msk [tilespmem:v2+s22+$0x0], $0xffff;
	_ =	sdelay $0x4  }
0x2a8: {  	v2 =	vadd.f32 v2, v3;
	_ =	sdelay $0x1  }
0x2a9: {  	v3 =	vmul.f32 $2.000000030e-01, v2  }
0x2aa: {  	vm13 =	vge.f32 v2, $0.0e+00  }
0x2ab: {  	v2 =	vsel vm13, v2, v3  }
0x2ac: {  	v1 =	vld.idx.msk [tilespmem:v1+s3+$0x0], $0xffff;
	v2 =	vmax.f32 v2, $-2.000000000e+00  }
0x2ad: {  	v2 =	vmin.f32 v2, $2.000000000e+00  }
0x2ae: {  	v2 =	vmul.f32 $1.442695020e+00, v2;
	_ =	sdelay $0x1  }
0x2af: {  	(erf) = vpow2.f32 v2  }
0x2b0: {  	(erf) = vrcp.f32 v1;
	_ =	sdelay $0x4  }
0x2b1: {  	v1 =	vld [tilespmem:$0x7860]  }
0x2b2: {  	v2 =	vld [tilespmem:$0x7A60];
	_ =	sdelay $0x1  }
0x2b3: {  	v3 =	vpop (erf)  }
0x2b4: {  	v38 =	vpop (erf)  }
0x2b5: {  	v3 =	vmul.f32 v3, v38;
	_ =	sdelay $0x1  }
0x2b6: {  	[tilespmem:$0x7C50] =	vst v3  }
0x2b7: {  	v3 =	vld.idx.msk [tilespmem:v1+s1+$0x0], $0xffff  }
0x2b8: {  	v2 =	vld.idx.msk [tilespmem:v2+s22+$0x0], $0xffff;
	_ =	sdelay $0x4  }
0x2b9: {  	v2 =	vadd.f32 v2, v3;
	_ =	sdelay $0x1  }
0x2ba: {  	v3 =	vmul.f32 $2.000000030e-01, v2  }
0x2bb: {  	vm14 =	vge.f32 v2, $0.0e+00  }
0x2bc: {  	v2 =	vsel vm14, v2, v3  }
0x2bd: {  	v1 =	vld.idx.msk [tilespmem:v1+s3+$0x0], $0xffff;
	v2 =	vmax.f32 v2, $-2.000000000e+00  }
0x2be: {  	v2 =	vmin.f32 v2, $2.000000000e+00  }
0x2bf: {  	v2 =	vmul.f32 $1.442695020e+00, v2;
	_ =	sdelay $0x1  }
0x2c0: {  	(erf) = vpow2.f32 v2  }
0x2c1: {  	(erf) = vrcp.f32 v1;
	_ =	sdelay $0x4  }
0x2c2: {  	v1 =	vld [tilespmem:$0x7870]  }
0x2c3: {  	v2 =	vld [tilespmem:$0x7A70];
	_ =	sdelay $0x1  }
0x2c4: {  	v3 =	vpop (erf)  }
0x2c5: {  	v39 =	vpop (erf)  }
0x2c6: {  	v3 =	vmul.f32 v3, v39;
	_ =	sdelay $0x1  }
0x2c7: {  	[tilespmem:$0x7C60] =	vst v3  }
0x2c8: {  	v3 =	vld.idx.msk [tilespmem:v1+s1+$0x0], $0xffff  }
0x2c9: {  	v2 =	vld.idx.msk [tilespmem:v2+s22+$0x0], $0xffff;
	_ =	sdelay $0x4  }
0x2ca: {  	v2 =	vadd.f32 v2, v3;
	_ =	sdelay $0x1  }
0x2cb: {  	v3 =	vmul.f32 $2.000000030e-01, v2  }
0x2cc: {  	vm15 =	vge.f32 v2, $0.0e+00  }
0x2cd: {  	v2 =	vsel vm15, v2, v3  }
0x2ce: {  	v1 =	vld.idx.msk [tilespmem:v1+s3+$0x0], $0xffff;
	v2 =	vmax.f32 v2, $-2.000000000e+00  }
0x2cf: {  	v2 =	vmin.f32 v2, $2.000000000e+00  }
0x2d0: {  	v2 =	vmul.f32 $1.442695020e+00, v2;
	_ =	sdelay $0x1  }
0x2d1: {  	(erf) = vpow2.f32 v2  }
0x2d2: {  	(erf) = vrcp.f32 v1;
	_ =	sdelay $0x4  }
0x2d3: {  	v1 =	vld [tilespmem:$0x7880]  }
0x2d4: {  	v2 =	vld [tilespmem:$0x7A80];
	_ =	sdelay $0x1  }
0x2d5: {  	v3 =	vpop (erf)  }
0x2d6: {  	v40 =	vpop (erf)  }
0x2d7: {  	v3 =	vmul.f32 v3, v40;
	_ =	sdelay $0x1  }
0x2d8: {  	[tilespmem:$0x7C70] =	vst v3  }
0x2d9: {  	v3 =	vld.idx.msk [tilespmem:v1+s1+$0x0], $0xffff  }
0x2da: {  	v2 =	vld.idx.msk [tilespmem:v2+s22+$0x0], $0xffff;
	_ =	sdelay $0x4  }
0x2db: {  	v2 =	vadd.f32 v2, v3;
	_ =	sdelay $0x1  }
0x2dc: {  	v3 =	vmul.f32 $2.000000030e-01, v2  }
0x2dd: {  	vm4 =	vge.f32 v2, $0.0e+00  }
0x2de: {  	v2 =	vsel vm4, v2, v3  }
0x2df: {  	v1 =	vld.idx.msk [tilespmem:v1+s3+$0x0], $0xffff;
	v2 =	vmax.f32 v2, $-2.000000000e+00  }
0x2e0: {  	v2 =	vmin.f32 v2, $2.000000000e+00  }
0x2e1: {  	v2 =	vmul.f32 $1.442695020e+00, v2;
	_ =	sdelay $0x1  }
0x2e2: {  	(erf) = vpow2.f32 v2  }
0x2e3: {  	(erf) = vrcp.f32 v1;
	_ =	sdelay $0x4  }
0x2e4: {  	v1 =	vld [tilespmem:$0x7890]  }
0x2e5: {  	v2 =	vld [tilespmem:$0x7A90];
	_ =	sdelay $0x1  }
0x2e6: {  	v3 =	vpop (erf)  }
0x2e7: {  	v41 =	vpop (erf)  }
0x2e8: {  	v3 =	vmul.f32 v3, v41;
	_ =	sdelay $0x1  }
0x2e9: {  	[tilespmem:$0x7C80] =	vst v3  }
0x2ea: {  	v3 =	vld.idx.msk [tilespmem:v1+s1+$0x0], $0xffff  }
0x2eb: {  	v2 =	vld.idx.msk [tilespmem:v2+s22+$0x0], $0xffff;
	_ =	sdelay $0x4  }
0x2ec: {  	v2 =	vadd.f32 v2, v3;
	_ =	sdelay $0x1  }
0x2ed: {  	v3 =	vmul.f32 $2.000000030e-01, v2  }
0x2ee: {  	vm5 =	vge.f32 v2, $0.0e+00  }
0x2ef: {  	v2 =	vsel vm5, v2, v3  }
0x2f0: {  	v1 =	vld.idx.msk [tilespmem:v1+s3+$0x0], $0xffff;
	v2 =	vmax.f32 v2, $-2.000000000e+00  }
0x2f1: {  	v2 =	vmin.f32 v2, $2.000000000e+00  }
0x2f2: {  	v2 =	vmul.f32 $1.442695020e+00, v2;
	_ =	sdelay $0x1  }
0x2f3: {  	(erf) = vpow2.f32 v2  }
0x2f4: {  	(erf) = vrcp.f32 v1;
	_ =	sdelay $0x4  }
0x2f5: {  	v1 =	vld [tilespmem:$0x78A0]  }
0x2f6: {  	v2 =	vld [tilespmem:$0x7AA0];
	_ =	sdelay $0x1  }
0x2f7: {  	v3 =	vpop (erf)  }
0x2f8: {  	v42 =	vpop (erf)  }
0x2f9: {  	v3 =	vmul.f32 v3, v42;
	_ =	sdelay $0x1  }
0x2fa: {  	[tilespmem:$0x7C90] =	vst v3  }
0x2fb: {  	v3 =	vld.idx.msk [tilespmem:v1+s1+$0x0], $0xffff  }
0x2fc: {  	v2 =	vld.idx.msk [tilespmem:v2+s22+$0x0], $0xffff;
	_ =	sdelay $0x4  }
0x2fd: {  	v2 =	vadd.f32 v2, v3;
	_ =	sdelay $0x1  }
0x2fe: {  	v3 =	vmul.f32 $2.000000030e-01, v2  }
0x2ff: {  	vm6 =	vge.f32 v2, $0.0e+00  }
0x300: {  	v2 =	vsel vm6, v2, v3  }
0x301: {  	v1 =	vld.idx.msk [tilespmem:v1+s3+$0x0], $0xffff;
	v2 =	vmax.f32 v2, $-2.000000000e+00  }
0x302: {  	v2 =	vmin.f32 v2, $2.000000000e+00  }
0x303: {  	v2 =	vmul.f32 $1.442695020e+00, v2;
	_ =	sdelay $0x1  }
0x304: {  	(erf) = vpow2.f32 v2  }
0x305: {  	(erf) = vrcp.f32 v1;
	_ =	sdelay $0x4  }
0x306: {  	v1 =	vld [tilespmem:$0x78B0]  }
0x307: {  	v2 =	vld [tilespmem:$0x7AB0];
	_ =	sdelay $0x1  }
0x308: {  	v3 =	vpop (erf)  }
0x309: {  	v43 =	vpop (erf)  }
0x30a: {  	v3 =	vmul.f32 v3, v43;
	_ =	sdelay $0x1  }
0x30b: {  	[tilespmem:$0x7CA0] =	vst v3  }
0x30c: {  	v3 =	vld.idx.msk [tilespmem:v1+s1+$0x0], $0xffff  }
0x30d: {  	v2 =	vld.idx.msk [tilespmem:v2+s22+$0x0], $0xffff;
	_ =	sdelay $0x4  }
0x30e: {  	v2 =	vadd.f32 v2, v3;
	_ =	sdelay $0x1  }
0x30f: {  	v3 =	vmul.f32 $2.000000030e-01, v2  }
0x310: {  	vm7 =	vge.f32 v2, $0.0e+00  }
0x311: {  	v2 =	vsel vm7, v2, v3  }
0x312: {  	v1 =	vld.idx.msk [tilespmem:v1+s3+$0x0], $0xffff;
	v2 =	vmax.f32 v2, $-2.000000000e+00  }
0x313: {  	v2 =	vmin.f32 v2, $2.000000000e+00  }
0x314: {  	v2 =	vmul.f32 $1.442695020e+00, v2;
	_ =	sdelay $0x1  }
0x315: {  	(erf) = vpow2.f32 v2  }
0x316: {  	(erf) = vrcp.f32 v1;
	_ =	sdelay $0x4  }
0x317: {  	v1 =	vld [tilespmem:$0x78C0]  }
0x318: {  	v2 =	vld [tilespmem:$0x7AC0];
	_ =	sdelay $0x1  }
0x319: {  	v3 =	vpop (erf)  }
0x31a: {  	v44 =	vpop (erf)  }
0x31b: {  	v3 =	vmul.f32 v3, v44;
	_ =	sdelay $0x1  }
0x31c: {  	[tilespmem:$0x7CB0] =	vst v3  }
0x31d: {  	v3 =	vld.idx.msk [tilespmem:v1+s1+$0x0], $0xffff  }
0x31e: {  	v2 =	vld.idx.msk [tilespmem:v2+s22+$0x0], $0xffff;
	_ =	sdelay $0x4  }
0x31f: {  	v2 =	vadd.f32 v2, v3;
	_ =	sdelay $0x1  }
0x320: {  	v3 =	vmul.f32 $2.000000030e-01, v2  }
0x321: {  	vm8 =	vge.f32 v2, $0.0e+00  }
0x322: {  	v2 =	vsel vm8, v2, v3  }
0x323: {  	v1 =	vld.idx.msk [tilespmem:v1+s3+$0x0], $0xffff;
	v2 =	vmax.f32 v2, $-2.000000000e+00  }
0x324: {  	v2 =	vmin.f32 v2, $2.000000000e+00  }
0x325: {  	v2 =	vmul.f32 $1.442695020e+00, v2;
	_ =	sdelay $0x1  }
0x326: {  	(erf) = vpow2.f32 v2  }
0x327: {  	(erf) = vrcp.f32 v1;
	_ =	sdelay $0x4  }
0x328: {  	v1 =	vld [tilespmem:$0x78D0]  }
0x329: {  	v2 =	vld [tilespmem:$0x7AD0];
	_ =	sdelay $0x1  }
0x32a: {  	v3 =	vpop (erf)  }
0x32b: {  	v45 =	vpop (erf)  }
0x32c: {  	v3 =	vmul.f32 v3, v45;
	_ =	sdelay $0x1  }
0x32d: {  	[tilespmem:$0x7CC0] =	vst v3  }
0x32e: {  	v3 =	vld.idx.msk [tilespmem:v1+s1+$0x0], $0xffff  }
0x32f: {  	v2 =	vld.idx.msk [tilespmem:v2+s22+$0x0], $0xffff;
	_ =	sdelay $0x4  }
0x330: {  	v2 =	vadd.f32 v2, v3;
	_ =	sdelay $0x1  }
0x331: {  	v3 =	vmul.f32 $2.000000030e-01, v2  }
0x332: {  	vm9 =	vge.f32 v2, $0.0e+00  }
0x333: {  	v2 =	vsel vm9, v2, v3  }
0x334: {  	v1 =	vld.idx.msk [tilespmem:v1+s3+$0x0], $0xffff;
	v2 =	vmax.f32 v2, $-2.000000000e+00  }
0x335: {  	v2 =	vmin.f32 v2, $2.000000000e+00  }
0x336: {  	v2 =	vmul.f32 $1.442695020e+00, v2;
	_ =	sdelay $0x1  }
0x337: {  	(erf) = vpow2.f32 v2  }
0x338: {  	(erf) = vrcp.f32 v1;
	_ =	sdelay $0x4  }
0x339: {  	v1 =	vld [tilespmem:$0x78E0]  }
0x33a: {  	v2 =	vld [tilespmem:$0x7AE0];
	_ =	sdelay $0x1  }
0x33b: {  	v3 =	vpop (erf)  }
0x33c: {  	v46 =	vpop (erf)  }
0x33d: {  	v3 =	vmul.f32 v3, v46;
	_ =	sdelay $0x1  }
0x33e: {  	[tilespmem:$0x7CD0] =	vst v3  }
0x33f: {  	v3 =	vld.idx.msk [tilespmem:v1+s1+$0x0], $0xffff  }
0x340: {  	v2 =	vld.idx.msk [tilespmem:v2+s22+$0x0], $0xffff;
	_ =	sdelay $0x4  }
0x341: {  	v2 =	vadd.f32 v2, v3;
	_ =	sdelay $0x1  }
0x342: {  	v3 =	vmul.f32 $2.000000030e-01, v2  }
0x343: {  	vm10 =	vge.f32 v2, $0.0e+00  }
0x344: {  	v2 =	vsel vm10, v2, v3  }
0x345: {  	v1 =	vld.idx.msk [tilespmem:v1+s3+$0x0], $0xffff;
	v2 =	vmax.f32 v2, $-2.000000000e+00  }
0x346: {  	v2 =	vmin.f32 v2, $2.000000000e+00  }
0x347: {  	v2 =	vmul.f32 $1.442695020e+00, v2;
	_ =	sdelay $0x1  }
0x348: {  	(erf) = vpow2.f32 v2  }
0x349: {  	(erf) = vrcp.f32 v1;
	_ =	sdelay $0x4  }
0x34a: {  	v1 =	vld [tilespmem:$0x78F0]  }
0x34b: {  	v2 =	vld [tilespmem:$0x7AF0];
	_ =	sdelay $0x1  }
0x34c: {  	v3 =	vpop (erf)  }
0x34d: {  	v47 =	vpop (erf)  }
0x34e: {  	v3 =	vmul.f32 v3, v47;
	_ =	sdelay $0x1  }
0x34f: {  	[tilespmem:$0x7CE0] =	vst v3  }
0x350: {  	v3 =	vld.idx.msk [tilespmem:v1+s1+$0x0], $0xffff  }
0x351: {  	v2 =	vld.idx.msk [tilespmem:v2+s22+$0x0], $0xffff;
	_ =	sdelay $0x4  }
0x352: {  	v2 =	vadd.f32 v2, v3;
	_ =	sdelay $0x1  }
0x353: {  	v3 =	vmul.f32 $2.000000030e-01, v2  }
0x354: {  	vm11 =	vge.f32 v2, $0.0e+00  }
0x355: {  	v2 =	vsel vm11, v2, v3  }
0x356: {  	v1 =	vld.idx.msk [tilespmem:v1+s3+$0x0], $0xffff;
	v2 =	vmax.f32 v2, $-2.000000000e+00  }
0x357: {  	v2 =	vmin.f32 v2, $2.000000000e+00  }
0x358: {  	v2 =	vmul.f32 $1.442695020e+00, v2;
	_ =	sdelay $0x1  }
0x359: {  	(erf) = vpow2.f32 v2  }
0x35a: {  	(erf) = vrcp.f32 v1;
	_ =	sdelay $0x4  }
0x35b: {  	v1 =	vld [tilespmem:$0x7900]  }
0x35c: {  	v2 =	vld [tilespmem:$0x7B00];
	_ =	sdelay $0x1  }
0x35d: {  	v3 =	vpop (erf)  }
0x35e: {  	v48 =	vpop (erf)  }
0x35f: {  	v3 =	vmul.f32 v3, v48;
	_ =	sdelay $0x1  }
0x360: {  	[tilespmem:$0x7CF0] =	vst v3  }
0x361: {  	v3 =	vld.idx.msk [tilespmem:v1+s1+$0x0], $0xffff  }
0x362: {  	v2 =	vld.idx.msk [tilespmem:v2+s22+$0x0], $0xffff;
	_ =	sdelay $0x4  }
0x363: {  	v2 =	vadd.f32 v2, v3;
	_ =	sdelay $0x1  }
0x364: {  	v3 =	vmul.f32 $2.000000030e-01, v2  }
0x365: {  	vm12 =	vge.f32 v2, $0.0e+00  }
0x366: {  	v2 =	vsel vm12, v2, v3  }
0x367: {  	v1 =	vld.idx.msk [tilespmem:v1+s3+$0x0], $0xffff;
	v2 =	vmax.f32 v2, $-2.000000000e+00  }
0x368: {  	v2 =	vmin.f32 v2, $2.000000000e+00  }
0x369: {  	v2 =	vmul.f32 $1.442695020e+00, v2;
	_ =	sdelay $0x1  }
0x36a: {  	(erf) = vpow2.f32 v2  }
0x36b: {  	(erf) = vrcp.f32 v1;
	_ =	sdelay $0x4  }
0x36c: {  	v1 =	vld [tilespmem:$0x7910]  }
0x36d: {  	v2 =	vld [tilespmem:$0x7B10];
	_ =	sdelay $0x1  }
0x36e: {  	v3 =	vpop (erf)  }
0x36f: {  	v49 =	vpop (erf)  }
0x370: {  	v3 =	vmul.f32 v3, v49;
	_ =	sdelay $0x1  }
0x371: {  	[tilespmem:$0x7D00] =	vst v3  }
0x372: {  	v3 =	vld.idx.msk [tilespmem:v1+s1+$0x0], $0xffff  }
0x373: {  	v2 =	vld.idx.msk [tilespmem:v2+s22+$0x0], $0xffff;
	_ =	sdelay $0x4  }
0x374: {  	v2 =	vadd.f32 v2, v3;
	_ =	sdelay $0x1  }
0x375: {  	v3 =	vmul.f32 $2.000000030e-01, v2  }
0x376: {  	vm13 =	vge.f32 v2, $0.0e+00  }
0x377: {  	v2 =	vsel vm13, v2, v3  }
0x378: {  	v1 =	vld.idx.msk [tilespmem:v1+s3+$0x0], $0xffff;
	v2 =	vmax.f32 v2, $-2.000000000e+00  }
0x379: {  	v2 =	vmin.f32 v2, $2.000000000e+00  }
0x37a: {  	v2 =	vmul.f32 $1.442695020e+00, v2;
	_ =	sdelay $0x1  }
0x37b: {  	(erf) = vpow2.f32 v2  }
0x37c: {  	(erf) = vrcp.f32 v1;
	_ =	sdelay $0x4  }
0x37d: {  	v1 =	vld [tilespmem:$0x7920]  }
0x37e: {  	v2 =	vld [tilespmem:$0x7B20];
	_ =	sdelay $0x1  }
0x37f: {  	v3 =	vpop (erf)  }
0x380: {  	v50 =	vpop (erf)  }
0x381: {  	v3 =	vmul.f32 v3, v50;
	_ =	sdelay $0x1  }
0x382: {  	[tilespmem:$0x7D10] =	vst v3  }
0x383: {  	v3 =	vld.idx.msk [tilespmem:v1+s1+$0x0], $0xffff  }
0x384: {  	v2 =	vld.idx.msk [tilespmem:v2+s22+$0x0], $0xffff;
	_ =	sdelay $0x4  }
0x385: {  	v2 =	vadd.f32 v2, v3;
	_ =	sdelay $0x1  }
0x386: {  	v3 =	vmul.f32 $2.000000030e-01, v2  }
0x387: {  	vm14 =	vge.f32 v2, $0.0e+00  }
0x388: {  	v2 =	vsel vm14, v2, v3  }
0x389: {  	v1 =	vld.idx.msk [tilespmem:v1+s3+$0x0], $0xffff;
	v2 =	vmax.f32 v2, $-2.000000000e+00  }
0x38a: {  	v2 =	vmin.f32 v2, $2.000000000e+00  }
0x38b: {  	v2 =	vmul.f32 $1.442695020e+00, v2;
	_ =	sdelay $0x1  }
0x38c: {  	(erf) = vpow2.f32 v2  }
0x38d: {  	(erf) = vrcp.f32 v1;
	_ =	sdelay $0x4  }
0x38e: {  	v1 =	vld [tilespmem:$0x7930]  }
0x38f: {  	v2 =	vld [tilespmem:$0x7B30];
	_ =	sdelay $0x1  }
0x390: {  	v3 =	vpop (erf)  }
0x391: {  	v51 =	vpop (erf)  }
0x392: {  	v3 =	vmul.f32 v3, v51;
	_ =	sdelay $0x1  }
0x393: {  	[tilespmem:$0x7D20] =	vst v3  }
0x394: {  	v3 =	vld.idx.msk [tilespmem:v1+s1+$0x0], $0xffff  }
0x395: {  	v2 =	vld.idx.msk [tilespmem:v2+s22+$0x0], $0xffff;
	_ =	sdelay $0x4  }
0x396: {  	v2 =	vadd.f32 v2, v3;
	_ =	sdelay $0x1  }
0x397: {  	v3 =	vmul.f32 $2.000000030e-01, v2  }
0x398: {  	vm15 =	vge.f32 v2, $0.0e+00  }
0x399: {  	v2 =	vsel vm15, v2, v3  }
0x39a: {  	v1 =	vld.idx.msk [tilespmem:v1+s3+$0x0], $0xffff;
	v2 =	vmax.f32 v2, $-2.000000000e+00  }
0x39b: {  	v2 =	vmin.f32 v2, $2.000000000e+00  }
0x39c: {  	v2 =	vmul.f32 $1.442695020e+00, v2;
	_ =	sdelay $0x1  }
0x39d: {  	(erf) = vpow2.f32 v2  }
0x39e: {  	(erf) = vrcp.f32 v1;
	_ =	sdelay $0x4  }
0x39f: {  	v1 =	vld [tilespmem:$0x7940]  }
0x3a0: {  	v2 =	vld [tilespmem:$0x7B40];
	_ =	sdelay $0x1  }
0x3a1: {  	v3 =	vpop (erf)  }
0x3a2: {  	v52 =	vpop (erf)  }
0x3a3: {  	v3 =	vmul.f32 v3, v52;
	_ =	sdelay $0x1  }
0x3a4: {  	[tilespmem:$0x7D30] =	vst v3  }
0x3a5: {  	v3 =	vld.idx.msk [tilespmem:v1+s1+$0x0], $0xffff  }
0x3a6: {  	v2 =	vld.idx.msk [tilespmem:v2+s22+$0x0], $0xffff;
	_ =	sdelay $0x4  }
0x3a7: {  	v2 =	vadd.f32 v2, v3;
	_ =	sdelay $0x1  }
0x3a8: {  	v3 =	vmul.f32 $2.000000030e-01, v2  }
0x3a9: {  	vm4 =	vge.f32 v2, $0.0e+00  }
0x3aa: {  	v2 =	vsel vm4, v2, v3  }
0x3ab: {  	v1 =	vld.idx.msk [tilespmem:v1+s3+$0x0], $0xffff;
	v2 =	vmax.f32 v2, $-2.000000000e+00  }
0x3ac: {  	v2 =	vmin.f32 v2, $2.000000000e+00  }
0x3ad: {  	v2 =	vmul.f32 $1.442695020e+00, v2;
	_ =	sdelay $0x1  }
0x3ae: {  	(erf) = vpow2.f32 v2  }
0x3af: {  	(erf) = vrcp.f32 v1;
	_ =	sdelay $0x4  }
0x3b0: {  	v1 =	vld [tilespmem:$0x7950]  }
0x3b1: {  	v2 =	vld [tilespmem:$0x7B50];
	_ =	sdelay $0x1  }
0x3b2: {  	v3 =	vpop (erf)  }
0x3b3: {  	v53 =	vpop (erf)  }
0x3b4: {  	v3 =	vmul.f32 v3, v53;
	_ =	sdelay $0x1  }
0x3b5: {  	[tilespmem:$0x7D40] =	vst v3  }
0x3b6: {  	v3 =	vld.idx.msk [tilespmem:v1+s1+$0x0], $0xffff  }
0x3b7: {  	v2 =	vld.idx.msk [tilespmem:v2+s22+$0x0], $0xffff;
	_ =	sdelay $0x4  }
0x3b8: {  	v2 =	vadd.f32 v2, v3;
	_ =	sdelay $0x1  }
0x3b9: {  	v3 =	vmul.f32 $2.000000030e-01, v2  }
0x3ba: {  	vm5 =	vge.f32 v2, $0.0e+00  }
0x3bb: {  	v2 =	vsel vm5, v2, v3  }
0x3bc: {  	v1 =	vld.idx.msk [tilespmem:v1+s3+$0x0], $0xffff;
	v2 =	vmax.f32 v2, $-2.000000000e+00  }
0x3bd: {  	v2 =	vmin.f32 v2, $2.000000000e+00  }
0x3be: {  	v2 =	vmul.f32 $1.442695020e+00, v2;
	_ =	sdelay $0x1  }
0x3bf: {  	(erf) = vpow2.f32 v2  }
0x3c0: {  	(erf) = vrcp.f32 v1;
	_ =	sdelay $0x4  }
0x3c1: {  	v1 =	vld [tilespmem:$0x7960]  }
0x3c2: {  	v2 =	vld [tilespmem:$0x7B60];
	_ =	sdelay $0x1  }
0x3c3: {  	v3 =	vpop (erf)  }
0x3c4: {  	v54 =	vpop (erf)  }
0x3c5: {  	v3 =	vmul.f32 v3, v54;
	_ =	sdelay $0x1  }
0x3c6: {  	[tilespmem:$0x7D50] =	vst v3  }
0x3c7: {  	v3 =	vld.idx.msk [tilespmem:v1+s1+$0x0], $0xffff  }
0x3c8: {  	v2 =	vld.idx.msk [tilespmem:v2+s22+$0x0], $0xffff;
	_ =	sdelay $0x4  }
0x3c9: {  	v2 =	vadd.f32 v2, v3;
	_ =	sdelay $0x1  }
0x3ca: {  	v3 =	vmul.f32 $2.000000030e-01, v2  }
0x3cb: {  	vm6 =	vge.f32 v2, $0.0e+00  }
0x3cc: {  	v2 =	vsel vm6, v2, v3  }
0x3cd: {  	v1 =	vld.idx.msk [tilespmem:v1+s3+$0x0], $0xffff;
	v2 =	vmax.f32 v2, $-2.000000000e+00  }
0x3ce: {  	v2 =	vmin.f32 v2, $2.000000000e+00  }
0x3cf: {  	v2 =	vmul.f32 $1.442695020e+00, v2;
	_ =	sdelay $0x1  }
0x3d0: {  	(erf) = vpow2.f32 v2  }
0x3d1: {  	(erf) = vrcp.f32 v1;
	_ =	sdelay $0x4  }
0x3d2: {  	v1 =	vld [tilespmem:$0x7970]  }
0x3d3: {  	v2 =	vld [tilespmem:$0x7B70];
	_ =	sdelay $0x1  }
0x3d4: {  	v3 =	vpop (erf)  }
0x3d5: {  	v55 =	vpop (erf)  }
0x3d6: {  	v3 =	vmul.f32 v3, v55;
	_ =	sdelay $0x1  }
0x3d7: {  	[tilespmem:$0x7D60] =	vst v3  }
0x3d8: {  	v3 =	vld.idx.msk [tilespmem:v1+s1+$0x0], $0xffff  }
0x3d9: {  	v2 =	vld.idx.msk [tilespmem:v2+s22+$0x0], $0xffff;
	_ =	sdelay $0x4  }
0x3da: {  	v2 =	vadd.f32 v2, v3;
	_ =	sdelay $0x1  }
0x3db: {  	v3 =	vmul.f32 $2.000000030e-01, v2  }
0x3dc: {  	vm7 =	vge.f32 v2, $0.0e+00  }
0x3dd: {  	v2 =	vsel vm7, v2, v3  }
0x3de: {  	v1 =	vld.idx.msk [tilespmem:v1+s3+$0x0], $0xffff;
	v2 =	vmax.f32 v2, $-2.000000000e+00  }
0x3df: {  	v2 =	vmin.f32 v2, $2.000000000e+00  }
0x3e0: {  	v2 =	vmul.f32 $1.442695020e+00, v2;
	_ =	sdelay $0x1  }
0x3e1: {  	(erf) = vpow2.f32 v2  }
0x3e2: {  	(erf) = vrcp.f32 v1;
	_ =	sdelay $0x4  }
0x3e3: {  	v1 =	vld [tilespmem:$0x7980]  }
0x3e4: {  	v2 =	vld [tilespmem:$0x7B80];
	_ =	sdelay $0x1  }
0x3e5: {  	v3 =	vpop (erf)  }
0x3e6: {  	v56 =	vpop (erf)  }
0x3e7: {  	v3 =	vmul.f32 v3, v56;
	_ =	sdelay $0x1  }
0x3e8: {  	[tilespmem:$0x7D70] =	vst v3  }
0x3e9: {  	v3 =	vld.idx.msk [tilespmem:v1+s1+$0x0], $0xffff  }
0x3ea: {  	v2 =	vld.idx.msk [tilespmem:v2+s22+$0x0], $0xffff;
	_ =	sdelay $0x4  }
0x3eb: {  	v2 =	vadd.f32 v2, v3;
	_ =	sdelay $0x1  }
0x3ec: {  	v3 =	vmul.f32 $2.000000030e-01, v2  }
0x3ed: {  	vm8 =	vge.f32 v2, $0.0e+00  }
0x3ee: {  	v2 =	vsel vm8, v2, v3  }
0x3ef: {  	v1 =	vld.idx.msk [tilespmem:v1+s3+$0x0], $0xffff;
	v2 =	vmax.f32 v2, $-2.000000000e+00  }
0x3f0: {  	v2 =	vmin.f32 v2, $2.000000000e+00  }
0x3f1: {  	v2 =	vmul.f32 $1.442695020e+00, v2;
	_ =	sdelay $0x1  }
0x3f2: {  	(erf) = vpow2.f32 v2  }
0x3f3: {  	(erf) = vrcp.f32 v1;
	_ =	sdelay $0x4  }
0x3f4: {  	v1 =	vld [tilespmem:$0x7990]  }
0x3f5: {  	v2 =	vld [tilespmem:$0x7B90];
	_ =	sdelay $0x1  }
0x3f6: {  	v3 =	vpop (erf)  }
0x3f7: {  	v57 =	vpop (erf)  }
0x3f8: {  	v3 =	vmul.f32 v3, v57;
	_ =	sdelay $0x1  }
0x3f9: {  	[tilespmem:$0x7D80] =	vst v3  }
0x3fa: {  	v3 =	vld.idx.msk [tilespmem:v1+s1+$0x0], $0xffff  }
0x3fb: {  	v2 =	vld.idx.msk [tilespmem:v2+s22+$0x0], $0xffff;
	_ =	sdelay $0x4  }
0x3fc: {  	v2 =	vadd.f32 v2, v3;
	_ =	sdelay $0x1  }
0x3fd: {  	v3 =	vmul.f32 $2.000000030e-01, v2  }
0x3fe: {  	vm9 =	vge.f32 v2, $0.0e+00  }
0x3ff: {  	v2 =	vsel vm9, v2, v3  }
0x400: {  	v1 =	vld.idx.msk [tilespmem:v1+s3+$0x0], $0xffff;
	v2 =	vmax.f32 v2, $-2.000000000e+00  }
0x401: {  	v2 =	vmin.f32 v2, $2.000000000e+00  }
0x402: {  	v2 =	vmul.f32 $1.442695020e+00, v2;
	_ =	sdelay $0x1  }
0x403: {  	(erf) = vpow2.f32 v2  }
0x404: {  	(erf) = vrcp.f32 v1;
	_ =	sdelay $0x4  }
0x405: {  	v1 =	vld [tilespmem:$0x79A0]  }
0x406: {  	v2 =	vld [tilespmem:$0x7BA0];
	_ =	sdelay $0x1  }
0x407: {  	v3 =	vpop (erf)  }
0x408: {  	v58 =	vpop (erf)  }
0x409: {  	v3 =	vmul.f32 v3, v58;
	_ =	sdelay $0x1  }
0x40a: {  	[tilespmem:$0x7D90] =	vst v3  }
0x40b: {  	v3 =	vld.idx.msk [tilespmem:v1+s1+$0x0], $0xffff  }
0x40c: {  	v2 =	vld.idx.msk [tilespmem:v2+s22+$0x0], $0xffff;
	_ =	sdelay $0x4  }
0x40d: {  	v2 =	vadd.f32 v2, v3;
	_ =	sdelay $0x1  }
0x40e: {  	v3 =	vmul.f32 $2.000000030e-01, v2  }
0x40f: {  	vm10 =	vge.f32 v2, $0.0e+00  }
0x410: {  	v2 =	vsel vm10, v2, v3  }
0x411: {  	v1 =	vld.idx.msk [tilespmem:v1+s3+$0x0], $0xffff;
	v2 =	vmax.f32 v2, $-2.000000000e+00  }
0x412: {  	v2 =	vmin.f32 v2, $2.000000000e+00  }
0x413: {  	v2 =	vmul.f32 $1.442695020e+00, v2;
	_ =	sdelay $0x1  }
0x414: {  	(erf) = vpow2.f32 v2  }
0x415: {  	(erf) = vrcp.f32 v1;
	_ =	sdelay $0x4  }
0x416: {  	v1 =	vld [tilespmem:$0x79B0]  }
0x417: {  	v2 =	vld [tilespmem:$0x7BB0];
	_ =	sdelay $0x1  }
0x418: {  	v3 =	vpop (erf)  }
0x419: {  	v59 =	vpop (erf)  }
0x41a: {  	v3 =	vmul.f32 v3, v59;
	_ =	sdelay $0x1  }
0x41b: {  	[tilespmem:$0x7DA0] =	vst v3  }
0x41c: {  	v3 =	vld.idx.msk [tilespmem:v1+s1+$0x0], $0xffff  }
0x41d: {  	v2 =	vld.idx.msk [tilespmem:v2+s22+$0x0], $0xffff;
	_ =	sdelay $0x4  }
0x41e: {  	v2 =	vadd.f32 v2, v3;
	_ =	sdelay $0x1  }
0x41f: {  	v3 =	vmul.f32 $2.000000030e-01, v2  }
0x420: {  	vm11 =	vge.f32 v2, $0.0e+00  }
0x421: {  	v2 =	vsel vm11, v2, v3  }
0x422: {  	v1 =	vld.idx.msk [tilespmem:v1+s3+$0x0], $0xffff;
	v2 =	vmax.f32 v2, $-2.000000000e+00  }
0x423: {  	v2 =	vmin.f32 v2, $2.000000000e+00  }
0x424: {  	v2 =	vmul.f32 $1.442695020e+00, v2;
	_ =	sdelay $0x1  }
0x425: {  	(erf) = vpow2.f32 v2  }
0x426: {  	(erf) = vrcp.f32 v1;
	_ =	sdelay $0x4  }
0x427: {  	v1 =	vld [tilespmem:$0x79C0]  }
0x428: {  	v2 =	vld [tilespmem:$0x7BC0];
	_ =	sdelay $0x1  }
0x429: {  	v3 =	vpop (erf)  }
0x42a: {  	v60 =	vpop (erf)  }
0x42b: {  	v3 =	vmul.f32 v3, v60;
	_ =	sdelay $0x1  }
0x42c: {  	[tilespmem:$0x7DB0] =	vst v3  }
0x42d: {  	v3 =	vld.idx.msk [tilespmem:v1+s1+$0x0], $0xffff  }
0x42e: {  	v2 =	vld.idx.msk [tilespmem:v2+s22+$0x0], $0xffff;
	_ =	sdelay $0x4  }
0x42f: {  	v2 =	vadd.f32 v2, v3;
	_ =	sdelay $0x1  }
0x430: {  	v3 =	vmul.f32 $2.000000030e-01, v2  }
0x431: {  	vm12 =	vge.f32 v2, $0.0e+00  }
0x432: {  	v2 =	vsel vm12, v2, v3  }
0x433: {  	v1 =	vld.idx.msk [tilespmem:v1+s3+$0x0], $0xffff;
	v2 =	vmax.f32 v2, $-2.000000000e+00  }
0x434: {  	v2 =	vmin.f32 v2, $2.000000000e+00  }
0x435: {  	v2 =	vmul.f32 $1.442695020e+00, v2;
	_ =	sdelay $0x1  }
0x436: {  	(erf) = vpow2.f32 v2  }
0x437: {  	(erf) = vrcp.f32 v1;
	_ =	sdelay $0x4  }
0x438: {  	v1 =	vld [tilespmem:$0x79D0]  }
0x439: {  	v2 =	vld [tilespmem:$0x7BD0];
	_ =	sdelay $0x1  }
0x43a: {  	v3 =	vpop (erf)  }
0x43b: {  	v61 =	vpop (erf)  }
0x43c: {  	v3 =	vmul.f32 v3, v61;
	_ =	sdelay $0x1  }
0x43d: {  	[tilespmem:$0x7DC0] =	vst v3  }
0x43e: {  	v3 =	vld.idx.msk [tilespmem:v1+s1+$0x0], $0xffff  }
0x43f: {  	v2 =	vld.idx.msk [tilespmem:v2+s22+$0x0], $0xffff;
	_ =	sdelay $0x4  }
0x440: {  	v2 =	vadd.f32 v2, v3;
	_ =	sdelay $0x1  }
0x441: {  	v3 =	vmul.f32 $2.000000030e-01, v2  }
0x442: {  	vm13 =	vge.f32 v2, $0.0e+00  }
0x443: {  	v2 =	vsel vm13, v2, v3  }
0x444: {  	v1 =	vld.idx.msk [tilespmem:v1+s3+$0x0], $0xffff;
	v2 =	vmax.f32 v2, $-2.000000000e+00  }
0x445: {  	v2 =	vmin.f32 v2, $2.000000000e+00  }
0x446: {  	v2 =	vmul.f32 $1.442695020e+00, v2;
	_ =	sdelay $0x1  }
0x447: {  	(erf) = vpow2.f32 v2  }
0x448: {  	(erf) = vrcp.f32 v1;
	_ =	sdelay $0x4  }
0x449: {  	v1 =	vld [tilespmem:$0x79E0]  }
0x44a: {  	v2 =	vld [tilespmem:$0x7BE0];
	_ =	sdelay $0x1  }
0x44b: {  	v3 =	vpop (erf)  }
0x44c: {  	v62 =	vpop (erf)  }
0x44d: {  	v3 =	vmul.f32 v3, v62;
	_ =	sdelay $0x1  }
0x44e: {  	[tilespmem:$0x7DD0] =	vst v3  }
0x44f: {  	v3 =	vld.idx.msk [tilespmem:v1+s1+$0x0], $0xffff  }
0x450: {  	v2 =	vld.idx.msk [tilespmem:v2+s22+$0x0], $0xffff;
	_ =	sdelay $0x4  }
0x451: {  	v2 =	vadd.f32 v2, v3;
	_ =	sdelay $0x1  }
0x452: {  	v3 =	vmul.f32 $2.000000030e-01, v2  }
0x453: {  	vm14 =	vge.f32 v2, $0.0e+00  }
0x454: {  	v2 =	vsel vm14, v2, v3  }
0x455: {  	v1 =	vld.idx.msk [tilespmem:v1+s3+$0x0], $0xffff;
	v2 =	vmax.f32 v2, $-2.000000000e+00  }
0x456: {  	v2 =	vmin.f32 v2, $2.000000000e+00  }
0x457: {  	v2 =	vmul.f32 $1.442695020e+00, v2;
	_ =	sdelay $0x1  }
0x458: {  	(erf) = vpow2.f32 v2  }
0x459: {  	(erf) = vrcp.f32 v1;
	_ =	sdelay $0x4  }
0x45a: {  	v1 =	vld [tilespmem:$0x79F0]  }
0x45b: {  	v2 =	vld [tilespmem:$0x7BF0];
	_ =	sdelay $0x1  }
0x45c: {  	v3 =	vpop (erf)  }
0x45d: {  	v63 =	vpop (erf)  }
0x45e: {  	v3 =	vmul.f32 v3, v63;
	_ =	sdelay $0x1  }
0x45f: {  	[tilespmem:$0x7DE0] =	vst v3  }
0x460: {  	v3 =	vld.idx.msk [tilespmem:v1+s1+$0x0], $0xffff  }
0x461: {  	v2 =	vld.idx.msk [tilespmem:v2+s22+$0x0], $0xffff;
	_ =	sdelay $0x4  }
0x462: {  	v2 =	vadd.f32 v2, v3;
	_ =	sdelay $0x1  }
0x463: {  	v3 =	vmul.f32 $2.000000030e-01, v2  }
0x464: {  	vm15 =	vge.f32 v2, $0.0e+00  }
0x465: {  	v2 =	vsel vm15, v2, v3  }
0x466: {  	v1 =	vld.idx.msk [tilespmem:v1+s3+$0x0], $0xffff;
	v2 =	vmax.f32 v2, $-2.000000000e+00  }
0x467: {  	v2 =	vmin.f32 v2, $2.000000000e+00  }
0x468: {  	v2 =	vmul.f32 $1.442695020e+00, v2;
	_ =	sdelay $0x1  }
0x469: {  	(erf) = vpow2.f32 v2  }
0x46a: {  	(erf) = vrcp.f32 v1;
	_ =	sdelay $0x7  }
0x46b: {  	v1 =	vpop (erf)  }
0x46c: {  	v2 =	vpop (erf)  }
0x46d: {  	v1 =	vmul.f32 v1, v2;
	_ =	sdelay $0x1  }
0x46e: {  	[tilespmem:$0x7DF0] =	vst v1  }
0x46f: {  	_ =	swait.ge [sflag:s13], $0x1000  }
0x470: {  	[sflag:s13] =	ssyncset.done $0x0  }
0x471: {  	[sflag:s13] =	ssyncadd.s32 $0xFFFFF000  }
0x472: {  	_ =	swait.ge [sflag:s13], $0x1000  }
0x473: {  	[sflag:s13] =	ssyncset.done $0x0  }
0x474: {  	[sflag:s13] =	ssyncadd.s32 $0xFFFFF000  }
0x475: {  	_ =	swait.ge [sflag:s13], $0x1000  }
0x476: {  	[sflag:s13] =	ssyncset.done $0x0  }
0x477: {  	[sflag:s13] =	ssyncadd.s32 $0xFFFFF000  }
0x478: {  	_ =	swait.ge [sflag:s13], $0x1000  }
0x479: {  	[sflag:s13] =	ssyncset.done $0x0  }
0x47a: {  	s29 =	simm.s32 $0x0;
	[sflag:s13] =	ssyncadd.s32 $0xFFFFF000  }
.LBB2_7:
0x47b: {  	s2 =	sshll.u32 s29, $0x4  }
0x47c: {  	s2 =	sand.u32 $0x3FFFFFF0, s2  }
0x47d: {  	s31 =	sshll.u32 s29, $0x9;
	v1 =	vld [tilespmem:s2+$0x7C00]  }
0x47e: {  	s31 =	sand.u32 $0x3FFFFE00, s31  }
0x47f: {  	v2 =	vld [tilespmem:s31+$0x7E00]  }
0x480: {  	v3 =	vld [tilespmem:s31+$0x7E10]  }
0x481: {  	v4 =	vld [tilespmem:s31+$0x7E20]  }
0x482: {  	v6 =	vld [tilespmem:s31+$0x7E30];
	v5 =	vbroadcast v1, $0x0  }
0x483: {  	v7 =	vld [tilespmem:s31+$0x7E40]  }
0x484: {  	v9 =	vld [tilespmem:s31+$0x7E50];
	v8 =	vbroadcast v1, $0x1;
	v2 =	vmul.f32 v5, v2  }
0x485: {  	v47 =	vld [tilespmem:s31+$0x7E60];
	v3 =	vmul.f32 v3, v5  }
0x486: {  	v10 =	vld [tilespmem:s31+$0x7E70];
	v48 =	vbroadcast v1, $0x2;
	[tilespmem:s31+$0x7E00] =	vst v2;
	v2 =	vmul.f32 v4, v8  }
0x487: {  	v49 =	vld [tilespmem:s31+$0x7E80];
	[tilespmem:s31+$0x7E10] =	vst v3;
	v3 =	vmul.f32 v6, v8  }
0x488: {  	v51 =	vld [tilespmem:s31+$0x7E90];
	v50 =	vbroadcast v1, $0x3;
	[tilespmem:s31+$0x7E20] =	vst v2;
	v2 =	vmul.f32 v7, v48  }
0x489: {  	v52 =	vld [tilespmem:s31+$0x7EA0];
	[tilespmem:s31+$0x7E30] =	vst v3;
	v3 =	vmul.f32 v9, v48  }
0x48a: {  	v54 =	vld [tilespmem:s31+$0x7EB0];
	v53 =	vbroadcast v1, $0x4;
	[tilespmem:s31+$0x7E40] =	vst v2;
	v2 =	vmul.f32 v47, v50  }
0x48b: {  	v55 =	vld [tilespmem:s31+$0x7EC0];
	[tilespmem:s31+$0x7E50] =	vst v3;
	v3 =	vmul.f32 v10, v50  }
0x48c: {  	v57 =	vld [tilespmem:s31+$0x7ED0];
	v56 =	vbroadcast v1, $0x5;
	[tilespmem:s31+$0x7E60] =	vst v2;
	v2 =	vmul.f32 v49, v53  }
0x48d: {  	v58 =	vld [tilespmem:s31+$0x7EE0];
	[tilespmem:s31+$0x7E70] =	vst v3;
	v3 =	vmul.f32 v51, v53  }
0x48e: {  	v60 =	vld [tilespmem:s31+$0x7EF0];
	v59 =	vbroadcast v1, $0x6;
	[tilespmem:s31+$0x7E80] =	vst v2;
	v2 =	vmul.f32 v52, v56  }
0x48f: {  	v61 =	vld [tilespmem:s31+$0x7F00];
	[tilespmem:s31+$0x7E90] =	vst v3;
	v3 =	vmul.f32 v54, v56  }
0x490: {  	v63 =	vld [tilespmem:s31+$0x7F10];
	v62 =	vbroadcast v1, $0x7;
	[tilespmem:s31+$0x7EA0] =	vst v2;
	v2 =	vmul.f32 v55, v59  }
0x491: {  	v12 =	vld [tilespmem:s31+$0x7F20];
	[tilespmem:s31+$0x7EB0] =	vst v3;
	v3 =	vmul.f32 v57, v59  }
0x492: {  	v14 =	vld [tilespmem:s31+$0x7F30];
	v13 =	vbroadcast v1, $0x8;
	[tilespmem:s31+$0x7EC0] =	vst v2;
	v2 =	vmul.f32 v58, v62  }
0x493: {  	v15 =	vld [tilespmem:s31+$0x7F40];
	[tilespmem:s31+$0x7ED0] =	vst v3;
	v3 =	vmul.f32 v60, v62  }
0x494: {  	v17 =	vld [tilespmem:s31+$0x7F50];
	v16 =	vbroadcast v1, $0x9;
	[tilespmem:s31+$0x7EE0] =	vst v2;
	v2 =	vmul.f32 v61, v13  }
0x495: {  	v18 =	vld [tilespmem:s31+$0x7F60];
	[tilespmem:s31+$0x7EF0] =	vst v3;
	v3 =	vmul.f32 v63, v13  }
0x496: {  	v20 =	vld [tilespmem:s31+$0x7F70];
	v19 =	vbroadcast v1, $0xA;
	[tilespmem:s31+$0x7F00] =	vst v2;
	v2 =	vmul.f32 v12, v16  }
0x497: {  	v21 =	vld [tilespmem:s31+$0x7F80];
	[tilespmem:s31+$0x7F10] =	vst v3;
	v3 =	vmul.f32 v14, v16  }
0x498: {  	v23 =	vld [tilespmem:s31+$0x7F90];
	v22 =	vbroadcast v1, $0xB;
	[tilespmem:s31+$0x7F20] =	vst v2;
	v2 =	vmul.f32 v15, v19  }
0x499: {  	v24 =	vld [tilespmem:s31+$0x7FA0];
	[tilespmem:s31+$0x7F30] =	vst v3;
	v3 =	vmul.f32 v17, v19  }
0x49a: {  	v26 =	vld [tilespmem:s31+$0x7FB0];
	v25 =	vbroadcast v1, $0xC;
	[tilespmem:s31+$0x7F40] =	vst v2;
	v2 =	vmul.f32 v18, v22  }
0x49b: {  	v27 =	vld [tilespmem:s31+$0x7FC0];
	[tilespmem:s31+$0x7F50] =	vst v3;
	v3 =	vmul.f32 v20, v22  }
0x49c: {  	v29 =	vld [tilespmem:s31+$0x7FD0];
	v28 =	vbroadcast v1, $0xD;
	[tilespmem:s31+$0x7F60] =	vst v2;
	v2 =	vmul.f32 v21, v25  }
0x49d: {  	v30 =	vld [tilespmem:s31+$0x7FE0];
	[tilespmem:s31+$0x7F70] =	vst v3;
	v3 =	vmul.f32 v23, v25  }
0x49e: {  	v32 =	vld [tilespmem:s31+$0x7FF0];
	v31 =	vbroadcast v1, $0xE;
	[tilespmem:s31+$0x7F80] =	vst v2;
	v2 =	vmul.f32 v24, v28  }
0x49f: {  	[tilespmem:s31+$0x7F90] =	vst v3;
	v3 =	vmul.f32 v26, v28  }
0x4a0: {  	v1 =	vbroadcast v1, $0xF;
	[tilespmem:s31+$0x7FA0] =	vst v2;
	v2 =	vmul.f32 v27, v31  }
0x4a1: {  	[tilespmem:s31+$0x7FB0] =	vst v3;
	v3 =	vmul.f32 v29, v31  }
0x4a2: {  	[tilespmem:s31+$0x7FC0] =	vst v2;
	v2 =	vmul.f32 v30, v1  }
0x4a3: {  	[tilespmem:s31+$0x7FD0] =	vst v3;
	v1 =	vmul.f32 v32, v1  }
0x4a4: {  	[tilespmem:s31+$0x7FE0] =	vst v2  }
0x4a5: {  	[tilespmem:s31+$0x7FF0] =	vst v1  }
0x4a6: {  	v1 =	vld [tilespmem:s2+$0x7C80];
	_ =	sdelay $0x1  }
0x4a7: {  	v2 =	vld [tilespmem:s31+$0x8E00]  }
0x4a8: {  	v3 =	vld [tilespmem:s31+$0x8E10]  }
0x4a9: {  	v33 =	vld [tilespmem:s31+$0x8E20]  }
0x4aa: {  	v35 =	vld [tilespmem:s31+$0x8E30];
	v34 =	vbroadcast v1, $0x0  }
0x4ab: {  	v36 =	vld [tilespmem:s31+$0x8E40]  }
0x4ac: {  	v38 =	vld [tilespmem:s31+$0x8E50];
	v37 =	vbroadcast v1, $0x1;
	v2 =	vmul.f32 v34, v2  }
0x4ad: {  	v39 =	vld [tilespmem:s31+$0x8E60];
	v3 =	vmul.f32 v3, v34  }
0x4ae: {  	v41 =	vld [tilespmem:s31+$0x8E70];
	v40 =	vbroadcast v1, $0x2;
	[tilespmem:s31+$0x8E00] =	vst v2;
	v2 =	vmul.f32 v33, v37  }
0x4af: {  	v42 =	vld [tilespmem:s31+$0x8E80];
	[tilespmem:s31+$0x8E10] =	vst v3;
	v3 =	vmul.f32 v35, v37  }
0x4b0: {  	v44 =	vld [tilespmem:s31+$0x8E90];
	v43 =	vbroadcast v1, $0x3;
	[tilespmem:s31+$0x8E20] =	vst v2;
	v2 =	vmul.f32 v36, v40  }
0x4b1: {  	v45 =	vld [tilespmem:s31+$0x8EA0];
	[tilespmem:s31+$0x8E30] =	vst v3;
	v3 =	vmul.f32 v38, v40  }
0x4b2: {  	v47 =	vld [tilespmem:s31+$0x8EB0];
	v46 =	vbroadcast v1, $0x4;
	[tilespmem:s31+$0x8E40] =	vst v2;
	v2 =	vmul.f32 v39, v43  }
0x4b3: {  	v48 =	vld [tilespmem:s31+$0x8EC0];
	[tilespmem:s31+$0x8E50] =	vst v3;
	v3 =	vmul.f32 v41, v43  }
0x4b4: {  	v50 =	vld [tilespmem:s31+$0x8ED0];
	v49 =	vbroadcast v1, $0x5;
	[tilespmem:s31+$0x8E60] =	vst v2;
	v2 =	vmul.f32 v42, v46  }
0x4b5: {  	v51 =	vld [tilespmem:s31+$0x8EE0];
	[tilespmem:s31+$0x8E70] =	vst v3;
	v3 =	vmul.f32 v44, v46  }
0x4b6: {  	v53 =	vld [tilespmem:s31+$0x8EF0];
	v52 =	vbroadcast v1, $0x6;
	[tilespmem:s31+$0x8E80] =	vst v2;
	v2 =	vmul.f32 v45, v49  }
0x4b7: {  	v54 =	vld [tilespmem:s31+$0x8F00];
	[tilespmem:s31+$0x8E90] =	vst v3;
	v3 =	vmul.f32 v47, v49  }
0x4b8: {  	v56 =	vld [tilespmem:s31+$0x8F10];
	v55 =	vbroadcast v1, $0x7;
	[tilespmem:s31+$0x8EA0] =	vst v2;
	v2 =	vmul.f32 v48, v52  }
0x4b9: {  	v57 =	vld [tilespmem:s31+$0x8F20];
	[tilespmem:s31+$0x8EB0] =	vst v3;
	v3 =	vmul.f32 v50, v52  }
0x4ba: {  	v59 =	vld [tilespmem:s31+$0x8F30];
	v58 =	vbroadcast v1, $0x8;
	[tilespmem:s31+$0x8EC0] =	vst v2;
	v2 =	vmul.f32 v51, v55  }
0x4bb: {  	v60 =	vld [tilespmem:s31+$0x8F40];
	[tilespmem:s31+$0x8ED0] =	vst v3;
	v3 =	vmul.f32 v53, v55  }
0x4bc: {  	v62 =	vld [tilespmem:s31+$0x8F50];
	v61 =	vbroadcast v1, $0x9;
	[tilespmem:s31+$0x8EE0] =	vst v2;
	v2 =	vmul.f32 v54, v58  }
0x4bd: {  	v63 =	vld [tilespmem:s31+$0x8F60];
	[tilespmem:s31+$0x8EF0] =	vst v3;
	v3 =	vmul.f32 v56, v58  }
0x4be: {  	v13 =	vld [tilespmem:s31+$0x8F70];
	v12 =	vbroadcast v1, $0xA;
	[tilespmem:s31+$0x8F00] =	vst v2;
	v2 =	vmul.f32 v57, v61  }
0x4bf: {  	v14 =	vld [tilespmem:s31+$0x8F80];
	[tilespmem:s31+$0x8F10] =	vst v3;
	v3 =	vmul.f32 v59, v61  }
0x4c0: {  	v16 =	vld [tilespmem:s31+$0x8F90];
	v15 =	vbroadcast v1, $0xB;
	[tilespmem:s31+$0x8F20] =	vst v2;
	v2 =	vmul.f32 v60, v12  }
0x4c1: {  	v17 =	vld [tilespmem:s31+$0x8FA0];
	[tilespmem:s31+$0x8F30] =	vst v3;
	v3 =	vmul.f32 v62, v12  }
0x4c2: {  	v19 =	vld [tilespmem:s31+$0x8FB0];
	v18 =	vbroadcast v1, $0xC;
	[tilespmem:s31+$0x8F40] =	vst v2;
	v2 =	vmul.f32 v63, v15  }
0x4c3: {  	v20 =	vld [tilespmem:s31+$0x8FC0];
	[tilespmem:s31+$0x8F50] =	vst v3;
	v3 =	vmul.f32 v13, v15  }
0x4c4: {  	v22 =	vld [tilespmem:s31+$0x8FD0];
	v21 =	vbroadcast v1, $0xD;
	[tilespmem:s31+$0x8F60] =	vst v2;
	v2 =	vmul.f32 v14, v18  }
0x4c5: {  	v23 =	vld [tilespmem:s31+$0x8FE0];
	[tilespmem:s31+$0x8F70] =	vst v3;
	v3 =	vmul.f32 v16, v18  }
0x4c6: {  	v25 =	vld [tilespmem:s31+$0x8FF0];
	v24 =	vbroadcast v1, $0xE;
	[tilespmem:s31+$0x8F80] =	vst v2;
	v2 =	vmul.f32 v17, v21  }
0x4c7: {  	[tilespmem:s31+$0x8F90] =	vst v3;
	v3 =	vmul.f32 v19, v21  }
0x4c8: {  	v1 =	vbroadcast v1, $0xF;
	[tilespmem:s31+$0x8FA0] =	vst v2;
	v2 =	vmul.f32 v20, v24  }
0x4c9: {  	[tilespmem:s31+$0x8FB0] =	vst v3;
	v3 =	vmul.f32 v22, v24  }
0x4ca: {  	[tilespmem:s31+$0x8FC0] =	vst v2;
	v2 =	vmul.f32 v23, v1  }
0x4cb: {  	[tilespmem:s31+$0x8FD0] =	vst v3;
	v1 =	vmul.f32 v25, v1  }
0x4cc: {  	[tilespmem:s31+$0x8FE0] =	vst v2  }
0x4cd: {  	[tilespmem:s31+$0x8FF0] =	vst v1  }
0x4ce: {  	v1 =	vld [tilespmem:s2+$0x7D00];
	_ =	sdelay $0x1  }
0x4cf: {  	v2 =	vld [tilespmem:s31+$0x9E00]  }
0x4d0: {  	v3 =	vld [tilespmem:s31+$0x9E10]  }
0x4d1: {  	v26 =	vld [tilespmem:s31+$0x9E20]  }
0x4d2: {  	v28 =	vld [tilespmem:s31+$0x9E30];
	v27 =	vbroadcast v1, $0x0  }
0x4d3: {  	v29 =	vld [tilespmem:s31+$0x9E40]  }
0x4d4: {  	v31 =	vld [tilespmem:s31+$0x9E50];
	v30 =	vbroadcast v1, $0x1;
	v2 =	vmul.f32 v27, v2  }
0x4d5: {  	v32 =	vld [tilespmem:s31+$0x9E60];
	v3 =	vmul.f32 v3, v27  }
0x4d6: {  	v34 =	vld [tilespmem:s31+$0x9E70];
	v33 =	vbroadcast v1, $0x2;
	[tilespmem:s31+$0x9E00] =	vst v2;
	v2 =	vmul.f32 v26, v30  }
0x4d7: {  	v35 =	vld [tilespmem:s31+$0x9E80];
	[tilespmem:s31+$0x9E10] =	vst v3;
	v3 =	vmul.f32 v28, v30  }
0x4d8: {  	v37 =	vld [tilespmem:s31+$0x9E90];
	v36 =	vbroadcast v1, $0x3;
	[tilespmem:s31+$0x9E20] =	vst v2;
	v2 =	vmul.f32 v29, v33  }
0x4d9: {  	v38 =	vld [tilespmem:s31+$0x9EA0];
	[tilespmem:s31+$0x9E30] =	vst v3;
	v3 =	vmul.f32 v31, v33  }
0x4da: {  	v40 =	vld [tilespmem:s31+$0x9EB0];
	v39 =	vbroadcast v1, $0x4;
	[tilespmem:s31+$0x9E40] =	vst v2;
	v2 =	vmul.f32 v32, v36  }
0x4db: {  	v41 =	vld [tilespmem:s31+$0x9EC0];
	[tilespmem:s31+$0x9E50] =	vst v3;
	v3 =	vmul.f32 v34, v36  }
0x4dc: {  	v43 =	vld [tilespmem:s31+$0x9ED0];
	v42 =	vbroadcast v1, $0x5;
	[tilespmem:s31+$0x9E60] =	vst v2;
	v2 =	vmul.f32 v35, v39  }
0x4dd: {  	v44 =	vld [tilespmem:s31+$0x9EE0];
	[tilespmem:s31+$0x9E70] =	vst v3;
	v3 =	vmul.f32 v37, v39  }
0x4de: {  	v46 =	vld [tilespmem:s31+$0x9EF0];
	v45 =	vbroadcast v1, $0x6;
	[tilespmem:s31+$0x9E80] =	vst v2;
	v2 =	vmul.f32 v38, v42  }
0x4df: {  	v47 =	vld [tilespmem:s31+$0x9F00];
	[tilespmem:s31+$0x9E90] =	vst v3;
	v3 =	vmul.f32 v40, v42  }
0x4e0: {  	v49 =	vld [tilespmem:s31+$0x9F10];
	v48 =	vbroadcast v1, $0x7;
	[tilespmem:s31+$0x9EA0] =	vst v2;
	v2 =	vmul.f32 v41, v45  }
0x4e1: {  	v50 =	vld [tilespmem:s31+$0x9F20];
	[tilespmem:s31+$0x9EB0] =	vst v3;
	v3 =	vmul.f32 v43, v45  }
0x4e2: {  	v52 =	vld [tilespmem:s31+$0x9F30];
	v51 =	vbroadcast v1, $0x8;
	[tilespmem:s31+$0x9EC0] =	vst v2;
	v2 =	vmul.f32 v44, v48  }
0x4e3: {  	v53 =	vld [tilespmem:s31+$0x9F40];
	[tilespmem:s31+$0x9ED0] =	vst v3;
	v3 =	vmul.f32 v46, v48  }
0x4e4: {  	v55 =	vld [tilespmem:s31+$0x9F50];
	v54 =	vbroadcast v1, $0x9;
	[tilespmem:s31+$0x9EE0] =	vst v2;
	v2 =	vmul.f32 v47, v51  }
0x4e5: {  	v56 =	vld [tilespmem:s31+$0x9F60];
	[tilespmem:s31+$0x9EF0] =	vst v3;
	v3 =	vmul.f32 v49, v51  }
0x4e6: {  	v58 =	vld [tilespmem:s31+$0x9F70];
	v57 =	vbroadcast v1, $0xA;
	[tilespmem:s31+$0x9F00] =	vst v2;
	v2 =	vmul.f32 v50, v54  }
0x4e7: {  	v59 =	vld [tilespmem:s31+$0x9F80];
	[tilespmem:s31+$0x9F10] =	vst v3;
	v3 =	vmul.f32 v52, v54  }
0x4e8: {  	v61 =	vld [tilespmem:s31+$0x9F90];
	v60 =	vbroadcast v1, $0xB;
	[tilespmem:s31+$0x9F20] =	vst v2;
	v2 =	vmul.f32 v53, v57  }
0x4e9: {  	v62 =	vld [tilespmem:s31+$0x9FA0];
	[tilespmem:s31+$0x9F30] =	vst v3;
	v3 =	vmul.f32 v55, v57  }
0x4ea: {  	v12 =	vld [tilespmem:s31+$0x9FB0];
	v63 =	vbroadcast v1, $0xC;
	[tilespmem:s31+$0x9F40] =	vst v2;
	v2 =	vmul.f32 v56, v60  }
0x4eb: {  	v13 =	vld [tilespmem:s31+$0x9FC0];
	[tilespmem:s31+$0x9F50] =	vst v3;
	v3 =	vmul.f32 v58, v60  }
0x4ec: {  	v15 =	vld [tilespmem:s31+$0x9FD0];
	v14 =	vbroadcast v1, $0xD;
	[tilespmem:s31+$0x9F60] =	vst v2;
	v2 =	vmul.f32 v59, v63  }
0x4ed: {  	v16 =	vld [tilespmem:s31+$0x9FE0];
	[tilespmem:s31+$0x9F70] =	vst v3;
	v3 =	vmul.f32 v61, v63  }
0x4ee: {  	v18 =	vld [tilespmem:s31+$0x9FF0];
	v17 =	vbroadcast v1, $0xE;
	[tilespmem:s31+$0x9F80] =	vst v2;
	v2 =	vmul.f32 v62, v14  }
0x4ef: {  	[tilespmem:s31+$0x9F90] =	vst v3;
	v3 =	vmul.f32 v12, v14  }
0x4f0: {  	v1 =	vbroadcast v1, $0xF;
	[tilespmem:s31+$0x9FA0] =	vst v2;
	v2 =	vmul.f32 v13, v17  }
0x4f1: {  	[tilespmem:s31+$0x9FB0] =	vst v3;
	v3 =	vmul.f32 v15, v17  }
0x4f2: {  	[tilespmem:s31+$0x9FC0] =	vst v2;
	v2 =	vmul.f32 v16, v1  }
0x4f3: {  	[tilespmem:s31+$0x9FD0] =	vst v3;
	v1 =	vmul.f32 v18, v1  }
0x4f4: {  	[tilespmem:s31+$0x9FE0] =	vst v2  }
0x4f5: {  	[tilespmem:s31+$0x9FF0] =	vst v1  }
0x4f6: {  	v1 =	vld [tilespmem:s2+$0x7D80];
	_ =	sdelay $0x1  }
0x4f7: {  	v2 =	vld [tilespmem:s31+$0xAE00]  }
0x4f8: {  	v3 =	vld [tilespmem:s31+$0xAE10]  }
0x4f9: {  	v19 =	vld [tilespmem:s31+$0xAE20]  }
0x4fa: {  	v21 =	vld [tilespmem:s31+$0xAE30];
	v20 =	vbroadcast v1, $0x0  }
0x4fb: {  	v22 =	vld [tilespmem:s31+$0xAE40]  }
0x4fc: {  	v24 =	vld [tilespmem:s31+$0xAE50];
	v23 =	vbroadcast v1, $0x1;
	v2 =	vmul.f32 v20, v2  }
0x4fd: {  	v25 =	vld [tilespmem:s31+$0xAE60];
	v3 =	vmul.f32 v3, v20  }
0x4fe: {  	v27 =	vld [tilespmem:s31+$0xAE70];
	v26 =	vbroadcast v1, $0x2;
	[tilespmem:s31+$0xAE00] =	vst v2;
	v2 =	vmul.f32 v19, v23  }
0x4ff: {  	v28 =	vld [tilespmem:s31+$0xAE80];
	[tilespmem:s31+$0xAE10] =	vst v3;
	v3 =	vmul.f32 v21, v23  }
0x500: {  	v30 =	vld [tilespmem:s31+$0xAE90];
	v29 =	vbroadcast v1, $0x3;
	[tilespmem:s31+$0xAE20] =	vst v2;
	v2 =	vmul.f32 v22, v26  }
0x501: {  	v31 =	vld [tilespmem:s31+$0xAEA0];
	[tilespmem:s31+$0xAE30] =	vst v3;
	v3 =	vmul.f32 v24, v26  }
0x502: {  	v33 =	vld [tilespmem:s31+$0xAEB0];
	v32 =	vbroadcast v1, $0x4;
	[tilespmem:s31+$0xAE40] =	vst v2;
	v2 =	vmul.f32 v25, v29  }
0x503: {  	v34 =	vld [tilespmem:s31+$0xAEC0];
	[tilespmem:s31+$0xAE50] =	vst v3;
	v3 =	vmul.f32 v27, v29  }
0x504: {  	v36 =	vld [tilespmem:s31+$0xAED0];
	v35 =	vbroadcast v1, $0x5;
	[tilespmem:s31+$0xAE60] =	vst v2;
	v2 =	vmul.f32 v28, v32  }
0x505: {  	v37 =	vld [tilespmem:s31+$0xAEE0];
	[tilespmem:s31+$0xAE70] =	vst v3;
	v3 =	vmul.f32 v30, v32  }
0x506: {  	v39 =	vld [tilespmem:s31+$0xAEF0];
	v38 =	vbroadcast v1, $0x6;
	[tilespmem:s31+$0xAE80] =	vst v2;
	v2 =	vmul.f32 v31, v35  }
0x507: {  	v40 =	vld [tilespmem:s31+$0xAF00];
	[tilespmem:s31+$0xAE90] =	vst v3;
	v3 =	vmul.f32 v33, v35  }
0x508: {  	v42 =	vld [tilespmem:s31+$0xAF10];
	v41 =	vbroadcast v1, $0x7;
	[tilespmem:s31+$0xAEA0] =	vst v2;
	v2 =	vmul.f32 v34, v38  }
0x509: {  	v43 =	vld [tilespmem:s31+$0xAF20];
	[tilespmem:s31+$0xAEB0] =	vst v3;
	v3 =	vmul.f32 v36, v38  }
0x50a: {  	v45 =	vld [tilespmem:s31+$0xAF30];
	v44 =	vbroadcast v1, $0x8;
	[tilespmem:s31+$0xAEC0] =	vst v2;
	v2 =	vmul.f32 v37, v41  }
0x50b: {  	v46 =	vld [tilespmem:s31+$0xAF40];
	[tilespmem:s31+$0xAED0] =	vst v3;
	v3 =	vmul.f32 v39, v41  }
0x50c: {  	v48 =	vld [tilespmem:s31+$0xAF50];
	v47 =	vbroadcast v1, $0x9;
	[tilespmem:s31+$0xAEE0] =	vst v2;
	v2 =	vmul.f32 v40, v44  }
0x50d: {  	v49 =	vld [tilespmem:s31+$0xAF60];
	[tilespmem:s31+$0xAEF0] =	vst v3;
	v3 =	vmul.f32 v42, v44  }
0x50e: {  	v51 =	vld [tilespmem:s31+$0xAF70];
	v50 =	vbroadcast v1, $0xA;
	[tilespmem:s31+$0xAF00] =	vst v2;
	v2 =	vmul.f32 v43, v47  }
0x50f: {  	v52 =	vld [tilespmem:s31+$0xAF80];
	[tilespmem:s31+$0xAF10] =	vst v3;
	v3 =	vmul.f32 v45, v47  }
0x510: {  	v54 =	vld [tilespmem:s31+$0xAF90];
	v53 =	vbroadcast v1, $0xB;
	[tilespmem:s31+$0xAF20] =	vst v2;
	v2 =	vmul.f32 v46, v50  }
0x511: {  	v55 =	vld [tilespmem:s31+$0xAFA0];
	[tilespmem:s31+$0xAF30] =	vst v3;
	v3 =	vmul.f32 v48, v50  }
0x512: {  	v57 =	vld [tilespmem:s31+$0xAFB0];
	v56 =	vbroadcast v1, $0xC;
	[tilespmem:s31+$0xAF40] =	vst v2;
	v2 =	vmul.f32 v49, v53  }
0x513: {  	v58 =	vld [tilespmem:s31+$0xAFC0];
	[tilespmem:s31+$0xAF50] =	vst v3;
	v3 =	vmul.f32 v51, v53  }
0x514: {  	v60 =	vld [tilespmem:s31+$0xAFD0];
	v59 =	vbroadcast v1, $0xD;
	[tilespmem:s31+$0xAF60] =	vst v2;
	v2 =	vmul.f32 v52, v56  }
0x515: {  	v61 =	vld [tilespmem:s31+$0xAFE0];
	[tilespmem:s31+$0xAF70] =	vst v3;
	v3 =	vmul.f32 v54, v56  }
0x516: {  	v63 =	vld [tilespmem:s31+$0xAFF0];
	v62 =	vbroadcast v1, $0xE;
	[tilespmem:s31+$0xAF80] =	vst v2;
	v2 =	vmul.f32 v55, v59  }
0x517: {  	[tilespmem:s31+$0xAF90] =	vst v3;
	v3 =	vmul.f32 v57, v59  }
0x518: {  	p0 =	sne.s32 s29, $0x7;
	v1 =	vbroadcast v1, $0xF;
	[tilespmem:s31+$0xAFA0] =	vst v2;
	v2 =	vmul.f32 v58, v62  }
.Ltmp2:
0x519: {  	[tilespmem:s31+$0xAFB0] =	vst v3;
	v3 =	vmul.f32 v60, v62;
	(pc) =	sbr.rel @p0 .LBB2_7-.Ltmp2, $4  }
0x51a: {  	[tilespmem:s31+$0xAFC0] =	vst v2;
	v2 =	vmul.f32 v61, v1  }
0x51b: {  	[tilespmem:s31+$0xAFD0] =	vst v3;
	v1 =	vmul.f32 v63, v1  }
0x51c: {  	[tilespmem:s31+$0xAFE0] =	vst v2  }
0x51d: {  	s29 =	sadd.s32 $0x1, s29;
	[tilespmem:s31+$0xAFF0] =	vst v1  }
0x51e: {  	[spmem:s5] =	stream.indirect.scatter.add.f32 [tilespmem:s21], [sflag:$0x2], $0x20, s23, s25, $0xb8;
	[tilespmem:$0x11080] =	vst v63  }
0x51f: {  	_ =	swait.ge [sflag:s20], $0x1000  }
0x520: {  	[sflag:s20] =	ssyncset.done $0x0  }
0x521: {  	[sflag:s20] =	ssyncadd.s32 $0xFFFFF000  }
0x522: {  	[spmem:s5] =	stream.indirect.scatter.add.f32 [tilespmem:s11], [sflag:$0x2], $0x20, s28, s25, $0xb8;
	[tilespmem:$0x11080] =	vst v63  }
0x523: {  	_ =	swait.ge [sflag:s20], $0x1000  }
0x524: {  	[sflag:s20] =	ssyncset.done $0x0  }
0x525: {  	[sflag:s20] =	ssyncadd.s32 $0xFFFFF000  }
0x526: {  	[spmem:s5] =	stream.indirect.scatter.add.f32 [tilespmem:s14], [sflag:$0x2], $0x20, s30, s25, $0xb8;
	[tilespmem:$0x11080] =	vst v63  }
0x527: {  	s26 =	sadd.s32 $0x1, s26;
	_ =	swait.ge [sflag:s20], $0x1000  }
0x528: {  	p0 =	sne.s32 s26, $0xB;
	[sflag:s20] =	ssyncset.done $0x0  }
.Ltmp3:
0x529: {  	[sflag:s20] =	ssyncadd.s32 $0xFFFFF000;
	(pc) =	sbr.rel @p0 .LBB2_6-.Ltmp3, $4  }
0x52a: {  	[spmem:s5] =	stream.indirect.scatter.add.f32 [tilespmem:s17], [sflag:$0x2], $0x20, s0, s25, $0xb8;
	[tilespmem:$0x11080] =	vst v63  }
0x52b: {  	_ =	swait.ge [sflag:s20], $0x1000  }
0x52c: {  	[sflag:s20] =	ssyncset.done $0x0  }
0x52d: {  	[sflag:s20] =	ssyncadd.s32 $0xFFFFF000  }
0x52e: {  	s1 =	stileid.u32;
	[bflag:$0x0] =	sbarrier.arrive $0xFFFF  }
0x52f: {  	s1 =	sshll.u32 s1, $0x6;
	s29 =	rddreg [dreg:$0x8]  }
0x530: {  	s26 =	rddreg [dreg:$0xa];
	s1 =	sor.u32 $0x1C02, s1;
	s2 =	sshrl.u32 s29, $0x3  }
0x531: {  	[hbm:s26], [sflag:s1] =	dma.local [spmem:s2], $0xA00  }
0x532: {  	_ =	swait.ge [sflag:s20], $0xA00  }
0x533: {  	s8 =	rddreg [dreg:$0xc]  }
0x534: {  	s26 =	rddreg [dreg:$0xb];
	s2 =	sadd.s32 $0x1, s8  }
0x535: {  	p0 =	sne.s32 s2, s26  }
.Ltmp4:
0x536: {  	_ = 	snop;
	(pc) =	sbr.rel @p0 .LBB2_1-.Ltmp4, $3  }
0x537: {  	_ =	sdelay $0x1  }
0x538: {  	[sflag:s20] =	ssyncset.done $0x0  }
0x539: {  	s31 =	simm.s32 $0x7C00;
	[sflag:s20] =	ssyncadd.s32 $0xFFFFF600  }
0x53a: {  	_ =	sfence.sel $0x180000  }
0x53b: {  	[bflag:$0x0] =	sbarrier.arrive $0xFFFF  }
0x53c: {  	_ =	strace $0x90000047  }
0x53d: {  	s0 =	stileid.u32;
	[bflag:$0x2] =	sbarrier.arrive $0xFFFF  }
0x53e: {  	p0 =	sne.s32 s0, $0x0;
	s0 =	rddreg [dreg:$0x4]  }
0x53f: {  	s0 =	sadd.s32 @!p0 $0x100000, s0  }
0x540: {  	[sflag:s0] =	ssyncadd.tile.s32 @!p0 $0x1;
	_ =	shalt  }
.Lfunc_end2:
_tile_overlayer_lowered:
.L_overlay_start_2:
0x541: {  	(tag) =	ssettag $0x2  }
0x542: {  	s0 =	rddreg [dreg:$0x0];
	s2 =	stileid.u32  }
0x543: {  	s1 =	rddreg [dreg:$0x1];
	p0 =	sne.s32 s2, $0x0  }
0x544: {  	s3 =	rddreg [dreg:$0x2];
	[bflag:$0x3] =	sbarrier.arrive $0xFFFF;
	s2 =	simm.s32 @!p0 $0x1C02  }
0x545: {  	[timem:s3], [sflag:s2] =	dma.local @!p0 [hbm:s0], s1  }
0x546: {  	s0 =	simm.s32 @!p0 $0x2  }
0x547: {  	_ =	swait.ge @!p0 [sflag:s0], s1  }
0x548: {  	s1 =	ssub.s32 @!p0 $0x0, s1;
	[sflag:s0] =	ssyncset.done @!p0 $0x0  }
0x549: {  	[sflag:s0] =	ssyncadd.s32 @!p0 s1  }
0x54a: {  	[bflag:$0x3] =	sbarrier.arrive $0xFFFF  }
0x54b: {  	_ =	shalt  }

</sc_bundles>
